<compile_context>
chip_gen: v7x
topology: tpu7x:2x2x1
jax: 0.10.2.dev20260603
libtpu: 0.0.44.dev20260713+nightly
codegen_flags: <defaults>
</compile_context>

<pallas_src>
import functools

import jax
import jax.numpy as jnp
from jax import lax
from jax.experimental import pallas as pl
from jax.experimental.pallas import tpu as pltpu
from jax.experimental.pallas import tpu_sc as plsc

N = 10000
E = 320000
D = 128

NC = 2
NS = 16
NW = NC * NS
CHUNK = 80
IB = 8
CPW = 128
NBLK = CPW // IB
R = 4
E_PAD = NW * CPW * CHUNK
ROWS_PER_TILE = 640
ACC_ROWS = NS * ROWS_PER_TILE
PAD_ROW = N

_f32 = jnp.float32


def _sc_segment_sum(t, src_a, dst_a):
    mesh = plsc.VectorSubcoreMesh(core_axis_name="c", subcore_axis_name="s")

    @functools.partial(
        pl.kernel,
        out_type=jax.ShapeDtypeStruct((NC, ACC_ROWS, D), _f32),
        mesh=mesh,
        scratch_types=(
            [pltpu.VMEM((IB, CHUNK), jnp.int32)] * 4
            + [pltpu.VMEM((CHUNK, D), _f32)] * R
            + [pltpu.VMEM_SHARED((ACC_ROWS, D), _f32)]
            + [pltpu.SemaphoreType.DMA] * (2 * R + 2)
        ),
    )
    def k(t_hbm, src_hbm, dst_hbm, out_hbm, *scratch):
        srcA, dstA, srcB, dstB = scratch[:4]
        rows = scratch[4:4 + R]
        acc = scratch[4 + R]
        gsem = scratch[5 + R:5 + 2 * R]
        ssem = scratch[5 + 2 * R:5 + 3 * R]
        ip0, ip1 = scratch[5 + 3 * R:]
        r0 = rows[0]
        c = lax.axis_index("c")
        s = lax.axis_index("s")
        wid = c * NS + s

        di0 = pltpu.async_copy(src_hbm.at[wid, pl.ds(0, IB)], srcA, ip0)
        dj0 = pltpu.async_copy(dst_hbm.at[wid, pl.ds(0, IB)], dstA, ip1)

        zeros16 = jnp.zeros((16,), _f32)
        def zrow(i, carry):
            for kk in range(D // 16):
                r0[i, pl.ds(kk * 16, 16)] = zeros16
            return carry
        lax.fori_loop(0, CHUNK, zrow, 0)

        row0 = s * ROWS_PER_TILE
        def zcp(i, carry):
            pltpu.sync_copy(r0, acc.at[pl.ds(row0 + i * CHUNK, CHUNK)])
            return carry
        lax.fori_loop(0, ROWS_PER_TILE // CHUNK, zcp, 0)
        di0.wait()
        dj0.wait()
        plsc.subcore_barrier()

        def gather(src_v, j, b):
            return pltpu.async_copy(t_hbm.at[src_v.at[j]], rows[b], gsem[b])

        def scatter(dst_v, j, b):
            return pltpu.async_copy(rows[b], acc.at[dst_v.at[j]], ssem[b],
                                    add=True)

        def do_block(bi, src_v, dst_v, src_n, dst_n):
            di = pltpu.async_copy(src_hbm.at[wid, pl.ds((bi + 1) * IB, IB)],
                                  src_n, ip0)
            dj = pltpu.async_copy(dst_hbm.at[wid, pl.ds((bi + 1) * IB, IB)],
                                  dst_n, ip1)

            def rnd(gi, carry):
                for b in range(R):
                    j = gi * R + b
                    pltpu.make_async_copy(t_hbm.at[src_v.at[j]], rows[b],
                                          gsem[b]).wait()
                    scatter(dst_v, j, b)
                for b in range(R):
                    jn = (gi + 1) * R + b
                    pltpu.make_async_copy(rows[b], acc.at[dst_v.at[jn]],
                                          ssem[b]).wait()
                    gather(src_v, jn, b)
                return carry
            lax.fori_loop(0, IB // R - 1, rnd, 0)

            for b in range(R):
                j = IB - R + b
                pltpu.make_async_copy(t_hbm.at[src_v.at[j]], rows[b],
                                      gsem[b]).wait()
                scatter(dst_v, j, b)
            di.wait()
            dj.wait()
            for b in range(R):
                pltpu.make_async_copy(rows[b], acc.at[dst_v.at[b]],
                                      ssem[b]).wait()
                gather(src_n, b, b)

        for b in range(R):
            gather(srcA, b, b)
        def two_blocks(h, carry):
            do_block(2 * h, srcA, dstA, srcB, dstB)
            do_block(2 * h + 1, srcB, dstB, srcA, dstA)
            return carry
        lax.fori_loop(0, NBLK // 2, two_blocks, 0)
        if NBLK % 2:
            do_block(NBLK - 1, srcA, dstA, srcB, dstB)

        for b in range(R):
            pltpu.make_async_copy(t_hbm.at[srcA.at[b]], rows[b],
                                  gsem[b]).wait()
        plsc.subcore_barrier()
        pltpu.sync_copy(acc.at[pl.ds(row0, ROWS_PER_TILE)],
                        out_hbm.at[c, pl.ds(row0, ROWS_PER_TILE)])

    return k(t, src_a, dst_a)


def _tc_pre(symptoms, drugs, Wci_s, Wci_d, b_ci, W1s, W1d):
    R = 1000

    def body(sym, drg, wcs, wcd, bci, w1s, w1d, t1_o, causal_o):
        logit = (drg[...] @ wcd[...] + sym[...] @ wcs[...]) + bci[...]
        causal = jax.nn.sigmoid(logit)
        causal_o[...] = causal
        t1_o[...] = (sym[...] @ w1s[...] + drg[...] @ w1d[...]) * causal

    return pl.pallas_call(
        body,
        grid=(N // R,),
        in_specs=[
            pl.BlockSpec((R, 64), lambda i: (i, 0)),
            pl.BlockSpec((R, 64), lambda i: (i, 0)),
            pl.BlockSpec((64, 1), lambda i: (0, 0)),
            pl.BlockSpec((64, 1), lambda i: (0, 0)),
            pl.BlockSpec((1, 1), lambda i: (0, 0)),
            pl.BlockSpec((64, D), lambda i: (0, 0)),
            pl.BlockSpec((64, D), lambda i: (0, 0)),
        ],
        out_specs=[
            pl.BlockSpec((R, D), lambda i: (i, 0)),
            pl.BlockSpec((R, 1), lambda i: (i, 0)),
        ],
        out_shape=[
            jax.ShapeDtypeStruct((N, D), _f32),
            jax.ShapeDtypeStruct((N, 1), _f32),
        ],
    )(symptoms, drugs, Wci_s, Wci_d, b_ci, W1s, W1d)


def _tc_mid(s1p, b1, W2, causal):
    R = 1000

    def body(sp, b, w2, cz, t2_o):
        h = jnp.maximum(sp[0] + sp[1] + b[...], 0.0)
        t2_o[...] = (h @ w2[...]) * cz[...]

    return pl.pallas_call(
        body,
        grid=(N // R,),
        in_specs=[
            pl.BlockSpec((NC, R, D), lambda i: (0, i, 0)),
            pl.BlockSpec((1, D), lambda i: (0, 0)),
            pl.BlockSpec((D, D), lambda i: (0, 0)),
            pl.BlockSpec((R, 1), lambda i: (i, 0)),
        ],
        out_specs=pl.BlockSpec((R, D), lambda i: (i, 0)),
        out_shape=jax.ShapeDtypeStruct((N, D), _f32),
    )(s1p, b1, W2, causal)


def _tc_post(s2p, b2, Wp1_t, bp1_t, g_t, be_t, a_t, Wp2_t, bp2_t,
             Wp1_z, bp1_z, g_z, be_z, a_z, Wp2_z, bp2_z,
             Wc1, Wc2, bc, Wr, br, Wm, bm):
    def body(sp, b, wp1t, bp1t, gt, bet, at, wp2t, bp2t,
             wp1z, bp1z, gz, bez, az, wp2z, bp2z,
             wc1, wc2, bcz, wr, brz, wm, bmz, out_o):
        g = sp[0, :N, :] + sp[1, :N, :] + b[...]

        def proj(wp1, bp1, gg, be, a, wp2, bp2):
            h = g @ wp1[...] + bp1[...]
            mu = jnp.mean(h, axis=0, keepdims=True)
            hc = h - mu
            var = jnp.mean(hc * hc, axis=0, keepdims=True)
            hn = hc * (gg[...] / jnp.sqrt(var + 1e-5)) + be[...]
            hp = jnp.where(hn >= 0, hn, a[...] * hn)
            return hp @ wp2[...] + bp2[...]

        eA = proj(wp1t, bp1t, gt, bet, at, wp2t, bp2t)
        eB = proj(wp1z, bp1z, gz, bez, az, wp2z, bp2z)
        fused = jnp.maximum(eA @ wc1[...] + eB @ wc2[...] + bcz[...], 0.0)
        gr = jax.nn.sigmoid(fused @ wr[...] + brz[...])
        out_o[...] = gr @ wm[...] + bmz[...]

    return pl.pallas_call(
        body,
        out_shape=jax.ShapeDtypeStruct((N, 1), _f32),
    )(s2p, b2, Wp1_t, bp1_t, g_t, be_t, a_t, Wp2_t, bp2_t,
      Wp1_z, bp1_z, g_z, be_z, a_z, Wp2_z, bp2_z,
      Wc1, Wc2, bc, Wr, br, Wm, bm)


def kernel(symptoms, drugs, sigma, edge_index, W_ci, b_ci, W1, b1, W2, b2,
           Wp1_t, bp1_t, g_t, be_t, a_t, Wp2_t, bp2_t,
           Wp1_z, bp1_z, g_z, be_z, a_z, Wp2_z, bp2_z,
           Wc, bc, Wr, br, Wm, bm):
    Wci_d = (1.0 - sigma) * W_ci[:64]
    Wci_s = sigma * W_ci[64:]
    npad = E_PAD - E
    pad_src = (jnp.arange(npad, dtype=jnp.int32) * 53) % N
    pad_dst = PAD_ROW + (jnp.arange(npad, dtype=jnp.int32) % (ACC_ROWS - N))
    src = jnp.concatenate([edge_index[0], pad_src]).reshape(NW, CPW, CHUNK)
    dst = jnp.concatenate([edge_index[1], pad_dst]).reshape(NW, CPW, CHUNK)
    pblk = ((jnp.arange(NW * IB * CHUNK, dtype=jnp.int32) * 37) % N
            ).reshape(NW, IB, CHUNK)
    src = jnp.concatenate([src, pblk], axis=1)
    dst = jnp.concatenate([dst, jnp.zeros((NW, IB, CHUNK), jnp.int32)], axis=1)

    b_ci2 = b_ci.reshape(1, 1)
    b1_2 = b1.reshape(1, D)
    b2_2 = b2.reshape(1, D)

    t1, causal = _tc_pre(symptoms, drugs, Wci_s, Wci_d, b_ci2,
                         W1[:64], W1[64:])
    s1p = _sc_segment_sum(t1, src, dst)
    t2 = _tc_mid(s1p, b1_2, W2, causal)
    s2p = _sc_segment_sum(t2, src, dst)
    return _tc_post(
        s2p, b2_2,
        Wp1_t, bp1_t.reshape(1, D), g_t.reshape(1, D), be_t.reshape(1, D),
        a_t.reshape(1, 1), Wp2_t, bp2_t.reshape(1, D),
        Wp1_z, bp1_z.reshape(1, D), g_z.reshape(1, D), be_z.reshape(1, D),
        a_z.reshape(1, 1), Wp2_z, bp2_z.reshape(1, D),
        Wc[:D], Wc[D:], bc.reshape(1, D), Wr, br.reshape(1, 1),
        Wm, bm.reshape(1, 1))

# --- scband reference (transcript-rebuilt; emitter-appended) ---
"""Pipeline reference for scband-causal-graph-learning-model-73589969649761 (READ-ONLY COPY).

The authoritative reference and input builder live on the scoring server;
editing this copy changes nothing except your own understanding.
"""

import jax, jax.numpy as jnp
import numpy as np

N = 10000
E = 320000
D_SYM = 64
D_DRUG = 64
D_IN = 128
H = 128
OUT = 128


def setup_inputs(seed: int = 0) -> dict:
    key = jax.random.key(seed)
    ks = jax.random.split(key, 32)

    def lin(k, i, o):
        return jax.random.normal(k, (i, o), jnp.float32) / np.sqrt(i)

    inp = {}
    inp["symptoms"] = jax.random.normal(ks[0], (N, D_SYM), jnp.float32)
    inp["drugs"] = jax.random.normal(ks[1], (N, D_DRUG), jnp.float32)
    inp["sigma"] = jnp.float32(0.5)
    inp["edge_index"] = jax.random.randint(ks[2], (2, E), 0, N, dtype=jnp.int32)
    inp["W_ci"] = lin(ks[3], D_IN, 1); inp["b_ci"] = jnp.zeros((1,), jnp.float32)
    inp["W1"] = lin(ks[4], D_IN, H); inp["b1"] = jnp.zeros((H,), jnp.float32)
    inp["W2"] = lin(ks[5], H, H); inp["b2"] = jnp.zeros((H,), jnp.float32)
    for tag, off in (("t", 6), ("z", 12)):
        inp["Wp1_" + tag] = lin(ks[off], H, H); inp["bp1_" + tag] = jnp.zeros((H,), jnp.float32)
        inp["g_" + tag] = jnp.ones((H,), jnp.float32); inp["be_" + tag] = jnp.zeros((H,), jnp.float32)
        inp["a_" + tag] = jnp.full((1,), 0.25, jnp.float32)
        inp["Wp2_" + tag] = lin(ks[off + 1], H, OUT); inp["bp2_" + tag] = jnp.zeros((OUT,), jnp.float32)
    inp["Wc"] = lin(ks[20], 2 * OUT, OUT); inp["bc"] = jnp.zeros((OUT,), jnp.float32)
    inp["Wr"] = lin(ks[21], OUT, 1); inp["br"] = jnp.zeros((1,), jnp.float32)
    inp["Wm"] = lin(ks[22], 1, 1); inp["bm"] = jnp.zeros((1,), jnp.float32)
    return inp


def reference(symptoms, drugs, sigma, edge_index, W_ci, b_ci, W1, b1, W2, b2,
              Wp1_t, bp1_t, g_t, be_t, a_t, Wp2_t, bp2_t,
              Wp1_z, bp1_z, g_z, be_z, a_z, Wp2_z, bp2_z,
              Wc, bc, Wr, br, Wm, bm):
    src = edge_index[0]
    dst = edge_index[1]
    # CausalInferenceModule
    ci_in = jnp.concatenate([(1.0 - sigma) * drugs, sigma * symptoms], axis=1)
    causal = jax.nn.sigmoid(ci_in @ W_ci + b_ci)  # [N, 1]
    # construct_causal_graph: sparse edges weighted per-source-row by causal effect
    w_e = causal[src, 0]  # [E]
    x = jnp.concatenate([symptoms, drugs], axis=1)  # node features [N, D_IN]

    def gcn(h, W, b):
        m = (h @ W)[src] * w_e[:, None]          # gather + edge weight
        return jax.ops.segment_sum(m, dst, num_segments=N) + b  # scatter-add

    def enhance(h):
        return gcn(jax.nn.relu(gcn(h, W1, b1)), W2, b2)

    gA = enhance(x)
    gB = enhance(x)

    def proj(r, Wp1, bp1, g, be, a, Wp2, bp2):
        h = r.reshape(-1, r.shape[-1]) @ Wp1 + bp1
        mu = jnp.mean(h, axis=0)
        var = jnp.var(h, axis=0)
        hn = (h - mu) / jnp.sqrt(var + 1e-5) * g + be  # BatchNorm1d (train stats)
        hp = jnp.where(hn >= 0, hn, a * hn)            # PReLU
        return hp @ Wp2 + bp2

    eA = proj(gA, Wp1_t, bp1_t, g_t, be_t, a_t, Wp2_t, bp2_t)
    eB = proj(gB, Wp1_z, bp1_z, g_z, be_z, a_z, Wp2_z, bp2_z)
    fused = jax.nn.relu(jnp.concatenate([eA, eB], axis=1) @ Wc + bc)
    gr = jax.nn.sigmoid(fused @ Wr + br)
    return gr @ Wm + bm

if __name__ == "__main__":
    import jax
    _d = setup_inputs()
    print(jax.jit(kernel)(*tuple(_d.values())))

</pallas_src>

<mosaic_0001>
#map = affine_map<(d0, d1) -> (0, 0)>
#map1 = affine_map<(d0, d1) -> (0, 0, 0)>
module attributes {stable_mosaic.version = 14 : i64} {
  func.func @k(%arg0: i32, %arg1: i32, %arg2: memref<10000x128xf32, #tpu.memory_space<hbm>>, %arg3: memref<32x136x80xi32, #tpu.memory_space<hbm>>, %arg4: memref<32x136x80xi32, #tpu.memory_space<hbm>>, %arg5: memref<2x10240x128xf32, #tpu.memory_space<hbm>>, %arg6: memref<8x80xi32, #tpu.memory_space<vmem>>, %arg7: memref<8x80xi32, #tpu.memory_space<vmem>>, %arg8: memref<8x80xi32, #tpu.memory_space<vmem>>, %arg9: memref<8x80xi32, #tpu.memory_space<vmem>>, %arg10: memref<80x128xf32, #tpu.memory_space<vmem>>, %arg11: memref<80x128xf32, #tpu.memory_space<vmem>>, %arg12: memref<80x128xf32, #tpu.memory_space<vmem>>, %arg13: memref<80x128xf32, #tpu.memory_space<vmem>>, %arg14: memref<10240x128xf32, #tpu.memory_space<vmem_shared>>, %arg15: memref<!tpu.dma_semaphore, #tpu.memory_space<semaphore_mem>>, %arg16: memref<!tpu.dma_semaphore, #tpu.memory_space<semaphore_mem>>, %arg17: memref<!tpu.dma_semaphore, #tpu.memory_space<semaphore_mem>>, %arg18: memref<!tpu.dma_semaphore, #tpu.memory_space<semaphore_mem>>, %arg19: memref<!tpu.dma_semaphore, #tpu.memory_space<semaphore_mem>>, %arg20: memref<!tpu.dma_semaphore, #tpu.memory_space<semaphore_mem>>, %arg21: memref<!tpu.dma_semaphore, #tpu.memory_space<semaphore_mem>>, %arg22: memref<!tpu.dma_semaphore, #tpu.memory_space<semaphore_mem>>, %arg23: memref<!tpu.dma_semaphore, #tpu.memory_space<semaphore_mem>>, %arg24: memref<!tpu.dma_semaphore, #tpu.memory_space<semaphore_mem>>) attributes {dimension_semantics = [#tpu.dimension_semantics<core_parallel>, #tpu.dimension_semantics<subcore_parallel>], iteration_bounds = array<i64: 2, 16>, scalar_prefetch = 0 : i64, scratch_operands = 19 : i64, tpu.core_type = #tpu.core_type<sc_vector_subcore>, window_params = [{transform_indices = #map}, {transform_indices = #map1}, {transform_indices = #map1}, {transform_indices = #map1}]} {
    %mul3A = arith.constant 16 : i32
    %mul3A_0 = arith.muli %arg0, %mul3A : i32
    %add3A = arith.addi %mul3A_0, %arg1 : i32
    %dma_start3A = arith.constant 0 : i32
    %dma_start3A_1 = arith.constant 0 : i32
    %dma_start3A_2 = tpu.memref_slice %arg3[%add3A, %dma_start3A, %dma_start3A_1] : memref<32x136x80xi32, #tpu.memory_space<hbm>> -> memref<1x8x80xi32, #tpu.memory_space<hbm>>
    %dma_start3A_3 = tpu.memref_squeeze %dma_start3A_2 : memref<1x8x80xi32, #tpu.memory_space<hbm>> -> memref<8x80xi32, #tpu.memory_space<hbm>>
    %dma_start3A_4 = arith.constant 0 : i32
    %dma_start3A_5 = arith.constant 0 : i32
    %dma_start3A_6 = tpu.memref_slice %arg3[%add3A, %dma_start3A_4, %dma_start3A_5] : memref<32x136x80xi32, #tpu.memory_space<hbm>> -> memref<1x8x80xi32, #tpu.memory_space<hbm>>
    %dma_start3A_7 = tpu.memref_squeeze %dma_start3A_6 : memref<1x8x80xi32, #tpu.memory_space<hbm>> -> memref<8x80xi32, #tpu.memory_space<hbm>>
    tpu.enqueue_dma source(%dma_start3A_7 : memref<8x80xi32, #tpu.memory_space<hbm>>) target(%arg6 : memref<8x80xi32, #tpu.memory_space<vmem>>) target_semaphore(%arg23 : memref<!tpu.dma_semaphore, #tpu.memory_space<semaphore_mem>>)
    %dma_start3A_8 = arith.constant 0 : i32
    %dma_start3A_9 = arith.constant 0 : i32
    %dma_start3A_10 = tpu.memref_slice %arg4[%add3A, %dma_start3A_8, %dma_start3A_9] : memref<32x136x80xi32, #tpu.memory_space<hbm>> -> memref<1x8x80xi32, #tpu.memory_space<hbm>>
    %dma_start3A_11 = tpu.memref_squeeze %dma_start3A_10 : memref<1x8x80xi32, #tpu.memory_space<hbm>> -> memref<8x80xi32, #tpu.memory_space<hbm>>
    %dma_start3A_12 = arith.constant 0 : i32
    %dma_start3A_13 = arith.constant 0 : i32
    %dma_start3A_14 = tpu.memref_slice %arg4[%add3A, %dma_start3A_12, %dma_start3A_13] : memref<32x136x80xi32, #tpu.memory_space<hbm>> -> memref<1x8x80xi32, #tpu.memory_space<hbm>>
    %dma_start3A_15 = tpu.memref_squeeze %dma_start3A_14 : memref<1x8x80xi32, #tpu.memory_space<hbm>> -> memref<8x80xi32, #tpu.memory_space<hbm>>
    tpu.enqueue_dma source(%dma_start3A_15 : memref<8x80xi32, #tpu.memory_space<hbm>>) target(%arg7 : memref<8x80xi32, #tpu.memory_space<vmem>>) target_semaphore(%arg24 : memref<!tpu.dma_semaphore, #tpu.memory_space<semaphore_mem>>)
    %broadcast_in_dim3A = arith.constant 0.000000e+00 : f32
    %broadcast_in_dim3A_16 = vector.broadcast %broadcast_in_dim3A : f32 to vector<16xf32>
    %scan3A = arith.constant 0 : i32
    %scan3A_17 = arith.constant 0 : i32
    %scan3A_18 = arith.constant 80 : i32
    %scan3A_19 = arith.addi %scan3A_17, %scan3A_18 : i32
    %scan3A_20 = arith.constant 1 : i32
    scf.for %scan3A_108 = %scan3A_17 to %scan3A_19 step %scan3A_20  : i32 {
      %swap3A = arith.index_cast %scan3A_108 : i32 to index
      %swap3A_109 = arith.constant 0 : index
      %swap3A_110 = tpu.vector_load %arg10[%swap3A, %swap3A_109] {strides = array<i32>} : memref<80x128xf32, #tpu.memory_space<vmem>>, vector<1x16xf32>,
      %swap3A_111 = vector.shape_cast %swap3A_110 : vector<1x16xf32> to vector<16xf32>
      %swap3A_112 = vector.shape_cast %broadcast_in_dim3A_16 : vector<16xf32> to vector<1x16xf32>
      tpu.vector_store %arg10[%swap3A, %swap3A_109], %swap3A_112 {strides = array<i32>} : memref<80x128xf32, #tpu.memory_space<vmem>>, vector<1x16xf32>,
      %swap3A_113 = arith.index_cast %scan3A_108 : i32 to index
      %swap3A_114 = arith.constant 16 : index
      %swap3A_115 = tpu.vector_load %arg10[%swap3A_113, %swap3A_114] {strides = array<i32>} : memref<80x128xf32, #tpu.memory_space<vmem>>, vector<1x16xf32>,
      %swap3A_116 = vector.shape_cast %swap3A_115 : vector<1x16xf32> to vector<16xf32>
      %swap3A_117 = vector.shape_cast %broadcast_in_dim3A_16 : vector<16xf32> to vector<1x16xf32>
      tpu.vector_store %arg10[%swap3A_113, %swap3A_114], %swap3A_117 {strides = array<i32>} : memref<80x128xf32, #tpu.memory_space<vmem>>, vector<1x16xf32>,
      %swap3A_118 = arith.index_cast %scan3A_108 : i32 to index
      %swap3A_119 = arith.constant 32 : index
      %swap3A_120 = tpu.vector_load %arg10[%swap3A_118, %swap3A_119] {strides = array<i32>} : memref<80x128xf32, #tpu.memory_space<vmem>>, vector<1x16xf32>,
      %swap3A_121 = vector.shape_cast %swap3A_120 : vector<1x16xf32> to vector<16xf32>
      %swap3A_122 = vector.shape_cast %broadcast_in_dim3A_16 : vector<16xf32> to vector<1x16xf32>
      tpu.vector_store %arg10[%swap3A_118, %swap3A_119], %swap3A_122 {strides = array<i32>} : memref<80x128xf32, #tpu.memory_space<vmem>>, vector<1x16xf32>,
      %swap3A_123 = arith.index_cast %scan3A_108 : i32 to index
      %swap3A_124 = arith.constant 48 : index
      %swap3A_125 = tpu.vector_load %arg10[%swap3A_123, %swap3A_124] {strides = array<i32>} : memref<80x128xf32, #tpu.memory_space<vmem>>, vector<1x16xf32>,
      %swap3A_126 = vector.shape_cast %swap3A_125 : vector<1x16xf32> to vector<16xf32>
      %swap3A_127 = vector.shape_cast %broadcast_in_dim3A_16 : vector<16xf32> to vector<1x16xf32>
      tpu.vector_store %arg10[%swap3A_123, %swap3A_124], %swap3A_127 {strides = array<i32>} : memref<80x128xf32, #tpu.memory_space<vmem>>, vector<1x16xf32>,
      %swap3A_128 = arith.index_cast %scan3A_108 : i32 to index
      %swap3A_129 = arith.constant 64 : index
      %swap3A_130 = tpu.vector_load %arg10[%swap3A_128, %swap3A_129] {strides = array<i32>} : memref<80x128xf32, #tpu.memory_space<vmem>>, vector<1x16xf32>,
      %swap3A_131 = vector.shape_cast %swap3A_130 : vector<1x16xf32> to vector<16xf32>
      %swap3A_132 = vector.shape_cast %broadcast_in_dim3A_16 : vector<16xf32> to vector<1x16xf32>
      tpu.vector_store %arg10[%swap3A_128, %swap3A_129], %swap3A_132 {strides = array<i32>} : memref<80x128xf32, #tpu.memory_space<vmem>>, vector<1x16xf32>,
      %swap3A_133 = arith.index_cast %scan3A_108 : i32 to index
      %swap3A_134 = arith.constant 80 : index
      %swap3A_135 = tpu.vector_load %arg10[%swap3A_133, %swap3A_134] {strides = array<i32>} : memref<80x128xf32, #tpu.memory_space<vmem>>, vector<1x16xf32>,
      %swap3A_136 = vector.shape_cast %swap3A_135 : vector<1x16xf32> to vector<16xf32>
      %swap3A_137 = vector.shape_cast %broadcast_in_dim3A_16 : vector<16xf32> to vector<1x16xf32>
      tpu.vector_store %arg10[%swap3A_133, %swap3A_134], %swap3A_137 {strides = array<i32>} : memref<80x128xf32, #tpu.memory_space<vmem>>, vector<1x16xf32>,
      %swap3A_138 = arith.index_cast %scan3A_108 : i32 to index
      %swap3A_139 = arith.constant 96 : index
      %swap3A_140 = tpu.vector_load %arg10[%swap3A_138, %swap3A_139] {strides = array<i32>} : memref<80x128xf32, #tpu.memory_space<vmem>>, vector<1x16xf32>,
      %swap3A_141 = vector.shape_cast %swap3A_140 : vector<1x16xf32> to vector<16xf32>
      %swap3A_142 = vector.shape_cast %broadcast_in_dim3A_16 : vector<16xf32> to vector<1x16xf32>
      tpu.vector_store %arg10[%swap3A_138, %swap3A_139], %swap3A_142 {strides = array<i32>} : memref<80x128xf32, #tpu.memory_space<vmem>>, vector<1x16xf32>,
      %swap3A_143 = arith.index_cast %scan3A_108 : i32 to index
      %swap3A_144 = arith.constant 112 : index
      %swap3A_145 = tpu.vector_load %arg10[%swap3A_143, %swap3A_144] {strides = array<i32>} : memref<80x128xf32, #tpu.memory_space<vmem>>, vector<1x16xf32>,
      %swap3A_146 = vector.shape_cast %swap3A_145 : vector<1x16xf32> to vector<16xf32>
      %swap3A_147 = vector.shape_cast %broadcast_in_dim3A_16 : vector<16xf32> to vector<1x16xf32>
      tpu.vector_store %arg10[%swap3A_143, %swap3A_144], %swap3A_147 {strides = array<i32>} : memref<80x128xf32, #tpu.memory_space<vmem>>, vector<1x16xf32>,
    }
    %scan3A_21 = arith.constant 80 : i32
    %mul3A_22 = arith.constant 640 : i32
    %mul3A_23 = arith.muli %arg1, %mul3A_22 : i32
    %scan3A_24 = arith.constant 0 : i32
    %scan3A_25 = arith.constant 0 : i32
    %scan3A_26 = arith.constant 8 : i32
    %scan3A_27 = arith.addi %scan3A_25, %scan3A_26 : i32
    %scan3A_28 = arith.constant 1 : i32
    scf.for %scan3A_108 = %scan3A_25 to %scan3A_27 step %scan3A_28  : i32 {
      %mul3A_109 = arith.constant 80 : i32
      %mul3A_110 = arith.muli %scan3A_108, %mul3A_109 : i32
      %add3A_111 = arith.addi %mul3A_23, %mul3A_110 : i32
      "tpu.region"() ({
        %run_scoped3A = tpu.sem_alloc : memref<!tpu.dma_semaphore, #tpu.memory_space<semaphore_mem>>
        %dma_start3A_112 = arith.constant 0 : i32
        %dma_start3A_113 = tpu.memref_slice %arg14[%add3A_111, %dma_start3A_112] : memref<10240x128xf32, #tpu.memory_space<vmem_shared>> -> memref<80x128xf32, #tpu.memory_space<vmem_shared>>
        %dma_start3A_114 = arith.constant 0 : i32
        %dma_start3A_115 = tpu.memref_slice %arg14[%add3A_111, %dma_start3A_114] : memref<10240x128xf32, #tpu.memory_space<vmem_shared>> -> memref<80x128xf32, #tpu.memory_space<vmem_shared>>
        tpu.enqueue_dma source(%arg10 : memref<80x128xf32, #tpu.memory_space<vmem>>) target(%dma_start3A_115 : memref<80x128xf32, #tpu.memory_space<vmem_shared>>) target_semaphore(%run_scoped3A : memref<!tpu.dma_semaphore, #tpu.memory_space<semaphore_mem>>)
        %dma_wait3A_116 = arith.constant 0 : i32
        %dma_wait3A_117 = tpu.memref_slice %arg14[%add3A_111, %dma_wait3A_116] : memref<10240x128xf32, #tpu.memory_space<vmem_shared>> -> memref<80x128xf32, #tpu.memory_space<vmem_shared>>
        %dma_wait3A_118 = arith.constant 0 : i32
        %dma_wait3A_119 = tpu.memref_slice %arg14[%add3A_111, %dma_wait3A_118] : memref<10240x128xf32, #tpu.memory_space<vmem_shared>> -> memref<80x128xf32, #tpu.memory_space<vmem_shared>>
        tpu.wait_dma2 semaphore(%run_scoped3A : memref<!tpu.dma_semaphore, #tpu.memory_space<semaphore_mem>>) src(%arg10 : memref<80x128xf32, #tpu.memory_space<vmem>>) dst(%dma_wait3A_119 : memref<80x128xf32, #tpu.memory_space<vmem_shared>>)
        tpu.yield
      }) : () -> ()
    }
    %scan3A_29 = arith.constant 8 : i32
    %dma_wait3A = arith.constant 0 : i32
    %dma_wait3A_30 = arith.constant 0 : i32
    %dma_wait3A_31 = tpu.memref_slice %arg3[%add3A, %dma_wait3A, %dma_wait3A_30] : memref<32x136x80xi32, #tpu.memory_space<hbm>> -> memref<1x8x80xi32, #tpu.memory_space<hbm>>
    %dma_wait3A_32 = tpu.memref_squeeze %dma_wait3A_31 : memref<1x8x80xi32, #tpu.memory_space<hbm>> -> memref<8x80xi32, #tpu.memory_space<hbm>>
    %dma_wait3A_33 = arith.constant 0 : i32
    %dma_wait3A_34 = arith.constant 0 : i32
    %dma_wait3A_35 = tpu.memref_slice %arg3[%add3A, %dma_wait3A_33, %dma_wait3A_34] : memref<32x136x80xi32, #tpu.memory_space<hbm>> -> memref<1x8x80xi32, #tpu.memory_space<hbm>>
    %dma_wait3A_36 = tpu.memref_squeeze %dma_wait3A_35 : memref<1x8x80xi32, #tpu.memory_space<hbm>> -> memref<8x80xi32, #tpu.memory_space<hbm>>
    tpu.wait_dma2 semaphore(%arg23 : memref<!tpu.dma_semaphore, #tpu.memory_space<semaphore_mem>>) src(%dma_wait3A_36 : memref<8x80xi32, #tpu.memory_space<hbm>>) dst(%arg6 : memref<8x80xi32, #tpu.memory_space<vmem>>)
    %dma_wait3A_37 = arith.constant 0 : i32
    %dma_wait3A_38 = arith.constant 0 : i32
    %dma_wait3A_39 = tpu.memref_slice %arg4[%add3A, %dma_wait3A_37, %dma_wait3A_38] : memref<32x136x80xi32, #tpu.memory_space<hbm>> -> memref<1x8x80xi32, #tpu.memory_space<hbm>>
    %dma_wait3A_40 = tpu.memref_squeeze %dma_wait3A_39 : memref<1x8x80xi32, #tpu.memory_space<hbm>> -> memref<8x80xi32, #tpu.memory_space<hbm>>
    %dma_wait3A_41 = arith.constant 0 : i32
    %dma_wait3A_42 = arith.constant 0 : i32
    %dma_wait3A_43 = tpu.memref_slice %arg4[%add3A, %dma_wait3A_41, %dma_wait3A_42] : memref<32x136x80xi32, #tpu.memory_space<hbm>> -> memref<1x8x80xi32, #tpu.memory_space<hbm>>
    %dma_wait3A_44 = tpu.memref_squeeze %dma_wait3A_43 : memref<1x8x80xi32, #tpu.memory_space<hbm>> -> memref<8x80xi32, #tpu.memory_space<hbm>>
    tpu.wait_dma2 semaphore(%arg24 : memref<!tpu.dma_semaphore, #tpu.memory_space<semaphore_mem>>) src(%dma_wait3A_44 : memref<8x80xi32, #tpu.memory_space<hbm>>) dst(%arg7 : memref<8x80xi32, #tpu.memory_space<vmem>>)
    %barrier3A = arith.constant 0 : index
    tpu.barrier barrier_id(%barrier3A)
    %dma_start3A_45 = arith.constant 0 : i32
    %dma_start3A_46 = arith.constant 0 : i32
    %dma_start3A_47 = tpu.memref_slice %arg6[%dma_start3A_45, %dma_start3A_46] : memref<8x80xi32, #tpu.memory_space<vmem>> -> memref<1x80xi32, #tpu.memory_space<vmem>>
    %dma_start3A_48 = tpu.memref_squeeze %dma_start3A_47 : memref<1x80xi32, #tpu.memory_space<vmem>> -> memref<80xi32, #tpu.memory_space<vmem>>
    %dma_start3A_49 = arith.constant 0 : i32
    %dma_start3A_50 = arith.constant 0 : i32
    %dma_start3A_51 = tpu.memref_slice %arg2[%dma_start3A_49, %dma_start3A_50] : memref<10000x128xf32, #tpu.memory_space<hbm>> -> memref<10000x128xf32, #tpu.memory_space<hbm>>
    tpu.enqueue_indirect_dma source(%dma_start3A_51 : memref<10000x128xf32, #tpu.memory_space<hbm>>) target(%arg10 : memref<80x128xf32, #tpu.memory_space<vmem>>) offsets(%dma_start3A_48 : memref<80xi32, #tpu.memory_space<vmem>>) semaphore(%arg15 : memref<!tpu.dma_semaphore, #tpu.memory_space<semaphore_mem>>)
    %dma_start3A_52 = arith.constant 1 : i32
    %dma_start3A_53 = arith.constant 0 : i32
    %dma_start3A_54 = tpu.memref_slice %arg6[%dma_start3A_52, %dma_start3A_53] : memref<8x80xi32, #tpu.memory_space<vmem>> -> memref<1x80xi32, #tpu.memory_space<vmem>>
    %dma_start3A_55 = tpu.memref_squeeze %dma_start3A_54 : memref<1x80xi32, #tpu.memory_space<vmem>> -> memref<80xi32, #tpu.memory_space<vmem>>
    %dma_start3A_56 = arith.constant 0 : i32
    %dma_start3A_57 = arith.constant 0 : i32
    %dma_start3A_58 = tpu.memref_slice %arg2[%dma_start3A_56, %dma_start3A_57] : memref<10000x128xf32, #tpu.memory_space<hbm>> -> memref<10000x128xf32, #tpu.memory_space<hbm>>
    tpu.enqueue_indirect_dma source(%dma_start3A_58 : memref<10000x128xf32, #tpu.memory_space<hbm>>) target(%arg11 : memref<80x128xf32, #tpu.memory_space<vmem>>) offsets(%dma_start3A_55 : memref<80xi32, #tpu.memory_space<vmem>>) semaphore(%arg16 : memref<!tpu.dma_semaphore, #tpu.memory_space<semaphore_mem>>)
    %dma_start3A_59 = arith.constant 2 : i32
    %dma_start3A_60 = arith.constant 0 : i32
    %dma_start3A_61 = tpu.memref_slice %arg6[%dma_start3A_59, %dma_start3A_60] : memref<8x80xi32, #tpu.memory_space<vmem>> -> memref<1x80xi32, #tpu.memory_space<vmem>>
    %dma_start3A_62 = tpu.memref_squeeze %dma_start3A_61 : memref<1x80xi32, #tpu.memory_space<vmem>> -> memref<80xi32, #tpu.memory_space<vmem>>
    %dma_start3A_63 = arith.constant 0 : i32
    %dma_start3A_64 = arith.constant 0 : i32
    %dma_start3A_65 = tpu.memref_slice %arg2[%dma_start3A_63, %dma_start3A_64] : memref<10000x128xf32, #tpu.memory_space<hbm>> -> memref<10000x128xf32, #tpu.memory_space<hbm>>
    tpu.enqueue_indirect_dma source(%dma_start3A_65 : memref<10000x128xf32, #tpu.memory_space<hbm>>) target(%arg12 : memref<80x128xf32, #tpu.memory_space<vmem>>) offsets(%dma_start3A_62 : memref<80xi32, #tpu.memory_space<vmem>>) semaphore(%arg17 : memref<!tpu.dma_semaphore, #tpu.memory_space<semaphore_mem>>)
    %dma_start3A_66 = arith.constant 3 : i32
    %dma_start3A_67 = arith.constant 0 : i32
    %dma_start3A_68 = tpu.memref_slice %arg6[%dma_start3A_66, %dma_start3A_67] : memref<8x80xi32, #tpu.memory_space<vmem>> -> memref<1x80xi32, #tpu.memory_space<vmem>>
    %dma_start3A_69 = tpu.memref_squeeze %dma_start3A_68 : memref<1x80xi32, #tpu.memory_space<vmem>> -> memref<80xi32, #tpu.memory_space<vmem>>
    %dma_start3A_70 = arith.constant 0 : i32
    %dma_start3A_71 = arith.constant 0 : i32
    %dma_start3A_72 = tpu.memref_slice %arg2[%dma_start3A_70, %dma_start3A_71] : memref<10000x128xf32, #tpu.memory_space<hbm>> -> memref<10000x128xf32, #tpu.memory_space<hbm>>
    tpu.enqueue_indirect_dma source(%dma_start3A_72 : memref<10000x128xf32, #tpu.memory_space<hbm>>) target(%arg13 : memref<80x128xf32, #tpu.memory_space<vmem>>) offsets(%dma_start3A_69 : memref<80xi32, #tpu.memory_space<vmem>>) semaphore(%arg18 : memref<!tpu.dma_semaphore, #tpu.memory_space<semaphore_mem>>)
    %scan3A_73 = arith.constant 0 : i32
    %scan3A_74 = arith.constant 0 : i32
    %scan3A_75 = arith.constant 8 : i32
    %scan3A_76 = arith.addi %scan3A_74, %scan3A_75 : i32
    %scan3A_77 = arith.constant 1 : i32
    scf.for %scan3A_108 = %scan3A_74 to %scan3A_76 step %scan3A_77  : i32 {
      %mul3A_109 = arith.constant 2 : i32
      %mul3A_110 = arith.muli %mul3A_109, %scan3A_108 : i32
      %add3A_111 = arith.constant 1 : i32
      %add3A_112 = arith.addi %mul3A_110, %add3A_111 : i32
      %mul3A_113 = arith.constant 8 : i32
      %mul3A_114 = arith.muli %add3A_112, %mul3A_113 : i32
      %dma_start3A_115 = arith.constant 0 : i32
      %dma_start3A_116 = tpu.memref_slice %arg3[%add3A, %mul3A_114, %dma_start3A_115] : memref<32x136x80xi32, #tpu.memory_space<hbm>> -> memref<1x8x80xi32, #tpu.memory_space<hbm>>
      %dma_start3A_117 = tpu.memref_squeeze %dma_start3A_116 : memref<1x8x80xi32, #tpu.memory_space<hbm>> -> memref<8x80xi32, #tpu.memory_space<hbm>>
      %dma_start3A_118 = arith.constant 0 : i32
      %dma_start3A_119 = tpu.memref_slice %arg3[%add3A, %mul3A_114, %dma_start3A_118] : memref<32x136x80xi32, #tpu.memory_space<hbm>> -> memref<1x8x80xi32, #tpu.memory_space<hbm>>
      %dma_start3A_120 = tpu.memref_squeeze %dma_start3A_119 : memref<1x8x80xi32, #tpu.memory_space<hbm>> -> memref<8x80xi32, #tpu.memory_space<hbm>>
      tpu.enqueue_dma source(%dma_start3A_120 : memref<8x80xi32, #tpu.memory_space<hbm>>) target(%arg8 : memref<8x80xi32, #tpu.memory_space<vmem>>) target_semaphore(%arg23 : memref<!tpu.dma_semaphore, #tpu.memory_space<semaphore_mem>>)
      %add3A_121 = arith.constant 1 : i32
      %add3A_122 = arith.addi %mul3A_110, %add3A_121 : i32
      %mul3A_123 = arith.constant 8 : i32
      %mul3A_124 = arith.muli %add3A_122, %mul3A_123 : i32
      %dma_start3A_125 = arith.constant 0 : i32
      %dma_start3A_126 = tpu.memref_slice %arg4[%add3A, %mul3A_124, %dma_start3A_125] : memref<32x136x80xi32, #tpu.memory_space<hbm>> -> memref<1x8x80xi32, #tpu.memory_space<hbm>>
      %dma_start3A_127 = tpu.memref_squeeze %dma_start3A_126 : memref<1x8x80xi32, #tpu.memory_space<hbm>> -> memref<8x80xi32, #tpu.memory_space<hbm>>
      %dma_start3A_128 = arith.constant 0 : i32
      %dma_start3A_129 = tpu.memref_slice %arg4[%add3A, %mul3A_124, %dma_start3A_128] : memref<32x136x80xi32, #tpu.memory_space<hbm>> -> memref<1x8x80xi32, #tpu.memory_space<hbm>>
      %dma_start3A_130 = tpu.memref_squeeze %dma_start3A_129 : memref<1x8x80xi32, #tpu.memory_space<hbm>> -> memref<8x80xi32, #tpu.memory_space<hbm>>
      tpu.enqueue_dma source(%dma_start3A_130 : memref<8x80xi32, #tpu.memory_space<hbm>>) target(%arg9 : memref<8x80xi32, #tpu.memory_space<vmem>>) target_semaphore(%arg24 : memref<!tpu.dma_semaphore, #tpu.memory_space<semaphore_mem>>)
      %scan3A_131 = arith.constant 0 : i32
      %scan3A_132 = arith.constant 0 : i32
      %mul3A_133 = arith.constant 4 : i32
      %mul3A_134 = arith.muli %scan3A_132, %mul3A_133 : i32
      %add3A_135 = arith.constant 0 : i32
      %add3A_136 = arith.addi %mul3A_134, %add3A_135 : i32
      %dma_wait3A_137 = arith.constant 0 : i32
      %dma_wait3A_138 = tpu.memref_slice %arg6[%add3A_136, %dma_wait3A_137] : memref<8x80xi32, #tpu.memory_space<vmem>> -> memref<1x80xi32, #tpu.memory_space<vmem>>
      %dma_wait3A_139 = tpu.memref_squeeze %dma_wait3A_138 : memref<1x80xi32, #tpu.memory_space<vmem>> -> memref<80xi32, #tpu.memory_space<vmem>>
      %dma_wait3A_140 = arith.constant 0 : i32
      %dma_wait3A_141 = arith.constant 0 : i32
      %dma_wait3A_142 = tpu.memref_slice %arg2[%dma_wait3A_140, %dma_wait3A_141] : memref<10000x128xf32, #tpu.memory_space<hbm>> -> memref<10000x128xf32, #tpu.memory_space<hbm>>
      tpu.wait_indirect_dma semaphore(%arg15 : memref<!tpu.dma_semaphore, #tpu.memory_space<semaphore_mem>>) src(%dma_wait3A_142 : memref<10000x128xf32, #tpu.memory_space<hbm>>) dst(%arg10 : memref<80x128xf32, #tpu.memory_space<vmem>>)
      %dma_start3A_143 = arith.constant 0 : i32
      %dma_start3A_144 = tpu.memref_slice %arg7[%add3A_136, %dma_start3A_143] : memref<8x80xi32, #tpu.memory_space<vmem>> -> memref<1x80xi32, #tpu.memory_space<vmem>>
      %dma_start3A_145 = tpu.memref_squeeze %dma_start3A_144 : memref<1x80xi32, #tpu.memory_space<vmem>> -> memref<80xi32, #tpu.memory_space<vmem>>
      %dma_start3A_146 = arith.constant 0 : i32
      %dma_start3A_147 = arith.constant 0 : i32
      %dma_start3A_148 = tpu.memref_slice %arg14[%dma_start3A_146, %dma_start3A_147] : memref<10240x128xf32, #tpu.memory_space<vmem_shared>> -> memref<10240x128xf32, #tpu.memory_space<vmem_shared>>
      tpu.enqueue_indirect_dma source(%arg10 : memref<80x128xf32, #tpu.memory_space<vmem>>) target(%dma_start3A_148 : memref<10240x128xf32, #tpu.memory_space<vmem_shared>>) offsets(%dma_start3A_145 : memref<80xi32, #tpu.memory_space<vmem>>) semaphore(%arg19 : memref<!tpu.dma_semaphore, #tpu.memory_space<semaphore_mem>>) {add = true}
      %mul3A_149 = arith.constant 4 : i32
      %mul3A_150 = arith.muli %scan3A_132, %mul3A_149 : i32
      %add3A_151 = arith.constant 1 : i32
      %add3A_152 = arith.addi %mul3A_150, %add3A_151 : i32
      %dma_wait3A_153 = arith.constant 0 : i32
      %dma_wait3A_154 = tpu.memref_slice %arg6[%add3A_152, %dma_wait3A_153] : memref<8x80xi32, #tpu.memory_space<vmem>> -> memref<1x80xi32, #tpu.memory_space<vmem>>
      %dma_wait3A_155 = tpu.memref_squeeze %dma_wait3A_154 : memref<1x80xi32, #tpu.memory_space<vmem>> -> memref<80xi32, #tpu.memory_space<vmem>>
      %dma_wait3A_156 = arith.constant 0 : i32
      %dma_wait3A_157 = arith.constant 0 : i32
      %dma_wait3A_158 = tpu.memref_slice %arg2[%dma_wait3A_156, %dma_wait3A_157] : memref<10000x128xf32, #tpu.memory_space<hbm>> -> memref<10000x128xf32, #tpu.memory_space<hbm>>
      tpu.wait_indirect_dma semaphore(%arg16 : memref<!tpu.dma_semaphore, #tpu.memory_space<semaphore_mem>>) src(%dma_wait3A_158 : memref<10000x128xf32, #tpu.memory_space<hbm>>) dst(%arg11 : memref<80x128xf32, #tpu.memory_space<vmem>>)
      %dma_start3A_159 = arith.constant 0 : i32
      %dma_start3A_160 = tpu.memref_slice %arg7[%add3A_152, %dma_start3A_159] : memref<8x80xi32, #tpu.memory_space<vmem>> -> memref<1x80xi32, #tpu.memory_space<vmem>>
      %dma_start3A_161 = tpu.memref_squeeze %dma_start3A_160 : memref<1x80xi32, #tpu.memory_space<vmem>> -> memref<80xi32, #tpu.memory_space<vmem>>
      %dma_start3A_162 = arith.constant 0 : i32
      %dma_start3A_163 = arith.constant 0 : i32
      %dma_start3A_164 = tpu.memref_slice %arg14[%dma_start3A_162, %dma_start3A_163] : memref<10240x128xf32, #tpu.memory_space<vmem_shared>> -> memref<10240x128xf32, #tpu.memory_space<vmem_shared>>
      tpu.enqueue_indirect_dma source(%arg11 : memref<80x128xf32, #tpu.memory_space<vmem>>) target(%dma_start3A_164 : memref<10240x128xf32, #tpu.memory_space<vmem_shared>>) offsets(%dma_start3A_161 : memref<80xi32, #tpu.memory_space<vmem>>) semaphore(%arg20 : memref<!tpu.dma_semaphore, #tpu.memory_space<semaphore_mem>>) {add = true}
      %mul3A_165 = arith.constant 4 : i32
      %mul3A_166 = arith.muli %scan3A_132, %mul3A_165 : i32
      %add3A_167 = arith.constant 2 : i32
      %add3A_168 = arith.addi %mul3A_166, %add3A_167 : i32
      %dma_wait3A_169 = arith.constant 0 : i32
      %dma_wait3A_170 = tpu.memref_slice %arg6[%add3A_168, %dma_wait3A_169] : memref<8x80xi32, #tpu.memory_space<vmem>> -> memref<1x80xi32, #tpu.memory_space<vmem>>
      %dma_wait3A_171 = tpu.memref_squeeze %dma_wait3A_170 : memref<1x80xi32, #tpu.memory_space<vmem>> -> memref<80xi32, #tpu.memory_space<vmem>>
      %dma_wait3A_172 = arith.constant 0 : i32
      %dma_wait3A_173 = arith.constant 0 : i32
      %dma_wait3A_174 = tpu.memref_slice %arg2[%dma_wait3A_172, %dma_wait3A_173] : memref<10000x128xf32, #tpu.memory_space<hbm>> -> memref<10000x128xf32, #tpu.memory_space<hbm>>
      tpu.wait_indirect_dma semaphore(%arg17 : memref<!tpu.dma_semaphore, #tpu.memory_space<semaphore_mem>>) src(%dma_wait3A_174 : memref<10000x128xf32, #tpu.memory_space<hbm>>) dst(%arg12 : memref<80x128xf32, #tpu.memory_space<vmem>>)
      %dma_start3A_175 = arith.constant 0 : i32
      %dma_start3A_176 = tpu.memref_slice %arg7[%add3A_168, %dma_start3A_175] : memref<8x80xi32, #tpu.memory_space<vmem>> -> memref<1x80xi32, #tpu.memory_space<vmem>>
      %dma_start3A_177 = tpu.memref_squeeze %dma_start3A_176 : memref<1x80xi32, #tpu.memory_space<vmem>> -> memref<80xi32, #tpu.memory_space<vmem>>
      %dma_start3A_178 = arith.constant 0 : i32
      %dma_start3A_179 = arith.constant 0 : i32
      %dma_start3A_180 = tpu.memref_slice %arg14[%dma_start3A_178, %dma_start3A_179] : memref<10240x128xf32, #tpu.memory_space<vmem_shared>> -> memref<10240x128xf32, #tpu.memory_space<vmem_shared>>
      tpu.enqueue_indirect_dma source(%arg12 : memref<80x128xf32, #tpu.memory_space<vmem>>) target(%dma_start3A_180 : memref<10240x128xf32, #tpu.memory_space<vmem_shared>>) offsets(%dma_start3A_177 : memref<80xi32, #tpu.memory_space<vmem>>) semaphore(%arg21 : memref<!tpu.dma_semaphore, #tpu.memory_space<semaphore_mem>>) {add = true}
      %mul3A_181 = arith.constant 4 : i32
      %mul3A_182 = arith.muli %scan3A_132, %mul3A_181 : i32
      %add3A_183 = arith.constant 3 : i32
      %add3A_184 = arith.addi %mul3A_182, %add3A_183 : i32
      %dma_wait3A_185 = arith.constant 0 : i32
      %dma_wait3A_186 = tpu.memref_slice %arg6[%add3A_184, %dma_wait3A_185] : memref<8x80xi32, #tpu.memory_space<vmem>> -> memref<1x80xi32, #tpu.memory_space<vmem>>
      %dma_wait3A_187 = tpu.memref_squeeze %dma_wait3A_186 : memref<1x80xi32, #tpu.memory_space<vmem>> -> memref<80xi32, #tpu.memory_space<vmem>>
      %dma_wait3A_188 = arith.constant 0 : i32
      %dma_wait3A_189 = arith.constant 0 : i32
      %dma_wait3A_190 = tpu.memref_slice %arg2[%dma_wait3A_188, %dma_wait3A_189] : memref<10000x128xf32, #tpu.memory_space<hbm>> -> memref<10000x128xf32, #tpu.memory_space<hbm>>
      tpu.wait_indirect_dma semaphore(%arg18 : memref<!tpu.dma_semaphore, #tpu.memory_space<semaphore_mem>>) src(%dma_wait3A_190 : memref<10000x128xf32, #tpu.memory_space<hbm>>) dst(%arg13 : memref<80x128xf32, #tpu.memory_space<vmem>>)
      %dma_start3A_191 = arith.constant 0 : i32
      %dma_start3A_192 = tpu.memref_slice %arg7[%add3A_184, %dma_start3A_191] : memref<8x80xi32, #tpu.memory_space<vmem>> -> memref<1x80xi32, #tpu.memory_space<vmem>>
      %dma_start3A_193 = tpu.memref_squeeze %dma_start3A_192 : memref<1x80xi32, #tpu.memory_space<vmem>> -> memref<80xi32, #tpu.memory_space<vmem>>
      %dma_start3A_194 = arith.constant 0 : i32
      %dma_start3A_195 = arith.constant 0 : i32
      %dma_start3A_196 = tpu.memref_slice %arg14[%dma_start3A_194, %dma_start3A_195] : memref<10240x128xf32, #tpu.memory_space<vmem_shared>> -> memref<10240x128xf32, #tpu.memory_space<vmem_shared>>
      tpu.enqueue_indirect_dma source(%arg13 : memref<80x128xf32, #tpu.memory_space<vmem>>) target(%dma_start3A_196 : memref<10240x128xf32, #tpu.memory_space<vmem_shared>>) offsets(%dma_start3A_193 : memref<80xi32, #tpu.memory_space<vmem>>) semaphore(%arg22 : memref<!tpu.dma_semaphore, #tpu.memory_space<semaphore_mem>>) {add = true}
      %add3A_197 = arith.constant 1 : i32
      %add3A_198 = arith.addi %scan3A_132, %add3A_197 : i32
      %mul3A_199 = arith.constant 4 : i32
      %mul3A_200 = arith.muli %add3A_198, %mul3A_199 : i32
      %add3A_201 = arith.constant 0 : i32
      %add3A_202 = arith.addi %mul3A_200, %add3A_201 : i32
      %dma_wait3A_203 = arith.constant 0 : i32
      %dma_wait3A_204 = tpu.memref_slice %arg7[%add3A_202, %dma_wait3A_203] : memref<8x80xi32, #tpu.memory_space<vmem>> -> memref<1x80xi32, #tpu.memory_space<vmem>>
      %dma_wait3A_205 = tpu.memref_squeeze %dma_wait3A_204 : memref<1x80xi32, #tpu.memory_space<vmem>> -> memref<80xi32, #tpu.memory_space<vmem>>
      %dma_wait3A_206 = arith.constant 0 : i32
      %dma_wait3A_207 = arith.constant 0 : i32
      %dma_wait3A_208 = tpu.memref_slice %arg14[%dma_wait3A_206, %dma_wait3A_207] : memref<10240x128xf32, #tpu.memory_space<vmem_shared>> -> memref<10240x128xf32, #tpu.memory_space<vmem_shared>>
      tpu.wait_indirect_dma semaphore(%arg19 : memref<!tpu.dma_semaphore, #tpu.memory_space<semaphore_mem>>) src(%arg10 : memref<80x128xf32, #tpu.memory_space<vmem>>) dst(%dma_wait3A_208 : memref<10240x128xf32, #tpu.memory_space<vmem_shared>>)
      %dma_start3A_209 = arith.constant 0 : i32
      %dma_start3A_210 = tpu.memref_slice %arg6[%add3A_202, %dma_start3A_209] : memref<8x80xi32, #tpu.memory_space<vmem>> -> memref<1x80xi32, #tpu.memory_space<vmem>>
      %dma_start3A_211 = tpu.memref_squeeze %dma_start3A_210 : memref<1x80xi32, #tpu.memory_space<vmem>> -> memref<80xi32, #tpu.memory_space<vmem>>
      %dma_start3A_212 = arith.constant 0 : i32
      %dma_start3A_213 = arith.constant 0 : i32
      %dma_start3A_214 = tpu.memref_slice %arg2[%dma_start3A_212, %dma_start3A_213] : memref<10000x128xf32, #tpu.memory_space<hbm>> -> memref<10000x128xf32, #tpu.memory_space<hbm>>
      tpu.enqueue_indirect_dma source(%dma_start3A_214 : memref<10000x128xf32, #tpu.memory_space<hbm>>) target(%arg10 : memref<80x128xf32, #tpu.memory_space<vmem>>) offsets(%dma_start3A_211 : memref<80xi32, #tpu.memory_space<vmem>>) semaphore(%arg15 : memref<!tpu.dma_semaphore, #tpu.memory_space<semaphore_mem>>)
      %add3A_215 = arith.constant 1 : i32
      %add3A_216 = arith.addi %scan3A_132, %add3A_215 : i32
      %mul3A_217 = arith.constant 4 : i32
      %mul3A_218 = arith.muli %add3A_216, %mul3A_217 : i32
      %add3A_219 = arith.constant 1 : i32
      %add3A_220 = arith.addi %mul3A_218, %add3A_219 : i32
      %dma_wait3A_221 = arith.constant 0 : i32
      %dma_wait3A_222 = tpu.memref_slice %arg7[%add3A_220, %dma_wait3A_221] : memref<8x80xi32, #tpu.memory_space<vmem>> -> memref<1x80xi32, #tpu.memory_space<vmem>>
      %dma_wait3A_223 = tpu.memref_squeeze %dma_wait3A_222 : memref<1x80xi32, #tpu.memory_space<vmem>> -> memref<80xi32, #tpu.memory_space<vmem>>
      %dma_wait3A_224 = arith.constant 0 : i32
      %dma_wait3A_225 = arith.constant 0 : i32
      %dma_wait3A_226 = tpu.memref_slice %arg14[%dma_wait3A_224, %dma_wait3A_225] : memref<10240x128xf32, #tpu.memory_space<vmem_shared>> -> memref<10240x128xf32, #tpu.memory_space<vmem_shared>>
      tpu.wait_indirect_dma semaphore(%arg20 : memref<!tpu.dma_semaphore, #tpu.memory_space<semaphore_mem>>) src(%arg11 : memref<80x128xf32, #tpu.memory_space<vmem>>) dst(%dma_wait3A_226 : memref<10240x128xf32, #tpu.memory_space<vmem_shared>>)
      %dma_start3A_227 = arith.constant 0 : i32
      %dma_start3A_228 = tpu.memref_slice %arg6[%add3A_220, %dma_start3A_227] : memref<8x80xi32, #tpu.memory_space<vmem>> -> memref<1x80xi32, #tpu.memory_space<vmem>>
      %dma_start3A_229 = tpu.memref_squeeze %dma_start3A_228 : memref<1x80xi32, #tpu.memory_space<vmem>> -> memref<80xi32, #tpu.memory_space<vmem>>
      %dma_start3A_230 = arith.constant 0 : i32
      %dma_start3A_231 = arith.constant 0 : i32
      %dma_start3A_232 = tpu.memref_slice %arg2[%dma_start3A_230, %dma_start3A_231] : memref<10000x128xf32, #tpu.memory_space<hbm>> -> memref<10000x128xf32, #tpu.memory_space<hbm>>
      tpu.enqueue_indirect_dma source(%dma_start3A_232 : memref<10000x128xf32, #tpu.memory_space<hbm>>) target(%arg11 : memref<80x128xf32, #tpu.memory_space<vmem>>) offsets(%dma_start3A_229 : memref<80xi32, #tpu.memory_space<vmem>>) semaphore(%arg16 : memref<!tpu.dma_semaphore, #tpu.memory_space<semaphore_mem>>)
      %add3A_233 = arith.constant 1 : i32
      %add3A_234 = arith.addi %scan3A_132, %add3A_233 : i32
      %mul3A_235 = arith.constant 4 : i32
      %mul3A_236 = arith.muli %add3A_234, %mul3A_235 : i32
      %add3A_237 = arith.constant 2 : i32
      %add3A_238 = arith.addi %mul3A_236, %add3A_237 : i32
      %dma_wait3A_239 = arith.constant 0 : i32
      %dma_wait3A_240 = tpu.memref_slice %arg7[%add3A_238, %dma_wait3A_239] : memref<8x80xi32, #tpu.memory_space<vmem>> -> memref<1x80xi32, #tpu.memory_space<vmem>>
      %dma_wait3A_241 = tpu.memref_squeeze %dma_wait3A_240 : memref<1x80xi32, #tpu.memory_space<vmem>> -> memref<80xi32, #tpu.memory_space<vmem>>
      %dma_wait3A_242 = arith.constant 0 : i32
      %dma_wait3A_243 = arith.constant 0 : i32
      %dma_wait3A_244 = tpu.memref_slice %arg14[%dma_wait3A_242, %dma_wait3A_243] : memref<10240x128xf32, #tpu.memory_space<vmem_shared>> -> memref<10240x128xf32, #tpu.memory_space<vmem_shared>>
      tpu.wait_indirect_dma semaphore(%arg21 : memref<!tpu.dma_semaphore, #tpu.memory_space<semaphore_mem>>) src(%arg12 : memref<80x128xf32, #tpu.memory_space<vmem>>) dst(%dma_wait3A_244 : memref<10240x128xf32, #tpu.memory_space<vmem_shared>>)
      %dma_start3A_245 = arith.constant 0 : i32
      %dma_start3A_246 = tpu.memref_slice %arg6[%add3A_238, %dma_start3A_245] : memref<8x80xi32, #tpu.memory_space<vmem>> -> memref<1x80xi32, #tpu.memory_space<vmem>>
      %dma_start3A_247 = tpu.memref_squeeze %dma_start3A_246 : memref<1x80xi32, #tpu.memory_space<vmem>> -> memref<80xi32, #tpu.memory_space<vmem>>
      %dma_start3A_248 = arith.constant 0 : i32
      %dma_start3A_249 = arith.constant 0 : i32
      %dma_start3A_250 = tpu.memref_slice %arg2[%dma_start3A_248, %dma_start3A_249] : memref<10000x128xf32, #tpu.memory_space<hbm>> -> memref<10000x128xf32, #tpu.memory_space<hbm>>
      tpu.enqueue_indirect_dma source(%dma_start3A_250 : memref<10000x128xf32, #tpu.memory_space<hbm>>) target(%arg12 : memref<80x128xf32, #tpu.memory_space<vmem>>) offsets(%dma_start3A_247 : memref<80xi32, #tpu.memory_space<vmem>>) semaphore(%arg17 : memref<!tpu.dma_semaphore, #tpu.memory_space<semaphore_mem>>)
      %add3A_251 = arith.constant 1 : i32
      %add3A_252 = arith.addi %scan3A_132, %add3A_251 : i32
      %mul3A_253 = arith.constant 4 : i32
      %mul3A_254 = arith.muli %add3A_252, %mul3A_253 : i32
      %add3A_255 = arith.constant 3 : i32
      %add3A_256 = arith.addi %mul3A_254, %add3A_255 : i32
      %dma_wait3A_257 = arith.constant 0 : i32
      %dma_wait3A_258 = tpu.memref_slice %arg7[%add3A_256, %dma_wait3A_257] : memref<8x80xi32, #tpu.memory_space<vmem>> -> memref<1x80xi32, #tpu.memory_space<vmem>>
      %dma_wait3A_259 = tpu.memref_squeeze %dma_wait3A_258 : memref<1x80xi32, #tpu.memory_space<vmem>> -> memref<80xi32, #tpu.memory_space<vmem>>
      %dma_wait3A_260 = arith.constant 0 : i32
      %dma_wait3A_261 = arith.constant 0 : i32
      %dma_wait3A_262 = tpu.memref_slice %arg14[%dma_wait3A_260, %dma_wait3A_261] : memref<10240x128xf32, #tpu.memory_space<vmem_shared>> -> memref<10240x128xf32, #tpu.memory_space<vmem_shared>>
      tpu.wait_indirect_dma semaphore(%arg22 : memref<!tpu.dma_semaphore, #tpu.memory_space<semaphore_mem>>) src(%arg13 : memref<80x128xf32, #tpu.memory_space<vmem>>) dst(%dma_wait3A_262 : memref<10240x128xf32, #tpu.memory_space<vmem_shared>>)
      %dma_start3A_263 = arith.constant 0 : i32
      %dma_start3A_264 = tpu.memref_slice %arg6[%add3A_256, %dma_start3A_263] : memref<8x80xi32, #tpu.memory_space<vmem>> -> memref<1x80xi32, #tpu.memory_space<vmem>>
      %dma_start3A_265 = tpu.memref_squeeze %dma_start3A_264 : memref<1x80xi32, #tpu.memory_space<vmem>> -> memref<80xi32, #tpu.memory_space<vmem>>
      %dma_start3A_266 = arith.constant 0 : i32
      %dma_start3A_267 = arith.constant 0 : i32
      %dma_start3A_268 = tpu.memref_slice %arg2[%dma_start3A_266, %dma_start3A_267] : memref<10000x128xf32, #tpu.memory_space<hbm>> -> memref<10000x128xf32, #tpu.memory_space<hbm>>
      tpu.enqueue_indirect_dma source(%dma_start3A_268 : memref<10000x128xf32, #tpu.memory_space<hbm>>) target(%arg13 : memref<80x128xf32, #tpu.memory_space<vmem>>) offsets(%dma_start3A_265 : memref<80xi32, #tpu.memory_space<vmem>>) semaphore(%arg18 : memref<!tpu.dma_semaphore, #tpu.memory_space<semaphore_mem>>)
      %scan3A_269 = arith.constant 1 : i32
      %dma_wait3A_270 = arith.constant 4 : i32
      %dma_wait3A_271 = arith.constant 0 : i32
      %dma_wait3A_272 = tpu.memref_slice %arg6[%dma_wait3A_270, %dma_wait3A_271] : memref<8x80xi32, #tpu.memory_space<vmem>> -> memref<1x80xi32, #tpu.memory_space<vmem>>
      %dma_wait3A_273 = tpu.memref_squeeze %dma_wait3A_272 : memref<1x80xi32, #tpu.memory_space<vmem>> -> memref<80xi32, #tpu.memory_space<vmem>>
      %dma_wait3A_274 = arith.constant 0 : i32
      %dma_wait3A_275 = arith.constant 0 : i32
      %dma_wait3A_276 = tpu.memref_slice %arg2[%dma_wait3A_274, %dma_wait3A_275] : memref<10000x128xf32, #tpu.memory_space<hbm>> -> memref<10000x128xf32, #tpu.memory_space<hbm>>
      tpu.wait_indirect_dma semaphore(%arg15 : memref<!tpu.dma_semaphore, #tpu.memory_space<semaphore_mem>>) src(%dma_wait3A_276 : memref<10000x128xf32, #tpu.memory_space<hbm>>) dst(%arg10 : memref<80x128xf32, #tpu.memory_space<vmem>>)
      %dma_start3A_277 = arith.constant 4 : i32
      %dma_start3A_278 = arith.constant 0 : i32
      %dma_start3A_279 = tpu.memref_slice %arg7[%dma_start3A_277, %dma_start3A_278] : memref<8x80xi32, #tpu.memory_space<vmem>> -> memref<1x80xi32, #tpu.memory_space<vmem>>
      %dma_start3A_280 = tpu.memref_squeeze %dma_start3A_279 : memref<1x80xi32, #tpu.memory_space<vmem>> -> memref<80xi32, #tpu.memory_space<vmem>>
      %dma_start3A_281 = arith.constant 0 : i32
      %dma_start3A_282 = arith.constant 0 : i32
      %dma_start3A_283 = tpu.memref_slice %arg14[%dma_start3A_281, %dma_start3A_282] : memref<10240x128xf32, #tpu.memory_space<vmem_shared>> -> memref<10240x128xf32, #tpu.memory_space<vmem_shared>>
      tpu.enqueue_indirect_dma source(%arg10 : memref<80x128xf32, #tpu.memory_space<vmem>>) target(%dma_start3A_283 : memref<10240x128xf32, #tpu.memory_space<vmem_shared>>) offsets(%dma_start3A_280 : memref<80xi32, #tpu.memory_space<vmem>>) semaphore(%arg19 : memref<!tpu.dma_semaphore, #tpu.memory_space<semaphore_mem>>) {add = true}
      %dma_wait3A_284 = arith.constant 5 : i32
      %dma_wait3A_285 = arith.constant 0 : i32
      %dma_wait3A_286 = tpu.memref_slice %arg6[%dma_wait3A_284, %dma_wait3A_285] : memref<8x80xi32, #tpu.memory_space<vmem>> -> memref<1x80xi32, #tpu.memory_space<vmem>>
      %dma_wait3A_287 = tpu.memref_squeeze %dma_wait3A_286 : memref<1x80xi32, #tpu.memory_space<vmem>> -> memref<80xi32, #tpu.memory_space<vmem>>
      %dma_wait3A_288 = arith.constant 0 : i32
      %dma_wait3A_289 = arith.constant 0 : i32
      %dma_wait3A_290 = tpu.memref_slice %arg2[%dma_wait3A_288, %dma_wait3A_289] : memref<10000x128xf32, #tpu.memory_space<hbm>> -> memref<10000x128xf32, #tpu.memory_space<hbm>>
      tpu.wait_indirect_dma semaphore(%arg16 : memref<!tpu.dma_semaphore, #tpu.memory_space<semaphore_mem>>) src(%dma_wait3A_290 : memref<10000x128xf32, #tpu.memory_space<hbm>>) dst(%arg11 : memref<80x128xf32, #tpu.memory_space<vmem>>)
      %dma_start3A_291 = arith.constant 5 : i32
      %dma_start3A_292 = arith.constant 0 : i32
      %dma_start3A_293 = tpu.memref_slice %arg7[%dma_start3A_291, %dma_start3A_292] : memref<8x80xi32, #tpu.memory_space<vmem>> -> memref<1x80xi32, #tpu.memory_space<vmem>>
      %dma_start3A_294 = tpu.memref_squeeze %dma_start3A_293 : memref<1x80xi32, #tpu.memory_space<vmem>> -> memref<80xi32, #tpu.memory_space<vmem>>
      %dma_start3A_295 = arith.constant 0 : i32
      %dma_start3A_296 = arith.constant 0 : i32
      %dma_start3A_297 = tpu.memref_slice %arg14[%dma_start3A_295, %dma_start3A_296] : memref<10240x128xf32, #tpu.memory_space<vmem_shared>> -> memref<10240x128xf32, #tpu.memory_space<vmem_shared>>
      tpu.enqueue_indirect_dma source(%arg11 : memref<80x128xf32, #tpu.memory_space<vmem>>) target(%dma_start3A_297 : memref<10240x128xf32, #tpu.memory_space<vmem_shared>>) offsets(%dma_start3A_294 : memref<80xi32, #tpu.memory_space<vmem>>) semaphore(%arg20 : memref<!tpu.dma_semaphore, #tpu.memory_space<semaphore_mem>>) {add = true}
      %dma_wait3A_298 = arith.constant 6 : i32
      %dma_wait3A_299 = arith.constant 0 : i32
      %dma_wait3A_300 = tpu.memref_slice %arg6[%dma_wait3A_298, %dma_wait3A_299] : memref<8x80xi32, #tpu.memory_space<vmem>> -> memref<1x80xi32, #tpu.memory_space<vmem>>
      %dma_wait3A_301 = tpu.memref_squeeze %dma_wait3A_300 : memref<1x80xi32, #tpu.memory_space<vmem>> -> memref<80xi32, #tpu.memory_space<vmem>>
      %dma_wait3A_302 = arith.constant 0 : i32
      %dma_wait3A_303 = arith.constant 0 : i32
      %dma_wait3A_304 = tpu.memref_slice %arg2[%dma_wait3A_302, %dma_wait3A_303] : memref<10000x128xf32, #tpu.memory_space<hbm>> -> memref<10000x128xf32, #tpu.memory_space<hbm>>
      tpu.wait_indirect_dma semaphore(%arg17 : memref<!tpu.dma_semaphore, #tpu.memory_space<semaphore_mem>>) src(%dma_wait3A_304 : memref<10000x128xf32, #tpu.memory_space<hbm>>) dst(%arg12 : memref<80x128xf32, #tpu.memory_space<vmem>>)
      %dma_start3A_305 = arith.constant 6 : i32
      %dma_start3A_306 = arith.constant 0 : i32
      %dma_start3A_307 = tpu.memref_slice %arg7[%dma_start3A_305, %dma_start3A_306] : memref<8x80xi32, #tpu.memory_space<vmem>> -> memref<1x80xi32, #tpu.memory_space<vmem>>
      %dma_start3A_308 = tpu.memref_squeeze %dma_start3A_307 : memref<1x80xi32, #tpu.memory_space<vmem>> -> memref<80xi32, #tpu.memory_space<vmem>>
      %dma_start3A_309 = arith.constant 0 : i32
      %dma_start3A_310 = arith.constant 0 : i32
      %dma_start3A_311 = tpu.memref_slice %arg14[%dma_start3A_309, %dma_start3A_310] : memref<10240x128xf32, #tpu.memory_space<vmem_shared>> -> memref<10240x128xf32, #tpu.memory_space<vmem_shared>>
      tpu.enqueue_indirect_dma source(%arg12 : memref<80x128xf32, #tpu.memory_space<vmem>>) target(%dma_start3A_311 : memref<10240x128xf32, #tpu.memory_space<vmem_shared>>) offsets(%dma_start3A_308 : memref<80xi32, #tpu.memory_space<vmem>>) semaphore(%arg21 : memref<!tpu.dma_semaphore, #tpu.memory_space<semaphore_mem>>) {add = true}
      %dma_wait3A_312 = arith.constant 7 : i32
      %dma_wait3A_313 = arith.constant 0 : i32
      %dma_wait3A_314 = tpu.memref_slice %arg6[%dma_wait3A_312, %dma_wait3A_313] : memref<8x80xi32, #tpu.memory_space<vmem>> -> memref<1x80xi32, #tpu.memory_space<vmem>>
      %dma_wait3A_315 = tpu.memref_squeeze %dma_wait3A_314 : memref<1x80xi32, #tpu.memory_space<vmem>> -> memref<80xi32, #tpu.memory_space<vmem>>
      %dma_wait3A_316 = arith.constant 0 : i32
      %dma_wait3A_317 = arith.constant 0 : i32
      %dma_wait3A_318 = tpu.memref_slice %arg2[%dma_wait3A_316, %dma_wait3A_317] : memref<10000x128xf32, #tpu.memory_space<hbm>> -> memref<10000x128xf32, #tpu.memory_space<hbm>>
      tpu.wait_indirect_dma semaphore(%arg18 : memref<!tpu.dma_semaphore, #tpu.memory_space<semaphore_mem>>) src(%dma_wait3A_318 : memref<10000x128xf32, #tpu.memory_space<hbm>>) dst(%arg13 : memref<80x128xf32, #tpu.memory_space<vmem>>)
      %dma_start3A_319 = arith.constant 7 : i32
      %dma_start3A_320 = arith.constant 0 : i32
      %dma_start3A_321 = tpu.memref_slice %arg7[%dma_start3A_319, %dma_start3A_320] : memref<8x80xi32, #tpu.memory_space<vmem>> -> memref<1x80xi32, #tpu.memory_space<vmem>>
      %dma_start3A_322 = tpu.memref_squeeze %dma_start3A_321 : memref<1x80xi32, #tpu.memory_space<vmem>> -> memref<80xi32, #tpu.memory_space<vmem>>
      %dma_start3A_323 = arith.constant 0 : i32
      %dma_start3A_324 = arith.constant 0 : i32
      %dma_start3A_325 = tpu.memref_slice %arg14[%dma_start3A_323, %dma_start3A_324] : memref<10240x128xf32, #tpu.memory_space<vmem_shared>> -> memref<10240x128xf32, #tpu.memory_space<vmem_shared>>
      tpu.enqueue_indirect_dma source(%arg13 : memref<80x128xf32, #tpu.memory_space<vmem>>) target(%dma_start3A_325 : memref<10240x128xf32, #tpu.memory_space<vmem_shared>>) offsets(%dma_start3A_322 : memref<80xi32, #tpu.memory_space<vmem>>) semaphore(%arg22 : memref<!tpu.dma_semaphore, #tpu.memory_space<semaphore_mem>>) {add = true}
      %dma_wait3A_326 = arith.constant 0 : i32
      %dma_wait3A_327 = tpu.memref_slice %arg3[%add3A, %mul3A_114, %dma_wait3A_326] : memref<32x136x80xi32, #tpu.memory_space<hbm>> -> memref<1x8x80xi32, #tpu.memory_space<hbm>>
      %dma_wait3A_328 = tpu.memref_squeeze %dma_wait3A_327 : memref<1x8x80xi32, #tpu.memory_space<hbm>> -> memref<8x80xi32, #tpu.memory_space<hbm>>
      %dma_wait3A_329 = arith.constant 0 : i32
      %dma_wait3A_330 = tpu.memref_slice %arg3[%add3A, %mul3A_114, %dma_wait3A_329] : memref<32x136x80xi32, #tpu.memory_space<hbm>> -> memref<1x8x80xi32, #tpu.memory_space<hbm>>
      %dma_wait3A_331 = tpu.memref_squeeze %dma_wait3A_330 : memref<1x8x80xi32, #tpu.memory_space<hbm>> -> memref<8x80xi32, #tpu.memory_space<hbm>>
      tpu.wait_dma2 semaphore(%arg23 : memref<!tpu.dma_semaphore, #tpu.memory_space<semaphore_mem>>) src(%dma_wait3A_331 : memref<8x80xi32, #tpu.memory_space<hbm>>) dst(%arg8 : memref<8x80xi32, #tpu.memory_space<vmem>>)
      %dma_wait3A_332 = arith.constant 0 : i32
      %dma_wait3A_333 = tpu.memref_slice %arg4[%add3A, %mul3A_124, %dma_wait3A_332] : memref<32x136x80xi32, #tpu.memory_space<hbm>> -> memref<1x8x80xi32, #tpu.memory_space<hbm>>
      %dma_wait3A_334 = tpu.memref_squeeze %dma_wait3A_333 : memref<1x8x80xi32, #tpu.memory_space<hbm>> -> memref<8x80xi32, #tpu.memory_space<hbm>>
      %dma_wait3A_335 = arith.constant 0 : i32
      %dma_wait3A_336 = tpu.memref_slice %arg4[%add3A, %mul3A_124, %dma_wait3A_335] : memref<32x136x80xi32, #tpu.memory_space<hbm>> -> memref<1x8x80xi32, #tpu.memory_space<hbm>>
      %dma_wait3A_337 = tpu.memref_squeeze %dma_wait3A_336 : memref<1x8x80xi32, #tpu.memory_space<hbm>> -> memref<8x80xi32, #tpu.memory_space<hbm>>
      tpu.wait_dma2 semaphore(%arg24 : memref<!tpu.dma_semaphore, #tpu.memory_space<semaphore_mem>>) src(%dma_wait3A_337 : memref<8x80xi32, #tpu.memory_space<hbm>>) dst(%arg9 : memref<8x80xi32, #tpu.memory_space<vmem>>)
      %dma_wait3A_338 = arith.constant 0 : i32
      %dma_wait3A_339 = arith.constant 0 : i32
      %dma_wait3A_340 = tpu.memref_slice %arg7[%dma_wait3A_338, %dma_wait3A_339] : memref<8x80xi32, #tpu.memory_space<vmem>> -> memref<1x80xi32, #tpu.memory_space<vmem>>
      %dma_wait3A_341 = tpu.memref_squeeze %dma_wait3A_340 : memref<1x80xi32, #tpu.memory_space<vmem>> -> memref<80xi32, #tpu.memory_space<vmem>>
      %dma_wait3A_342 = arith.constant 0 : i32
      %dma_wait3A_343 = arith.constant 0 : i32
      %dma_wait3A_344 = tpu.memref_slice %arg14[%dma_wait3A_342, %dma_wait3A_343] : memref<10240x128xf32, #tpu.memory_space<vmem_shared>> -> memref<10240x128xf32, #tpu.memory_space<vmem_shared>>
      tpu.wait_indirect_dma semaphore(%arg19 : memref<!tpu.dma_semaphore, #tpu.memory_space<semaphore_mem>>) src(%arg10 : memref<80x128xf32, #tpu.memory_space<vmem>>) dst(%dma_wait3A_344 : memref<10240x128xf32, #tpu.memory_space<vmem_shared>>)
      %dma_start3A_345 = arith.constant 0 : i32
      %dma_start3A_346 = arith.constant 0 : i32
      %dma_start3A_347 = tpu.memref_slice %arg8[%dma_start3A_345, %dma_start3A_346] : memref<8x80xi32, #tpu.memory_space<vmem>> -> memref<1x80xi32, #tpu.memory_space<vmem>>
      %dma_start3A_348 = tpu.memref_squeeze %dma_start3A_347 : memref<1x80xi32, #tpu.memory_space<vmem>> -> memref<80xi32, #tpu.memory_space<vmem>>
      %dma_start3A_349 = arith.constant 0 : i32
      %dma_start3A_350 = arith.constant 0 : i32
      %dma_start3A_351 = tpu.memref_slice %arg2[%dma_start3A_349, %dma_start3A_350] : memref<10000x128xf32, #tpu.memory_space<hbm>> -> memref<10000x128xf32, #tpu.memory_space<hbm>>
      tpu.enqueue_indirect_dma source(%dma_start3A_351 : memref<10000x128xf32, #tpu.memory_space<hbm>>) target(%arg10 : memref<80x128xf32, #tpu.memory_space<vmem>>) offsets(%dma_start3A_348 : memref<80xi32, #tpu.memory_space<vmem>>) semaphore(%arg15 : memref<!tpu.dma_semaphore, #tpu.memory_space<semaphore_mem>>)
      %dma_wait3A_352 = arith.constant 1 : i32
      %dma_wait3A_353 = arith.constant 0 : i32
      %dma_wait3A_354 = tpu.memref_slice %arg7[%dma_wait3A_352, %dma_wait3A_353] : memref<8x80xi32, #tpu.memory_space<vmem>> -> memref<1x80xi32, #tpu.memory_space<vmem>>
      %dma_wait3A_355 = tpu.memref_squeeze %dma_wait3A_354 : memref<1x80xi32, #tpu.memory_space<vmem>> -> memref<80xi32, #tpu.memory_space<vmem>>
      %dma_wait3A_356 = arith.constant 0 : i32
      %dma_wait3A_357 = arith.constant 0 : i32
      %dma_wait3A_358 = tpu.memref_slice %arg14[%dma_wait3A_356, %dma_wait3A_357] : memref<10240x128xf32, #tpu.memory_space<vmem_shared>> -> memref<10240x128xf32, #tpu.memory_space<vmem_shared>>
      tpu.wait_indirect_dma semaphore(%arg20 : memref<!tpu.dma_semaphore, #tpu.memory_space<semaphore_mem>>) src(%arg11 : memref<80x128xf32, #tpu.memory_space<vmem>>) dst(%dma_wait3A_358 : memref<10240x128xf32, #tpu.memory_space<vmem_shared>>)
      %dma_start3A_359 = arith.constant 1 : i32
      %dma_start3A_360 = arith.constant 0 : i32
      %dma_start3A_361 = tpu.memref_slice %arg8[%dma_start3A_359, %dma_start3A_360] : memref<8x80xi32, #tpu.memory_space<vmem>> -> memref<1x80xi32, #tpu.memory_space<vmem>>
      %dma_start3A_362 = tpu.memref_squeeze %dma_start3A_361 : memref<1x80xi32, #tpu.memory_space<vmem>> -> memref<80xi32, #tpu.memory_space<vmem>>
      %dma_start3A_363 = arith.constant 0 : i32
      %dma_start3A_364 = arith.constant 0 : i32
      %dma_start3A_365 = tpu.memref_slice %arg2[%dma_start3A_363, %dma_start3A_364] : memref<10000x128xf32, #tpu.memory_space<hbm>> -> memref<10000x128xf32, #tpu.memory_space<hbm>>
      tpu.enqueue_indirect_dma source(%dma_start3A_365 : memref<10000x128xf32, #tpu.memory_space<hbm>>) target(%arg11 : memref<80x128xf32, #tpu.memory_space<vmem>>) offsets(%dma_start3A_362 : memref<80xi32, #tpu.memory_space<vmem>>) semaphore(%arg16 : memref<!tpu.dma_semaphore, #tpu.memory_space<semaphore_mem>>)
      %dma_wait3A_366 = arith.constant 2 : i32
      %dma_wait3A_367 = arith.constant 0 : i32
      %dma_wait3A_368 = tpu.memref_slice %arg7[%dma_wait3A_366, %dma_wait3A_367] : memref<8x80xi32, #tpu.memory_space<vmem>> -> memref<1x80xi32, #tpu.memory_space<vmem>>
      %dma_wait3A_369 = tpu.memref_squeeze %dma_wait3A_368 : memref<1x80xi32, #tpu.memory_space<vmem>> -> memref<80xi32, #tpu.memory_space<vmem>>
      %dma_wait3A_370 = arith.constant 0 : i32
      %dma_wait3A_371 = arith.constant 0 : i32
      %dma_wait3A_372 = tpu.memref_slice %arg14[%dma_wait3A_370, %dma_wait3A_371] : memref<10240x128xf32, #tpu.memory_space<vmem_shared>> -> memref<10240x128xf32, #tpu.memory_space<vmem_shared>>
      tpu.wait_indirect_dma semaphore(%arg21 : memref<!tpu.dma_semaphore, #tpu.memory_space<semaphore_mem>>) src(%arg12 : memref<80x128xf32, #tpu.memory_space<vmem>>) dst(%dma_wait3A_372 : memref<10240x128xf32, #tpu.memory_space<vmem_shared>>)
      %dma_start3A_373 = arith.constant 2 : i32
      %dma_start3A_374 = arith.constant 0 : i32
      %dma_start3A_375 = tpu.memref_slice %arg8[%dma_start3A_373, %dma_start3A_374] : memref<8x80xi32, #tpu.memory_space<vmem>> -> memref<1x80xi32, #tpu.memory_space<vmem>>
      %dma_start3A_376 = tpu.memref_squeeze %dma_start3A_375 : memref<1x80xi32, #tpu.memory_space<vmem>> -> memref<80xi32, #tpu.memory_space<vmem>>
      %dma_start3A_377 = arith.constant 0 : i32
      %dma_start3A_378 = arith.constant 0 : i32
      %dma_start3A_379 = tpu.memref_slice %arg2[%dma_start3A_377, %dma_start3A_378] : memref<10000x128xf32, #tpu.memory_space<hbm>> -> memref<10000x128xf32, #tpu.memory_space<hbm>>
      tpu.enqueue_indirect_dma source(%dma_start3A_379 : memref<10000x128xf32, #tpu.memory_space<hbm>>) target(%arg12 : memref<80x128xf32, #tpu.memory_space<vmem>>) offsets(%dma_start3A_376 : memref<80xi32, #tpu.memory_space<vmem>>) semaphore(%arg17 : memref<!tpu.dma_semaphore, #tpu.memory_space<semaphore_mem>>)
      %dma_wait3A_380 = arith.constant 3 : i32
      %dma_wait3A_381 = arith.constant 0 : i32
      %dma_wait3A_382 = tpu.memref_slice %arg7[%dma_wait3A_380, %dma_wait3A_381] : memref<8x80xi32, #tpu.memory_space<vmem>> -> memref<1x80xi32, #tpu.memory_space<vmem>>
      %dma_wait3A_383 = tpu.memref_squeeze %dma_wait3A_382 : memref<1x80xi32, #tpu.memory_space<vmem>> -> memref<80xi32, #tpu.memory_space<vmem>>
      %dma_wait3A_384 = arith.constant 0 : i32
      %dma_wait3A_385 = arith.constant 0 : i32
      %dma_wait3A_386 = tpu.memref_slice %arg14[%dma_wait3A_384, %dma_wait3A_385] : memref<10240x128xf32, #tpu.memory_space<vmem_shared>> -> memref<10240x128xf32, #tpu.memory_space<vmem_shared>>
      tpu.wait_indirect_dma semaphore(%arg22 : memref<!tpu.dma_semaphore, #tpu.memory_space<semaphore_mem>>) src(%arg13 : memref<80x128xf32, #tpu.memory_space<vmem>>) dst(%dma_wait3A_386 : memref<10240x128xf32, #tpu.memory_space<vmem_shared>>)
      %dma_start3A_387 = arith.constant 3 : i32
      %dma_start3A_388 = arith.constant 0 : i32
      %dma_start3A_389 = tpu.memref_slice %arg8[%dma_start3A_387, %dma_start3A_388] : memref<8x80xi32, #tpu.memory_space<vmem>> -> memref<1x80xi32, #tpu.memory_space<vmem>>
      %dma_start3A_390 = tpu.memref_squeeze %dma_start3A_389 : memref<1x80xi32, #tpu.memory_space<vmem>> -> memref<80xi32, #tpu.memory_space<vmem>>
      %dma_start3A_391 = arith.constant 0 : i32
      %dma_start3A_392 = arith.constant 0 : i32
      %dma_start3A_393 = tpu.memref_slice %arg2[%dma_start3A_391, %dma_start3A_392] : memref<10000x128xf32, #tpu.memory_space<hbm>> -> memref<10000x128xf32, #tpu.memory_space<hbm>>
      tpu.enqueue_indirect_dma source(%dma_start3A_393 : memref<10000x128xf32, #tpu.memory_space<hbm>>) target(%arg13 : memref<80x128xf32, #tpu.memory_space<vmem>>) offsets(%dma_start3A_390 : memref<80xi32, #tpu.memory_space<vmem>>) semaphore(%arg18 : memref<!tpu.dma_semaphore, #tpu.memory_space<semaphore_mem>>)
      %mul3A_394 = arith.constant 2 : i32
      %mul3A_395 = arith.muli %mul3A_394, %scan3A_108 : i32
      %add3A_396 = arith.constant 1 : i32
      %add3A_397 = arith.addi %mul3A_395, %add3A_396 : i32
      %add3A_398 = arith.constant 1 : i32
      %add3A_399 = arith.addi %add3A_397, %add3A_398 : i32
      %mul3A_400 = arith.constant 8 : i32
      %mul3A_401 = arith.muli %add3A_399, %mul3A_400 : i32
      %dma_start3A_402 = arith.constant 0 : i32
      %dma_start3A_403 = tpu.memref_slice %arg3[%add3A, %mul3A_401, %dma_start3A_402] : memref<32x136x80xi32, #tpu.memory_space<hbm>> -> memref<1x8x80xi32, #tpu.memory_space<hbm>>
      %dma_start3A_404 = tpu.memref_squeeze %dma_start3A_403 : memref<1x8x80xi32, #tpu.memory_space<hbm>> -> memref<8x80xi32, #tpu.memory_space<hbm>>
      %dma_start3A_405 = arith.constant 0 : i32
      %dma_start3A_406 = tpu.memref_slice %arg3[%add3A, %mul3A_401, %dma_start3A_405] : memref<32x136x80xi32, #tpu.memory_space<hbm>> -> memref<1x8x80xi32, #tpu.memory_space<hbm>>
      %dma_start3A_407 = tpu.memref_squeeze %dma_start3A_406 : memref<1x8x80xi32, #tpu.memory_space<hbm>> -> memref<8x80xi32, #tpu.memory_space<hbm>>
      tpu.enqueue_dma source(%dma_start3A_407 : memref<8x80xi32, #tpu.memory_space<hbm>>) target(%arg6 : memref<8x80xi32, #tpu.memory_space<vmem>>) target_semaphore(%arg23 : memref<!tpu.dma_semaphore, #tpu.memory_space<semaphore_mem>>)
      %add3A_408 = arith.constant 1 : i32
      %add3A_409 = arith.addi %add3A_397, %add3A_408 : i32
      %mul3A_410 = arith.constant 8 : i32
      %mul3A_411 = arith.muli %add3A_409, %mul3A_410 : i32
      %dma_start3A_412 = arith.constant 0 : i32
      %dma_start3A_413 = tpu.memref_slice %arg4[%add3A, %mul3A_411, %dma_start3A_412] : memref<32x136x80xi32, #tpu.memory_space<hbm>> -> memref<1x8x80xi32, #tpu.memory_space<hbm>>
      %dma_start3A_414 = tpu.memref_squeeze %dma_start3A_413 : memref<1x8x80xi32, #tpu.memory_space<hbm>> -> memref<8x80xi32, #tpu.memory_space<hbm>>
      %dma_start3A_415 = arith.constant 0 : i32
      %dma_start3A_416 = tpu.memref_slice %arg4[%add3A, %mul3A_411, %dma_start3A_415] : memref<32x136x80xi32, #tpu.memory_space<hbm>> -> memref<1x8x80xi32, #tpu.memory_space<hbm>>
      %dma_start3A_417 = tpu.memref_squeeze %dma_start3A_416 : memref<1x8x80xi32, #tpu.memory_space<hbm>> -> memref<8x80xi32, #tpu.memory_space<hbm>>
      tpu.enqueue_dma source(%dma_start3A_417 : memref<8x80xi32, #tpu.memory_space<hbm>>) target(%arg7 : memref<8x80xi32, #tpu.memory_space<vmem>>) target_semaphore(%arg24 : memref<!tpu.dma_semaphore, #tpu.memory_space<semaphore_mem>>)
      %scan3A_418 = arith.constant 0 : i32
      %scan3A_419 = arith.constant 0 : i32
      %mul3A_420 = arith.constant 4 : i32
      %mul3A_421 = arith.muli %scan3A_419, %mul3A_420 : i32
      %add3A_422 = arith.constant 0 : i32
      %add3A_423 = arith.addi %mul3A_421, %add3A_422 : i32
      %dma_wait3A_424 = arith.constant 0 : i32
      %dma_wait3A_425 = tpu.memref_slice %arg8[%add3A_423, %dma_wait3A_424] : memref<8x80xi32, #tpu.memory_space<vmem>> -> memref<1x80xi32, #tpu.memory_space<vmem>>
      %dma_wait3A_426 = tpu.memref_squeeze %dma_wait3A_425 : memref<1x80xi32, #tpu.memory_space<vmem>> -> memref<80xi32, #tpu.memory_space<vmem>>
      %dma_wait3A_427 = arith.constant 0 : i32
      %dma_wait3A_428 = arith.constant 0 : i32
      %dma_wait3A_429 = tpu.memref_slice %arg2[%dma_wait3A_427, %dma_wait3A_428] : memref<10000x128xf32, #tpu.memory_space<hbm>> -> memref<10000x128xf32, #tpu.memory_space<hbm>>
      tpu.wait_indirect_dma semaphore(%arg15 : memref<!tpu.dma_semaphore, #tpu.memory_space<semaphore_mem>>) src(%dma_wait3A_429 : memref<10000x128xf32, #tpu.memory_space<hbm>>) dst(%arg10 : memref<80x128xf32, #tpu.memory_space<vmem>>)
      %dma_start3A_430 = arith.constant 0 : i32
      %dma_start3A_431 = tpu.memref_slice %arg9[%add3A_423, %dma_start3A_430] : memref<8x80xi32, #tpu.memory_space<vmem>> -> memref<1x80xi32, #tpu.memory_space<vmem>>
      %dma_start3A_432 = tpu.memref_squeeze %dma_start3A_431 : memref<1x80xi32, #tpu.memory_space<vmem>> -> memref<80xi32, #tpu.memory_space<vmem>>
      %dma_start3A_433 = arith.constant 0 : i32
      %dma_start3A_434 = arith.constant 0 : i32
      %dma_start3A_435 = tpu.memref_slice %arg14[%dma_start3A_433, %dma_start3A_434] : memref<10240x128xf32, #tpu.memory_space<vmem_shared>> -> memref<10240x128xf32, #tpu.memory_space<vmem_shared>>
      tpu.enqueue_indirect_dma source(%arg10 : memref<80x128xf32, #tpu.memory_space<vmem>>) target(%dma_start3A_435 : memref<10240x128xf32, #tpu.memory_space<vmem_shared>>) offsets(%dma_start3A_432 : memref<80xi32, #tpu.memory_space<vmem>>) semaphore(%arg19 : memref<!tpu.dma_semaphore, #tpu.memory_space<semaphore_mem>>) {add = true}
      %mul3A_436 = arith.constant 4 : i32
      %mul3A_437 = arith.muli %scan3A_419, %mul3A_436 : i32
      %add3A_438 = arith.constant 1 : i32
      %add3A_439 = arith.addi %mul3A_437, %add3A_438 : i32
      %dma_wait3A_440 = arith.constant 0 : i32
      %dma_wait3A_441 = tpu.memref_slice %arg8[%add3A_439, %dma_wait3A_440] : memref<8x80xi32, #tpu.memory_space<vmem>> -> memref<1x80xi32, #tpu.memory_space<vmem>>
      %dma_wait3A_442 = tpu.memref_squeeze %dma_wait3A_441 : memref<1x80xi32, #tpu.memory_space<vmem>> -> memref<80xi32, #tpu.memory_space<vmem>>
      %dma_wait3A_443 = arith.constant 0 : i32
      %dma_wait3A_444 = arith.constant 0 : i32
      %dma_wait3A_445 = tpu.memref_slice %arg2[%dma_wait3A_443, %dma_wait3A_444] : memref<10000x128xf32, #tpu.memory_space<hbm>> -> memref<10000x128xf32, #tpu.memory_space<hbm>>
      tpu.wait_indirect_dma semaphore(%arg16 : memref<!tpu.dma_semaphore, #tpu.memory_space<semaphore_mem>>) src(%dma_wait3A_445 : memref<10000x128xf32, #tpu.memory_space<hbm>>) dst(%arg11 : memref<80x128xf32, #tpu.memory_space<vmem>>)
      %dma_start3A_446 = arith.constant 0 : i32
      %dma_start3A_447 = tpu.memref_slice %arg9[%add3A_439, %dma_start3A_446] : memref<8x80xi32, #tpu.memory_space<vmem>> -> memref<1x80xi32, #tpu.memory_space<vmem>>
      %dma_start3A_448 = tpu.memref_squeeze %dma_start3A_447 : memref<1x80xi32, #tpu.memory_space<vmem>> -> memref<80xi32, #tpu.memory_space<vmem>>
      %dma_start3A_449 = arith.constant 0 : i32
      %dma_start3A_450 = arith.constant 0 : i32
      %dma_start3A_451 = tpu.memref_slice %arg14[%dma_start3A_449, %dma_start3A_450] : memref<10240x128xf32, #tpu.memory_space<vmem_shared>> -> memref<10240x128xf32, #tpu.memory_space<vmem_shared>>
      tpu.enqueue_indirect_dma source(%arg11 : memref<80x128xf32, #tpu.memory_space<vmem>>) target(%dma_start3A_451 : memref<10240x128xf32, #tpu.memory_space<vmem_shared>>) offsets(%dma_start3A_448 : memref<80xi32, #tpu.memory_space<vmem>>) semaphore(%arg20 : memref<!tpu.dma_semaphore, #tpu.memory_space<semaphore_mem>>) {add = true}
      %mul3A_452 = arith.constant 4 : i32
      %mul3A_453 = arith.muli %scan3A_419, %mul3A_452 : i32
      %add3A_454 = arith.constant 2 : i32
      %add3A_455 = arith.addi %mul3A_453, %add3A_454 : i32
      %dma_wait3A_456 = arith.constant 0 : i32
      %dma_wait3A_457 = tpu.memref_slice %arg8[%add3A_455, %dma_wait3A_456] : memref<8x80xi32, #tpu.memory_space<vmem>> -> memref<1x80xi32, #tpu.memory_space<vmem>>
      %dma_wait3A_458 = tpu.memref_squeeze %dma_wait3A_457 : memref<1x80xi32, #tpu.memory_space<vmem>> -> memref<80xi32, #tpu.memory_space<vmem>>
      %dma_wait3A_459 = arith.constant 0 : i32
      %dma_wait3A_460 = arith.constant 0 : i32
      %dma_wait3A_461 = tpu.memref_slice %arg2[%dma_wait3A_459, %dma_wait3A_460] : memref<10000x128xf32, #tpu.memory_space<hbm>> -> memref<10000x128xf32, #tpu.memory_space<hbm>>
      tpu.wait_indirect_dma semaphore(%arg17 : memref<!tpu.dma_semaphore, #tpu.memory_space<semaphore_mem>>) src(%dma_wait3A_461 : memref<10000x128xf32, #tpu.memory_space<hbm>>) dst(%arg12 : memref<80x128xf32, #tpu.memory_space<vmem>>)
      %dma_start3A_462 = arith.constant 0 : i32
      %dma_start3A_463 = tpu.memref_slice %arg9[%add3A_455, %dma_start3A_462] : memref<8x80xi32, #tpu.memory_space<vmem>> -> memref<1x80xi32, #tpu.memory_space<vmem>>
      %dma_start3A_464 = tpu.memref_squeeze %dma_start3A_463 : memref<1x80xi32, #tpu.memory_space<vmem>> -> memref<80xi32, #tpu.memory_space<vmem>>
      %dma_start3A_465 = arith.constant 0 : i32
      %dma_start3A_466 = arith.constant 0 : i32
      %dma_start3A_467 = tpu.memref_slice %arg14[%dma_start3A_465, %dma_start3A_466] : memref<10240x128xf32, #tpu.memory_space<vmem_shared>> -> memref<10240x128xf32, #tpu.memory_space<vmem_shared>>
      tpu.enqueue_indirect_dma source(%arg12 : memref<80x128xf32, #tpu.memory_space<vmem>>) target(%dma_start3A_467 : memref<10240x128xf32, #tpu.memory_space<vmem_shared>>) offsets(%dma_start3A_464 : memref<80xi32, #tpu.memory_space<vmem>>) semaphore(%arg21 : memref<!tpu.dma_semaphore, #tpu.memory_space<semaphore_mem>>) {add = true}
      %mul3A_468 = arith.constant 4 : i32
      %mul3A_469 = arith.muli %scan3A_419, %mul3A_468 : i32
      %add3A_470 = arith.constant 3 : i32
      %add3A_471 = arith.addi %mul3A_469, %add3A_470 : i32
      %dma_wait3A_472 = arith.constant 0 : i32
      %dma_wait3A_473 = tpu.memref_slice %arg8[%add3A_471, %dma_wait3A_472] : memref<8x80xi32, #tpu.memory_space<vmem>> -> memref<1x80xi32, #tpu.memory_space<vmem>>
      %dma_wait3A_474 = tpu.memref_squeeze %dma_wait3A_473 : memref<1x80xi32, #tpu.memory_space<vmem>> -> memref<80xi32, #tpu.memory_space<vmem>>
      %dma_wait3A_475 = arith.constant 0 : i32
      %dma_wait3A_476 = arith.constant 0 : i32
      %dma_wait3A_477 = tpu.memref_slice %arg2[%dma_wait3A_475, %dma_wait3A_476] : memref<10000x128xf32, #tpu.memory_space<hbm>> -> memref<10000x128xf32, #tpu.memory_space<hbm>>
      tpu.wait_indirect_dma semaphore(%arg18 : memref<!tpu.dma_semaphore, #tpu.memory_space<semaphore_mem>>) src(%dma_wait3A_477 : memref<10000x128xf32, #tpu.memory_space<hbm>>) dst(%arg13 : memref<80x128xf32, #tpu.memory_space<vmem>>)
      %dma_start3A_478 = arith.constant 0 : i32
      %dma_start3A_479 = tpu.memref_slice %arg9[%add3A_471, %dma_start3A_478] : memref<8x80xi32, #tpu.memory_space<vmem>> -> memref<1x80xi32, #tpu.memory_space<vmem>>
      %dma_start3A_480 = tpu.memref_squeeze %dma_start3A_479 : memref<1x80xi32, #tpu.memory_space<vmem>> -> memref<80xi32, #tpu.memory_space<vmem>>
      %dma_start3A_481 = arith.constant 0 : i32
      %dma_start3A_482 = arith.constant 0 : i32
      %dma_start3A_483 = tpu.memref_slice %arg14[%dma_start3A_481, %dma_start3A_482] : memref<10240x128xf32, #tpu.memory_space<vmem_shared>> -> memref<10240x128xf32, #tpu.memory_space<vmem_shared>>
      tpu.enqueue_indirect_dma source(%arg13 : memref<80x128xf32, #tpu.memory_space<vmem>>) target(%dma_start3A_483 : memref<10240x128xf32, #tpu.memory_space<vmem_shared>>) offsets(%dma_start3A_480 : memref<80xi32, #tpu.memory_space<vmem>>) semaphore(%arg22 : memref<!tpu.dma_semaphore, #tpu.memory_space<semaphore_mem>>) {add = true}
      %add3A_484 = arith.constant 1 : i32
      %add3A_485 = arith.addi %scan3A_419, %add3A_484 : i32
      %mul3A_486 = arith.constant 4 : i32
      %mul3A_487 = arith.muli %add3A_485, %mul3A_486 : i32
      %add3A_488 = arith.constant 0 : i32
      %add3A_489 = arith.addi %mul3A_487, %add3A_488 : i32
      %dma_wait3A_490 = arith.constant 0 : i32
      %dma_wait3A_491 = tpu.memref_slice %arg9[%add3A_489, %dma_wait3A_490] : memref<8x80xi32, #tpu.memory_space<vmem>> -> memref<1x80xi32, #tpu.memory_space<vmem>>
      %dma_wait3A_492 = tpu.memref_squeeze %dma_wait3A_491 : memref<1x80xi32, #tpu.memory_space<vmem>> -> memref<80xi32, #tpu.memory_space<vmem>>
      %dma_wait3A_493 = arith.constant 0 : i32
      %dma_wait3A_494 = arith.constant 0 : i32
      %dma_wait3A_495 = tpu.memref_slice %arg14[%dma_wait3A_493, %dma_wait3A_494] : memref<10240x128xf32, #tpu.memory_space<vmem_shared>> -> memref<10240x128xf32, #tpu.memory_space<vmem_shared>>
      tpu.wait_indirect_dma semaphore(%arg19 : memref<!tpu.dma_semaphore, #tpu.memory_space<semaphore_mem>>) src(%arg10 : memref<80x128xf32, #tpu.memory_space<vmem>>) dst(%dma_wait3A_495 : memref<10240x128xf32, #tpu.memory_space<vmem_shared>>)
      %dma_start3A_496 = arith.constant 0 : i32
      %dma_start3A_497 = tpu.memref_slice %arg8[%add3A_489, %dma_start3A_496] : memref<8x80xi32, #tpu.memory_space<vmem>> -> memref<1x80xi32, #tpu.memory_space<vmem>>
      %dma_start3A_498 = tpu.memref_squeeze %dma_start3A_497 : memref<1x80xi32, #tpu.memory_space<vmem>> -> memref<80xi32, #tpu.memory_space<vmem>>
      %dma_start3A_499 = arith.constant 0 : i32
      %dma_start3A_500 = arith.constant 0 : i32
      %dma_start3A_501 = tpu.memref_slice %arg2[%dma_start3A_499, %dma_start3A_500] : memref<10000x128xf32, #tpu.memory_space<hbm>> -> memref<10000x128xf32, #tpu.memory_space<hbm>>
      tpu.enqueue_indirect_dma source(%dma_start3A_501 : memref<10000x128xf32, #tpu.memory_space<hbm>>) target(%arg10 : memref<80x128xf32, #tpu.memory_space<vmem>>) offsets(%dma_start3A_498 : memref<80xi32, #tpu.memory_space<vmem>>) semaphore(%arg15 : memref<!tpu.dma_semaphore, #tpu.memory_space<semaphore_mem>>)
      %add3A_502 = arith.constant 1 : i32
      %add3A_503 = arith.addi %scan3A_419, %add3A_502 : i32
      %mul3A_504 = arith.constant 4 : i32
      %mul3A_505 = arith.muli %add3A_503, %mul3A_504 : i32
      %add3A_506 = arith.constant 1 : i32
      %add3A_507 = arith.addi %mul3A_505, %add3A_506 : i32
      %dma_wait3A_508 = arith.constant 0 : i32
      %dma_wait3A_509 = tpu.memref_slice %arg9[%add3A_507, %dma_wait3A_508] : memref<8x80xi32, #tpu.memory_space<vmem>> -> memref<1x80xi32, #tpu.memory_space<vmem>>
      %dma_wait3A_510 = tpu.memref_squeeze %dma_wait3A_509 : memref<1x80xi32, #tpu.memory_space<vmem>> -> memref<80xi32, #tpu.memory_space<vmem>>
      %dma_wait3A_511 = arith.constant 0 : i32
      %dma_wait3A_512 = arith.constant 0 : i32
      %dma_wait3A_513 = tpu.memref_slice %arg14[%dma_wait3A_511, %dma_wait3A_512] : memref<10240x128xf32, #tpu.memory_space<vmem_shared>> -> memref<10240x128xf32, #tpu.memory_space<vmem_shared>>
      tpu.wait_indirect_dma semaphore(%arg20 : memref<!tpu.dma_semaphore, #tpu.memory_space<semaphore_mem>>) src(%arg11 : memref<80x128xf32, #tpu.memory_space<vmem>>) dst(%dma_wait3A_513 : memref<10240x128xf32, #tpu.memory_space<vmem_shared>>)
      %dma_start3A_514 = arith.constant 0 : i32
      %dma_start3A_515 = tpu.memref_slice %arg8[%add3A_507, %dma_start3A_514] : memref<8x80xi32, #tpu.memory_space<vmem>> -> memref<1x80xi32, #tpu.memory_space<vmem>>
      %dma_start3A_516 = tpu.memref_squeeze %dma_start3A_515 : memref<1x80xi32, #tpu.memory_space<vmem>> -> memref<80xi32, #tpu.memory_space<vmem>>
      %dma_start3A_517 = arith.constant 0 : i32
      %dma_start3A_518 = arith.constant 0 : i32
      %dma_start3A_519 = tpu.memref_slice %arg2[%dma_start3A_517, %dma_start3A_518] : memref<10000x128xf32, #tpu.memory_space<hbm>> -> memref<10000x128xf32, #tpu.memory_space<hbm>>
      tpu.enqueue_indirect_dma source(%dma_start3A_519 : memref<10000x128xf32, #tpu.memory_space<hbm>>) target(%arg11 : memref<80x128xf32, #tpu.memory_space<vmem>>) offsets(%dma_start3A_516 : memref<80xi32, #tpu.memory_space<vmem>>) semaphore(%arg16 : memref<!tpu.dma_semaphore, #tpu.memory_space<semaphore_mem>>)
      %add3A_520 = arith.constant 1 : i32
      %add3A_521 = arith.addi %scan3A_419, %add3A_520 : i32
      %mul3A_522 = arith.constant 4 : i32
      %mul3A_523 = arith.muli %add3A_521, %mul3A_522 : i32
      %add3A_524 = arith.constant 2 : i32
      %add3A_525 = arith.addi %mul3A_523, %add3A_524 : i32
      %dma_wait3A_526 = arith.constant 0 : i32
      %dma_wait3A_527 = tpu.memref_slice %arg9[%add3A_525, %dma_wait3A_526] : memref<8x80xi32, #tpu.memory_space<vmem>> -> memref<1x80xi32, #tpu.memory_space<vmem>>
      %dma_wait3A_528 = tpu.memref_squeeze %dma_wait3A_527 : memref<1x80xi32, #tpu.memory_space<vmem>> -> memref<80xi32, #tpu.memory_space<vmem>>
      %dma_wait3A_529 = arith.constant 0 : i32
      %dma_wait3A_530 = arith.constant 0 : i32
      %dma_wait3A_531 = tpu.memref_slice %arg14[%dma_wait3A_529, %dma_wait3A_530] : memref<10240x128xf32, #tpu.memory_space<vmem_shared>> -> memref<10240x128xf32, #tpu.memory_space<vmem_shared>>
      tpu.wait_indirect_dma semaphore(%arg21 : memref<!tpu.dma_semaphore, #tpu.memory_space<semaphore_mem>>) src(%arg12 : memref<80x128xf32, #tpu.memory_space<vmem>>) dst(%dma_wait3A_531 : memref<10240x128xf32, #tpu.memory_space<vmem_shared>>)
      %dma_start3A_532 = arith.constant 0 : i32
      %dma_start3A_533 = tpu.memref_slice %arg8[%add3A_525, %dma_start3A_532] : memref<8x80xi32, #tpu.memory_space<vmem>> -> memref<1x80xi32, #tpu.memory_space<vmem>>
      %dma_start3A_534 = tpu.memref_squeeze %dma_start3A_533 : memref<1x80xi32, #tpu.memory_space<vmem>> -> memref<80xi32, #tpu.memory_space<vmem>>
      %dma_start3A_535 = arith.constant 0 : i32
      %dma_start3A_536 = arith.constant 0 : i32
      %dma_start3A_537 = tpu.memref_slice %arg2[%dma_start3A_535, %dma_start3A_536] : memref<10000x128xf32, #tpu.memory_space<hbm>> -> memref<10000x128xf32, #tpu.memory_space<hbm>>
      tpu.enqueue_indirect_dma source(%dma_start3A_537 : memref<10000x128xf32, #tpu.memory_space<hbm>>) target(%arg12 : memref<80x128xf32, #tpu.memory_space<vmem>>) offsets(%dma_start3A_534 : memref<80xi32, #tpu.memory_space<vmem>>) semaphore(%arg17 : memref<!tpu.dma_semaphore, #tpu.memory_space<semaphore_mem>>)
      %add3A_538 = arith.constant 1 : i32
      %add3A_539 = arith.addi %scan3A_419, %add3A_538 : i32
      %mul3A_540 = arith.constant 4 : i32
      %mul3A_541 = arith.muli %add3A_539, %mul3A_540 : i32
      %add3A_542 = arith.constant 3 : i32
      %add3A_543 = arith.addi %mul3A_541, %add3A_542 : i32
      %dma_wait3A_544 = arith.constant 0 : i32
      %dma_wait3A_545 = tpu.memref_slice %arg9[%add3A_543, %dma_wait3A_544] : memref<8x80xi32, #tpu.memory_space<vmem>> -> memref<1x80xi32, #tpu.memory_space<vmem>>
      %dma_wait3A_546 = tpu.memref_squeeze %dma_wait3A_545 : memref<1x80xi32, #tpu.memory_space<vmem>> -> memref<80xi32, #tpu.memory_space<vmem>>
      %dma_wait3A_547 = arith.constant 0 : i32
      %dma_wait3A_548 = arith.constant 0 : i32
      %dma_wait3A_549 = tpu.memref_slice %arg14[%dma_wait3A_547, %dma_wait3A_548] : memref<10240x128xf32, #tpu.memory_space<vmem_shared>> -> memref<10240x128xf32, #tpu.memory_space<vmem_shared>>
      tpu.wait_indirect_dma semaphore(%arg22 : memref<!tpu.dma_semaphore, #tpu.memory_space<semaphore_mem>>) src(%arg13 : memref<80x128xf32, #tpu.memory_space<vmem>>) dst(%dma_wait3A_549 : memref<10240x128xf32, #tpu.memory_space<vmem_shared>>)
      %dma_start3A_550 = arith.constant 0 : i32
      %dma_start3A_551 = tpu.memref_slice %arg8[%add3A_543, %dma_start3A_550] : memref<8x80xi32, #tpu.memory_space<vmem>> -> memref<1x80xi32, #tpu.memory_space<vmem>>
      %dma_start3A_552 = tpu.memref_squeeze %dma_start3A_551 : memref<1x80xi32, #tpu.memory_space<vmem>> -> memref<80xi32, #tpu.memory_space<vmem>>
      %dma_start3A_553 = arith.constant 0 : i32
      %dma_start3A_554 = arith.constant 0 : i32
      %dma_start3A_555 = tpu.memref_slice %arg2[%dma_start3A_553, %dma_start3A_554] : memref<10000x128xf32, #tpu.memory_space<hbm>> -> memref<10000x128xf32, #tpu.memory_space<hbm>>
      tpu.enqueue_indirect_dma source(%dma_start3A_555 : memref<10000x128xf32, #tpu.memory_space<hbm>>) target(%arg13 : memref<80x128xf32, #tpu.memory_space<vmem>>) offsets(%dma_start3A_552 : memref<80xi32, #tpu.memory_space<vmem>>) semaphore(%arg18 : memref<!tpu.dma_semaphore, #tpu.memory_space<semaphore_mem>>)
      %scan3A_556 = arith.constant 1 : i32
      %dma_wait3A_557 = arith.constant 4 : i32
      %dma_wait3A_558 = arith.constant 0 : i32
      %dma_wait3A_559 = tpu.memref_slice %arg8[%dma_wait3A_557, %dma_wait3A_558] : memref<8x80xi32, #tpu.memory_space<vmem>> -> memref<1x80xi32, #tpu.memory_space<vmem>>
      %dma_wait3A_560 = tpu.memref_squeeze %dma_wait3A_559 : memref<1x80xi32, #tpu.memory_space<vmem>> -> memref<80xi32, #tpu.memory_space<vmem>>
      %dma_wait3A_561 = arith.constant 0 : i32
      %dma_wait3A_562 = arith.constant 0 : i32
      %dma_wait3A_563 = tpu.memref_slice %arg2[%dma_wait3A_561, %dma_wait3A_562] : memref<10000x128xf32, #tpu.memory_space<hbm>> -> memref<10000x128xf32, #tpu.memory_space<hbm>>
      tpu.wait_indirect_dma semaphore(%arg15 : memref<!tpu.dma_semaphore, #tpu.memory_space<semaphore_mem>>) src(%dma_wait3A_563 : memref<10000x128xf32, #tpu.memory_space<hbm>>) dst(%arg10 : memref<80x128xf32, #tpu.memory_space<vmem>>)
      %dma_start3A_564 = arith.constant 4 : i32
      %dma_start3A_565 = arith.constant 0 : i32
      %dma_start3A_566 = tpu.memref_slice %arg9[%dma_start3A_564, %dma_start3A_565] : memref<8x80xi32, #tpu.memory_space<vmem>> -> memref<1x80xi32, #tpu.memory_space<vmem>>
      %dma_start3A_567 = tpu.memref_squeeze %dma_start3A_566 : memref<1x80xi32, #tpu.memory_space<vmem>> -> memref<80xi32, #tpu.memory_space<vmem>>
      %dma_start3A_568 = arith.constant 0 : i32
      %dma_start3A_569 = arith.constant 0 : i32
      %dma_start3A_570 = tpu.memref_slice %arg14[%dma_start3A_568, %dma_start3A_569] : memref<10240x128xf32, #tpu.memory_space<vmem_shared>> -> memref<10240x128xf32, #tpu.memory_space<vmem_shared>>
      tpu.enqueue_indirect_dma source(%arg10 : memref<80x128xf32, #tpu.memory_space<vmem>>) target(%dma_start3A_570 : memref<10240x128xf32, #tpu.memory_space<vmem_shared>>) offsets(%dma_start3A_567 : memref<80xi32, #tpu.memory_space<vmem>>) semaphore(%arg19 : memref<!tpu.dma_semaphore, #tpu.memory_space<semaphore_mem>>) {add = true}
      %dma_wait3A_571 = arith.constant 5 : i32
      %dma_wait3A_572 = arith.constant 0 : i32
      %dma_wait3A_573 = tpu.memref_slice %arg8[%dma_wait3A_571, %dma_wait3A_572] : memref<8x80xi32, #tpu.memory_space<vmem>> -> memref<1x80xi32, #tpu.memory_space<vmem>>
      %dma_wait3A_574 = tpu.memref_squeeze %dma_wait3A_573 : memref<1x80xi32, #tpu.memory_space<vmem>> -> memref<80xi32, #tpu.memory_space<vmem>>
      %dma_wait3A_575 = arith.constant 0 : i32
      %dma_wait3A_576 = arith.constant 0 : i32
      %dma_wait3A_577 = tpu.memref_slice %arg2[%dma_wait3A_575, %dma_wait3A_576] : memref<10000x128xf32, #tpu.memory_space<hbm>> -> memref<10000x128xf32, #tpu.memory_space<hbm>>
      tpu.wait_indirect_dma semaphore(%arg16 : memref<!tpu.dma_semaphore, #tpu.memory_space<semaphore_mem>>) src(%dma_wait3A_577 : memref<10000x128xf32, #tpu.memory_space<hbm>>) dst(%arg11 : memref<80x128xf32, #tpu.memory_space<vmem>>)
      %dma_start3A_578 = arith.constant 5 : i32
      %dma_start3A_579 = arith.constant 0 : i32
      %dma_start3A_580 = tpu.memref_slice %arg9[%dma_start3A_578, %dma_start3A_579] : memref<8x80xi32, #tpu.memory_space<vmem>> -> memref<1x80xi32, #tpu.memory_space<vmem>>
      %dma_start3A_581 = tpu.memref_squeeze %dma_start3A_580 : memref<1x80xi32, #tpu.memory_space<vmem>> -> memref<80xi32, #tpu.memory_space<vmem>>
      %dma_start3A_582 = arith.constant 0 : i32
      %dma_start3A_583 = arith.constant 0 : i32
      %dma_start3A_584 = tpu.memref_slice %arg14[%dma_start3A_582, %dma_start3A_583] : memref<10240x128xf32, #tpu.memory_space<vmem_shared>> -> memref<10240x128xf32, #tpu.memory_space<vmem_shared>>
      tpu.enqueue_indirect_dma source(%arg11 : memref<80x128xf32, #tpu.memory_space<vmem>>) target(%dma_start3A_584 : memref<10240x128xf32, #tpu.memory_space<vmem_shared>>) offsets(%dma_start3A_581 : memref<80xi32, #tpu.memory_space<vmem>>) semaphore(%arg20 : memref<!tpu.dma_semaphore, #tpu.memory_space<semaphore_mem>>) {add = true}
      %dma_wait3A_585 = arith.constant 6 : i32
      %dma_wait3A_586 = arith.constant 0 : i32
      %dma_wait3A_587 = tpu.memref_slice %arg8[%dma_wait3A_585, %dma_wait3A_586] : memref<8x80xi32, #tpu.memory_space<vmem>> -> memref<1x80xi32, #tpu.memory_space<vmem>>
      %dma_wait3A_588 = tpu.memref_squeeze %dma_wait3A_587 : memref<1x80xi32, #tpu.memory_space<vmem>> -> memref<80xi32, #tpu.memory_space<vmem>>
      %dma_wait3A_589 = arith.constant 0 : i32
      %dma_wait3A_590 = arith.constant 0 : i32
      %dma_wait3A_591 = tpu.memref_slice %arg2[%dma_wait3A_589, %dma_wait3A_590] : memref<10000x128xf32, #tpu.memory_space<hbm>> -> memref<10000x128xf32, #tpu.memory_space<hbm>>
      tpu.wait_indirect_dma semaphore(%arg17 : memref<!tpu.dma_semaphore, #tpu.memory_space<semaphore_mem>>) src(%dma_wait3A_591 : memref<10000x128xf32, #tpu.memory_space<hbm>>) dst(%arg12 : memref<80x128xf32, #tpu.memory_space<vmem>>)
      %dma_start3A_592 = arith.constant 6 : i32
      %dma_start3A_593 = arith.constant 0 : i32
      %dma_start3A_594 = tpu.memref_slice %arg9[%dma_start3A_592, %dma_start3A_593] : memref<8x80xi32, #tpu.memory_space<vmem>> -> memref<1x80xi32, #tpu.memory_space<vmem>>
      %dma_start3A_595 = tpu.memref_squeeze %dma_start3A_594 : memref<1x80xi32, #tpu.memory_space<vmem>> -> memref<80xi32, #tpu.memory_space<vmem>>
      %dma_start3A_596 = arith.constant 0 : i32
      %dma_start3A_597 = arith.constant 0 : i32
      %dma_start3A_598 = tpu.memref_slice %arg14[%dma_start3A_596, %dma_start3A_597] : memref<10240x128xf32, #tpu.memory_space<vmem_shared>> -> memref<10240x128xf32, #tpu.memory_space<vmem_shared>>
      tpu.enqueue_indirect_dma source(%arg12 : memref<80x128xf32, #tpu.memory_space<vmem>>) target(%dma_start3A_598 : memref<10240x128xf32, #tpu.memory_space<vmem_shared>>) offsets(%dma_start3A_595 : memref<80xi32, #tpu.memory_space<vmem>>) semaphore(%arg21 : memref<!tpu.dma_semaphore, #tpu.memory_space<semaphore_mem>>) {add = true}
      %dma_wait3A_599 = arith.constant 7 : i32
      %dma_wait3A_600 = arith.constant 0 : i32
      %dma_wait3A_601 = tpu.memref_slice %arg8[%dma_wait3A_599, %dma_wait3A_600] : memref<8x80xi32, #tpu.memory_space<vmem>> -> memref<1x80xi32, #tpu.memory_space<vmem>>
      %dma_wait3A_602 = tpu.memref_squeeze %dma_wait3A_601 : memref<1x80xi32, #tpu.memory_space<vmem>> -> memref<80xi32, #tpu.memory_space<vmem>>
      %dma_wait3A_603 = arith.constant 0 : i32
      %dma_wait3A_604 = arith.constant 0 : i32
      %dma_wait3A_605 = tpu.memref_slice %arg2[%dma_wait3A_603, %dma_wait3A_604] : memref<10000x128xf32, #tpu.memory_space<hbm>> -> memref<10000x128xf32, #tpu.memory_space<hbm>>
      tpu.wait_indirect_dma semaphore(%arg18 : memref<!tpu.dma_semaphore, #tpu.memory_space<semaphore_mem>>) src(%dma_wait3A_605 : memref<10000x128xf32, #tpu.memory_space<hbm>>) dst(%arg13 : memref<80x128xf32, #tpu.memory_space<vmem>>)
      %dma_start3A_606 = arith.constant 7 : i32
      %dma_start3A_607 = arith.constant 0 : i32
      %dma_start3A_608 = tpu.memref_slice %arg9[%dma_start3A_606, %dma_start3A_607] : memref<8x80xi32, #tpu.memory_space<vmem>> -> memref<1x80xi32, #tpu.memory_space<vmem>>
      %dma_start3A_609 = tpu.memref_squeeze %dma_start3A_608 : memref<1x80xi32, #tpu.memory_space<vmem>> -> memref<80xi32, #tpu.memory_space<vmem>>
      %dma_start3A_610 = arith.constant 0 : i32
      %dma_start3A_611 = arith.constant 0 : i32
      %dma_start3A_612 = tpu.memref_slice %arg14[%dma_start3A_610, %dma_start3A_611] : memref<10240x128xf32, #tpu.memory_space<vmem_shared>> -> memref<10240x128xf32, #tpu.memory_space<vmem_shared>>
      tpu.enqueue_indirect_dma source(%arg13 : memref<80x128xf32, #tpu.memory_space<vmem>>) target(%dma_start3A_612 : memref<10240x128xf32, #tpu.memory_space<vmem_shared>>) offsets(%dma_start3A_609 : memref<80xi32, #tpu.memory_space<vmem>>) semaphore(%arg22 : memref<!tpu.dma_semaphore, #tpu.memory_space<semaphore_mem>>) {add = true}
      %dma_wait3A_613 = arith.constant 0 : i32
      %dma_wait3A_614 = tpu.memref_slice %arg3[%add3A, %mul3A_401, %dma_wait3A_613] : memref<32x136x80xi32, #tpu.memory_space<hbm>> -> memref<1x8x80xi32, #tpu.memory_space<hbm>>
      %dma_wait3A_615 = tpu.memref_squeeze %dma_wait3A_614 : memref<1x8x80xi32, #tpu.memory_space<hbm>> -> memref<8x80xi32, #tpu.memory_space<hbm>>
      %dma_wait3A_616 = arith.constant 0 : i32
      %dma_wait3A_617 = tpu.memref_slice %arg3[%add3A, %mul3A_401, %dma_wait3A_616] : memref<32x136x80xi32, #tpu.memory_space<hbm>> -> memref<1x8x80xi32, #tpu.memory_space<hbm>>
      %dma_wait3A_618 = tpu.memref_squeeze %dma_wait3A_617 : memref<1x8x80xi32, #tpu.memory_space<hbm>> -> memref<8x80xi32, #tpu.memory_space<hbm>>
      tpu.wait_dma2 semaphore(%arg23 : memref<!tpu.dma_semaphore, #tpu.memory_space<semaphore_mem>>) src(%dma_wait3A_618 : memref<8x80xi32, #tpu.memory_space<hbm>>) dst(%arg6 : memref<8x80xi32, #tpu.memory_space<vmem>>)
      %dma_wait3A_619 = arith.constant 0 : i32
      %dma_wait3A_620 = tpu.memref_slice %arg4[%add3A, %mul3A_411, %dma_wait3A_619] : memref<32x136x80xi32, #tpu.memory_space<hbm>> -> memref<1x8x80xi32, #tpu.memory_space<hbm>>
      %dma_wait3A_621 = tpu.memref_squeeze %dma_wait3A_620 : memref<1x8x80xi32, #tpu.memory_space<hbm>> -> memref<8x80xi32, #tpu.memory_space<hbm>>
      %dma_wait3A_622 = arith.constant 0 : i32
      %dma_wait3A_623 = tpu.memref_slice %arg4[%add3A, %mul3A_411, %dma_wait3A_622] : memref<32x136x80xi32, #tpu.memory_space<hbm>> -> memref<1x8x80xi32, #tpu.memory_space<hbm>>
      %dma_wait3A_624 = tpu.memref_squeeze %dma_wait3A_623 : memref<1x8x80xi32, #tpu.memory_space<hbm>> -> memref<8x80xi32, #tpu.memory_space<hbm>>
      tpu.wait_dma2 semaphore(%arg24 : memref<!tpu.dma_semaphore, #tpu.memory_space<semaphore_mem>>) src(%dma_wait3A_624 : memref<8x80xi32, #tpu.memory_space<hbm>>) dst(%arg7 : memref<8x80xi32, #tpu.memory_space<vmem>>)
      %dma_wait3A_625 = arith.constant 0 : i32
      %dma_wait3A_626 = arith.constant 0 : i32
      %dma_wait3A_627 = tpu.memref_slice %arg9[%dma_wait3A_625, %dma_wait3A_626] : memref<8x80xi32, #tpu.memory_space<vmem>> -> memref<1x80xi32, #tpu.memory_space<vmem>>
      %dma_wait3A_628 = tpu.memref_squeeze %dma_wait3A_627 : memref<1x80xi32, #tpu.memory_space<vmem>> -> memref<80xi32, #tpu.memory_space<vmem>>
      %dma_wait3A_629 = arith.constant 0 : i32
      %dma_wait3A_630 = arith.constant 0 : i32
      %dma_wait3A_631 = tpu.memref_slice %arg14[%dma_wait3A_629, %dma_wait3A_630] : memref<10240x128xf32, #tpu.memory_space<vmem_shared>> -> memref<10240x128xf32, #tpu.memory_space<vmem_shared>>
      tpu.wait_indirect_dma semaphore(%arg19 : memref<!tpu.dma_semaphore, #tpu.memory_space<semaphore_mem>>) src(%arg10 : memref<80x128xf32, #tpu.memory_space<vmem>>) dst(%dma_wait3A_631 : memref<10240x128xf32, #tpu.memory_space<vmem_shared>>)
      %dma_start3A_632 = arith.constant 0 : i32
      %dma_start3A_633 = arith.constant 0 : i32
      %dma_start3A_634 = tpu.memref_slice %arg6[%dma_start3A_632, %dma_start3A_633] : memref<8x80xi32, #tpu.memory_space<vmem>> -> memref<1x80xi32, #tpu.memory_space<vmem>>
      %dma_start3A_635 = tpu.memref_squeeze %dma_start3A_634 : memref<1x80xi32, #tpu.memory_space<vmem>> -> memref<80xi32, #tpu.memory_space<vmem>>
      %dma_start3A_636 = arith.constant 0 : i32
      %dma_start3A_637 = arith.constant 0 : i32
      %dma_start3A_638 = tpu.memref_slice %arg2[%dma_start3A_636, %dma_start3A_637] : memref<10000x128xf32, #tpu.memory_space<hbm>> -> memref<10000x128xf32, #tpu.memory_space<hbm>>
      tpu.enqueue_indirect_dma source(%dma_start3A_638 : memref<10000x128xf32, #tpu.memory_space<hbm>>) target(%arg10 : memref<80x128xf32, #tpu.memory_space<vmem>>) offsets(%dma_start3A_635 : memref<80xi32, #tpu.memory_space<vmem>>) semaphore(%arg15 : memref<!tpu.dma_semaphore, #tpu.memory_space<semaphore_mem>>)
      %dma_wait3A_639 = arith.constant 1 : i32
      %dma_wait3A_640 = arith.constant 0 : i32
      %dma_wait3A_641 = tpu.memref_slice %arg9[%dma_wait3A_639, %dma_wait3A_640] : memref<8x80xi32, #tpu.memory_space<vmem>> -> memref<1x80xi32, #tpu.memory_space<vmem>>
      %dma_wait3A_642 = tpu.memref_squeeze %dma_wait3A_641 : memref<1x80xi32, #tpu.memory_space<vmem>> -> memref<80xi32, #tpu.memory_space<vmem>>
      %dma_wait3A_643 = arith.constant 0 : i32
      %dma_wait3A_644 = arith.constant 0 : i32
      %dma_wait3A_645 = tpu.memref_slice %arg14[%dma_wait3A_643, %dma_wait3A_644] : memref<10240x128xf32, #tpu.memory_space<vmem_shared>> -> memref<10240x128xf32, #tpu.memory_space<vmem_shared>>
      tpu.wait_indirect_dma semaphore(%arg20 : memref<!tpu.dma_semaphore, #tpu.memory_space<semaphore_mem>>) src(%arg11 : memref<80x128xf32, #tpu.memory_space<vmem>>) dst(%dma_wait3A_645 : memref<10240x128xf32, #tpu.memory_space<vmem_shared>>)
      %dma_start3A_646 = arith.constant 1 : i32
      %dma_start3A_647 = arith.constant 0 : i32
      %dma_start3A_648 = tpu.memref_slice %arg6[%dma_start3A_646, %dma_start3A_647] : memref<8x80xi32, #tpu.memory_space<vmem>> -> memref<1x80xi32, #tpu.memory_space<vmem>>
      %dma_start3A_649 = tpu.memref_squeeze %dma_start3A_648 : memref<1x80xi32, #tpu.memory_space<vmem>> -> memref<80xi32, #tpu.memory_space<vmem>>
      %dma_start3A_650 = arith.constant 0 : i32
      %dma_start3A_651 = arith.constant 0 : i32
      %dma_start3A_652 = tpu.memref_slice %arg2[%dma_start3A_650, %dma_start3A_651] : memref<10000x128xf32, #tpu.memory_space<hbm>> -> memref<10000x128xf32, #tpu.memory_space<hbm>>
      tpu.enqueue_indirect_dma source(%dma_start3A_652 : memref<10000x128xf32, #tpu.memory_space<hbm>>) target(%arg11 : memref<80x128xf32, #tpu.memory_space<vmem>>) offsets(%dma_start3A_649 : memref<80xi32, #tpu.memory_space<vmem>>) semaphore(%arg16 : memref<!tpu.dma_semaphore, #tpu.memory_space<semaphore_mem>>)
      %dma_wait3A_653 = arith.constant 2 : i32
      %dma_wait3A_654 = arith.constant 0 : i32
      %dma_wait3A_655 = tpu.memref_slice %arg9[%dma_wait3A_653, %dma_wait3A_654] : memref<8x80xi32, #tpu.memory_space<vmem>> -> memref<1x80xi32, #tpu.memory_space<vmem>>
      %dma_wait3A_656 = tpu.memref_squeeze %dma_wait3A_655 : memref<1x80xi32, #tpu.memory_space<vmem>> -> memref<80xi32, #tpu.memory_space<vmem>>
      %dma_wait3A_657 = arith.constant 0 : i32
      %dma_wait3A_658 = arith.constant 0 : i32
      %dma_wait3A_659 = tpu.memref_slice %arg14[%dma_wait3A_657, %dma_wait3A_658] : memref<10240x128xf32, #tpu.memory_space<vmem_shared>> -> memref<10240x128xf32, #tpu.memory_space<vmem_shared>>
      tpu.wait_indirect_dma semaphore(%arg21 : memref<!tpu.dma_semaphore, #tpu.memory_space<semaphore_mem>>) src(%arg12 : memref<80x128xf32, #tpu.memory_space<vmem>>) dst(%dma_wait3A_659 : memref<10240x128xf32, #tpu.memory_space<vmem_shared>>)
      %dma_start3A_660 = arith.constant 2 : i32
      %dma_start3A_661 = arith.constant 0 : i32
      %dma_start3A_662 = tpu.memref_slice %arg6[%dma_start3A_660, %dma_start3A_661] : memref<8x80xi32, #tpu.memory_space<vmem>> -> memref<1x80xi32, #tpu.memory_space<vmem>>
      %dma_start3A_663 = tpu.memref_squeeze %dma_start3A_662 : memref<1x80xi32, #tpu.memory_space<vmem>> -> memref<80xi32, #tpu.memory_space<vmem>>
      %dma_start3A_664 = arith.constant 0 : i32
      %dma_start3A_665 = arith.constant 0 : i32
      %dma_start3A_666 = tpu.memref_slice %arg2[%dma_start3A_664, %dma_start3A_665] : memref<10000x128xf32, #tpu.memory_space<hbm>> -> memref<10000x128xf32, #tpu.memory_space<hbm>>
      tpu.enqueue_indirect_dma source(%dma_start3A_666 : memref<10000x128xf32, #tpu.memory_space<hbm>>) target(%arg12 : memref<80x128xf32, #tpu.memory_space<vmem>>) offsets(%dma_start3A_663 : memref<80xi32, #tpu.memory_space<vmem>>) semaphore(%arg17 : memref<!tpu.dma_semaphore, #tpu.memory_space<semaphore_mem>>)
      %dma_wait3A_667 = arith.constant 3 : i32
      %dma_wait3A_668 = arith.constant 0 : i32
      %dma_wait3A_669 = tpu.memref_slice %arg9[%dma_wait3A_667, %dma_wait3A_668] : memref<8x80xi32, #tpu.memory_space<vmem>> -> memref<1x80xi32, #tpu.memory_space<vmem>>
      %dma_wait3A_670 = tpu.memref_squeeze %dma_wait3A_669 : memref<1x80xi32, #tpu.memory_space<vmem>> -> memref<80xi32, #tpu.memory_space<vmem>>
      %dma_wait3A_671 = arith.constant 0 : i32
      %dma_wait3A_672 = arith.constant 0 : i32
      %dma_wait3A_673 = tpu.memref_slice %arg14[%dma_wait3A_671, %dma_wait3A_672] : memref<10240x128xf32, #tpu.memory_space<vmem_shared>> -> memref<10240x128xf32, #tpu.memory_space<vmem_shared>>
      tpu.wait_indirect_dma semaphore(%arg22 : memref<!tpu.dma_semaphore, #tpu.memory_space<semaphore_mem>>) src(%arg13 : memref<80x128xf32, #tpu.memory_space<vmem>>) dst(%dma_wait3A_673 : memref<10240x128xf32, #tpu.memory_space<vmem_shared>>)
      %dma_start3A_674 = arith.constant 3 : i32
      %dma_start3A_675 = arith.constant 0 : i32
      %dma_start3A_676 = tpu.memref_slice %arg6[%dma_start3A_674, %dma_start3A_675] : memref<8x80xi32, #tpu.memory_space<vmem>> -> memref<1x80xi32, #tpu.memory_space<vmem>>
      %dma_start3A_677 = tpu.memref_squeeze %dma_start3A_676 : memref<1x80xi32, #tpu.memory_space<vmem>> -> memref<80xi32, #tpu.memory_space<vmem>>
      %dma_start3A_678 = arith.constant 0 : i32
      %dma_start3A_679 = arith.constant 0 : i32
      %dma_start3A_680 = tpu.memref_slice %arg2[%dma_start3A_678, %dma_start3A_679] : memref<10000x128xf32, #tpu.memory_space<hbm>> -> memref<10000x128xf32, #tpu.memory_space<hbm>>
      tpu.enqueue_indirect_dma source(%dma_start3A_680 : memref<10000x128xf32, #tpu.memory_space<hbm>>) target(%arg13 : memref<80x128xf32, #tpu.memory_space<vmem>>) offsets(%dma_start3A_677 : memref<80xi32, #tpu.memory_space<vmem>>) semaphore(%arg18 : memref<!tpu.dma_semaphore, #tpu.memory_space<semaphore_mem>>)
    }
    %scan3A_78 = arith.constant 8 : i32
    %dma_wait3A_79 = arith.constant 0 : i32
    %dma_wait3A_80 = arith.constant 0 : i32
    %dma_wait3A_81 = tpu.memref_slice %arg6[%dma_wait3A_79, %dma_wait3A_80] : memref<8x80xi32, #tpu.memory_space<vmem>> -> memref<1x80xi32, #tpu.memory_space<vmem>>
    %dma_wait3A_82 = tpu.memref_squeeze %dma_wait3A_81 : memref<1x80xi32, #tpu.memory_space<vmem>> -> memref<80xi32, #tpu.memory_space<vmem>>
    %dma_wait3A_83 = arith.constant 0 : i32
    %dma_wait3A_84 = arith.constant 0 : i32
    %dma_wait3A_85 = tpu.memref_slice %arg2[%dma_wait3A_83, %dma_wait3A_84] : memref<10000x128xf32, #tpu.memory_space<hbm>> -> memref<10000x128xf32, #tpu.memory_space<hbm>>
    tpu.wait_indirect_dma semaphore(%arg15 : memref<!tpu.dma_semaphore, #tpu.memory_space<semaphore_mem>>) src(%dma_wait3A_85 : memref<10000x128xf32, #tpu.memory_space<hbm>>) dst(%arg10 : memref<80x128xf32, #tpu.memory_space<vmem>>)
    %dma_wait3A_86 = arith.constant 1 : i32
    %dma_wait3A_87 = arith.constant 0 : i32
    %dma_wait3A_88 = tpu.memref_slice %arg6[%dma_wait3A_86, %dma_wait3A_87] : memref<8x80xi32, #tpu.memory_space<vmem>> -> memref<1x80xi32, #tpu.memory_space<vmem>>
    %dma_wait3A_89 = tpu.memref_squeeze %dma_wait3A_88 : memref<1x80xi32, #tpu.memory_space<vmem>> -> memref<80xi32, #tpu.memory_space<vmem>>
    %dma_wait3A_90 = arith.constant 0 : i32
    %dma_wait3A_91 = arith.constant 0 : i32
    %dma_wait3A_92 = tpu.memref_slice %arg2[%dma_wait3A_90, %dma_wait3A_91] : memref<10000x128xf32, #tpu.memory_space<hbm>> -> memref<10000x128xf32, #tpu.memory_space<hbm>>
    tpu.wait_indirect_dma semaphore(%arg16 : memref<!tpu.dma_semaphore, #tpu.memory_space<semaphore_mem>>) src(%dma_wait3A_92 : memref<10000x128xf32, #tpu.memory_space<hbm>>) dst(%arg11 : memref<80x128xf32, #tpu.memory_space<vmem>>)
    %dma_wait3A_93 = arith.constant 2 : i32
    %dma_wait3A_94 = arith.constant 0 : i32
    %dma_wait3A_95 = tpu.memref_slice %arg6[%dma_wait3A_93, %dma_wait3A_94] : memref<8x80xi32, #tpu.memory_space<vmem>> -> memref<1x80xi32, #tpu.memory_space<vmem>>
    %dma_wait3A_96 = tpu.memref_squeeze %dma_wait3A_95 : memref<1x80xi32, #tpu.memory_space<vmem>> -> memref<80xi32, #tpu.memory_space<vmem>>
    %dma_wait3A_97 = arith.constant 0 : i32
    %dma_wait3A_98 = arith.constant 0 : i32
    %dma_wait3A_99 = tpu.memref_slice %arg2[%dma_wait3A_97, %dma_wait3A_98] : memref<10000x128xf32, #tpu.memory_space<hbm>> -> memref<10000x128xf32, #tpu.memory_space<hbm>>
    tpu.wait_indirect_dma semaphore(%arg17 : memref<!tpu.dma_semaphore, #tpu.memory_space<semaphore_mem>>) src(%dma_wait3A_99 : memref<10000x128xf32, #tpu.memory_space<hbm>>) dst(%arg12 : memref<80x128xf32, #tpu.memory_space<vmem>>)
    %dma_wait3A_100 = arith.constant 3 : i32
    %dma_wait3A_101 = arith.constant 0 : i32
    %dma_wait3A_102 = tpu.memref_slice %arg6[%dma_wait3A_100, %dma_wait3A_101] : memref<8x80xi32, #tpu.memory_space<vmem>> -> memref<1x80xi32, #tpu.memory_space<vmem>>
    %dma_wait3A_103 = tpu.memref_squeeze %dma_wait3A_102 : memref<1x80xi32, #tpu.memory_space<vmem>> -> memref<80xi32, #tpu.memory_space<vmem>>
    %dma_wait3A_104 = arith.constant 0 : i32
    %dma_wait3A_105 = arith.constant 0 : i32
    %dma_wait3A_106 = tpu.memref_slice %arg2[%dma_wait3A_104, %dma_wait3A_105] : memref<10000x128xf32, #tpu.memory_space<hbm>> -> memref<10000x128xf32, #tpu.memory_space<hbm>>
    tpu.wait_indirect_dma semaphore(%arg18 : memref<!tpu.dma_semaphore, #tpu.memory_space<semaphore_mem>>) src(%dma_wait3A_106 : memref<10000x128xf32, #tpu.memory_space<hbm>>) dst(%arg13 : memref<80x128xf32, #tpu.memory_space<vmem>>)
    %barrier3A_107 = arith.constant 0 : index
    tpu.barrier barrier_id(%barrier3A_107)
    "tpu.region"() ({
      %run_scoped3A = tpu.sem_alloc : memref<!tpu.dma_semaphore, #tpu.memory_space<semaphore_mem>>
      %dma_start3A_108 = arith.constant 0 : i32
      %dma_start3A_109 = tpu.memref_slice %arg5[%arg0, %mul3A_23, %dma_start3A_108] : memref<2x10240x128xf32, #tpu.memory_space<hbm>> -> memref<1x640x128xf32, #tpu.memory_space<hbm>>
      %dma_start3A_110 = tpu.memref_squeeze %dma_start3A_109 : memref<1x640x128xf32, #tpu.memory_space<hbm>> -> memref<640x128xf32, #tpu.memory_space<hbm>>
      %dma_start3A_111 = arith.constant 0 : i32
      %dma_start3A_112 = tpu.memref_slice %arg14[%mul3A_23, %dma_start3A_111] : memref<10240x128xf32, #tpu.memory_space<vmem_shared>> -> memref<640x128xf32, #tpu.memory_space<vmem_shared>>
      tpu.enqueue_dma source(%dma_start3A_112 : memref<640x128xf32, #tpu.memory_space<vmem_shared>>) target(%dma_start3A_110 : memref<640x128xf32, #tpu.memory_space<hbm>>) target_semaphore(%run_scoped3A : memref<!tpu.dma_semaphore, #tpu.memory_space<semaphore_mem>>)
      %dma_wait3A_113 = arith.constant 0 : i32
      %dma_wait3A_114 = tpu.memref_slice %arg5[%arg0, %mul3A_23, %dma_wait3A_113] : memref<2x10240x128xf32, #tpu.memory_space<hbm>> -> memref<1x640x128xf32, #tpu.memory_space<hbm>>
      %dma_wait3A_115 = tpu.memref_squeeze %dma_wait3A_114 : memref<1x640x128xf32, #tpu.memory_space<hbm>> -> memref<640x128xf32, #tpu.memory_space<hbm>>
      %dma_wait3A_116 = arith.constant 0 : i32
      %dma_wait3A_117 = tpu.memref_slice %arg14[%mul3A_23, %dma_wait3A_116] : memref<10240x128xf32, #tpu.memory_space<vmem_shared>> -> memref<640x128xf32, #tpu.memory_space<vmem_shared>>
      tpu.wait_dma2 semaphore(%run_scoped3A : memref<!tpu.dma_semaphore, #tpu.memory_space<semaphore_mem>>) src(%dma_wait3A_117 : memref<640x128xf32, #tpu.memory_space<vmem_shared>>) dst(%dma_wait3A_115 : memref<640x128xf32, #tpu.memory_space<hbm>>)
      tpu.yield
    }) : () -> ()
    return
  }
}

#map = affine_map<(d0, d1) -> (0, 0)>
#map1 = affine_map<(d0, d1) -> (0, 0, 0)>
module attributes {stable_mosaic.version = 14 : i64} {
  func.func @k(%arg0: i32, %arg1: i32, %arg2: memref<10000x128xf32, #tpu.memory_space<hbm>>, %arg3: memref<32x136x80xi32, #tpu.memory_space<hbm>>, %arg4: memref<32x136x80xi32, #tpu.memory_space<hbm>>, %arg5: memref<2x10240x128xf32, #tpu.memory_space<hbm>>, %arg6: memref<8x80xi32, #tpu.memory_space<vmem>>, %arg7: memref<8x80xi32, #tpu.memory_space<vmem>>, %arg8: memref<8x80xi32, #tpu.memory_space<vmem>>, %arg9: memref<8x80xi32, #tpu.memory_space<vmem>>, %arg10: memref<80x128xf32, #tpu.memory_space<vmem>>, %arg11: memref<80x128xf32, #tpu.memory_space<vmem>>, %arg12: memref<80x128xf32, #tpu.memory_space<vmem>>, %arg13: memref<80x128xf32, #tpu.memory_space<vmem>>, %arg14: memref<10240x128xf32, #tpu.memory_space<vmem_shared>>, %arg15: memref<!tpu.dma_semaphore, #tpu.memory_space<semaphore_mem>>, %arg16: memref<!tpu.dma_semaphore, #tpu.memory_space<semaphore_mem>>, %arg17: memref<!tpu.dma_semaphore, #tpu.memory_space<semaphore_mem>>, %arg18: memref<!tpu.dma_semaphore, #tpu.memory_space<semaphore_mem>>, %arg19: memref<!tpu.dma_semaphore, #tpu.memory_space<semaphore_mem>>, %arg20: memref<!tpu.dma_semaphore, #tpu.memory_space<semaphore_mem>>, %arg21: memref<!tpu.dma_semaphore, #tpu.memory_space<semaphore_mem>>, %arg22: memref<!tpu.dma_semaphore, #tpu.memory_space<semaphore_mem>>, %arg23: memref<!tpu.dma_semaphore, #tpu.memory_space<semaphore_mem>>, %arg24: memref<!tpu.dma_semaphore, #tpu.memory_space<semaphore_mem>>) attributes {dimension_semantics = [#tpu.dimension_semantics<core_parallel>, #tpu.dimension_semantics<subcore_parallel>], iteration_bounds = array<i64: 2, 16>, scalar_prefetch = 0 : i64, scratch_operands = 19 : i64, tpu.core_type = #tpu.core_type<sc_vector_subcore>, window_params = [{transform_indices = #map}, {transform_indices = #map1}, {transform_indices = #map1}, {transform_indices = #map1}]} {
    %mul3A = arith.constant 16 : i32
    %mul3A_0 = arith.muli %arg0, %mul3A : i32
    %add3A = arith.addi %mul3A_0, %arg1 : i32
    %dma_start3A = arith.constant 0 : i32
    %dma_start3A_1 = arith.constant 0 : i32
    %dma_start3A_2 = tpu.memref_slice %arg3[%add3A, %dma_start3A, %dma_start3A_1] : memref<32x136x80xi32, #tpu.memory_space<hbm>> -> memref<1x8x80xi32, #tpu.memory_space<hbm>>
    %dma_start3A_3 = tpu.memref_squeeze %dma_start3A_2 : memref<1x8x80xi32, #tpu.memory_space<hbm>> -> memref<8x80xi32, #tpu.memory_space<hbm>>
    %dma_start3A_4 = arith.constant 0 : i32
    %dma_start3A_5 = arith.constant 0 : i32
    %dma_start3A_6 = tpu.memref_slice %arg3[%add3A, %dma_start3A_4, %dma_start3A_5] : memref<32x136x80xi32, #tpu.memory_space<hbm>> -> memref<1x8x80xi32, #tpu.memory_space<hbm>>
    %dma_start3A_7 = tpu.memref_squeeze %dma_start3A_6 : memref<1x8x80xi32, #tpu.memory_space<hbm>> -> memref<8x80xi32, #tpu.memory_space<hbm>>
    tpu.enqueue_dma source(%dma_start3A_7 : memref<8x80xi32, #tpu.memory_space<hbm>>) target(%arg6 : memref<8x80xi32, #tpu.memory_space<vmem>>) target_semaphore(%arg23 : memref<!tpu.dma_semaphore, #tpu.memory_space<semaphore_mem>>)
    %dma_start3A_8 = arith.constant 0 : i32
    %dma_start3A_9 = arith.constant 0 : i32
    %dma_start3A_10 = tpu.memref_slice %arg4[%add3A, %dma_start3A_8, %dma_start3A_9] : memref<32x136x80xi32, #tpu.memory_space<hbm>> -> memref<1x8x80xi32, #tpu.memory_space<hbm>>
    %dma_start3A_11 = tpu.memref_squeeze %dma_start3A_10 : memref<1x8x80xi32, #tpu.memory_space<hbm>> -> memref<8x80xi32, #tpu.memory_space<hbm>>
    %dma_start3A_12 = arith.constant 0 : i32
    %dma_start3A_13 = arith.constant 0 : i32
    %dma_start3A_14 = tpu.memref_slice %arg4[%add3A, %dma_start3A_12, %dma_start3A_13] : memref<32x136x80xi32, #tpu.memory_space<hbm>> -> memref<1x8x80xi32, #tpu.memory_space<hbm>>
    %dma_start3A_15 = tpu.memref_squeeze %dma_start3A_14 : memref<1x8x80xi32, #tpu.memory_space<hbm>> -> memref<8x80xi32, #tpu.memory_space<hbm>>
    tpu.enqueue_dma source(%dma_start3A_15 : memref<8x80xi32, #tpu.memory_space<hbm>>) target(%arg7 : memref<8x80xi32, #tpu.memory_space<vmem>>) target_semaphore(%arg24 : memref<!tpu.dma_semaphore, #tpu.memory_space<semaphore_mem>>)
    %broadcast_in_dim3A = arith.constant 0.000000e+00 : f32
    %broadcast_in_dim3A_16 = vector.broadcast %broadcast_in_dim3A : f32 to vector<16xf32>
    %scan3A = arith.constant 0 : i32
    %scan3A_17 = arith.constant 0 : i32
    %scan3A_18 = arith.constant 80 : i32
    %scan3A_19 = arith.addi %scan3A_17, %scan3A_18 : i32
    %scan3A_20 = arith.constant 1 : i32
    scf.for %scan3A_108 = %scan3A_17 to %scan3A_19 step %scan3A_20  : i32 {
      %swap3A = arith.index_cast %scan3A_108 : i32 to index
      %swap3A_109 = arith.constant 0 : index
      %swap3A_110 = tpu.vector_load %arg10[%swap3A, %swap3A_109] {strides = array<i32>} : memref<80x128xf32, #tpu.memory_space<vmem>>, vector<1x16xf32>,
      %swap3A_111 = vector.shape_cast %swap3A_110 : vector<1x16xf32> to vector<16xf32>
      %swap3A_112 = vector.shape_cast %broadcast_in_dim3A_16 : vector<16xf32> to vector<1x16xf32>
      tpu.vector_store %arg10[%swap3A, %swap3A_109], %swap3A_112 {strides = array<i32>} : memref<80x128xf32, #tpu.memory_space<vmem>>, vector<1x16xf32>,
      %swap3A_113 = arith.index_cast %scan3A_108 : i32 to index
      %swap3A_114 = arith.constant 16 : index
      %swap3A_115 = tpu.vector_load %arg10[%swap3A_113, %swap3A_114] {strides = array<i32>} : memref<80x128xf32, #tpu.memory_space<vmem>>, vector<1x16xf32>,
      %swap3A_116 = vector.shape_cast %swap3A_115 : vector<1x16xf32> to vector<16xf32>
      %swap3A_117 = vector.shape_cast %broadcast_in_dim3A_16 : vector<16xf32> to vector<1x16xf32>
      tpu.vector_store %arg10[%swap3A_113, %swap3A_114], %swap3A_117 {strides = array<i32>} : memref<80x128xf32, #tpu.memory_space<vmem>>, vector<1x16xf32>,
      %swap3A_118 = arith.index_cast %scan3A_108 : i32 to index
      %swap3A_119 = arith.constant 32 : index
      %swap3A_120 = tpu.vector_load %arg10[%swap3A_118, %swap3A_119] {strides = array<i32>} : memref<80x128xf32, #tpu.memory_space<vmem>>, vector<1x16xf32>,
      %swap3A_121 = vector.shape_cast %swap3A_120 : vector<1x16xf32> to vector<16xf32>
      %swap3A_122 = vector.shape_cast %broadcast_in_dim3A_16 : vector<16xf32> to vector<1x16xf32>
      tpu.vector_store %arg10[%swap3A_118, %swap3A_119], %swap3A_122 {strides = array<i32>} : memref<80x128xf32, #tpu.memory_space<vmem>>, vector<1x16xf32>,
      %swap3A_123 = arith.index_cast %scan3A_108 : i32 to index
      %swap3A_124 = arith.constant 48 : index
      %swap3A_125 = tpu.vector_load %arg10[%swap3A_123, %swap3A_124] {strides = array<i32>} : memref<80x128xf32, #tpu.memory_space<vmem>>, vector<1x16xf32>,
      %swap3A_126 = vector.shape_cast %swap3A_125 : vector<1x16xf32> to vector<16xf32>
      %swap3A_127 = vector.shape_cast %broadcast_in_dim3A_16 : vector<16xf32> to vector<1x16xf32>
      tpu.vector_store %arg10[%swap3A_123, %swap3A_124], %swap3A_127 {strides = array<i32>} : memref<80x128xf32, #tpu.memory_space<vmem>>, vector<1x16xf32>,
      %swap3A_128 = arith.index_cast %scan3A_108 : i32 to index
      %swap3A_129 = arith.constant 64 : index
      %swap3A_130 = tpu.vector_load %arg10[%swap3A_128, %swap3A_129] {strides = array<i32>} : memref<80x128xf32, #tpu.memory_space<vmem>>, vector<1x16xf32>,
      %swap3A_131 = vector.shape_cast %swap3A_130 : vector<1x16xf32> to vector<16xf32>
      %swap3A_132 = vector.shape_cast %broadcast_in_dim3A_16 : vector<16xf32> to vector<1x16xf32>
      tpu.vector_store %arg10[%swap3A_128, %swap3A_129], %swap3A_132 {strides = array<i32>} : memref<80x128xf32, #tpu.memory_space<vmem>>, vector<1x16xf32>,
      %swap3A_133 = arith.index_cast %scan3A_108 : i32 to index
      %swap3A_134 = arith.constant 80 : index
      %swap3A_135 = tpu.vector_load %arg10[%swap3A_133, %swap3A_134] {strides = array<i32>} : memref<80x128xf32, #tpu.memory_space<vmem>>, vector<1x16xf32>,
      %swap3A_136 = vector.shape_cast %swap3A_135 : vector<1x16xf32> to vector<16xf32>
      %swap3A_137 = vector.shape_cast %broadcast_in_dim3A_16 : vector<16xf32> to vector<1x16xf32>
      tpu.vector_store %arg10[%swap3A_133, %swap3A_134], %swap3A_137 {strides = array<i32>} : memref<80x128xf32, #tpu.memory_space<vmem>>, vector<1x16xf32>,
      %swap3A_138 = arith.index_cast %scan3A_108 : i32 to index
      %swap3A_139 = arith.constant 96 : index
      %swap3A_140 = tpu.vector_load %arg10[%swap3A_138, %swap3A_139] {strides = array<i32>} : memref<80x128xf32, #tpu.memory_space<vmem>>, vector<1x16xf32>,
      %swap3A_141 = vector.shape_cast %swap3A_140 : vector<1x16xf32> to vector<16xf32>
      %swap3A_142 = vector.shape_cast %broadcast_in_dim3A_16 : vector<16xf32> to vector<1x16xf32>
      tpu.vector_store %arg10[%swap3A_138, %swap3A_139], %swap3A_142 {strides = array<i32>} : memref<80x128xf32, #tpu.memory_space<vmem>>, vector<1x16xf32>,
      %swap3A_143 = arith.index_cast %scan3A_108 : i32 to index
      %swap3A_144 = arith.constant 112 : index
      %swap3A_145 = tpu.vector_load %arg10[%swap3A_143, %swap3A_144] {strides = array<i32>} : memref<80x128xf32, #tpu.memory_space<vmem>>, vector<1x16xf32>,
      %swap3A_146 = vector.shape_cast %swap3A_145 : vector<1x16xf32> to vector<16xf32>
      %swap3A_147 = vector.shape_cast %broadcast_in_dim3A_16 : vector<16xf32> to vector<1x16xf32>
      tpu.vector_store %arg10[%swap3A_143, %swap3A_144], %swap3A_147 {strides = array<i32>} : memref<80x128xf32, #tpu.memory_space<vmem>>, vector<1x16xf32>,
    }
    %scan3A_21 = arith.constant 80 : i32
    %mul3A_22 = arith.constant 640 : i32
    %mul3A_23 = arith.muli %arg1, %mul3A_22 : i32
    %scan3A_24 = arith.constant 0 : i32
    %scan3A_25 = arith.constant 0 : i32
    %scan3A_26 = arith.constant 8 : i32
    %scan3A_27 = arith.addi %scan3A_25, %scan3A_26 : i32
    %scan3A_28 = arith.constant 1 : i32
    scf.for %scan3A_108 = %scan3A_25 to %scan3A_27 step %scan3A_28  : i32 {
      %mul3A_109 = arith.constant 80 : i32
      %mul3A_110 = arith.muli %scan3A_108, %mul3A_109 : i32
      %add3A_111 = arith.addi %mul3A_23, %mul3A_110 : i32
      "tpu.region"() ({
        %run_scoped3A = tpu.sem_alloc : memref<!tpu.dma_semaphore, #tpu.memory_space<semaphore_mem>>
        %dma_start3A_112 = arith.constant 0 : i32
        %dma_start3A_113 = tpu.memref_slice %arg14[%add3A_111, %dma_start3A_112] : memref<10240x128xf32, #tpu.memory_space<vmem_shared>> -> memref<80x128xf32, #tpu.memory_space<vmem_shared>>
        %dma_start3A_114 = arith.constant 0 : i32
        %dma_start3A_115 = tpu.memref_slice %arg14[%add3A_111, %dma_start3A_114] : memref<10240x128xf32, #tpu.memory_space<vmem_shared>> -> memref<80x128xf32, #tpu.memory_space<vmem_shared>>
        tpu.enqueue_dma source(%arg10 : memref<80x128xf32, #tpu.memory_space<vmem>>) target(%dma_start3A_115 : memref<80x128xf32, #tpu.memory_space<vmem_shared>>) target_semaphore(%run_scoped3A : memref<!tpu.dma_semaphore, #tpu.memory_space<semaphore_mem>>)
        %dma_wait3A_116 = arith.constant 0 : i32
        %dma_wait3A_117 = tpu.memref_slice %arg14[%add3A_111, %dma_wait3A_116] : memref<10240x128xf32, #tpu.memory_space<vmem_shared>> -> memref<80x128xf32, #tpu.memory_space<vmem_shared>>
        %dma_wait3A_118 = arith.constant 0 : i32
        %dma_wait3A_119 = tpu.memref_slice %arg14[%add3A_111, %dma_wait3A_118] : memref<10240x128xf32, #tpu.memory_space<vmem_shared>> -> memref<80x128xf32, #tpu.memory_space<vmem_shared>>
        tpu.wait_dma2 semaphore(%run_scoped3A : memref<!tpu.dma_semaphore, #tpu.memory_space<semaphore_mem>>) src(%arg10 : memref<80x128xf32, #tpu.memory_space<vmem>>) dst(%dma_wait3A_119 : memref<80x128xf32, #tpu.memory_space<vmem_shared>>)
        tpu.yield
      }) : () -> ()
    }
    %scan3A_29 = arith.constant 8 : i32
    %dma_wait3A = arith.constant 0 : i32
    %dma_wait3A_30 = arith.constant 0 : i32
    %dma_wait3A_31 = tpu.memref_slice %arg3[%add3A, %dma_wait3A, %dma_wait3A_30] : memref<32x136x80xi32, #tpu.memory_space<hbm>> -> memref<1x8x80xi32, #tpu.memory_space<hbm>>
    %dma_wait3A_32 = tpu.memref_squeeze %dma_wait3A_31 : memref<1x8x80xi32, #tpu.memory_space<hbm>> -> memref<8x80xi32, #tpu.memory_space<hbm>>
    %dma_wait3A_33 = arith.constant 0 : i32
    %dma_wait3A_34 = arith.constant 0 : i32
    %dma_wait3A_35 = tpu.memref_slice %arg3[%add3A, %dma_wait3A_33, %dma_wait3A_34] : memref<32x136x80xi32, #tpu.memory_space<hbm>> -> memref<1x8x80xi32, #tpu.memory_space<hbm>>
    %dma_wait3A_36 = tpu.memref_squeeze %dma_wait3A_35 : memref<1x8x80xi32, #tpu.memory_space<hbm>> -> memref<8x80xi32, #tpu.memory_space<hbm>>
    tpu.wait_dma2 semaphore(%arg23 : memref<!tpu.dma_semaphore, #tpu.memory_space<semaphore_mem>>) src(%dma_wait3A_36 : memref<8x80xi32, #tpu.memory_space<hbm>>) dst(%arg6 : memref<8x80xi32, #tpu.memory_space<vmem>>)
    %dma_wait3A_37 = arith.constant 0 : i32
    %dma_wait3A_38 = arith.constant 0 : i32
    %dma_wait3A_39 = tpu.memref_slice %arg4[%add3A, %dma_wait3A_37, %dma_wait3A_38] : memref<32x136x80xi32, #tpu.memory_space<hbm>> -> memref<1x8x80xi32, #tpu.memory_space<hbm>>
    %dma_wait3A_40 = tpu.memref_squeeze %dma_wait3A_39 : memref<1x8x80xi32, #tpu.memory_space<hbm>> -> memref<8x80xi32, #tpu.memory_space<hbm>>
    %dma_wait3A_41 = arith.constant 0 : i32
    %dma_wait3A_42 = arith.constant 0 : i32
    %dma_wait3A_43 = tpu.memref_slice %arg4[%add3A, %dma_wait3A_41, %dma_wait3A_42] : memref<32x136x80xi32, #tpu.memory_space<hbm>> -> memref<1x8x80xi32, #tpu.memory_space<hbm>>
    %dma_wait3A_44 = tpu.memref_squeeze %dma_wait3A_43 : memref<1x8x80xi32, #tpu.memory_space<hbm>> -> memref<8x80xi32, #tpu.memory_space<hbm>>
    tpu.wait_dma2 semaphore(%arg24 : memref<!tpu.dma_semaphore, #tpu.memory_space<semaphore_mem>>) src(%dma_wait3A_44 : memref<8x80xi32, #tpu.memory_space<hbm>>) dst(%arg7 : memref<8x80xi32, #tpu.memory_space<vmem>>)
    %barrier3A = arith.constant 0 : index
    tpu.barrier barrier_id(%barrier3A)
    %dma_start3A_45 = arith.constant 0 : i32
    %dma_start3A_46 = arith.constant 0 : i32
    %dma_start3A_47 = tpu.memref_slice %arg6[%dma_start3A_45, %dma_start3A_46] : memref<8x80xi32, #tpu.memory_space<vmem>> -> memref<1x80xi32, #tpu.memory_space<vmem>>
    %dma_start3A_48 = tpu.memref_squeeze %dma_start3A_47 : memref<1x80xi32, #tpu.memory_space<vmem>> -> memref<80xi32, #tpu.memory_space<vmem>>
    %dma_start3A_49 = arith.constant 0 : i32
    %dma_start3A_50 = arith.constant 0 : i32
    %dma_start3A_51 = tpu.memref_slice %arg2[%dma_start3A_49, %dma_start3A_50] : memref<10000x128xf32, #tpu.memory_space<hbm>> -> memref<10000x128xf32, #tpu.memory_space<hbm>>
    tpu.enqueue_indirect_dma source(%dma_start3A_51 : memref<10000x128xf32, #tpu.memory_space<hbm>>) target(%arg10 : memref<80x128xf32, #tpu.memory_space<vmem>>) offsets(%dma_start3A_48 : memref<80xi32, #tpu.memory_space<vmem>>) semaphore(%arg15 : memref<!tpu.dma_semaphore, #tpu.memory_space<semaphore_mem>>)
    %dma_start3A_52 = arith.constant 1 : i32
    %dma_start3A_53 = arith.constant 0 : i32
    %dma_start3A_54 = tpu.memref_slice %arg6[%dma_start3A_52, %dma_start3A_53] : memref<8x80xi32, #tpu.memory_space<vmem>> -> memref<1x80xi32, #tpu.memory_space<vmem>>
    %dma_start3A_55 = tpu.memref_squeeze %dma_start3A_54 : memref<1x80xi32, #tpu.memory_space<vmem>> -> memref<80xi32, #tpu.memory_space<vmem>>
    %dma_start3A_56 = arith.constant 0 : i32
    %dma_start3A_57 = arith.constant 0 : i32
    %dma_start3A_58 = tpu.memref_slice %arg2[%dma_start3A_56, %dma_start3A_57] : memref<10000x128xf32, #tpu.memory_space<hbm>> -> memref<10000x128xf32, #tpu.memory_space<hbm>>
    tpu.enqueue_indirect_dma source(%dma_start3A_58 : memref<10000x128xf32, #tpu.memory_space<hbm>>) target(%arg11 : memref<80x128xf32, #tpu.memory_space<vmem>>) offsets(%dma_start3A_55 : memref<80xi32, #tpu.memory_space<vmem>>) semaphore(%arg16 : memref<!tpu.dma_semaphore, #tpu.memory_space<semaphore_mem>>)
    %dma_start3A_59 = arith.constant 2 : i32
    %dma_start3A_60 = arith.constant 0 : i32
    %dma_start3A_61 = tpu.memref_slice %arg6[%dma_start3A_59, %dma_start3A_60] : memref<8x80xi32, #tpu.memory_space<vmem>> -> memref<1x80xi32, #tpu.memory_space<vmem>>
    %dma_start3A_62 = tpu.memref_squeeze %dma_start3A_61 : memref<1x80xi32, #tpu.memory_space<vmem>> -> memref<80xi32, #tpu.memory_space<vmem>>
    %dma_start3A_63 = arith.constant 0 : i32
    %dma_start3A_64 = arith.constant 0 : i32
    %dma_start3A_65 = tpu.memref_slice %arg2[%dma_start3A_63, %dma_start3A_64] : memref<10000x128xf32, #tpu.memory_space<hbm>> -> memref<10000x128xf32, #tpu.memory_space<hbm>>
    tpu.enqueue_indirect_dma source(%dma_start3A_65 : memref<10000x128xf32, #tpu.memory_space<hbm>>) target(%arg12 : memref<80x128xf32, #tpu.memory_space<vmem>>) offsets(%dma_start3A_62 : memref<80xi32, #tpu.memory_space<vmem>>) semaphore(%arg17 : memref<!tpu.dma_semaphore, #tpu.memory_space<semaphore_mem>>)
    %dma_start3A_66 = arith.constant 3 : i32
    %dma_start3A_67 = arith.constant 0 : i32
    %dma_start3A_68 = tpu.memref_slice %arg6[%dma_start3A_66, %dma_start3A_67] : memref<8x80xi32, #tpu.memory_space<vmem>> -> memref<1x80xi32, #tpu.memory_space<vmem>>
    %dma_start3A_69 = tpu.memref_squeeze %dma_start3A_68 : memref<1x80xi32, #tpu.memory_space<vmem>> -> memref<80xi32, #tpu.memory_space<vmem>>
    %dma_start3A_70 = arith.constant 0 : i32
    %dma_start3A_71 = arith.constant 0 : i32
    %dma_start3A_72 = tpu.memref_slice %arg2[%dma_start3A_70, %dma_start3A_71] : memref<10000x128xf32, #tpu.memory_space<hbm>> -> memref<10000x128xf32, #tpu.memory_space<hbm>>
    tpu.enqueue_indirect_dma source(%dma_start3A_72 : memref<10000x128xf32, #tpu.memory_space<hbm>>) target(%arg13 : memref<80x128xf32, #tpu.memory_space<vmem>>) offsets(%dma_start3A_69 : memref<80xi32, #tpu.memory_space<vmem>>) semaphore(%arg18 : memref<!tpu.dma_semaphore, #tpu.memory_space<semaphore_mem>>)
    %scan3A_73 = arith.constant 0 : i32
    %scan3A_74 = arith.constant 0 : i32
    %scan3A_75 = arith.constant 8 : i32
    %scan3A_76 = arith.addi %scan3A_74, %scan3A_75 : i32
    %scan3A_77 = arith.constant 1 : i32
    scf.for %scan3A_108 = %scan3A_74 to %scan3A_76 step %scan3A_77  : i32 {
      %mul3A_109 = arith.constant 2 : i32
      %mul3A_110 = arith.muli %mul3A_109, %scan3A_108 : i32
      %add3A_111 = arith.constant 1 : i32
      %add3A_112 = arith.addi %mul3A_110, %add3A_111 : i32
      %mul3A_113 = arith.constant 8 : i32
      %mul3A_114 = arith.muli %add3A_112, %mul3A_113 : i32
      %dma_start3A_115 = arith.constant 0 : i32
      %dma_start3A_116 = tpu.memref_slice %arg3[%add3A, %mul3A_114, %dma_start3A_115] : memref<32x136x80xi32, #tpu.memory_space<hbm>> -> memref<1x8x80xi32, #tpu.memory_space<hbm>>
      %dma_start3A_117 = tpu.memref_squeeze %dma_start3A_116 : memref<1x8x80xi32, #tpu.memory_space<hbm>> -> memref<8x80xi32, #tpu.memory_space<hbm>>
      %dma_start3A_118 = arith.constant 0 : i32
      %dma_start3A_119 = tpu.memref_slice %arg3[%add3A, %mul3A_114, %dma_start3A_118] : memref<32x136x80xi32, #tpu.memory_space<hbm>> -> memref<1x8x80xi32, #tpu.memory_space<hbm>>
      %dma_start3A_120 = tpu.memref_squeeze %dma_start3A_119 : memref<1x8x80xi32, #tpu.memory_space<hbm>> -> memref<8x80xi32, #tpu.memory_space<hbm>>
      tpu.enqueue_dma source(%dma_start3A_120 : memref<8x80xi32, #tpu.memory_space<hbm>>) target(%arg8 : memref<8x80xi32, #tpu.memory_space<vmem>>) target_semaphore(%arg23 : memref<!tpu.dma_semaphore, #tpu.memory_space<semaphore_mem>>)
      %add3A_121 = arith.constant 1 : i32
      %add3A_122 = arith.addi %mul3A_110, %add3A_121 : i32
      %mul3A_123 = arith.constant 8 : i32
      %mul3A_124 = arith.muli %add3A_122, %mul3A_123 : i32
      %dma_start3A_125 = arith.constant 0 : i32
      %dma_start3A_126 = tpu.memref_slice %arg4[%add3A, %mul3A_124, %dma_start3A_125] : memref<32x136x80xi32, #tpu.memory_space<hbm>> -> memref<1x8x80xi32, #tpu.memory_space<hbm>>
      %dma_start3A_127 = tpu.memref_squeeze %dma_start3A_126 : memref<1x8x80xi32, #tpu.memory_space<hbm>> -> memref<8x80xi32, #tpu.memory_space<hbm>>
      %dma_start3A_128 = arith.constant 0 : i32
      %dma_start3A_129 = tpu.memref_slice %arg4[%add3A, %mul3A_124, %dma_start3A_128] : memref<32x136x80xi32, #tpu.memory_space<hbm>> -> memref<1x8x80xi32, #tpu.memory_space<hbm>>
      %dma_start3A_130 = tpu.memref_squeeze %dma_start3A_129 : memref<1x8x80xi32, #tpu.memory_space<hbm>> -> memref<8x80xi32, #tpu.memory_space<hbm>>
      tpu.enqueue_dma source(%dma_start3A_130 : memref<8x80xi32, #tpu.memory_space<hbm>>) target(%arg9 : memref<8x80xi32, #tpu.memory_space<vmem>>) target_semaphore(%arg24 : memref<!tpu.dma_semaphore, #tpu.memory_space<semaphore_mem>>)
      %scan3A_131 = arith.constant 0 : i32
      %scan3A_132 = arith.constant 0 : i32
      %mul3A_133 = arith.constant 4 : i32
      %mul3A_134 = arith.muli %scan3A_132, %mul3A_133 : i32
      %add3A_135 = arith.constant 0 : i32
      %add3A_136 = arith.addi %mul3A_134, %add3A_135 : i32
      %dma_wait3A_137 = arith.constant 0 : i32
      %dma_wait3A_138 = tpu.memref_slice %arg6[%add3A_136, %dma_wait3A_137] : memref<8x80xi32, #tpu.memory_space<vmem>> -> memref<1x80xi32, #tpu.memory_space<vmem>>
      %dma_wait3A_139 = tpu.memref_squeeze %dma_wait3A_138 : memref<1x80xi32, #tpu.memory_space<vmem>> -> memref<80xi32, #tpu.memory_space<vmem>>
      %dma_wait3A_140 = arith.constant 0 : i32
      %dma_wait3A_141 = arith.constant 0 : i32
      %dma_wait3A_142 = tpu.memref_slice %arg2[%dma_wait3A_140, %dma_wait3A_141] : memref<10000x128xf32, #tpu.memory_space<hbm>> -> memref<10000x128xf32, #tpu.memory_space<hbm>>
      tpu.wait_indirect_dma semaphore(%arg15 : memref<!tpu.dma_semaphore, #tpu.memory_space<semaphore_mem>>) src(%dma_wait3A_142 : memref<10000x128xf32, #tpu.memory_space<hbm>>) dst(%arg10 : memref<80x128xf32, #tpu.memory_space<vmem>>)
      %dma_start3A_143 = arith.constant 0 : i32
      %dma_start3A_144 = tpu.memref_slice %arg7[%add3A_136, %dma_start3A_143] : memref<8x80xi32, #tpu.memory_space<vmem>> -> memref<1x80xi32, #tpu.memory_space<vmem>>
      %dma_start3A_145 = tpu.memref_squeeze %dma_start3A_144 : memref<1x80xi32, #tpu.memory_space<vmem>> -> memref<80xi32, #tpu.memory_space<vmem>>
      %dma_start3A_146 = arith.constant 0 : i32
      %dma_start3A_147 = arith.constant 0 : i32
      %dma_start3A_148 = tpu.memref_slice %arg14[%dma_start3A_146, %dma_start3A_147] : memref<10240x128xf32, #tpu.memory_space<vmem_shared>> -> memref<10240x128xf32, #tpu.memory_space<vmem_shared>>
      tpu.enqueue_indirect_dma source(%arg10 : memref<80x128xf32, #tpu.memory_space<vmem>>) target(%dma_start3A_148 : memref<10240x128xf32, #tpu.memory_space<vmem_shared>>) offsets(%dma_start3A_145 : memref<80xi32, #tpu.memory_space<vmem>>) semaphore(%arg19 : memref<!tpu.dma_semaphore, #tpu.memory_space<semaphore_mem>>) {add = true}
      %mul3A_149 = arith.constant 4 : i32
      %mul3A_150 = arith.muli %scan3A_132, %mul3A_149 : i32
      %add3A_151 = arith.constant 1 : i32
      %add3A_152 = arith.addi %mul3A_150, %add3A_151 : i32
      %dma_wait3A_153 = arith.constant 0 : i32
      %dma_wait3A_154 = tpu.memref_slice %arg6[%add3A_152, %dma_wait3A_153] : memref<8x80xi32, #tpu.memory_space<vmem>> -> memref<1x80xi32, #tpu.memory_space<vmem>>
      %dma_wait3A_155 = tpu.memref_squeeze %dma_wait3A_154 : memref<1x80xi32, #tpu.memory_space<vmem>> -> memref<80xi32, #tpu.memory_space<vmem>>
      %dma_wait3A_156 = arith.constant 0 : i32
      %dma_wait3A_157 = arith.constant 0 : i32
      %dma_wait3A_158 = tpu.memref_slice %arg2[%dma_wait3A_156, %dma_wait3A_157] : memref<10000x128xf32, #tpu.memory_space<hbm>> -> memref<10000x128xf32, #tpu.memory_space<hbm>>
      tpu.wait_indirect_dma semaphore(%arg16 : memref<!tpu.dma_semaphore, #tpu.memory_space<semaphore_mem>>) src(%dma_wait3A_158 : memref<10000x128xf32, #tpu.memory_space<hbm>>) dst(%arg11 : memref<80x128xf32, #tpu.memory_space<vmem>>)
      %dma_start3A_159 = arith.constant 0 : i32
      %dma_start3A_160 = tpu.memref_slice %arg7[%add3A_152, %dma_start3A_159] : memref<8x80xi32, #tpu.memory_space<vmem>> -> memref<1x80xi32, #tpu.memory_space<vmem>>
      %dma_start3A_161 = tpu.memref_squeeze %dma_start3A_160 : memref<1x80xi32, #tpu.memory_space<vmem>> -> memref<80xi32, #tpu.memory_space<vmem>>
      %dma_start3A_162 = arith.constant 0 : i32
      %dma_start3A_163 = arith.constant 0 : i32
      %dma_start3A_164 = tpu.memref_slice %arg14[%dma_start3A_162, %dma_start3A_163] : memref<10240x128xf32, #tpu.memory_space<vmem_shared>> -> memref<10240x128xf32, #tpu.memory_space<vmem_shared>>
      tpu.enqueue_indirect_dma source(%arg11 : memref<80x128xf32, #tpu.memory_space<vmem>>) target(%dma_start3A_164 : memref<10240x128xf32, #tpu.memory_space<vmem_shared>>) offsets(%dma_start3A_161 : memref<80xi32, #tpu.memory_space<vmem>>) semaphore(%arg20 : memref<!tpu.dma_semaphore, #tpu.memory_space<semaphore_mem>>) {add = true}
      %mul3A_165 = arith.constant 4 : i32
      %mul3A_166 = arith.muli %scan3A_132, %mul3A_165 : i32
      %add3A_167 = arith.constant 2 : i32
      %add3A_168 = arith.addi %mul3A_166, %add3A_167 : i32
      %dma_wait3A_169 = arith.constant 0 : i32
      %dma_wait3A_170 = tpu.memref_slice %arg6[%add3A_168, %dma_wait3A_169] : memref<8x80xi32, #tpu.memory_space<vmem>> -> memref<1x80xi32, #tpu.memory_space<vmem>>
      %dma_wait3A_171 = tpu.memref_squeeze %dma_wait3A_170 : memref<1x80xi32, #tpu.memory_space<vmem>> -> memref<80xi32, #tpu.memory_space<vmem>>
      %dma_wait3A_172 = arith.constant 0 : i32
      %dma_wait3A_173 = arith.constant 0 : i32
      %dma_wait3A_174 = tpu.memref_slice %arg2[%dma_wait3A_172, %dma_wait3A_173] : memref<10000x128xf32, #tpu.memory_space<hbm>> -> memref<10000x128xf32, #tpu.memory_space<hbm>>
      tpu.wait_indirect_dma semaphore(%arg17 : memref<!tpu.dma_semaphore, #tpu.memory_space<semaphore_mem>>) src(%dma_wait3A_174 : memref<10000x128xf32, #tpu.memory_space<hbm>>) dst(%arg12 : memref<80x128xf32, #tpu.memory_space<vmem>>)
      %dma_start3A_175 = arith.constant 0 : i32
      %dma_start3A_176 = tpu.memref_slice %arg7[%add3A_168, %dma_start3A_175] : memref<8x80xi32, #tpu.memory_space<vmem>> -> memref<1x80xi32, #tpu.memory_space<vmem>>
      %dma_start3A_177 = tpu.memref_squeeze %dma_start3A_176 : memref<1x80xi32, #tpu.memory_space<vmem>> -> memref<80xi32, #tpu.memory_space<vmem>>
      %dma_start3A_178 = arith.constant 0 : i32
      %dma_start3A_179 = arith.constant 0 : i32
      %dma_start3A_180 = tpu.memref_slice %arg14[%dma_start3A_178, %dma_start3A_179] : memref<10240x128xf32, #tpu.memory_space<vmem_shared>> -> memref<10240x128xf32, #tpu.memory_space<vmem_shared>>
      tpu.enqueue_indirect_dma source(%arg12 : memref<80x128xf32, #tpu.memory_space<vmem>>) target(%dma_start3A_180 : memref<10240x128xf32, #tpu.memory_space<vmem_shared>>) offsets(%dma_start3A_177 : memref<80xi32, #tpu.memory_space<vmem>>) semaphore(%arg21 : memref<!tpu.dma_semaphore, #tpu.memory_space<semaphore_mem>>) {add = true}
      %mul3A_181 = arith.constant 4 : i32
      %mul3A_182 = arith.muli %scan3A_132, %mul3A_181 : i32
      %add3A_183 = arith.constant 3 : i32
      %add3A_184 = arith.addi %mul3A_182, %add3A_183 : i32
      %dma_wait3A_185 = arith.constant 0 : i32
      %dma_wait3A_186 = tpu.memref_slice %arg6[%add3A_184, %dma_wait3A_185] : memref<8x80xi32, #tpu.memory_space<vmem>> -> memref<1x80xi32, #tpu.memory_space<vmem>>
      %dma_wait3A_187 = tpu.memref_squeeze %dma_wait3A_186 : memref<1x80xi32, #tpu.memory_space<vmem>> -> memref<80xi32, #tpu.memory_space<vmem>>
      %dma_wait3A_188 = arith.constant 0 : i32
      %dma_wait3A_189 = arith.constant 0 : i32
      %dma_wait3A_190 = tpu.memref_slice %arg2[%dma_wait3A_188, %dma_wait3A_189] : memref<10000x128xf32, #tpu.memory_space<hbm>> -> memref<10000x128xf32, #tpu.memory_space<hbm>>
      tpu.wait_indirect_dma semaphore(%arg18 : memref<!tpu.dma_semaphore, #tpu.memory_space<semaphore_mem>>) src(%dma_wait3A_190 : memref<10000x128xf32, #tpu.memory_space<hbm>>) dst(%arg13 : memref<80x128xf32, #tpu.memory_space<vmem>>)
      %dma_start3A_191 = arith.constant 0 : i32
      %dma_start3A_192 = tpu.memref_slice %arg7[%add3A_184, %dma_start3A_191] : memref<8x80xi32, #tpu.memory_space<vmem>> -> memref<1x80xi32, #tpu.memory_space<vmem>>
      %dma_start3A_193 = tpu.memref_squeeze %dma_start3A_192 : memref<1x80xi32, #tpu.memory_space<vmem>> -> memref<80xi32, #tpu.memory_space<vmem>>
      %dma_start3A_194 = arith.constant 0 : i32
      %dma_start3A_195 = arith.constant 0 : i32
      %dma_start3A_196 = tpu.memref_slice %arg14[%dma_start3A_194, %dma_start3A_195] : memref<10240x128xf32, #tpu.memory_space<vmem_shared>> -> memref<10240x128xf32, #tpu.memory_space<vmem_shared>>
      tpu.enqueue_indirect_dma source(%arg13 : memref<80x128xf32, #tpu.memory_space<vmem>>) target(%dma_start3A_196 : memref<10240x128xf32, #tpu.memory_space<vmem_shared>>) offsets(%dma_start3A_193 : memref<80xi32, #tpu.memory_space<vmem>>) semaphore(%arg22 : memref<!tpu.dma_semaphore, #tpu.memory_space<semaphore_mem>>) {add = true}
      %add3A_197 = arith.constant 1 : i32
      %add3A_198 = arith.addi %scan3A_132, %add3A_197 : i32
      %mul3A_199 = arith.constant 4 : i32
      %mul3A_200 = arith.muli %add3A_198, %mul3A_199 : i32
      %add3A_201 = arith.constant 0 : i32
      %add3A_202 = arith.addi %mul3A_200, %add3A_201 : i32
      %dma_wait3A_203 = arith.constant 0 : i32
      %dma_wait3A_204 = tpu.memref_slice %arg7[%add3A_202, %dma_wait3A_203] : memref<8x80xi32, #tpu.memory_space<vmem>> -> memref<1x80xi32, #tpu.memory_space<vmem>>
      %dma_wait3A_205 = tpu.memref_squeeze %dma_wait3A_204 : memref<1x80xi32, #tpu.memory_space<vmem>> -> memref<80xi32, #tpu.memory_space<vmem>>
      %dma_wait3A_206 = arith.constant 0 : i32
      %dma_wait3A_207 = arith.constant 0 : i32
      %dma_wait3A_208 = tpu.memref_slice %arg14[%dma_wait3A_206, %dma_wait3A_207] : memref<10240x128xf32, #tpu.memory_space<vmem_shared>> -> memref<10240x128xf32, #tpu.memory_space<vmem_shared>>
      tpu.wait_indirect_dma semaphore(%arg19 : memref<!tpu.dma_semaphore, #tpu.memory_space<semaphore_mem>>) src(%arg10 : memref<80x128xf32, #tpu.memory_space<vmem>>) dst(%dma_wait3A_208 : memref<10240x128xf32, #tpu.memory_space<vmem_shared>>)
      %dma_start3A_209 = arith.constant 0 : i32
      %dma_start3A_210 = tpu.memref_slice %arg6[%add3A_202, %dma_start3A_209] : memref<8x80xi32, #tpu.memory_space<vmem>> -> memref<1x80xi32, #tpu.memory_space<vmem>>
      %dma_start3A_211 = tpu.memref_squeeze %dma_start3A_210 : memref<1x80xi32, #tpu.memory_space<vmem>> -> memref<80xi32, #tpu.memory_space<vmem>>
      %dma_start3A_212 = arith.constant 0 : i32
      %dma_start3A_213 = arith.constant 0 : i32
      %dma_start3A_214 = tpu.memref_slice %arg2[%dma_start3A_212, %dma_start3A_213] : memref<10000x128xf32, #tpu.memory_space<hbm>> -> memref<10000x128xf32, #tpu.memory_space<hbm>>
      tpu.enqueue_indirect_dma source(%dma_start3A_214 : memref<10000x128xf32, #tpu.memory_space<hbm>>) target(%arg10 : memref<80x128xf32, #tpu.memory_space<vmem>>) offsets(%dma_start3A_211 : memref<80xi32, #tpu.memory_space<vmem>>) semaphore(%arg15 : memref<!tpu.dma_semaphore, #tpu.memory_space<semaphore_mem>>)
      %add3A_215 = arith.constant 1 : i32
      %add3A_216 = arith.addi %scan3A_132, %add3A_215 : i32
      %mul3A_217 = arith.constant 4 : i32
      %mul3A_218 = arith.muli %add3A_216, %mul3A_217 : i32
      %add3A_219 = arith.constant 1 : i32
      %add3A_220 = arith.addi %mul3A_218, %add3A_219 : i32
      %dma_wait3A_221 = arith.constant 0 : i32
      %dma_wait3A_222 = tpu.memref_slice %arg7[%add3A_220, %dma_wait3A_221] : memref<8x80xi32, #tpu.memory_space<vmem>> -> memref<1x80xi32, #tpu.memory_space<vmem>>
      %dma_wait3A_223 = tpu.memref_squeeze %dma_wait3A_222 : memref<1x80xi32, #tpu.memory_space<vmem>> -> memref<80xi32, #tpu.memory_space<vmem>>
      %dma_wait3A_224 = arith.constant 0 : i32
      %dma_wait3A_225 = arith.constant 0 : i32
      %dma_wait3A_226 = tpu.memref_slice %arg14[%dma_wait3A_224, %dma_wait3A_225] : memref<10240x128xf32, #tpu.memory_space<vmem_shared>> -> memref<10240x128xf32, #tpu.memory_space<vmem_shared>>
      tpu.wait_indirect_dma semaphore(%arg20 : memref<!tpu.dma_semaphore, #tpu.memory_space<semaphore_mem>>) src(%arg11 : memref<80x128xf32, #tpu.memory_space<vmem>>) dst(%dma_wait3A_226 : memref<10240x128xf32, #tpu.memory_space<vmem_shared>>)
      %dma_start3A_227 = arith.constant 0 : i32
      %dma_start3A_228 = tpu.memref_slice %arg6[%add3A_220, %dma_start3A_227] : memref<8x80xi32, #tpu.memory_space<vmem>> -> memref<1x80xi32, #tpu.memory_space<vmem>>
      %dma_start3A_229 = tpu.memref_squeeze %dma_start3A_228 : memref<1x80xi32, #tpu.memory_space<vmem>> -> memref<80xi32, #tpu.memory_space<vmem>>
      %dma_start3A_230 = arith.constant 0 : i32
      %dma_start3A_231 = arith.constant 0 : i32
      %dma_start3A_232 = tpu.memref_slice %arg2[%dma_start3A_230, %dma_start3A_231] : memref<10000x128xf32, #tpu.memory_space<hbm>> -> memref<10000x128xf32, #tpu.memory_space<hbm>>
      tpu.enqueue_indirect_dma source(%dma_start3A_232 : memref<10000x128xf32, #tpu.memory_space<hbm>>) target(%arg11 : memref<80x128xf32, #tpu.memory_space<vmem>>) offsets(%dma_start3A_229 : memref<80xi32, #tpu.memory_space<vmem>>) semaphore(%arg16 : memref<!tpu.dma_semaphore, #tpu.memory_space<semaphore_mem>>)
      %add3A_233 = arith.constant 1 : i32
      %add3A_234 = arith.addi %scan3A_132, %add3A_233 : i32
      %mul3A_235 = arith.constant 4 : i32
      %mul3A_236 = arith.muli %add3A_234, %mul3A_235 : i32
      %add3A_237 = arith.constant 2 : i32
      %add3A_238 = arith.addi %mul3A_236, %add3A_237 : i32
      %dma_wait3A_239 = arith.constant 0 : i32
      %dma_wait3A_240 = tpu.memref_slice %arg7[%add3A_238, %dma_wait3A_239] : memref<8x80xi32, #tpu.memory_space<vmem>> -> memref<1x80xi32, #tpu.memory_space<vmem>>
      %dma_wait3A_241 = tpu.memref_squeeze %dma_wait3A_240 : memref<1x80xi32, #tpu.memory_space<vmem>> -> memref<80xi32, #tpu.memory_space<vmem>>
      %dma_wait3A_242 = arith.constant 0 : i32
      %dma_wait3A_243 = arith.constant 0 : i32
      %dma_wait3A_244 = tpu.memref_slice %arg14[%dma_wait3A_242, %dma_wait3A_243] : memref<10240x128xf32, #tpu.memory_space<vmem_shared>> -> memref<10240x128xf32, #tpu.memory_space<vmem_shared>>
      tpu.wait_indirect_dma semaphore(%arg21 : memref<!tpu.dma_semaphore, #tpu.memory_space<semaphore_mem>>) src(%arg12 : memref<80x128xf32, #tpu.memory_space<vmem>>) dst(%dma_wait3A_244 : memref<10240x128xf32, #tpu.memory_space<vmem_shared>>)
      %dma_start3A_245 = arith.constant 0 : i32
      %dma_start3A_246 = tpu.memref_slice %arg6[%add3A_238, %dma_start3A_245] : memref<8x80xi32, #tpu.memory_space<vmem>> -> memref<1x80xi32, #tpu.memory_space<vmem>>
      %dma_start3A_247 = tpu.memref_squeeze %dma_start3A_246 : memref<1x80xi32, #tpu.memory_space<vmem>> -> memref<80xi32, #tpu.memory_space<vmem>>
      %dma_start3A_248 = arith.constant 0 : i32
      %dma_start3A_249 = arith.constant 0 : i32
      %dma_start3A_250 = tpu.memref_slice %arg2[%dma_start3A_248, %dma_start3A_249] : memref<10000x128xf32, #tpu.memory_space<hbm>> -> memref<10000x128xf32, #tpu.memory_space<hbm>>
      tpu.enqueue_indirect_dma source(%dma_start3A_250 : memref<10000x128xf32, #tpu.memory_space<hbm>>) target(%arg12 : memref<80x128xf32, #tpu.memory_space<vmem>>) offsets(%dma_start3A_247 : memref<80xi32, #tpu.memory_space<vmem>>) semaphore(%arg17 : memref<!tpu.dma_semaphore, #tpu.memory_space<semaphore_mem>>)
      %add3A_251 = arith.constant 1 : i32
      %add3A_252 = arith.addi %scan3A_132, %add3A_251 : i32
      %mul3A_253 = arith.constant 4 : i32
      %mul3A_254 = arith.muli %add3A_252, %mul3A_253 : i32
      %add3A_255 = arith.constant 3 : i32
      %add3A_256 = arith.addi %mul3A_254, %add3A_255 : i32
      %dma_wait3A_257 = arith.constant 0 : i32
      %dma_wait3A_258 = tpu.memref_slice %arg7[%add3A_256, %dma_wait3A_257] : memref<8x80xi32, #tpu.memory_space<vmem>> -> memref<1x80xi32, #tpu.memory_space<vmem>>
      %dma_wait3A_259 = tpu.memref_squeeze %dma_wait3A_258 : memref<1x80xi32, #tpu.memory_space<vmem>> -> memref<80xi32, #tpu.memory_space<vmem>>
      %dma_wait3A_260 = arith.constant 0 : i32
      %dma_wait3A_261 = arith.constant 0 : i32
      %dma_wait3A_262 = tpu.memref_slice %arg14[%dma_wait3A_260, %dma_wait3A_261] : memref<10240x128xf32, #tpu.memory_space<vmem_shared>> -> memref<10240x128xf32, #tpu.memory_space<vmem_shared>>
      tpu.wait_indirect_dma semaphore(%arg22 : memref<!tpu.dma_semaphore, #tpu.memory_space<semaphore_mem>>) src(%arg13 : memref<80x128xf32, #tpu.memory_space<vmem>>) dst(%dma_wait3A_262 : memref<10240x128xf32, #tpu.memory_space<vmem_shared>>)
      %dma_start3A_263 = arith.constant 0 : i32
      %dma_start3A_264 = tpu.memref_slice %arg6[%add3A_256, %dma_start3A_263] : memref<8x80xi32, #tpu.memory_space<vmem>> -> memref<1x80xi32, #tpu.memory_space<vmem>>
      %dma_start3A_265 = tpu.memref_squeeze %dma_start3A_264 : memref<1x80xi32, #tpu.memory_space<vmem>> -> memref<80xi32, #tpu.memory_space<vmem>>
      %dma_start3A_266 = arith.constant 0 : i32
      %dma_start3A_267 = arith.constant 0 : i32
      %dma_start3A_268 = tpu.memref_slice %arg2[%dma_start3A_266, %dma_start3A_267] : memref<10000x128xf32, #tpu.memory_space<hbm>> -> memref<10000x128xf32, #tpu.memory_space<hbm>>
      tpu.enqueue_indirect_dma source(%dma_start3A_268 : memref<10000x128xf32, #tpu.memory_space<hbm>>) target(%arg13 : memref<80x128xf32, #tpu.memory_space<vmem>>) offsets(%dma_start3A_265 : memref<80xi32, #tpu.memory_space<vmem>>) semaphore(%arg18 : memref<!tpu.dma_semaphore, #tpu.memory_space<semaphore_mem>>)
      %scan3A_269 = arith.constant 1 : i32
      %dma_wait3A_270 = arith.constant 4 : i32
      %dma_wait3A_271 = arith.constant 0 : i32
      %dma_wait3A_272 = tpu.memref_slice %arg6[%dma_wait3A_270, %dma_wait3A_271] : memref<8x80xi32, #tpu.memory_space<vmem>> -> memref<1x80xi32, #tpu.memory_space<vmem>>
      %dma_wait3A_273 = tpu.memref_squeeze %dma_wait3A_272 : memref<1x80xi32, #tpu.memory_space<vmem>> -> memref<80xi32, #tpu.memory_space<vmem>>
      %dma_wait3A_274 = arith.constant 0 : i32
      %dma_wait3A_275 = arith.constant 0 : i32
      %dma_wait3A_276 = tpu.memref_slice %arg2[%dma_wait3A_274, %dma_wait3A_275] : memref<10000x128xf32, #tpu.memory_space<hbm>> -> memref<10000x128xf32, #tpu.memory_space<hbm>>
      tpu.wait_indirect_dma semaphore(%arg15 : memref<!tpu.dma_semaphore, #tpu.memory_space<semaphore_mem>>) src(%dma_wait3A_276 : memref<10000x128xf32, #tpu.memory_space<hbm>>) dst(%arg10 : memref<80x128xf32, #tpu.memory_space<vmem>>)
      %dma_start3A_277 = arith.constant 4 : i32
      %dma_start3A_278 = arith.constant 0 : i32
      %dma_start3A_279 = tpu.memref_slice %arg7[%dma_start3A_277, %dma_start3A_278] : memref<8x80xi32, #tpu.memory_space<vmem>> -> memref<1x80xi32, #tpu.memory_space<vmem>>
      %dma_start3A_280 = tpu.memref_squeeze %dma_start3A_279 : memref<1x80xi32, #tpu.memory_space<vmem>> -> memref<80xi32, #tpu.memory_space<vmem>>
      %dma_start3A_281 = arith.constant 0 : i32
      %dma_start3A_282 = arith.constant 0 : i32
      %dma_start3A_283 = tpu.memref_slice %arg14[%dma_start3A_281, %dma_start3A_282] : memref<10240x128xf32, #tpu.memory_space<vmem_shared>> -> memref<10240x128xf32, #tpu.memory_space<vmem_shared>>
      tpu.enqueue_indirect_dma source(%arg10 : memref<80x128xf32, #tpu.memory_space<vmem>>) target(%dma_start3A_283 : memref<10240x128xf32, #tpu.memory_space<vmem_shared>>) offsets(%dma_start3A_280 : memref<80xi32, #tpu.memory_space<vmem>>) semaphore(%arg19 : memref<!tpu.dma_semaphore, #tpu.memory_space<semaphore_mem>>) {add = true}
      %dma_wait3A_284 = arith.constant 5 : i32
      %dma_wait3A_285 = arith.constant 0 : i32
      %dma_wait3A_286 = tpu.memref_slice %arg6[%dma_wait3A_284, %dma_wait3A_285] : memref<8x80xi32, #tpu.memory_space<vmem>> -> memref<1x80xi32, #tpu.memory_space<vmem>>
      %dma_wait3A_287 = tpu.memref_squeeze %dma_wait3A_286 : memref<1x80xi32, #tpu.memory_space<vmem>> -> memref<80xi32, #tpu.memory_space<vmem>>
      %dma_wait3A_288 = arith.constant 0 : i32
      %dma_wait3A_289 = arith.constant 0 : i32
      %dma_wait3A_290 = tpu.memref_slice %arg2[%dma_wait3A_288, %dma_wait3A_289] : memref<10000x128xf32, #tpu.memory_space<hbm>> -> memref<10000x128xf32, #tpu.memory_space<hbm>>
      tpu.wait_indirect_dma semaphore(%arg16 : memref<!tpu.dma_semaphore, #tpu.memory_space<semaphore_mem>>) src(%dma_wait3A_290 : memref<10000x128xf32, #tpu.memory_space<hbm>>) dst(%arg11 : memref<80x128xf32, #tpu.memory_space<vmem>>)
      %dma_start3A_291 = arith.constant 5 : i32
      %dma_start3A_292 = arith.constant 0 : i32
      %dma_start3A_293 = tpu.memref_slice %arg7[%dma_start3A_291, %dma_start3A_292] : memref<8x80xi32, #tpu.memory_space<vmem>> -> memref<1x80xi32, #tpu.memory_space<vmem>>
      %dma_start3A_294 = tpu.memref_squeeze %dma_start3A_293 : memref<1x80xi32, #tpu.memory_space<vmem>> -> memref<80xi32, #tpu.memory_space<vmem>>
      %dma_start3A_295 = arith.constant 0 : i32
      %dma_start3A_296 = arith.constant 0 : i32
      %dma_start3A_297 = tpu.memref_slice %arg14[%dma_start3A_295, %dma_start3A_296] : memref<10240x128xf32, #tpu.memory_space<vmem_shared>> -> memref<10240x128xf32, #tpu.memory_space<vmem_shared>>
      tpu.enqueue_indirect_dma source(%arg11 : memref<80x128xf32, #tpu.memory_space<vmem>>) target(%dma_start3A_297 : memref<10240x128xf32, #tpu.memory_space<vmem_shared>>) offsets(%dma_start3A_294 : memref<80xi32, #tpu.memory_space<vmem>>) semaphore(%arg20 : memref<!tpu.dma_semaphore, #tpu.memory_space<semaphore_mem>>) {add = true}
      %dma_wait3A_298 = arith.constant 6 : i32
      %dma_wait3A_299 = arith.constant 0 : i32
      %dma_wait3A_300 = tpu.memref_slice %arg6[%dma_wait3A_298, %dma_wait3A_299] : memref<8x80xi32, #tpu.memory_space<vmem>> -> memref<1x80xi32, #tpu.memory_space<vmem>>
      %dma_wait3A_301 = tpu.memref_squeeze %dma_wait3A_300 : memref<1x80xi32, #tpu.memory_space<vmem>> -> memref<80xi32, #tpu.memory_space<vmem>>
      %dma_wait3A_302 = arith.constant 0 : i32
      %dma_wait3A_303 = arith.constant 0 : i32
      %dma_wait3A_304 = tpu.memref_slice %arg2[%dma_wait3A_302, %dma_wait3A_303] : memref<10000x128xf32, #tpu.memory_space<hbm>> -> memref<10000x128xf32, #tpu.memory_space<hbm>>
      tpu.wait_indirect_dma semaphore(%arg17 : memref<!tpu.dma_semaphore, #tpu.memory_space<semaphore_mem>>) src(%dma_wait3A_304 : memref<10000x128xf32, #tpu.memory_space<hbm>>) dst(%arg12 : memref<80x128xf32, #tpu.memory_space<vmem>>)
      %dma_start3A_305 = arith.constant 6 : i32
      %dma_start3A_306 = arith.constant 0 : i32
      %dma_start3A_307 = tpu.memref_slice %arg7[%dma_start3A_305, %dma_start3A_306] : memref<8x80xi32, #tpu.memory_space<vmem>> -> memref<1x80xi32, #tpu.memory_space<vmem>>
      %dma_start3A_308 = tpu.memref_squeeze %dma_start3A_307 : memref<1x80xi32, #tpu.memory_space<vmem>> -> memref<80xi32, #tpu.memory_space<vmem>>
      %dma_start3A_309 = arith.constant 0 : i32
      %dma_start3A_310 = arith.constant 0 : i32
      %dma_start3A_311 = tpu.memref_slice %arg14[%dma_start3A_309, %dma_start3A_310] : memref<10240x128xf32, #tpu.memory_space<vmem_shared>> -> memref<10240x128xf32, #tpu.memory_space<vmem_shared>>
      tpu.enqueue_indirect_dma source(%arg12 : memref<80x128xf32, #tpu.memory_space<vmem>>) target(%dma_start3A_311 : memref<10240x128xf32, #tpu.memory_space<vmem_shared>>) offsets(%dma_start3A_308 : memref<80xi32, #tpu.memory_space<vmem>>) semaphore(%arg21 : memref<!tpu.dma_semaphore, #tpu.memory_space<semaphore_mem>>) {add = true}
      %dma_wait3A_312 = arith.constant 7 : i32
      %dma_wait3A_313 = arith.constant 0 : i32
      %dma_wait3A_314 = tpu.memref_slice %arg6[%dma_wait3A_312, %dma_wait3A_313] : memref<8x80xi32, #tpu.memory_space<vmem>> -> memref<1x80xi32, #tpu.memory_space<vmem>>
      %dma_wait3A_315 = tpu.memref_squeeze %dma_wait3A_314 : memref<1x80xi32, #tpu.memory_space<vmem>> -> memref<80xi32, #tpu.memory_space<vmem>>
      %dma_wait3A_316 = arith.constant 0 : i32
      %dma_wait3A_317 = arith.constant 0 : i32
      %dma_wait3A_318 = tpu.memref_slice %arg2[%dma_wait3A_316, %dma_wait3A_317] : memref<10000x128xf32, #tpu.memory_space<hbm>> -> memref<10000x128xf32, #tpu.memory_space<hbm>>
      tpu.wait_indirect_dma semaphore(%arg18 : memref<!tpu.dma_semaphore, #tpu.memory_space<semaphore_mem>>) src(%dma_wait3A_318 : memref<10000x128xf32, #tpu.memory_space<hbm>>) dst(%arg13 : memref<80x128xf32, #tpu.memory_space<vmem>>)
      %dma_start3A_319 = arith.constant 7 : i32
      %dma_start3A_320 = arith.constant 0 : i32
      %dma_start3A_321 = tpu.memref_slice %arg7[%dma_start3A_319, %dma_start3A_320] : memref<8x80xi32, #tpu.memory_space<vmem>> -> memref<1x80xi32, #tpu.memory_space<vmem>>
      %dma_start3A_322 = tpu.memref_squeeze %dma_start3A_321 : memref<1x80xi32, #tpu.memory_space<vmem>> -> memref<80xi32, #tpu.memory_space<vmem>>
      %dma_start3A_323 = arith.constant 0 : i32
      %dma_start3A_324 = arith.constant 0 : i32
      %dma_start3A_325 = tpu.memref_slice %arg14[%dma_start3A_323, %dma_start3A_324] : memref<10240x128xf32, #tpu.memory_space<vmem_shared>> -> memref<10240x128xf32, #tpu.memory_space<vmem_shared>>
      tpu.enqueue_indirect_dma source(%arg13 : memref<80x128xf32, #tpu.memory_space<vmem>>) target(%dma_start3A_325 : memref<10240x128xf32, #tpu.memory_space<vmem_shared>>) offsets(%dma_start3A_322 : memref<80xi32, #tpu.memory_space<vmem>>) semaphore(%arg22 : memref<!tpu.dma_semaphore, #tpu.memory_space<semaphore_mem>>) {add = true}
      %dma_wait3A_326 = arith.constant 0 : i32
      %dma_wait3A_327 = tpu.memref_slice %arg3[%add3A, %mul3A_114, %dma_wait3A_326] : memref<32x136x80xi32, #tpu.memory_space<hbm>> -> memref<1x8x80xi32, #tpu.memory_space<hbm>>
      %dma_wait3A_328 = tpu.memref_squeeze %dma_wait3A_327 : memref<1x8x80xi32, #tpu.memory_space<hbm>> -> memref<8x80xi32, #tpu.memory_space<hbm>>
      %dma_wait3A_329 = arith.constant 0 : i32
      %dma_wait3A_330 = tpu.memref_slice %arg3[%add3A, %mul3A_114, %dma_wait3A_329] : memref<32x136x80xi32, #tpu.memory_space<hbm>> -> memref<1x8x80xi32, #tpu.memory_space<hbm>>
      %dma_wait3A_331 = tpu.memref_squeeze %dma_wait3A_330 : memref<1x8x80xi32, #tpu.memory_space<hbm>> -> memref<8x80xi32, #tpu.memory_space<hbm>>
      tpu.wait_dma2 semaphore(%arg23 : memref<!tpu.dma_semaphore, #tpu.memory_space<semaphore_mem>>) src(%dma_wait3A_331 : memref<8x80xi32, #tpu.memory_space<hbm>>) dst(%arg8 : memref<8x80xi32, #tpu.memory_space<vmem>>)
      %dma_wait3A_332 = arith.constant 0 : i32
      %dma_wait3A_333 = tpu.memref_slice %arg4[%add3A, %mul3A_124, %dma_wait3A_332] : memref<32x136x80xi32, #tpu.memory_space<hbm>> -> memref<1x8x80xi32, #tpu.memory_space<hbm>>
      %dma_wait3A_334 = tpu.memref_squeeze %dma_wait3A_333 : memref<1x8x80xi32, #tpu.memory_space<hbm>> -> memref<8x80xi32, #tpu.memory_space<hbm>>
      %dma_wait3A_335 = arith.constant 0 : i32
      %dma_wait3A_336 = tpu.memref_slice %arg4[%add3A, %mul3A_124, %dma_wait3A_335] : memref<32x136x80xi32, #tpu.memory_space<hbm>> -> memref<1x8x80xi32, #tpu.memory_space<hbm>>
      %dma_wait3A_337 = tpu.memref_squeeze %dma_wait3A_336 : memref<1x8x80xi32, #tpu.memory_space<hbm>> -> memref<8x80xi32, #tpu.memory_space<hbm>>
      tpu.wait_dma2 semaphore(%arg24 : memref<!tpu.dma_semaphore, #tpu.memory_space<semaphore_mem>>) src(%dma_wait3A_337 : memref<8x80xi32, #tpu.memory_space<hbm>>) dst(%arg9 : memref<8x80xi32, #tpu.memory_space<vmem>>)
      %dma_wait3A_338 = arith.constant 0 : i32
      %dma_wait3A_339 = arith.constant 0 : i32
      %dma_wait3A_340 = tpu.memref_slice %arg7[%dma_wait3A_338, %dma_wait3A_339] : memref<8x80xi32, #tpu.memory_space<vmem>> -> memref<1x80xi32, #tpu.memory_space<vmem>>
      %dma_wait3A_341 = tpu.memref_squeeze %dma_wait3A_340 : memref<1x80xi32, #tpu.memory_space<vmem>> -> memref<80xi32, #tpu.memory_space<vmem>>
      %dma_wait3A_342 = arith.constant 0 : i32
      %dma_wait3A_343 = arith.constant 0 : i32
      %dma_wait3A_344 = tpu.memref_slice %arg14[%dma_wait3A_342, %dma_wait3A_343] : memref<10240x128xf32, #tpu.memory_space<vmem_shared>> -> memref<10240x128xf32, #tpu.memory_space<vmem_shared>>
      tpu.wait_indirect_dma semaphore(%arg19 : memref<!tpu.dma_semaphore, #tpu.memory_space<semaphore_mem>>) src(%arg10 : memref<80x128xf32, #tpu.memory_space<vmem>>) dst(%dma_wait3A_344 : memref<10240x128xf32, #tpu.memory_space<vmem_shared>>)
      %dma_start3A_345 = arith.constant 0 : i32
      %dma_start3A_346 = arith.constant 0 : i32
      %dma_start3A_347 = tpu.memref_slice %arg8[%dma_start3A_345, %dma_start3A_346] : memref<8x80xi32, #tpu.memory_space<vmem>> -> memref<1x80xi32, #tpu.memory_space<vmem>>
      %dma_start3A_348 = tpu.memref_squeeze %dma_start3A_347 : memref<1x80xi32, #tpu.memory_space<vmem>> -> memref<80xi32, #tpu.memory_space<vmem>>
      %dma_start3A_349 = arith.constant 0 : i32
      %dma_start3A_350 = arith.constant 0 : i32
      %dma_start3A_351 = tpu.memref_slice %arg2[%dma_start3A_349, %dma_start3A_350] : memref<10000x128xf32, #tpu.memory_space<hbm>> -> memref<10000x128xf32, #tpu.memory_space<hbm>>
      tpu.enqueue_indirect_dma source(%dma_start3A_351 : memref<10000x128xf32, #tpu.memory_space<hbm>>) target(%arg10 : memref<80x128xf32, #tpu.memory_space<vmem>>) offsets(%dma_start3A_348 : memref<80xi32, #tpu.memory_space<vmem>>) semaphore(%arg15 : memref<!tpu.dma_semaphore, #tpu.memory_space<semaphore_mem>>)
      %dma_wait3A_352 = arith.constant 1 : i32
      %dma_wait3A_353 = arith.constant 0 : i32
      %dma_wait3A_354 = tpu.memref_slice %arg7[%dma_wait3A_352, %dma_wait3A_353] : memref<8x80xi32, #tpu.memory_space<vmem>> -> memref<1x80xi32, #tpu.memory_space<vmem>>
      %dma_wait3A_355 = tpu.memref_squeeze %dma_wait3A_354 : memref<1x80xi32, #tpu.memory_space<vmem>> -> memref<80xi32, #tpu.memory_space<vmem>>
      %dma_wait3A_356 = arith.constant 0 : i32
      %dma_wait3A_357 = arith.constant 0 : i32
      %dma_wait3A_358 = tpu.memref_slice %arg14[%dma_wait3A_356, %dma_wait3A_357] : memref<10240x128xf32, #tpu.memory_space<vmem_shared>> -> memref<10240x128xf32, #tpu.memory_space<vmem_shared>>
      tpu.wait_indirect_dma semaphore(%arg20 : memref<!tpu.dma_semaphore, #tpu.memory_space<semaphore_mem>>) src(%arg11 : memref<80x128xf32, #tpu.memory_space<vmem>>) dst(%dma_wait3A_358 : memref<10240x128xf32, #tpu.memory_space<vmem_shared>>)
      %dma_start3A_359 = arith.constant 1 : i32
      %dma_start3A_360 = arith.constant 0 : i32
      %dma_start3A_361 = tpu.memref_slice %arg8[%dma_start3A_359, %dma_start3A_360] : memref<8x80xi32, #tpu.memory_space<vmem>> -> memref<1x80xi32, #tpu.memory_space<vmem>>
      %dma_start3A_362 = tpu.memref_squeeze %dma_start3A_361 : memref<1x80xi32, #tpu.memory_space<vmem>> -> memref<80xi32, #tpu.memory_space<vmem>>
      %dma_start3A_363 = arith.constant 0 : i32
      %dma_start3A_364 = arith.constant 0 : i32
      %dma_start3A_365 = tpu.memref_slice %arg2[%dma_start3A_363, %dma_start3A_364] : memref<10000x128xf32, #tpu.memory_space<hbm>> -> memref<10000x128xf32, #tpu.memory_space<hbm>>
      tpu.enqueue_indirect_dma source(%dma_start3A_365 : memref<10000x128xf32, #tpu.memory_space<hbm>>) target(%arg11 : memref<80x128xf32, #tpu.memory_space<vmem>>) offsets(%dma_start3A_362 : memref<80xi32, #tpu.memory_space<vmem>>) semaphore(%arg16 : memref<!tpu.dma_semaphore, #tpu.memory_space<semaphore_mem>>)
      %dma_wait3A_366 = arith.constant 2 : i32
      %dma_wait3A_367 = arith.constant 0 : i32
      %dma_wait3A_368 = tpu.memref_slice %arg7[%dma_wait3A_366, %dma_wait3A_367] : memref<8x80xi32, #tpu.memory_space<vmem>> -> memref<1x80xi32, #tpu.memory_space<vmem>>
      %dma_wait3A_369 = tpu.memref_squeeze %dma_wait3A_368 : memref<1x80xi32, #tpu.memory_space<vmem>> -> memref<80xi32, #tpu.memory_space<vmem>>
      %dma_wait3A_370 = arith.constant 0 : i32
      %dma_wait3A_371 = arith.constant 0 : i32
      %dma_wait3A_372 = tpu.memref_slice %arg14[%dma_wait3A_370, %dma_wait3A_371] : memref<10240x128xf32, #tpu.memory_space<vmem_shared>> -> memref<10240x128xf32, #tpu.memory_space<vmem_shared>>
      tpu.wait_indirect_dma semaphore(%arg21 : memref<!tpu.dma_semaphore, #tpu.memory_space<semaphore_mem>>) src(%arg12 : memref<80x128xf32, #tpu.memory_space<vmem>>) dst(%dma_wait3A_372 : memref<10240x128xf32, #tpu.memory_space<vmem_shared>>)
      %dma_start3A_373 = arith.constant 2 : i32
      %dma_start3A_374 = arith.constant 0 : i32
      %dma_start3A_375 = tpu.memref_slice %arg8[%dma_start3A_373, %dma_start3A_374] : memref<8x80xi32, #tpu.memory_space<vmem>> -> memref<1x80xi32, #tpu.memory_space<vmem>>
      %dma_start3A_376 = tpu.memref_squeeze %dma_start3A_375 : memref<1x80xi32, #tpu.memory_space<vmem>> -> memref<80xi32, #tpu.memory_space<vmem>>
      %dma_start3A_377 = arith.constant 0 : i32
      %dma_start3A_378 = arith.constant 0 : i32
      %dma_start3A_379 = tpu.memref_slice %arg2[%dma_start3A_377, %dma_start3A_378] : memref<10000x128xf32, #tpu.memory_space<hbm>> -> memref<10000x128xf32, #tpu.memory_space<hbm>>
      tpu.enqueue_indirect_dma source(%dma_start3A_379 : memref<10000x128xf32, #tpu.memory_space<hbm>>) target(%arg12 : memref<80x128xf32, #tpu.memory_space<vmem>>) offsets(%dma_start3A_376 : memref<80xi32, #tpu.memory_space<vmem>>) semaphore(%arg17 : memref<!tpu.dma_semaphore, #tpu.memory_space<semaphore_mem>>)
      %dma_wait3A_380 = arith.constant 3 : i32
      %dma_wait3A_381 = arith.constant 0 : i32
      %dma_wait3A_382 = tpu.memref_slice %arg7[%dma_wait3A_380, %dma_wait3A_381] : memref<8x80xi32, #tpu.memory_space<vmem>> -> memref<1x80xi32, #tpu.memory_space<vmem>>
      %dma_wait3A_383 = tpu.memref_squeeze %dma_wait3A_382 : memref<1x80xi32, #tpu.memory_space<vmem>> -> memref<80xi32, #tpu.memory_space<vmem>>
      %dma_wait3A_384 = arith.constant 0 : i32
      %dma_wait3A_385 = arith.constant 0 : i32
      %dma_wait3A_386 = tpu.memref_slice %arg14[%dma_wait3A_384, %dma_wait3A_385] : memref<10240x128xf32, #tpu.memory_space<vmem_shared>> -> memref<10240x128xf32, #tpu.memory_space<vmem_shared>>
      tpu.wait_indirect_dma semaphore(%arg22 : memref<!tpu.dma_semaphore, #tpu.memory_space<semaphore_mem>>) src(%arg13 : memref<80x128xf32, #tpu.memory_space<vmem>>) dst(%dma_wait3A_386 : memref<10240x128xf32, #tpu.memory_space<vmem_shared>>)
      %dma_start3A_387 = arith.constant 3 : i32
      %dma_start3A_388 = arith.constant 0 : i32
      %dma_start3A_389 = tpu.memref_slice %arg8[%dma_start3A_387, %dma_start3A_388] : memref<8x80xi32, #tpu.memory_space<vmem>> -> memref<1x80xi32, #tpu.memory_space<vmem>>
      %dma_start3A_390 = tpu.memref_squeeze %dma_start3A_389 : memref<1x80xi32, #tpu.memory_space<vmem>> -> memref<80xi32, #tpu.memory_space<vmem>>
      %dma_start3A_391 = arith.constant 0 : i32
      %dma_start3A_392 = arith.constant 0 : i32
      %dma_start3A_393 = tpu.memref_slice %arg2[%dma_start3A_391, %dma_start3A_392] : memref<10000x128xf32, #tpu.memory_space<hbm>> -> memref<10000x128xf32, #tpu.memory_space<hbm>>
      tpu.enqueue_indirect_dma source(%dma_start3A_393 : memref<10000x128xf32, #tpu.memory_space<hbm>>) target(%arg13 : memref<80x128xf32, #tpu.memory_space<vmem>>) offsets(%dma_start3A_390 : memref<80xi32, #tpu.memory_space<vmem>>) semaphore(%arg18 : memref<!tpu.dma_semaphore, #tpu.memory_space<semaphore_mem>>)
      %mul3A_394 = arith.constant 2 : i32
      %mul3A_395 = arith.muli %mul3A_394, %scan3A_108 : i32
      %add3A_396 = arith.constant 1 : i32
      %add3A_397 = arith.addi %mul3A_395, %add3A_396 : i32
      %add3A_398 = arith.constant 1 : i32
      %add3A_399 = arith.addi %add3A_397, %add3A_398 : i32
      %mul3A_400 = arith.constant 8 : i32
      %mul3A_401 = arith.muli %add3A_399, %mul3A_400 : i32
      %dma_start3A_402 = arith.constant 0 : i32
      %dma_start3A_403 = tpu.memref_slice %arg3[%add3A, %mul3A_401, %dma_start3A_402] : memref<32x136x80xi32, #tpu.memory_space<hbm>> -> memref<1x8x80xi32, #tpu.memory_space<hbm>>
      %dma_start3A_404 = tpu.memref_squeeze %dma_start3A_403 : memref<1x8x80xi32, #tpu.memory_space<hbm>> -> memref<8x80xi32, #tpu.memory_space<hbm>>
      %dma_start3A_405 = arith.constant 0 : i32
      %dma_start3A_406 = tpu.memref_slice %arg3[%add3A, %mul3A_401, %dma_start3A_405] : memref<32x136x80xi32, #tpu.memory_space<hbm>> -> memref<1x8x80xi32, #tpu.memory_space<hbm>>
      %dma_start3A_407 = tpu.memref_squeeze %dma_start3A_406 : memref<1x8x80xi32, #tpu.memory_space<hbm>> -> memref<8x80xi32, #tpu.memory_space<hbm>>
      tpu.enqueue_dma source(%dma_start3A_407 : memref<8x80xi32, #tpu.memory_space<hbm>>) target(%arg6 : memref<8x80xi32, #tpu.memory_space<vmem>>) target_semaphore(%arg23 : memref<!tpu.dma_semaphore, #tpu.memory_space<semaphore_mem>>)
      %add3A_408 = arith.constant 1 : i32
      %add3A_409 = arith.addi %add3A_397, %add3A_408 : i32
      %mul3A_410 = arith.constant 8 : i32
      %mul3A_411 = arith.muli %add3A_409, %mul3A_410 : i32
      %dma_start3A_412 = arith.constant 0 : i32
      %dma_start3A_413 = tpu.memref_slice %arg4[%add3A, %mul3A_411, %dma_start3A_412] : memref<32x136x80xi32, #tpu.memory_space<hbm>> -> memref<1x8x80xi32, #tpu.memory_space<hbm>>
      %dma_start3A_414 = tpu.memref_squeeze %dma_start3A_413 : memref<1x8x80xi32, #tpu.memory_space<hbm>> -> memref<8x80xi32, #tpu.memory_space<hbm>>
      %dma_start3A_415 = arith.constant 0 : i32
      %dma_start3A_416 = tpu.memref_slice %arg4[%add3A, %mul3A_411, %dma_start3A_415] : memref<32x136x80xi32, #tpu.memory_space<hbm>> -> memref<1x8x80xi32, #tpu.memory_space<hbm>>
      %dma_start3A_417 = tpu.memref_squeeze %dma_start3A_416 : memref<1x8x80xi32, #tpu.memory_space<hbm>> -> memref<8x80xi32, #tpu.memory_space<hbm>>
      tpu.enqueue_dma source(%dma_start3A_417 : memref<8x80xi32, #tpu.memory_space<hbm>>) target(%arg7 : memref<8x80xi32, #tpu.memory_space<vmem>>) target_semaphore(%arg24 : memref<!tpu.dma_semaphore, #tpu.memory_space<semaphore_mem>>)
      %scan3A_418 = arith.constant 0 : i32
      %scan3A_419 = arith.constant 0 : i32
      %mul3A_420 = arith.constant 4 : i32
      %mul3A_421 = arith.muli %scan3A_419, %mul3A_420 : i32
      %add3A_422 = arith.constant 0 : i32
      %add3A_423 = arith.addi %mul3A_421, %add3A_422 : i32
      %dma_wait3A_424 = arith.constant 0 : i32
      %dma_wait3A_425 = tpu.memref_slice %arg8[%add3A_423, %dma_wait3A_424] : memref<8x80xi32, #tpu.memory_space<vmem>> -> memref<1x80xi32, #tpu.memory_space<vmem>>
      %dma_wait3A_426 = tpu.memref_squeeze %dma_wait3A_425 : memref<1x80xi32, #tpu.memory_space<vmem>> -> memref<80xi32, #tpu.memory_space<vmem>>
      %dma_wait3A_427 = arith.constant 0 : i32
      %dma_wait3A_428 = arith.constant 0 : i32
      %dma_wait3A_429 = tpu.memref_slice %arg2[%dma_wait3A_427, %dma_wait3A_428] : memref<10000x128xf32, #tpu.memory_space<hbm>> -> memref<10000x128xf32, #tpu.memory_space<hbm>>
      tpu.wait_indirect_dma semaphore(%arg15 : memref<!tpu.dma_semaphore, #tpu.memory_space<semaphore_mem>>) src(%dma_wait3A_429 : memref<10000x128xf32, #tpu.memory_space<hbm>>) dst(%arg10 : memref<80x128xf32, #tpu.memory_space<vmem>>)
      %dma_start3A_430 = arith.constant 0 : i32
      %dma_start3A_431 = tpu.memref_slice %arg9[%add3A_423, %dma_start3A_430] : memref<8x80xi32, #tpu.memory_space<vmem>> -> memref<1x80xi32, #tpu.memory_space<vmem>>
      %dma_start3A_432 = tpu.memref_squeeze %dma_start3A_431 : memref<1x80xi32, #tpu.memory_space<vmem>> -> memref<80xi32, #tpu.memory_space<vmem>>
      %dma_start3A_433 = arith.constant 0 : i32
      %dma_start3A_434 = arith.constant 0 : i32
      %dma_start3A_435 = tpu.memref_slice %arg14[%dma_start3A_433, %dma_start3A_434] : memref<10240x128xf32, #tpu.memory_space<vmem_shared>> -> memref<10240x128xf32, #tpu.memory_space<vmem_shared>>
      tpu.enqueue_indirect_dma source(%arg10 : memref<80x128xf32, #tpu.memory_space<vmem>>) target(%dma_start3A_435 : memref<10240x128xf32, #tpu.memory_space<vmem_shared>>) offsets(%dma_start3A_432 : memref<80xi32, #tpu.memory_space<vmem>>) semaphore(%arg19 : memref<!tpu.dma_semaphore, #tpu.memory_space<semaphore_mem>>) {add = true}
      %mul3A_436 = arith.constant 4 : i32
      %mul3A_437 = arith.muli %scan3A_419, %mul3A_436 : i32
      %add3A_438 = arith.constant 1 : i32
      %add3A_439 = arith.addi %mul3A_437, %add3A_438 : i32
      %dma_wait3A_440 = arith.constant 0 : i32
      %dma_wait3A_441 = tpu.memref_slice %arg8[%add3A_439, %dma_wait3A_440] : memref<8x80xi32, #tpu.memory_space<vmem>> -> memref<1x80xi32, #tpu.memory_space<vmem>>
      %dma_wait3A_442 = tpu.memref_squeeze %dma_wait3A_441 : memref<1x80xi32, #tpu.memory_space<vmem>> -> memref<80xi32, #tpu.memory_space<vmem>>
      %dma_wait3A_443 = arith.constant 0 : i32
      %dma_wait3A_444 = arith.constant 0 : i32
      %dma_wait3A_445 = tpu.memref_slice %arg2[%dma_wait3A_443, %dma_wait3A_444] : memref<10000x128xf32, #tpu.memory_space<hbm>> -> memref<10000x128xf32, #tpu.memory_space<hbm>>
      tpu.wait_indirect_dma semaphore(%arg16 : memref<!tpu.dma_semaphore, #tpu.memory_space<semaphore_mem>>) src(%dma_wait3A_445 : memref<10000x128xf32, #tpu.memory_space<hbm>>) dst(%arg11 : memref<80x128xf32, #tpu.memory_space<vmem>>)
      %dma_start3A_446 = arith.constant 0 : i32
      %dma_start3A_447 = tpu.memref_slice %arg9[%add3A_439, %dma_start3A_446] : memref<8x80xi32, #tpu.memory_space<vmem>> -> memref<1x80xi32, #tpu.memory_space<vmem>>
      %dma_start3A_448 = tpu.memref_squeeze %dma_start3A_447 : memref<1x80xi32, #tpu.memory_space<vmem>> -> memref<80xi32, #tpu.memory_space<vmem>>
      %dma_start3A_449 = arith.constant 0 : i32
      %dma_start3A_450 = arith.constant 0 : i32
      %dma_start3A_451 = tpu.memref_slice %arg14[%dma_start3A_449, %dma_start3A_450] : memref<10240x128xf32, #tpu.memory_space<vmem_shared>> -> memref<10240x128xf32, #tpu.memory_space<vmem_shared>>
      tpu.enqueue_indirect_dma source(%arg11 : memref<80x128xf32, #tpu.memory_space<vmem>>) target(%dma_start3A_451 : memref<10240x128xf32, #tpu.memory_space<vmem_shared>>) offsets(%dma_start3A_448 : memref<80xi32, #tpu.memory_space<vmem>>) semaphore(%arg20 : memref<!tpu.dma_semaphore, #tpu.memory_space<semaphore_mem>>) {add = true}
      %mul3A_452 = arith.constant 4 : i32
      %mul3A_453 = arith.muli %scan3A_419, %mul3A_452 : i32
      %add3A_454 = arith.constant 2 : i32
      %add3A_455 = arith.addi %mul3A_453, %add3A_454 : i32
      %dma_wait3A_456 = arith.constant 0 : i32
      %dma_wait3A_457 = tpu.memref_slice %arg8[%add3A_455, %dma_wait3A_456] : memref<8x80xi32, #tpu.memory_space<vmem>> -> memref<1x80xi32, #tpu.memory_space<vmem>>
      %dma_wait3A_458 = tpu.memref_squeeze %dma_wait3A_457 : memref<1x80xi32, #tpu.memory_space<vmem>> -> memref<80xi32, #tpu.memory_space<vmem>>
      %dma_wait3A_459 = arith.constant 0 : i32
      %dma_wait3A_460 = arith.constant 0 : i32
      %dma_wait3A_461 = tpu.memref_slice %arg2[%dma_wait3A_459, %dma_wait3A_460] : memref<10000x128xf32, #tpu.memory_space<hbm>> -> memref<10000x128xf32, #tpu.memory_space<hbm>>
      tpu.wait_indirect_dma semaphore(%arg17 : memref<!tpu.dma_semaphore, #tpu.memory_space<semaphore_mem>>) src(%dma_wait3A_461 : memref<10000x128xf32, #tpu.memory_space<hbm>>) dst(%arg12 : memref<80x128xf32, #tpu.memory_space<vmem>>)
      %dma_start3A_462 = arith.constant 0 : i32
      %dma_start3A_463 = tpu.memref_slice %arg9[%add3A_455, %dma_start3A_462] : memref<8x80xi32, #tpu.memory_space<vmem>> -> memref<1x80xi32, #tpu.memory_space<vmem>>
      %dma_start3A_464 = tpu.memref_squeeze %dma_start3A_463 : memref<1x80xi32, #tpu.memory_space<vmem>> -> memref<80xi32, #tpu.memory_space<vmem>>
      %dma_start3A_465 = arith.constant 0 : i32
      %dma_start3A_466 = arith.constant 0 : i32
      %dma_start3A_467 = tpu.memref_slice %arg14[%dma_start3A_465, %dma_start3A_466] : memref<10240x128xf32, #tpu.memory_space<vmem_shared>> -> memref<10240x128xf32, #tpu.memory_space<vmem_shared>>
      tpu.enqueue_indirect_dma source(%arg12 : memref<80x128xf32, #tpu.memory_space<vmem>>) target(%dma_start3A_467 : memref<10240x128xf32, #tpu.memory_space<vmem_shared>>) offsets(%dma_start3A_464 : memref<80xi32, #tpu.memory_space<vmem>>) semaphore(%arg21 : memref<!tpu.dma_semaphore, #tpu.memory_space<semaphore_mem>>) {add = true}
      %mul3A_468 = arith.constant 4 : i32
      %mul3A_469 = arith.muli %scan3A_419, %mul3A_468 : i32
      %add3A_470 = arith.constant 3 : i32
      %add3A_471 = arith.addi %mul3A_469, %add3A_470 : i32
      %dma_wait3A_472 = arith.constant 0 : i32
      %dma_wait3A_473 = tpu.memref_slice %arg8[%add3A_471, %dma_wait3A_472] : memref<8x80xi32, #tpu.memory_space<vmem>> -> memref<1x80xi32, #tpu.memory_space<vmem>>
      %dma_wait3A_474 = tpu.memref_squeeze %dma_wait3A_473 : memref<1x80xi32, #tpu.memory_space<vmem>> -> memref<80xi32, #tpu.memory_space<vmem>>
      %dma_wait3A_475 = arith.constant 0 : i32
      %dma_wait3A_476 = arith.constant 0 : i32
      %dma_wait3A_477 = tpu.memref_slice %arg2[%dma_wait3A_475, %dma_wait3A_476] : memref<10000x128xf32, #tpu.memory_space<hbm>> -> memref<10000x128xf32, #tpu.memory_space<hbm>>
      tpu.wait_indirect_dma semaphore(%arg18 : memref<!tpu.dma_semaphore, #tpu.memory_space<semaphore_mem>>) src(%dma_wait3A_477 : memref<10000x128xf32, #tpu.memory_space<hbm>>) dst(%arg13 : memref<80x128xf32, #tpu.memory_space<vmem>>)
      %dma_start3A_478 = arith.constant 0 : i32
      %dma_start3A_479 = tpu.memref_slice %arg9[%add3A_471, %dma_start3A_478] : memref<8x80xi32, #tpu.memory_space<vmem>> -> memref<1x80xi32, #tpu.memory_space<vmem>>
      %dma_start3A_480 = tpu.memref_squeeze %dma_start3A_479 : memref<1x80xi32, #tpu.memory_space<vmem>> -> memref<80xi32, #tpu.memory_space<vmem>>
      %dma_start3A_481 = arith.constant 0 : i32
      %dma_start3A_482 = arith.constant 0 : i32
      %dma_start3A_483 = tpu.memref_slice %arg14[%dma_start3A_481, %dma_start3A_482] : memref<10240x128xf32, #tpu.memory_space<vmem_shared>> -> memref<10240x128xf32, #tpu.memory_space<vmem_shared>>
      tpu.enqueue_indirect_dma source(%arg13 : memref<80x128xf32, #tpu.memory_space<vmem>>) target(%dma_start3A_483 : memref<10240x128xf32, #tpu.memory_space<vmem_shared>>) offsets(%dma_start3A_480 : memref<80xi32, #tpu.memory_space<vmem>>) semaphore(%arg22 : memref<!tpu.dma_semaphore, #tpu.memory_space<semaphore_mem>>) {add = true}
      %add3A_484 = arith.constant 1 : i32
      %add3A_485 = arith.addi %scan3A_419, %add3A_484 : i32
      %mul3A_486 = arith.constant 4 : i32
      %mul3A_487 = arith.muli %add3A_485, %mul3A_486 : i32
      %add3A_488 = arith.constant 0 : i32
      %add3A_489 = arith.addi %mul3A_487, %add3A_488 : i32
      %dma_wait3A_490 = arith.constant 0 : i32
      %dma_wait3A_491 = tpu.memref_slice %arg9[%add3A_489, %dma_wait3A_490] : memref<8x80xi32, #tpu.memory_space<vmem>> -> memref<1x80xi32, #tpu.memory_space<vmem>>
      %dma_wait3A_492 = tpu.memref_squeeze %dma_wait3A_491 : memref<1x80xi32, #tpu.memory_space<vmem>> -> memref<80xi32, #tpu.memory_space<vmem>>
      %dma_wait3A_493 = arith.constant 0 : i32
      %dma_wait3A_494 = arith.constant 0 : i32
      %dma_wait3A_495 = tpu.memref_slice %arg14[%dma_wait3A_493, %dma_wait3A_494] : memref<10240x128xf32, #tpu.memory_space<vmem_shared>> -> memref<10240x128xf32, #tpu.memory_space<vmem_shared>>
      tpu.wait_indirect_dma semaphore(%arg19 : memref<!tpu.dma_semaphore, #tpu.memory_space<semaphore_mem>>) src(%arg10 : memref<80x128xf32, #tpu.memory_space<vmem>>) dst(%dma_wait3A_495 : memref<10240x128xf32, #tpu.memory_space<vmem_shared>>)
      %dma_start3A_496 = arith.constant 0 : i32
      %dma_start3A_497 = tpu.memref_slice %arg8[%add3A_489, %dma_start3A_496] : memref<8x80xi32, #tpu.memory_space<vmem>> -> memref<1x80xi32, #tpu.memory_space<vmem>>
      %dma_start3A_498 = tpu.memref_squeeze %dma_start3A_497 : memref<1x80xi32, #tpu.memory_space<vmem>> -> memref<80xi32, #tpu.memory_space<vmem>>
      %dma_start3A_499 = arith.constant 0 : i32
      %dma_start3A_500 = arith.constant 0 : i32
      %dma_start3A_501 = tpu.memref_slice %arg2[%dma_start3A_499, %dma_start3A_500] : memref<10000x128xf32, #tpu.memory_space<hbm>> -> memref<10000x128xf32, #tpu.memory_space<hbm>>
      tpu.enqueue_indirect_dma source(%dma_start3A_501 : memref<10000x128xf32, #tpu.memory_space<hbm>>) target(%arg10 : memref<80x128xf32, #tpu.memory_space<vmem>>) offsets(%dma_start3A_498 : memref<80xi32, #tpu.memory_space<vmem>>) semaphore(%arg15 : memref<!tpu.dma_semaphore, #tpu.memory_space<semaphore_mem>>)
      %add3A_502 = arith.constant 1 : i32
      %add3A_503 = arith.addi %scan3A_419, %add3A_502 : i32
      %mul3A_504 = arith.constant 4 : i32
      %mul3A_505 = arith.muli %add3A_503, %mul3A_504 : i32
      %add3A_506 = arith.constant 1 : i32
      %add3A_507 = arith.addi %mul3A_505, %add3A_506 : i32
      %dma_wait3A_508 = arith.constant 0 : i32
      %dma_wait3A_509 = tpu.memref_slice %arg9[%add3A_507, %dma_wait3A_508] : memref<8x80xi32, #tpu.memory_space<vmem>> -> memref<1x80xi32, #tpu.memory_space<vmem>>
      %dma_wait3A_510 = tpu.memref_squeeze %dma_wait3A_509 : memref<1x80xi32, #tpu.memory_space<vmem>> -> memref<80xi32, #tpu.memory_space<vmem>>
      %dma_wait3A_511 = arith.constant 0 : i32
      %dma_wait3A_512 = arith.constant 0 : i32
      %dma_wait3A_513 = tpu.memref_slice %arg14[%dma_wait3A_511, %dma_wait3A_512] : memref<10240x128xf32, #tpu.memory_space<vmem_shared>> -> memref<10240x128xf32, #tpu.memory_space<vmem_shared>>
      tpu.wait_indirect_dma semaphore(%arg20 : memref<!tpu.dma_semaphore, #tpu.memory_space<semaphore_mem>>) src(%arg11 : memref<80x128xf32, #tpu.memory_space<vmem>>) dst(%dma_wait3A_513 : memref<10240x128xf32, #tpu.memory_space<vmem_shared>>)
      %dma_start3A_514 = arith.constant 0 : i32
      %dma_start3A_515 = tpu.memref_slice %arg8[%add3A_507, %dma_start3A_514] : memref<8x80xi32, #tpu.memory_space<vmem>> -> memref<1x80xi32, #tpu.memory_space<vmem>>
      %dma_start3A_516 = tpu.memref_squeeze %dma_start3A_515 : memref<1x80xi32, #tpu.memory_space<vmem>> -> memref<80xi32, #tpu.memory_space<vmem>>
      %dma_start3A_517 = arith.constant 0 : i32
      %dma_start3A_518 = arith.constant 0 : i32
      %dma_start3A_519 = tpu.memref_slice %arg2[%dma_start3A_517, %dma_start3A_518] : memref<10000x128xf32, #tpu.memory_space<hbm>> -> memref<10000x128xf32, #tpu.memory_space<hbm>>
      tpu.enqueue_indirect_dma source(%dma_start3A_519 : memref<10000x128xf32, #tpu.memory_space<hbm>>) target(%arg11 : memref<80x128xf32, #tpu.memory_space<vmem>>) offsets(%dma_start3A_516 : memref<80xi32, #tpu.memory_space<vmem>>) semaphore(%arg16 : memref<!tpu.dma_semaphore, #tpu.memory_space<semaphore_mem>>)
      %add3A_520 = arith.constant 1 : i32
      %add3A_521 = arith.addi %scan3A_419, %add3A_520 : i32
      %mul3A_522 = arith.constant 4 : i32
      %mul3A_523 = arith.muli %add3A_521, %mul3A_522 : i32
      %add3A_524 = arith.constant 2 : i32
      %add3A_525 = arith.addi %mul3A_523, %add3A_524 : i32
      %dma_wait3A_526 = arith.constant 0 : i32
      %dma_wait3A_527 = tpu.memref_slice %arg9[%add3A_525, %dma_wait3A_526] : memref<8x80xi32, #tpu.memory_space<vmem>> -> memref<1x80xi32, #tpu.memory_space<vmem>>
      %dma_wait3A_528 = tpu.memref_squeeze %dma_wait3A_527 : memref<1x80xi32, #tpu.memory_space<vmem>> -> memref<80xi32, #tpu.memory_space<vmem>>
      %dma_wait3A_529 = arith.constant 0 : i32
      %dma_wait3A_530 = arith.constant 0 : i32
      %dma_wait3A_531 = tpu.memref_slice %arg14[%dma_wait3A_529, %dma_wait3A_530] : memref<10240x128xf32, #tpu.memory_space<vmem_shared>> -> memref<10240x128xf32, #tpu.memory_space<vmem_shared>>
      tpu.wait_indirect_dma semaphore(%arg21 : memref<!tpu.dma_semaphore, #tpu.memory_space<semaphore_mem>>) src(%arg12 : memref<80x128xf32, #tpu.memory_space<vmem>>) dst(%dma_wait3A_531 : memref<10240x128xf32, #tpu.memory_space<vmem_shared>>)
      %dma_start3A_532 = arith.constant 0 : i32
      %dma_start3A_533 = tpu.memref_slice %arg8[%add3A_525, %dma_start3A_532] : memref<8x80xi32, #tpu.memory_space<vmem>> -> memref<1x80xi32, #tpu.memory_space<vmem>>
      %dma_start3A_534 = tpu.memref_squeeze %dma_start3A_533 : memref<1x80xi32, #tpu.memory_space<vmem>> -> memref<80xi32, #tpu.memory_space<vmem>>
      %dma_start3A_535 = arith.constant 0 : i32
      %dma_start3A_536 = arith.constant 0 : i32
      %dma_start3A_537 = tpu.memref_slice %arg2[%dma_start3A_535, %dma_start3A_536] : memref<10000x128xf32, #tpu.memory_space<hbm>> -> memref<10000x128xf32, #tpu.memory_space<hbm>>
      tpu.enqueue_indirect_dma source(%dma_start3A_537 : memref<10000x128xf32, #tpu.memory_space<hbm>>) target(%arg12 : memref<80x128xf32, #tpu.memory_space<vmem>>) offsets(%dma_start3A_534 : memref<80xi32, #tpu.memory_space<vmem>>) semaphore(%arg17 : memref<!tpu.dma_semaphore, #tpu.memory_space<semaphore_mem>>)
      %add3A_538 = arith.constant 1 : i32
      %add3A_539 = arith.addi %scan3A_419, %add3A_538 : i32
      %mul3A_540 = arith.constant 4 : i32
      %mul3A_541 = arith.muli %add3A_539, %mul3A_540 : i32
      %add3A_542 = arith.constant 3 : i32
      %add3A_543 = arith.addi %mul3A_541, %add3A_542 : i32
      %dma_wait3A_544 = arith.constant 0 : i32
      %dma_wait3A_545 = tpu.memref_slice %arg9[%add3A_543, %dma_wait3A_544] : memref<8x80xi32, #tpu.memory_space<vmem>> -> memref<1x80xi32, #tpu.memory_space<vmem>>
      %dma_wait3A_546 = tpu.memref_squeeze %dma_wait3A_545 : memref<1x80xi32, #tpu.memory_space<vmem>> -> memref<80xi32, #tpu.memory_space<vmem>>
      %dma_wait3A_547 = arith.constant 0 : i32
      %dma_wait3A_548 = arith.constant 0 : i32
      %dma_wait3A_549 = tpu.memref_slice %arg14[%dma_wait3A_547, %dma_wait3A_548] : memref<10240x128xf32, #tpu.memory_space<vmem_shared>> -> memref<10240x128xf32, #tpu.memory_space<vmem_shared>>
      tpu.wait_indirect_dma semaphore(%arg22 : memref<!tpu.dma_semaphore, #tpu.memory_space<semaphore_mem>>) src(%arg13 : memref<80x128xf32, #tpu.memory_space<vmem>>) dst(%dma_wait3A_549 : memref<10240x128xf32, #tpu.memory_space<vmem_shared>>)
      %dma_start3A_550 = arith.constant 0 : i32
      %dma_start3A_551 = tpu.memref_slice %arg8[%add3A_543, %dma_start3A_550] : memref<8x80xi32, #tpu.memory_space<vmem>> -> memref<1x80xi32, #tpu.memory_space<vmem>>
      %dma_start3A_552 = tpu.memref_squeeze %dma_start3A_551 : memref<1x80xi32, #tpu.memory_space<vmem>> -> memref<80xi32, #tpu.memory_space<vmem>>
      %dma_start3A_553 = arith.constant 0 : i32
      %dma_start3A_554 = arith.constant 0 : i32
      %dma_start3A_555 = tpu.memref_slice %arg2[%dma_start3A_553, %dma_start3A_554] : memref<10000x128xf32, #tpu.memory_space<hbm>> -> memref<10000x128xf32, #tpu.memory_space<hbm>>
      tpu.enqueue_indirect_dma source(%dma_start3A_555 : memref<10000x128xf32, #tpu.memory_space<hbm>>) target(%arg13 : memref<80x128xf32, #tpu.memory_space<vmem>>) offsets(%dma_start3A_552 : memref<80xi32, #tpu.memory_space<vmem>>) semaphore(%arg18 : memref<!tpu.dma_semaphore, #tpu.memory_space<semaphore_mem>>)
      %scan3A_556 = arith.constant 1 : i32
      %dma_wait3A_557 = arith.constant 4 : i32
      %dma_wait3A_558 = arith.constant 0 : i32
      %dma_wait3A_559 = tpu.memref_slice %arg8[%dma_wait3A_557, %dma_wait3A_558] : memref<8x80xi32, #tpu.memory_space<vmem>> -> memref<1x80xi32, #tpu.memory_space<vmem>>
      %dma_wait3A_560 = tpu.memref_squeeze %dma_wait3A_559 : memref<1x80xi32, #tpu.memory_space<vmem>> -> memref<80xi32, #tpu.memory_space<vmem>>
      %dma_wait3A_561 = arith.constant 0 : i32
      %dma_wait3A_562 = arith.constant 0 : i32
      %dma_wait3A_563 = tpu.memref_slice %arg2[%dma_wait3A_561, %dma_wait3A_562] : memref<10000x128xf32, #tpu.memory_space<hbm>> -> memref<10000x128xf32, #tpu.memory_space<hbm>>
      tpu.wait_indirect_dma semaphore(%arg15 : memref<!tpu.dma_semaphore, #tpu.memory_space<semaphore_mem>>) src(%dma_wait3A_563 : memref<10000x128xf32, #tpu.memory_space<hbm>>) dst(%arg10 : memref<80x128xf32, #tpu.memory_space<vmem>>)
      %dma_start3A_564 = arith.constant 4 : i32
      %dma_start3A_565 = arith.constant 0 : i32
      %dma_start3A_566 = tpu.memref_slice %arg9[%dma_start3A_564, %dma_start3A_565] : memref<8x80xi32, #tpu.memory_space<vmem>> -> memref<1x80xi32, #tpu.memory_space<vmem>>
      %dma_start3A_567 = tpu.memref_squeeze %dma_start3A_566 : memref<1x80xi32, #tpu.memory_space<vmem>> -> memref<80xi32, #tpu.memory_space<vmem>>
      %dma_start3A_568 = arith.constant 0 : i32
      %dma_start3A_569 = arith.constant 0 : i32
      %dma_start3A_570 = tpu.memref_slice %arg14[%dma_start3A_568, %dma_start3A_569] : memref<10240x128xf32, #tpu.memory_space<vmem_shared>> -> memref<10240x128xf32, #tpu.memory_space<vmem_shared>>
      tpu.enqueue_indirect_dma source(%arg10 : memref<80x128xf32, #tpu.memory_space<vmem>>) target(%dma_start3A_570 : memref<10240x128xf32, #tpu.memory_space<vmem_shared>>) offsets(%dma_start3A_567 : memref<80xi32, #tpu.memory_space<vmem>>) semaphore(%arg19 : memref<!tpu.dma_semaphore, #tpu.memory_space<semaphore_mem>>) {add = true}
      %dma_wait3A_571 = arith.constant 5 : i32
      %dma_wait3A_572 = arith.constant 0 : i32
      %dma_wait3A_573 = tpu.memref_slice %arg8[%dma_wait3A_571, %dma_wait3A_572] : memref<8x80xi32, #tpu.memory_space<vmem>> -> memref<1x80xi32, #tpu.memory_space<vmem>>
      %dma_wait3A_574 = tpu.memref_squeeze %dma_wait3A_573 : memref<1x80xi32, #tpu.memory_space<vmem>> -> memref<80xi32, #tpu.memory_space<vmem>>
      %dma_wait3A_575 = arith.constant 0 : i32
      %dma_wait3A_576 = arith.constant 0 : i32
      %dma_wait3A_577 = tpu.memref_slice %arg2[%dma_wait3A_575, %dma_wait3A_576] : memref<10000x128xf32, #tpu.memory_space<hbm>> -> memref<10000x128xf32, #tpu.memory_space<hbm>>
      tpu.wait_indirect_dma semaphore(%arg16 : memref<!tpu.dma_semaphore, #tpu.memory_space<semaphore_mem>>) src(%dma_wait3A_577 : memref<10000x128xf32, #tpu.memory_space<hbm>>) dst(%arg11 : memref<80x128xf32, #tpu.memory_space<vmem>>)
      %dma_start3A_578 = arith.constant 5 : i32
      %dma_start3A_579 = arith.constant 0 : i32
      %dma_start3A_580 = tpu.memref_slice %arg9[%dma_start3A_578, %dma_start3A_579] : memref<8x80xi32, #tpu.memory_space<vmem>> -> memref<1x80xi32, #tpu.memory_space<vmem>>
      %dma_start3A_581 = tpu.memref_squeeze %dma_start3A_580 : memref<1x80xi32, #tpu.memory_space<vmem>> -> memref<80xi32, #tpu.memory_space<vmem>>
      %dma_start3A_582 = arith.constant 0 : i32
      %dma_start3A_583 = arith.constant 0 : i32
      %dma_start3A_584 = tpu.memref_slice %arg14[%dma_start3A_582, %dma_start3A_583] : memref<10240x128xf32, #tpu.memory_space<vmem_shared>> -> memref<10240x128xf32, #tpu.memory_space<vmem_shared>>
      tpu.enqueue_indirect_dma source(%arg11 : memref<80x128xf32, #tpu.memory_space<vmem>>) target(%dma_start3A_584 : memref<10240x128xf32, #tpu.memory_space<vmem_shared>>) offsets(%dma_start3A_581 : memref<80xi32, #tpu.memory_space<vmem>>) semaphore(%arg20 : memref<!tpu.dma_semaphore, #tpu.memory_space<semaphore_mem>>) {add = true}
      %dma_wait3A_585 = arith.constant 6 : i32
      %dma_wait3A_586 = arith.constant 0 : i32
      %dma_wait3A_587 = tpu.memref_slice %arg8[%dma_wait3A_585, %dma_wait3A_586] : memref<8x80xi32, #tpu.memory_space<vmem>> -> memref<1x80xi32, #tpu.memory_space<vmem>>
      %dma_wait3A_588 = tpu.memref_squeeze %dma_wait3A_587 : memref<1x80xi32, #tpu.memory_space<vmem>> -> memref<80xi32, #tpu.memory_space<vmem>>
      %dma_wait3A_589 = arith.constant 0 : i32
      %dma_wait3A_590 = arith.constant 0 : i32
      %dma_wait3A_591 = tpu.memref_slice %arg2[%dma_wait3A_589, %dma_wait3A_590] : memref<10000x128xf32, #tpu.memory_space<hbm>> -> memref<10000x128xf32, #tpu.memory_space<hbm>>
      tpu.wait_indirect_dma semaphore(%arg17 : memref<!tpu.dma_semaphore, #tpu.memory_space<semaphore_mem>>) src(%dma_wait3A_591 : memref<10000x128xf32, #tpu.memory_space<hbm>>) dst(%arg12 : memref<80x128xf32, #tpu.memory_space<vmem>>)
      %dma_start3A_592 = arith.constant 6 : i32
      %dma_start3A_593 = arith.constant 0 : i32
      %dma_start3A_594 = tpu.memref_slice %arg9[%dma_start3A_592, %dma_start3A_593] : memref<8x80xi32, #tpu.memory_space<vmem>> -> memref<1x80xi32, #tpu.memory_space<vmem>>
      %dma_start3A_595 = tpu.memref_squeeze %dma_start3A_594 : memref<1x80xi32, #tpu.memory_space<vmem>> -> memref<80xi32, #tpu.memory_space<vmem>>
      %dma_start3A_596 = arith.constant 0 : i32
      %dma_start3A_597 = arith.constant 0 : i32
      %dma_start3A_598 = tpu.memref_slice %arg14[%dma_start3A_596, %dma_start3A_597] : memref<10240x128xf32, #tpu.memory_space<vmem_shared>> -> memref<10240x128xf32, #tpu.memory_space<vmem_shared>>
      tpu.enqueue_indirect_dma source(%arg12 : memref<80x128xf32, #tpu.memory_space<vmem>>) target(%dma_start3A_598 : memref<10240x128xf32, #tpu.memory_space<vmem_shared>>) offsets(%dma_start3A_595 : memref<80xi32, #tpu.memory_space<vmem>>) semaphore(%arg21 : memref<!tpu.dma_semaphore, #tpu.memory_space<semaphore_mem>>) {add = true}
      %dma_wait3A_599 = arith.constant 7 : i32
      %dma_wait3A_600 = arith.constant 0 : i32
      %dma_wait3A_601 = tpu.memref_slice %arg8[%dma_wait3A_599, %dma_wait3A_600] : memref<8x80xi32, #tpu.memory_space<vmem>> -> memref<1x80xi32, #tpu.memory_space<vmem>>
      %dma_wait3A_602 = tpu.memref_squeeze %dma_wait3A_601 : memref<1x80xi32, #tpu.memory_space<vmem>> -> memref<80xi32, #tpu.memory_space<vmem>>
      %dma_wait3A_603 = arith.constant 0 : i32
      %dma_wait3A_604 = arith.constant 0 : i32
      %dma_wait3A_605 = tpu.memref_slice %arg2[%dma_wait3A_603, %dma_wait3A_604] : memref<10000x128xf32, #tpu.memory_space<hbm>> -> memref<10000x128xf32, #tpu.memory_space<hbm>>
      tpu.wait_indirect_dma semaphore(%arg18 : memref<!tpu.dma_semaphore, #tpu.memory_space<semaphore_mem>>) src(%dma_wait3A_605 : memref<10000x128xf32, #tpu.memory_space<hbm>>) dst(%arg13 : memref<80x128xf32, #tpu.memory_space<vmem>>)
      %dma_start3A_606 = arith.constant 7 : i32
      %dma_start3A_607 = arith.constant 0 : i32
      %dma_start3A_608 = tpu.memref_slice %arg9[%dma_start3A_606, %dma_start3A_607] : memref<8x80xi32, #tpu.memory_space<vmem>> -> memref<1x80xi32, #tpu.memory_space<vmem>>
      %dma_start3A_609 = tpu.memref_squeeze %dma_start3A_608 : memref<1x80xi32, #tpu.memory_space<vmem>> -> memref<80xi32, #tpu.memory_space<vmem>>
      %dma_start3A_610 = arith.constant 0 : i32
      %dma_start3A_611 = arith.constant 0 : i32
      %dma_start3A_612 = tpu.memref_slice %arg14[%dma_start3A_610, %dma_start3A_611] : memref<10240x128xf32, #tpu.memory_space<vmem_shared>> -> memref<10240x128xf32, #tpu.memory_space<vmem_shared>>
      tpu.enqueue_indirect_dma source(%arg13 : memref<80x128xf32, #tpu.memory_space<vmem>>) target(%dma_start3A_612 : memref<10240x128xf32, #tpu.memory_space<vmem_shared>>) offsets(%dma_start3A_609 : memref<80xi32, #tpu.memory_space<vmem>>) semaphore(%arg22 : memref<!tpu.dma_semaphore, #tpu.memory_space<semaphore_mem>>) {add = true}
      %dma_wait3A_613 = arith.constant 0 : i32
      %dma_wait3A_614 = tpu.memref_slice %arg3[%add3A, %mul3A_401, %dma_wait3A_613] : memref<32x136x80xi32, #tpu.memory_space<hbm>> -> memref<1x8x80xi32, #tpu.memory_space<hbm>>
      %dma_wait3A_615 = tpu.memref_squeeze %dma_wait3A_614 : memref<1x8x80xi32, #tpu.memory_space<hbm>> -> memref<8x80xi32, #tpu.memory_space<hbm>>
      %dma_wait3A_616 = arith.constant 0 : i32
      %dma_wait3A_617 = tpu.memref_slice %arg3[%add3A, %mul3A_401, %dma_wait3A_616] : memref<32x136x80xi32, #tpu.memory_space<hbm>> -> memref<1x8x80xi32, #tpu.memory_space<hbm>>
      %dma_wait3A_618 = tpu.memref_squeeze %dma_wait3A_617 : memref<1x8x80xi32, #tpu.memory_space<hbm>> -> memref<8x80xi32, #tpu.memory_space<hbm>>
      tpu.wait_dma2 semaphore(%arg23 : memref<!tpu.dma_semaphore, #tpu.memory_space<semaphore_mem>>) src(%dma_wait3A_618 : memref<8x80xi32, #tpu.memory_space<hbm>>) dst(%arg6 : memref<8x80xi32, #tpu.memory_space<vmem>>)
      %dma_wait3A_619 = arith.constant 0 : i32
      %dma_wait3A_620 = tpu.memref_slice %arg4[%add3A, %mul3A_411, %dma_wait3A_619] : memref<32x136x80xi32, #tpu.memory_space<hbm>> -> memref<1x8x80xi32, #tpu.memory_space<hbm>>
      %dma_wait3A_621 = tpu.memref_squeeze %dma_wait3A_620 : memref<1x8x80xi32, #tpu.memory_space<hbm>> -> memref<8x80xi32, #tpu.memory_space<hbm>>
      %dma_wait3A_622 = arith.constant 0 : i32
      %dma_wait3A_623 = tpu.memref_slice %arg4[%add3A, %mul3A_411, %dma_wait3A_622] : memref<32x136x80xi32, #tpu.memory_space<hbm>> -> memref<1x8x80xi32, #tpu.memory_space<hbm>>
      %dma_wait3A_624 = tpu.memref_squeeze %dma_wait3A_623 : memref<1x8x80xi32, #tpu.memory_space<hbm>> -> memref<8x80xi32, #tpu.memory_space<hbm>>
      tpu.wait_dma2 semaphore(%arg24 : memref<!tpu.dma_semaphore, #tpu.memory_space<semaphore_mem>>) src(%dma_wait3A_624 : memref<8x80xi32, #tpu.memory_space<hbm>>) dst(%arg7 : memref<8x80xi32, #tpu.memory_space<vmem>>)
      %dma_wait3A_625 = arith.constant 0 : i32
      %dma_wait3A_626 = arith.constant 0 : i32
      %dma_wait3A_627 = tpu.memref_slice %arg9[%dma_wait3A_625, %dma_wait3A_626] : memref<8x80xi32, #tpu.memory_space<vmem>> -> memref<1x80xi32, #tpu.memory_space<vmem>>
      %dma_wait3A_628 = tpu.memref_squeeze %dma_wait3A_627 : memref<1x80xi32, #tpu.memory_space<vmem>> -> memref<80xi32, #tpu.memory_space<vmem>>
      %dma_wait3A_629 = arith.constant 0 : i32
      %dma_wait3A_630 = arith.constant 0 : i32
      %dma_wait3A_631 = tpu.memref_slice %arg14[%dma_wait3A_629, %dma_wait3A_630] : memref<10240x128xf32, #tpu.memory_space<vmem_shared>> -> memref<10240x128xf32, #tpu.memory_space<vmem_shared>>
      tpu.wait_indirect_dma semaphore(%arg19 : memref<!tpu.dma_semaphore, #tpu.memory_space<semaphore_mem>>) src(%arg10 : memref<80x128xf32, #tpu.memory_space<vmem>>) dst(%dma_wait3A_631 : memref<10240x128xf32, #tpu.memory_space<vmem_shared>>)
      %dma_start3A_632 = arith.constant 0 : i32
      %dma_start3A_633 = arith.constant 0 : i32
      %dma_start3A_634 = tpu.memref_slice %arg6[%dma_start3A_632, %dma_start3A_633] : memref<8x80xi32, #tpu.memory_space<vmem>> -> memref<1x80xi32, #tpu.memory_space<vmem>>
      %dma_start3A_635 = tpu.memref_squeeze %dma_start3A_634 : memref<1x80xi32, #tpu.memory_space<vmem>> -> memref<80xi32, #tpu.memory_space<vmem>>
      %dma_start3A_636 = arith.constant 0 : i32
      %dma_start3A_637 = arith.constant 0 : i32
      %dma_start3A_638 = tpu.memref_slice %arg2[%dma_start3A_636, %dma_start3A_637] : memref<10000x128xf32, #tpu.memory_space<hbm>> -> memref<10000x128xf32, #tpu.memory_space<hbm>>
      tpu.enqueue_indirect_dma source(%dma_start3A_638 : memref<10000x128xf32, #tpu.memory_space<hbm>>) target(%arg10 : memref<80x128xf32, #tpu.memory_space<vmem>>) offsets(%dma_start3A_635 : memref<80xi32, #tpu.memory_space<vmem>>) semaphore(%arg15 : memref<!tpu.dma_semaphore, #tpu.memory_space<semaphore_mem>>)
      %dma_wait3A_639 = arith.constant 1 : i32
      %dma_wait3A_640 = arith.constant 0 : i32
      %dma_wait3A_641 = tpu.memref_slice %arg9[%dma_wait3A_639, %dma_wait3A_640] : memref<8x80xi32, #tpu.memory_space<vmem>> -> memref<1x80xi32, #tpu.memory_space<vmem>>
      %dma_wait3A_642 = tpu.memref_squeeze %dma_wait3A_641 : memref<1x80xi32, #tpu.memory_space<vmem>> -> memref<80xi32, #tpu.memory_space<vmem>>
      %dma_wait3A_643 = arith.constant 0 : i32
      %dma_wait3A_644 = arith.constant 0 : i32
      %dma_wait3A_645 = tpu.memref_slice %arg14[%dma_wait3A_643, %dma_wait3A_644] : memref<10240x128xf32, #tpu.memory_space<vmem_shared>> -> memref<10240x128xf32, #tpu.memory_space<vmem_shared>>
      tpu.wait_indirect_dma semaphore(%arg20 : memref<!tpu.dma_semaphore, #tpu.memory_space<semaphore_mem>>) src(%arg11 : memref<80x128xf32, #tpu.memory_space<vmem>>) dst(%dma_wait3A_645 : memref<10240x128xf32, #tpu.memory_space<vmem_shared>>)
      %dma_start3A_646 = arith.constant 1 : i32
      %dma_start3A_647 = arith.constant 0 : i32
      %dma_start3A_648 = tpu.memref_slice %arg6[%dma_start3A_646, %dma_start3A_647] : memref<8x80xi32, #tpu.memory_space<vmem>> -> memref<1x80xi32, #tpu.memory_space<vmem>>
      %dma_start3A_649 = tpu.memref_squeeze %dma_start3A_648 : memref<1x80xi32, #tpu.memory_space<vmem>> -> memref<80xi32, #tpu.memory_space<vmem>>
      %dma_start3A_650 = arith.constant 0 : i32
      %dma_start3A_651 = arith.constant 0 : i32
      %dma_start3A_652 = tpu.memref_slice %arg2[%dma_start3A_650, %dma_start3A_651] : memref<10000x128xf32, #tpu.memory_space<hbm>> -> memref<10000x128xf32, #tpu.memory_space<hbm>>
      tpu.enqueue_indirect_dma source(%dma_start3A_652 : memref<10000x128xf32, #tpu.memory_space<hbm>>) target(%arg11 : memref<80x128xf32, #tpu.memory_space<vmem>>) offsets(%dma_start3A_649 : memref<80xi32, #tpu.memory_space<vmem>>) semaphore(%arg16 : memref<!tpu.dma_semaphore, #tpu.memory_space<semaphore_mem>>)
      %dma_wait3A_653 = arith.constant 2 : i32
      %dma_wait3A_654 = arith.constant 0 : i32
      %dma_wait3A_655 = tpu.memref_slice %arg9[%dma_wait3A_653, %dma_wait3A_654] : memref<8x80xi32, #tpu.memory_space<vmem>> -> memref<1x80xi32, #tpu.memory_space<vmem>>
      %dma_wait3A_656 = tpu.memref_squeeze %dma_wait3A_655 : memref<1x80xi32, #tpu.memory_space<vmem>> -> memref<80xi32, #tpu.memory_space<vmem>>
      %dma_wait3A_657 = arith.constant 0 : i32
      %dma_wait3A_658 = arith.constant 0 : i32
      %dma_wait3A_659 = tpu.memref_slice %arg14[%dma_wait3A_657, %dma_wait3A_658] : memref<10240x128xf32, #tpu.memory_space<vmem_shared>> -> memref<10240x128xf32, #tpu.memory_space<vmem_shared>>
      tpu.wait_indirect_dma semaphore(%arg21 : memref<!tpu.dma_semaphore, #tpu.memory_space<semaphore_mem>>) src(%arg12 : memref<80x128xf32, #tpu.memory_space<vmem>>) dst(%dma_wait3A_659 : memref<10240x128xf32, #tpu.memory_space<vmem_shared>>)
      %dma_start3A_660 = arith.constant 2 : i32
      %dma_start3A_661 = arith.constant 0 : i32
      %dma_start3A_662 = tpu.memref_slice %arg6[%dma_start3A_660, %dma_start3A_661] : memref<8x80xi32, #tpu.memory_space<vmem>> -> memref<1x80xi32, #tpu.memory_space<vmem>>
      %dma_start3A_663 = tpu.memref_squeeze %dma_start3A_662 : memref<1x80xi32, #tpu.memory_space<vmem>> -> memref<80xi32, #tpu.memory_space<vmem>>
      %dma_start3A_664 = arith.constant 0 : i32
      %dma_start3A_665 = arith.constant 0 : i32
      %dma_start3A_666 = tpu.memref_slice %arg2[%dma_start3A_664, %dma_start3A_665] : memref<10000x128xf32, #tpu.memory_space<hbm>> -> memref<10000x128xf32, #tpu.memory_space<hbm>>
      tpu.enqueue_indirect_dma source(%dma_start3A_666 : memref<10000x128xf32, #tpu.memory_space<hbm>>) target(%arg12 : memref<80x128xf32, #tpu.memory_space<vmem>>) offsets(%dma_start3A_663 : memref<80xi32, #tpu.memory_space<vmem>>) semaphore(%arg17 : memref<!tpu.dma_semaphore, #tpu.memory_space<semaphore_mem>>)
      %dma_wait3A_667 = arith.constant 3 : i32
      %dma_wait3A_668 = arith.constant 0 : i32
      %dma_wait3A_669 = tpu.memref_slice %arg9[%dma_wait3A_667, %dma_wait3A_668] : memref<8x80xi32, #tpu.memory_space<vmem>> -> memref<1x80xi32, #tpu.memory_space<vmem>>
      %dma_wait3A_670 = tpu.memref_squeeze %dma_wait3A_669 : memref<1x80xi32, #tpu.memory_space<vmem>> -> memref<80xi32, #tpu.memory_space<vmem>>
      %dma_wait3A_671 = arith.constant 0 : i32
      %dma_wait3A_672 = arith.constant 0 : i32
      %dma_wait3A_673 = tpu.memref_slice %arg14[%dma_wait3A_671, %dma_wait3A_672] : memref<10240x128xf32, #tpu.memory_space<vmem_shared>> -> memref<10240x128xf32, #tpu.memory_space<vmem_shared>>
      tpu.wait_indirect_dma semaphore(%arg22 : memref<!tpu.dma_semaphore, #tpu.memory_space<semaphore_mem>>) src(%arg13 : memref<80x128xf32, #tpu.memory_space<vmem>>) dst(%dma_wait3A_673 : memref<10240x128xf32, #tpu.memory_space<vmem_shared>>)
      %dma_start3A_674 = arith.constant 3 : i32
      %dma_start3A_675 = arith.constant 0 : i32
      %dma_start3A_676 = tpu.memref_slice %arg6[%dma_start3A_674, %dma_start3A_675] : memref<8x80xi32, #tpu.memory_space<vmem>> -> memref<1x80xi32, #tpu.memory_space<vmem>>
      %dma_start3A_677 = tpu.memref_squeeze %dma_start3A_676 : memref<1x80xi32, #tpu.memory_space<vmem>> -> memref<80xi32, #tpu.memory_space<vmem>>
      %dma_start3A_678 = arith.constant 0 : i32
      %dma_start3A_679 = arith.constant 0 : i32
      %dma_start3A_680 = tpu.memref_slice %arg2[%dma_start3A_678, %dma_start3A_679] : memref<10000x128xf32, #tpu.memory_space<hbm>> -> memref<10000x128xf32, #tpu.memory_space<hbm>>
      tpu.enqueue_indirect_dma source(%dma_start3A_680 : memref<10000x128xf32, #tpu.memory_space<hbm>>) target(%arg13 : memref<80x128xf32, #tpu.memory_space<vmem>>) offsets(%dma_start3A_677 : memref<80xi32, #tpu.memory_space<vmem>>) semaphore(%arg18 : memref<!tpu.dma_semaphore, #tpu.memory_space<semaphore_mem>>)
    }
    %scan3A_78 = arith.constant 8 : i32
    %dma_wait3A_79 = arith.constant 0 : i32
    %dma_wait3A_80 = arith.constant 0 : i32
    %dma_wait3A_81 = tpu.memref_slice %arg6[%dma_wait3A_79, %dma_wait3A_80] : memref<8x80xi32, #tpu.memory_space<vmem>> -> memref<1x80xi32, #tpu.memory_space<vmem>>
    %dma_wait3A_82 = tpu.memref_squeeze %dma_wait3A_81 : memref<1x80xi32, #tpu.memory_space<vmem>> -> memref<80xi32, #tpu.memory_space<vmem>>
    %dma_wait3A_83 = arith.constant 0 : i32
    %dma_wait3A_84 = arith.constant 0 : i32
    %dma_wait3A_85 = tpu.memref_slice %arg2[%dma_wait3A_83, %dma_wait3A_84] : memref<10000x128xf32, #tpu.memory_space<hbm>> -> memref<10000x128xf32, #tpu.memory_space<hbm>>
    tpu.wait_indirect_dma semaphore(%arg15 : memref<!tpu.dma_semaphore, #tpu.memory_space<semaphore_mem>>) src(%dma_wait3A_85 : memref<10000x128xf32, #tpu.memory_space<hbm>>) dst(%arg10 : memref<80x128xf32, #tpu.memory_space<vmem>>)
    %dma_wait3A_86 = arith.constant 1 : i32
    %dma_wait3A_87 = arith.constant 0 : i32
    %dma_wait3A_88 = tpu.memref_slice %arg6[%dma_wait3A_86, %dma_wait3A_87] : memref<8x80xi32, #tpu.memory_space<vmem>> -> memref<1x80xi32, #tpu.memory_space<vmem>>
    %dma_wait3A_89 = tpu.memref_squeeze %dma_wait3A_88 : memref<1x80xi32, #tpu.memory_space<vmem>> -> memref<80xi32, #tpu.memory_space<vmem>>
    %dma_wait3A_90 = arith.constant 0 : i32
    %dma_wait3A_91 = arith.constant 0 : i32
    %dma_wait3A_92 = tpu.memref_slice %arg2[%dma_wait3A_90, %dma_wait3A_91] : memref<10000x128xf32, #tpu.memory_space<hbm>> -> memref<10000x128xf32, #tpu.memory_space<hbm>>
    tpu.wait_indirect_dma semaphore(%arg16 : memref<!tpu.dma_semaphore, #tpu.memory_space<semaphore_mem>>) src(%dma_wait3A_92 : memref<10000x128xf32, #tpu.memory_space<hbm>>) dst(%arg11 : memref<80x128xf32, #tpu.memory_space<vmem>>)
    %dma_wait3A_93 = arith.constant 2 : i32
    %dma_wait3A_94 = arith.constant 0 : i32
    %dma_wait3A_95 = tpu.memref_slice %arg6[%dma_wait3A_93, %dma_wait3A_94] : memref<8x80xi32, #tpu.memory_space<vmem>> -> memref<1x80xi32, #tpu.memory_space<vmem>>
    %dma_wait3A_96 = tpu.memref_squeeze %dma_wait3A_95 : memref<1x80xi32, #tpu.memory_space<vmem>> -> memref<80xi32, #tpu.memory_space<vmem>>
    %dma_wait3A_97 = arith.constant 0 : i32
    %dma_wait3A_98 = arith.constant 0 : i32
    %dma_wait3A_99 = tpu.memref_slice %arg2[%dma_wait3A_97, %dma_wait3A_98] : memref<10000x128xf32, #tpu.memory_space<hbm>> -> memref<10000x128xf32, #tpu.memory_space<hbm>>
    tpu.wait_indirect_dma semaphore(%arg17 : memref<!tpu.dma_semaphore, #tpu.memory_space<semaphore_mem>>) src(%dma_wait3A_99 : memref<10000x128xf32, #tpu.memory_space<hbm>>) dst(%arg12 : memref<80x128xf32, #tpu.memory_space<vmem>>)
    %dma_wait3A_100 = arith.constant 3 : i32
    %dma_wait3A_101 = arith.constant 0 : i32
    %dma_wait3A_102 = tpu.memref_slice %arg6[%dma_wait3A_100, %dma_wait3A_101] : memref<8x80xi32, #tpu.memory_space<vmem>> -> memref<1x80xi32, #tpu.memory_space<vmem>>
    %dma_wait3A_103 = tpu.memref_squeeze %dma_wait3A_102 : memref<1x80xi32, #tpu.memory_space<vmem>> -> memref<80xi32, #tpu.memory_space<vmem>>
    %dma_wait3A_104 = arith.constant 0 : i32
    %dma_wait3A_105 = arith.constant 0 : i32
    %dma_wait3A_106 = tpu.memref_slice %arg2[%dma_wait3A_104, %dma_wait3A_105] : memref<10000x128xf32, #tpu.memory_space<hbm>> -> memref<10000x128xf32, #tpu.memory_space<hbm>>
    tpu.wait_indirect_dma semaphore(%arg18 : memref<!tpu.dma_semaphore, #tpu.memory_space<semaphore_mem>>) src(%dma_wait3A_106 : memref<10000x128xf32, #tpu.memory_space<hbm>>) dst(%arg13 : memref<80x128xf32, #tpu.memory_space<vmem>>)
    %barrier3A_107 = arith.constant 0 : index
    tpu.barrier barrier_id(%barrier3A_107)
    "tpu.region"() ({
      %run_scoped3A = tpu.sem_alloc : memref<!tpu.dma_semaphore, #tpu.memory_space<semaphore_mem>>
      %dma_start3A_108 = arith.constant 0 : i32
      %dma_start3A_109 = tpu.memref_slice %arg5[%arg0, %mul3A_23, %dma_start3A_108] : memref<2x10240x128xf32, #tpu.memory_space<hbm>> -> memref<1x640x128xf32, #tpu.memory_space<hbm>>
      %dma_start3A_110 = tpu.memref_squeeze %dma_start3A_109 : memref<1x640x128xf32, #tpu.memory_space<hbm>> -> memref<640x128xf32, #tpu.memory_space<hbm>>
      %dma_start3A_111 = arith.constant 0 : i32
      %dma_start3A_112 = tpu.memref_slice %arg14[%mul3A_23, %dma_start3A_111] : memref<10240x128xf32, #tpu.memory_space<vmem_shared>> -> memref<640x128xf32, #tpu.memory_space<vmem_shared>>
      tpu.enqueue_dma source(%dma_start3A_112 : memref<640x128xf32, #tpu.memory_space<vmem_shared>>) target(%dma_start3A_110 : memref<640x128xf32, #tpu.memory_space<hbm>>) target_semaphore(%run_scoped3A : memref<!tpu.dma_semaphore, #tpu.memory_space<semaphore_mem>>)
      %dma_wait3A_113 = arith.constant 0 : i32
      %dma_wait3A_114 = tpu.memref_slice %arg5[%arg0, %mul3A_23, %dma_wait3A_113] : memref<2x10240x128xf32, #tpu.memory_space<hbm>> -> memref<1x640x128xf32, #tpu.memory_space<hbm>>
      %dma_wait3A_115 = tpu.memref_squeeze %dma_wait3A_114 : memref<1x640x128xf32, #tpu.memory_space<hbm>> -> memref<640x128xf32, #tpu.memory_space<hbm>>
      %dma_wait3A_116 = arith.constant 0 : i32
      %dma_wait3A_117 = tpu.memref_slice %arg14[%mul3A_23, %dma_wait3A_116] : memref<10240x128xf32, #tpu.memory_space<vmem_shared>> -> memref<640x128xf32, #tpu.memory_space<vmem_shared>>
      tpu.wait_dma2 semaphore(%run_scoped3A : memref<!tpu.dma_semaphore, #tpu.memory_space<semaphore_mem>>) src(%dma_wait3A_117 : memref<640x128xf32, #tpu.memory_space<vmem_shared>>) dst(%dma_wait3A_115 : memref<640x128xf32, #tpu.memory_space<hbm>>)
      tpu.yield
    }) : () -> ()
    return
  }
}

module attributes {stable_mosaic.version = 14 : i64} {
  func.func @body(%arg0: i32, %arg1: memref<1000x64xf32, #tpu.memory_space<vmem>>, %arg2: memref<1000x64xf32, #tpu.memory_space<vmem>>, %arg3: memref<64x1xf32, #tpu.memory_space<vmem>>, %arg4: memref<64x1xf32, #tpu.memory_space<vmem>>, %arg5: memref<1x1xf32, #tpu.memory_space<vmem>>, %arg6: memref<64x128xf32, #tpu.memory_space<vmem>>, %arg7: memref<64x128xf32, #tpu.memory_space<vmem>>, %arg8: memref<1000x128xf32, #tpu.memory_space<vmem>>, %arg9: memref<1000x1xf32, #tpu.memory_space<vmem>>) attributes {dimension_semantics = [#tpu.dimension_semantics<arbitrary>], iteration_bounds = array<i64: 10>, scalar_prefetch = 0 : i64, scratch_operands = 0 : i64, tpu.core_type = #tpu.core_type<tc>, window_params = [{transform_indices = @transform_0, window_bounds = array<i64: 1000, 64>}, {transform_indices = @transform_1, window_bounds = array<i64: 1000, 64>}, {pipeline_mode = #tpu.pipeline_mode<synchronous>, transform_indices = @transform_2, window_bounds = array<i64: 64, 1>}, {pipeline_mode = #tpu.pipeline_mode<synchronous>, transform_indices = @transform_3, window_bounds = array<i64: 64, 1>}, {pipeline_mode = #tpu.pipeline_mode<synchronous>, transform_indices = @transform_4, window_bounds = array<i64: 1, 1>}, {pipeline_mode = #tpu.pipeline_mode<synchronous>, transform_indices = @transform_5, window_bounds = array<i64: 64, 128>}, {pipeline_mode = #tpu.pipeline_mode<synchronous>, transform_indices = @transform_6, window_bounds = array<i64: 64, 128>}, {transform_indices = @transform_7, window_bounds = array<i64: 1000, 128>}, {transform_indices = @transform_8, window_bounds = array<i64: 1000, 1>}]} {
    %get3A = arith.constant 0 : index
    %get3A_0 = arith.constant 0 : index
    %get3A_1 = vector.load %arg2[%get3A, %get3A_0] : memref<1000x64xf32, #tpu.memory_space<vmem>>, vector<1000x64xf32>
    %get3A_2 = arith.constant 0 : index
    %get3A_3 = arith.constant 0 : index
    %get3A_4 = vector.load %arg4[%get3A_2, %get3A_3] : memref<64x1xf32, #tpu.memory_space<vmem>>, vector<64x1xf32>
    %dot_general3A = arith.constant dense<0.000000e+00> : vector<1000x1xf32>
    %dot_general3A_5 = tpu.matmul %get3A_1, %get3A_4, %dot_general3A {dimension_numbers = #tpu.dot_dimension_numbers<[1], [0], [0], [1], [0, 0, 1, 1], [], []>, transpose_lhs_hint = false} : vector<1000x64xf32>, vector<64x1xf32>, vector<1000x1xf32> -> vector<1000x1xf32>
    %get3A_6 = arith.constant 0 : index
    %get3A_7 = arith.constant 0 : index
    %get3A_8 = vector.load %arg1[%get3A_6, %get3A_7] : memref<1000x64xf32, #tpu.memory_space<vmem>>, vector<1000x64xf32>
    %get3A_9 = arith.constant 0 : index
    %get3A_10 = arith.constant 0 : index
    %get3A_11 = vector.load %arg3[%get3A_9, %get3A_10] : memref<64x1xf32, #tpu.memory_space<vmem>>, vector<64x1xf32>
    %dot_general3A_12 = arith.constant dense<0.000000e+00> : vector<1000x1xf32>
    %dot_general3A_13 = tpu.matmul %get3A_8, %get3A_11, %dot_general3A_12 {dimension_numbers = #tpu.dot_dimension_numbers<[1], [0], [0], [1], [0, 0, 1, 1], [], []>, transpose_lhs_hint = false} : vector<1000x64xf32>, vector<64x1xf32>, vector<1000x1xf32> -> vector<1000x1xf32>
    %add3A = arith.addf %dot_general3A_5, %dot_general3A_13 : vector<1000x1xf32>
    %get3A_14 = arith.constant 0 : index
    %get3A_15 = arith.constant 0 : index
    %get3A_16 = vector.load %arg5[%get3A_14, %get3A_15] : memref<1x1xf32, #tpu.memory_space<vmem>>, vector<1x1xf32>
    %add3A_17 = vector.broadcast %get3A_16 : vector<1x1xf32> to vector<1000x1xf32>
    %add3A_18 = arith.addf %add3A, %add3A_17 : vector<1000x1xf32>
    %logistic3A = arith.negf %add3A_18 : vector<1000x1xf32>
    %logistic3A_19 = math.exp %logistic3A : vector<1000x1xf32>
    %logistic3A_20 = arith.constant 1.000000e+00 : f32
    %logistic3A_21 = vector.broadcast %logistic3A_20 : f32 to vector<1000x1xf32>
    %logistic3A_22 = arith.addf %logistic3A_21, %logistic3A_19 : vector<1000x1xf32>
    %logistic3A_23 = arith.divf %logistic3A_21, %logistic3A_22 : vector<1000x1xf32>
    %swap3A = arith.constant 0 : index
    %swap3A_24 = arith.constant 0 : index
    %swap3A_25 = vector.load %arg9[%swap3A, %swap3A_24] : memref<1000x1xf32, #tpu.memory_space<vmem>>, vector<1000x1xf32>
    tpu.vector_store %arg9[%swap3A, %swap3A_24], %logistic3A_23 {strides = array<i32>} : memref<1000x1xf32, #tpu.memory_space<vmem>>, vector<1000x1xf32>,
    %get3A_26 = arith.constant 0 : index
    %get3A_27 = arith.constant 0 : index
    %get3A_28 = vector.load %arg1[%get3A_26, %get3A_27] : memref<1000x64xf32, #tpu.memory_space<vmem>>, vector<1000x64xf32>
    %get3A_29 = arith.constant 0 : index
    %get3A_30 = arith.constant 0 : index
    %get3A_31 = vector.load %arg6[%get3A_29, %get3A_30] : memref<64x128xf32, #tpu.memory_space<vmem>>, vector<64x128xf32>
    %dot_general3A_32 = arith.constant dense<0.000000e+00> : vector<1000x128xf32>
    %dot_general3A_33 = tpu.matmul %get3A_28, %get3A_31, %dot_general3A_32 {dimension_numbers = #tpu.dot_dimension_numbers<[1], [0], [0], [1], [0, 0, 1, 1], [], []>, transpose_lhs_hint = false} : vector<1000x64xf32>, vector<64x128xf32>, vector<1000x128xf32> -> vector<1000x128xf32>
    %get3A_34 = arith.constant 0 : index
    %get3A_35 = arith.constant 0 : index
    %get3A_36 = vector.load %arg2[%get3A_34, %get3A_35] : memref<1000x64xf32, #tpu.memory_space<vmem>>, vector<1000x64xf32>
    %get3A_37 = arith.constant 0 : index
    %get3A_38 = arith.constant 0 : index
    %get3A_39 = vector.load %arg7[%get3A_37, %get3A_38] : memref<64x128xf32, #tpu.memory_space<vmem>>, vector<64x128xf32>
    %dot_general3A_40 = arith.constant dense<0.000000e+00> : vector<1000x128xf32>
    %dot_general3A_41 = tpu.matmul %get3A_36, %get3A_39, %dot_general3A_40 {dimension_numbers = #tpu.dot_dimension_numbers<[1], [0], [0], [1], [0, 0, 1, 1], [], []>, transpose_lhs_hint = false} : vector<1000x64xf32>, vector<64x128xf32>, vector<1000x128xf32> -> vector<1000x128xf32>
    %add3A_42 = arith.addf %dot_general3A_33, %dot_general3A_41 : vector<1000x128xf32>
    %mul3A = vector.broadcast %logistic3A_23 : vector<1000x1xf32> to vector<1000x128xf32>
    %mul3A_43 = arith.mulf %add3A_42, %mul3A : vector<1000x128xf32>
    %swap3A_44 = arith.constant 0 : index
    %swap3A_45 = arith.constant 0 : index
    %swap3A_46 = vector.load %arg8[%swap3A_44, %swap3A_45] : memref<1000x128xf32, #tpu.memory_space<vmem>>, vector<1000x128xf32>
    tpu.vector_store %arg8[%swap3A_44, %swap3A_45], %mul3A_43 {strides = array<i32>} : memref<1000x128xf32, #tpu.memory_space<vmem>>, vector<1000x128xf32>,
    return
  }
  func.func @transform_0(%arg0: i32) -> (i32, i32) {
    %c0_i32 = arith.constant 0 : i32
    %c0_i32_0 = arith.constant 0 : i32
    return %arg0, %c0_i32 : i32, i32
  }
  func.func @transform_1(%arg0: i32) -> (i32, i32) {
    %c0_i32 = arith.constant 0 : i32
    %c0_i32_0 = arith.constant 0 : i32
    return %arg0, %c0_i32 : i32, i32
  }
  func.func @transform_2(%arg0: i32) -> (i32, i32) {
    %c0_i32 = arith.constant 0 : i32
    %c0_i32_0 = arith.constant 0 : i32
    %c0_i32_1 = arith.constant 0 : i32
    return %c0_i32, %c0_i32_0 : i32, i32
  }
  func.func @transform_3(%arg0: i32) -> (i32, i32) {
    %c0_i32 = arith.constant 0 : i32
    %c0_i32_0 = arith.constant 0 : i32
    %c0_i32_1 = arith.constant 0 : i32
    return %c0_i32, %c0_i32_0 : i32, i32
  }
  func.func @transform_4(%arg0: i32) -> (i32, i32) {
    %c0_i32 = arith.constant 0 : i32
    %c0_i32_0 = arith.constant 0 : i32
    %c0_i32_1 = arith.constant 0 : i32
    return %c0_i32, %c0_i32_0 : i32, i32
  }
  func.func @transform_5(%arg0: i32) -> (i32, i32) {
    %c0_i32 = arith.constant 0 : i32
    %c0_i32_0 = arith.constant 0 : i32
    %c0_i32_1 = arith.constant 0 : i32
    return %c0_i32, %c0_i32_0 : i32, i32
  }
  func.func @transform_6(%arg0: i32) -> (i32, i32) {
    %c0_i32 = arith.constant 0 : i32
    %c0_i32_0 = arith.constant 0 : i32
    %c0_i32_1 = arith.constant 0 : i32
    return %c0_i32, %c0_i32_0 : i32, i32
  }
  func.func @transform_7(%arg0: i32) -> (i32, i32) {
    %c0_i32 = arith.constant 0 : i32
    %c0_i32_0 = arith.constant 0 : i32
    return %arg0, %c0_i32 : i32, i32
  }
  func.func @transform_8(%arg0: i32) -> (i32, i32) {
    %c0_i32 = arith.constant 0 : i32
    %c0_i32_0 = arith.constant 0 : i32
    return %arg0, %c0_i32 : i32, i32
  }
}

module attributes {stable_mosaic.version = 14 : i64} {
  func.func @body(%arg0: i32, %arg1: memref<2x1000x128xf32, #tpu.memory_space<vmem>>, %arg2: memref<1x128xf32, #tpu.memory_space<vmem>>, %arg3: memref<128x128xf32, #tpu.memory_space<vmem>>, %arg4: memref<1000x1xf32, #tpu.memory_space<vmem>>, %arg5: memref<1000x128xf32, #tpu.memory_space<vmem>>) attributes {dimension_semantics = [#tpu.dimension_semantics<arbitrary>], iteration_bounds = array<i64: 10>, scalar_prefetch = 0 : i64, scratch_operands = 0 : i64, tpu.core_type = #tpu.core_type<tc>, window_params = [{transform_indices = @transform_0, window_bounds = array<i64: 2, 1000, 128>}, {pipeline_mode = #tpu.pipeline_mode<synchronous>, transform_indices = @transform_1, window_bounds = array<i64: 1, 128>}, {pipeline_mode = #tpu.pipeline_mode<synchronous>, transform_indices = @transform_2, window_bounds = array<i64: 128, 128>}, {transform_indices = @transform_3, window_bounds = array<i64: 1000, 1>}, {transform_indices = @transform_4, window_bounds = array<i64: 1000, 128>}]} {
    %get3A = arith.constant 0 : index
    %get3A_0 = arith.constant 0 : index
    %get3A_1 = arith.constant 0 : index
    %get3A_2 = vector.load %arg1[%get3A, %get3A_0, %get3A_1] : memref<2x1000x128xf32, #tpu.memory_space<vmem>>, vector<1x1000x128xf32>
    %get3A_3 = vector.shape_cast %get3A_2 : vector<1x1000x128xf32> to vector<1000x128xf32>
    %get3A_4 = arith.constant 1 : index
    %get3A_5 = arith.constant 0 : index
    %get3A_6 = arith.constant 0 : index
    %get3A_7 = vector.load %arg1[%get3A_4, %get3A_5, %get3A_6] : memref<2x1000x128xf32, #tpu.memory_space<vmem>>, vector<1x1000x128xf32>
    %get3A_8 = vector.shape_cast %get3A_7 : vector<1x1000x128xf32> to vector<1000x128xf32>
    %add3A = arith.addf %get3A_3, %get3A_8 : vector<1000x128xf32>
    %get3A_9 = arith.constant 0 : index
    %get3A_10 = arith.constant 0 : index
    %get3A_11 = vector.load %arg2[%get3A_9, %get3A_10] : memref<1x128xf32, #tpu.memory_space<vmem>>, vector<1x128xf32>
    %add3A_12 = vector.broadcast %get3A_11 : vector<1x128xf32> to vector<1000x128xf32>
    %add3A_13 = arith.addf %add3A, %add3A_12 : vector<1000x128xf32>
    %max3A = arith.constant 0.000000e+00 : f32
    %max3A_14 = vector.broadcast %max3A : f32 to vector<1000x128xf32>
    %max3A_15 = arith.maximumf %add3A_13, %max3A_14 : vector<1000x128xf32>
    %get3A_16 = arith.constant 0 : index
    %get3A_17 = arith.constant 0 : index
    %get3A_18 = vector.load %arg3[%get3A_16, %get3A_17] : memref<128x128xf32, #tpu.memory_space<vmem>>, vector<128x128xf32>
    %dot_general3A = arith.constant dense<0.000000e+00> : vector<1000x128xf32>
    %dot_general3A_19 = tpu.matmul %max3A_15, %get3A_18, %dot_general3A {dimension_numbers = #tpu.dot_dimension_numbers<[1], [0], [0], [1], [0, 0, 1, 1], [], []>, transpose_lhs_hint = false} : vector<1000x128xf32>, vector<128x128xf32>, vector<1000x128xf32> -> vector<1000x128xf32>
    %get3A_20 = arith.constant 0 : index
    %get3A_21 = arith.constant 0 : index
    %get3A_22 = vector.load %arg4[%get3A_20, %get3A_21] : memref<1000x1xf32, #tpu.memory_space<vmem>>, vector<1000x1xf32>
    %mul3A = vector.broadcast %get3A_22 : vector<1000x1xf32> to vector<1000x128xf32>
    %mul3A_23 = arith.mulf %dot_general3A_19, %mul3A : vector<1000x128xf32>
    %swap3A = arith.constant 0 : index
    %swap3A_24 = arith.constant 0 : index
    %swap3A_25 = vector.load %arg5[%swap3A, %swap3A_24] : memref<1000x128xf32, #tpu.memory_space<vmem>>, vector<1000x128xf32>
    tpu.vector_store %arg5[%swap3A, %swap3A_24], %mul3A_23 {strides = array<i32>} : memref<1000x128xf32, #tpu.memory_space<vmem>>, vector<1000x128xf32>,
    return
  }
  func.func @transform_0(%arg0: i32) -> (i32, i32, i32) {
    %c0_i32 = arith.constant 0 : i32
    %c0_i32_0 = arith.constant 0 : i32
    %c0_i32_1 = arith.constant 0 : i32
    return %c0_i32, %arg0, %c0_i32_0 : i32, i32, i32
  }
  func.func @transform_1(%arg0: i32) -> (i32, i32) {
    %c0_i32 = arith.constant 0 : i32
    %c0_i32_0 = arith.constant 0 : i32
    %c0_i32_1 = arith.constant 0 : i32
    return %c0_i32, %c0_i32_0 : i32, i32
  }
  func.func @transform_2(%arg0: i32) -> (i32, i32) {
    %c0_i32 = arith.constant 0 : i32
    %c0_i32_0 = arith.constant 0 : i32
    %c0_i32_1 = arith.constant 0 : i32
    return %c0_i32, %c0_i32_0 : i32, i32
  }
  func.func @transform_3(%arg0: i32) -> (i32, i32) {
    %c0_i32 = arith.constant 0 : i32
    %c0_i32_0 = arith.constant 0 : i32
    return %arg0, %c0_i32 : i32, i32
  }
  func.func @transform_4(%arg0: i32) -> (i32, i32) {
    %c0_i32 = arith.constant 0 : i32
    %c0_i32_0 = arith.constant 0 : i32
    return %arg0, %c0_i32 : i32, i32
  }
}

module attributes {stable_mosaic.version = 14 : i64} {
  func.func @body(%arg0: memref<2x10240x128xf32, #tpu.memory_space<vmem>>, %arg1: memref<1x128xf32, #tpu.memory_space<vmem>>, %arg2: memref<128x128xf32, #tpu.memory_space<vmem>>, %arg3: memref<1x128xf32, #tpu.memory_space<vmem>>, %arg4: memref<1x128xf32, #tpu.memory_space<vmem>>, %arg5: memref<1x128xf32, #tpu.memory_space<vmem>>, %arg6: memref<1x1xf32, #tpu.memory_space<vmem>>, %arg7: memref<128x128xf32, #tpu.memory_space<vmem>>, %arg8: memref<1x128xf32, #tpu.memory_space<vmem>>, %arg9: memref<128x128xf32, #tpu.memory_space<vmem>>, %arg10: memref<1x128xf32, #tpu.memory_space<vmem>>, %arg11: memref<1x128xf32, #tpu.memory_space<vmem>>, %arg12: memref<1x128xf32, #tpu.memory_space<vmem>>, %arg13: memref<1x1xf32, #tpu.memory_space<vmem>>, %arg14: memref<128x128xf32, #tpu.memory_space<vmem>>, %arg15: memref<1x128xf32, #tpu.memory_space<vmem>>, %arg16: memref<128x128xf32, #tpu.memory_space<vmem>>, %arg17: memref<128x128xf32, #tpu.memory_space<vmem>>, %arg18: memref<1x128xf32, #tpu.memory_space<vmem>>, %arg19: memref<128x1xf32, #tpu.memory_space<vmem>>, %arg20: memref<1x1xf32, #tpu.memory_space<vmem>>, %arg21: memref<1x1xf32, #tpu.memory_space<vmem>>, %arg22: memref<1x1xf32, #tpu.memory_space<vmem>>, %arg23: memref<10000x1xf32, #tpu.memory_space<vmem>>) attributes {dimension_semantics = [], scalar_prefetch = 0 : i64, scratch_operands = 0 : i64, tpu.core_type = #tpu.core_type<tc>} {
    %get3A = arith.constant 0 : index
    %get3A_0 = arith.constant 0 : index
    %get3A_1 = arith.constant 0 : index
    %get3A_2 = vector.load %arg0[%get3A, %get3A_0, %get3A_1] : memref<2x10240x128xf32, #tpu.memory_space<vmem>>, vector<1x10000x128xf32>
    %get3A_3 = vector.shape_cast %get3A_2 : vector<1x10000x128xf32> to vector<10000x128xf32>
    %get3A_4 = arith.constant 1 : index
    %get3A_5 = arith.constant 0 : index
    %get3A_6 = arith.constant 0 : index
    %get3A_7 = vector.load %arg0[%get3A_4, %get3A_5, %get3A_6] : memref<2x10240x128xf32, #tpu.memory_space<vmem>>, vector<1x10000x128xf32>
    %get3A_8 = vector.shape_cast %get3A_7 : vector<1x10000x128xf32> to vector<10000x128xf32>
    %add3A = arith.addf %get3A_3, %get3A_8 : vector<10000x128xf32>
    %get3A_9 = arith.constant 0 : index
    %get3A_10 = arith.constant 0 : index
    %get3A_11 = vector.load %arg1[%get3A_9, %get3A_10] : memref<1x128xf32, #tpu.memory_space<vmem>>, vector<1x128xf32>
    %add3A_12 = vector.broadcast %get3A_11 : vector<1x128xf32> to vector<10000x128xf32>
    %add3A_13 = arith.addf %add3A, %add3A_12 : vector<10000x128xf32>
    %get3A_14 = arith.constant 0 : index
    %get3A_15 = arith.constant 0 : index
    %get3A_16 = vector.load %arg2[%get3A_14, %get3A_15] : memref<128x128xf32, #tpu.memory_space<vmem>>, vector<128x128xf32>
    %dot_general3A = arith.constant dense<0.000000e+00> : vector<10000x128xf32>
    %dot_general3A_17 = tpu.matmul %add3A_13, %get3A_16, %dot_general3A {dimension_numbers = #tpu.dot_dimension_numbers<[1], [0], [0], [1], [0, 0, 1, 1], [], []>, transpose_lhs_hint = false} : vector<10000x128xf32>, vector<128x128xf32>, vector<10000x128xf32> -> vector<10000x128xf32>
    %get3A_18 = arith.constant 0 : index
    %get3A_19 = arith.constant 0 : index
    %get3A_20 = vector.load %arg3[%get3A_18, %get3A_19] : memref<1x128xf32, #tpu.memory_space<vmem>>, vector<1x128xf32>
    %add3A_21 = vector.broadcast %get3A_20 : vector<1x128xf32> to vector<10000x128xf32>
    %add3A_22 = arith.addf %dot_general3A_17, %add3A_21 : vector<10000x128xf32>
    %reduce_sum3A = arith.constant dense<0.000000e+00> : vector<128xf32>
    %reduce_sum3A_23 = vector.multi_reduction <add>, %add3A_22, %reduce_sum3A [0] : vector<10000x128xf32> to vector<128xf32>
    %broadcast_in_dim3A = vector.shape_cast %reduce_sum3A_23 : vector<128xf32> to vector<1x128xf32>
    %div3A = arith.constant 1.000000e+04 : f32
    %div3A_24 = vector.broadcast %div3A : f32 to vector<1x128xf32>
    %div3A_25 = arith.divf %broadcast_in_dim3A, %div3A_24 : vector<1x128xf32>
    %sub3A = vector.broadcast %div3A_25 : vector<1x128xf32> to vector<10000x128xf32>
    %sub3A_26 = arith.subf %add3A_22, %sub3A : vector<10000x128xf32>
    %mul3A = arith.mulf %sub3A_26, %sub3A_26 : vector<10000x128xf32>
    %reduce_sum3A_27 = arith.constant dense<0.000000e+00> : vector<128xf32>
    %reduce_sum3A_28 = vector.multi_reduction <add>, %mul3A, %reduce_sum3A_27 [0] : vector<10000x128xf32> to vector<128xf32>
    %broadcast_in_dim3A_29 = vector.shape_cast %reduce_sum3A_28 : vector<128xf32> to vector<1x128xf32>
    %div3A_30 = arith.constant 1.000000e+04 : f32
    %div3A_31 = vector.broadcast %div3A_30 : f32 to vector<1x128xf32>
    %div3A_32 = arith.divf %broadcast_in_dim3A_29, %div3A_31 : vector<1x128xf32>
    %get3A_33 = arith.constant 0 : index
    %get3A_34 = arith.constant 0 : index
    %get3A_35 = vector.load %arg4[%get3A_33, %get3A_34] : memref<1x128xf32, #tpu.memory_space<vmem>>, vector<1x128xf32>
    %add3A_36 = arith.constant 9.99999974E-6 : f32
    %add3A_37 = vector.broadcast %add3A_36 : f32 to vector<1x128xf32>
    %add3A_38 = arith.addf %div3A_32, %add3A_37 : vector<1x128xf32>
    %sqrt3A = math.sqrt %add3A_38 : vector<1x128xf32>
    %div3A_39 = arith.divf %get3A_35, %sqrt3A : vector<1x128xf32>
    %mul3A_40 = vector.broadcast %div3A_39 : vector<1x128xf32> to vector<10000x128xf32>
    %mul3A_41 = arith.mulf %sub3A_26, %mul3A_40 : vector<10000x128xf32>
    %get3A_42 = arith.constant 0 : index
    %get3A_43 = arith.constant 0 : index
    %get3A_44 = vector.load %arg5[%get3A_42, %get3A_43] : memref<1x128xf32, #tpu.memory_space<vmem>>, vector<1x128xf32>
    %add3A_45 = vector.broadcast %get3A_44 : vector<1x128xf32> to vector<10000x128xf32>
    %add3A_46 = arith.addf %mul3A_41, %add3A_45 : vector<10000x128xf32>
    %ge3A = arith.constant 0.000000e+00 : f32
    %ge3A_47 = vector.broadcast %ge3A : f32 to vector<10000x128xf32>
    %ge3A_48 = arith.cmpf oge, %add3A_46, %ge3A_47 : vector<10000x128xf32>
    %get3A_49 = arith.constant 0 : index
    %get3A_50 = arith.constant 0 : index
    %get3A_51 = vector.load %arg6[%get3A_49, %get3A_50] : memref<1x1xf32, #tpu.memory_space<vmem>>, vector<1x1xf32>
    %mul3A_52 = vector.broadcast %get3A_51 : vector<1x1xf32> to vector<10000x128xf32>
    %mul3A_53 = arith.mulf %mul3A_52, %add3A_46 : vector<10000x128xf32>
    %select_n3A = arith.select %ge3A_48, %add3A_46, %mul3A_53 : vector<10000x128xi1>, vector<10000x128xf32>
    %get3A_54 = arith.constant 0 : index
    %get3A_55 = arith.constant 0 : index
    %get3A_56 = vector.load %arg7[%get3A_54, %get3A_55] : memref<128x128xf32, #tpu.memory_space<vmem>>, vector<128x128xf32>
    %dot_general3A_57 = arith.constant dense<0.000000e+00> : vector<10000x128xf32>
    %dot_general3A_58 = tpu.matmul %select_n3A, %get3A_56, %dot_general3A_57 {dimension_numbers = #tpu.dot_dimension_numbers<[1], [0], [0], [1], [0, 0, 1, 1], [], []>, transpose_lhs_hint = false} : vector<10000x128xf32>, vector<128x128xf32>, vector<10000x128xf32> -> vector<10000x128xf32>
    %get3A_59 = arith.constant 0 : index
    %get3A_60 = arith.constant 0 : index
    %get3A_61 = vector.load %arg8[%get3A_59, %get3A_60] : memref<1x128xf32, #tpu.memory_space<vmem>>, vector<1x128xf32>
    %add3A_62 = vector.broadcast %get3A_61 : vector<1x128xf32> to vector<10000x128xf32>
    %add3A_63 = arith.addf %dot_general3A_58, %add3A_62 : vector<10000x128xf32>
    %get3A_64 = arith.constant 0 : index
    %get3A_65 = arith.constant 0 : index
    %get3A_66 = vector.load %arg9[%get3A_64, %get3A_65] : memref<128x128xf32, #tpu.memory_space<vmem>>, vector<128x128xf32>
    %dot_general3A_67 = arith.constant dense<0.000000e+00> : vector<10000x128xf32>
    %dot_general3A_68 = tpu.matmul %add3A_13, %get3A_66, %dot_general3A_67 {dimension_numbers = #tpu.dot_dimension_numbers<[1], [0], [0], [1], [0, 0, 1, 1], [], []>, transpose_lhs_hint = false} : vector<10000x128xf32>, vector<128x128xf32>, vector<10000x128xf32> -> vector<10000x128xf32>
    %get3A_69 = arith.constant 0 : index
    %get3A_70 = arith.constant 0 : index
    %get3A_71 = vector.load %arg10[%get3A_69, %get3A_70] : memref<1x128xf32, #tpu.memory_space<vmem>>, vector<1x128xf32>
    %add3A_72 = vector.broadcast %get3A_71 : vector<1x128xf32> to vector<10000x128xf32>
    %add3A_73 = arith.addf %dot_general3A_68, %add3A_72 : vector<10000x128xf32>
    %reduce_sum3A_74 = arith.constant dense<0.000000e+00> : vector<128xf32>
    %reduce_sum3A_75 = vector.multi_reduction <add>, %add3A_73, %reduce_sum3A_74 [0] : vector<10000x128xf32> to vector<128xf32>
    %broadcast_in_dim3A_76 = vector.shape_cast %reduce_sum3A_75 : vector<128xf32> to vector<1x128xf32>
    %div3A_77 = arith.constant 1.000000e+04 : f32
    %div3A_78 = vector.broadcast %div3A_77 : f32 to vector<1x128xf32>
    %div3A_79 = arith.divf %broadcast_in_dim3A_76, %div3A_78 : vector<1x128xf32>
    %sub3A_80 = vector.broadcast %div3A_79 : vector<1x128xf32> to vector<10000x128xf32>
    %sub3A_81 = arith.subf %add3A_73, %sub3A_80 : vector<10000x128xf32>
    %mul3A_82 = arith.mulf %sub3A_81, %sub3A_81 : vector<10000x128xf32>
    %reduce_sum3A_83 = arith.constant dense<0.000000e+00> : vector<128xf32>
    %reduce_sum3A_84 = vector.multi_reduction <add>, %mul3A_82, %reduce_sum3A_83 [0] : vector<10000x128xf32> to vector<128xf32>
    %broadcast_in_dim3A_85 = vector.shape_cast %reduce_sum3A_84 : vector<128xf32> to vector<1x128xf32>
    %div3A_86 = arith.constant 1.000000e+04 : f32
    %div3A_87 = vector.broadcast %div3A_86 : f32 to vector<1x128xf32>
    %div3A_88 = arith.divf %broadcast_in_dim3A_85, %div3A_87 : vector<1x128xf32>
    %get3A_89 = arith.constant 0 : index
    %get3A_90 = arith.constant 0 : index
    %get3A_91 = vector.load %arg11[%get3A_89, %get3A_90] : memref<1x128xf32, #tpu.memory_space<vmem>>, vector<1x128xf32>
    %add3A_92 = arith.constant 9.99999974E-6 : f32
    %add3A_93 = vector.broadcast %add3A_92 : f32 to vector<1x128xf32>
    %add3A_94 = arith.addf %div3A_88, %add3A_93 : vector<1x128xf32>
    %sqrt3A_95 = math.sqrt %add3A_94 : vector<1x128xf32>
    %div3A_96 = arith.divf %get3A_91, %sqrt3A_95 : vector<1x128xf32>
    %mul3A_97 = vector.broadcast %div3A_96 : vector<1x128xf32> to vector<10000x128xf32>
    %mul3A_98 = arith.mulf %sub3A_81, %mul3A_97 : vector<10000x128xf32>
    %get3A_99 = arith.constant 0 : index
    %get3A_100 = arith.constant 0 : index
    %get3A_101 = vector.load %arg12[%get3A_99, %get3A_100] : memref<1x128xf32, #tpu.memory_space<vmem>>, vector<1x128xf32>
    %add3A_102 = vector.broadcast %get3A_101 : vector<1x128xf32> to vector<10000x128xf32>
    %add3A_103 = arith.addf %mul3A_98, %add3A_102 : vector<10000x128xf32>
    %ge3A_104 = arith.constant 0.000000e+00 : f32
    %ge3A_105 = vector.broadcast %ge3A_104 : f32 to vector<10000x128xf32>
    %ge3A_106 = arith.cmpf oge, %add3A_103, %ge3A_105 : vector<10000x128xf32>
    %get3A_107 = arith.constant 0 : index
    %get3A_108 = arith.constant 0 : index
    %get3A_109 = vector.load %arg13[%get3A_107, %get3A_108] : memref<1x1xf32, #tpu.memory_space<vmem>>, vector<1x1xf32>
    %mul3A_110 = vector.broadcast %get3A_109 : vector<1x1xf32> to vector<10000x128xf32>
    %mul3A_111 = arith.mulf %mul3A_110, %add3A_103 : vector<10000x128xf32>
    %select_n3A_112 = arith.select %ge3A_106, %add3A_103, %mul3A_111 : vector<10000x128xi1>, vector<10000x128xf32>
    %get3A_113 = arith.constant 0 : index
    %get3A_114 = arith.constant 0 : index
    %get3A_115 = vector.load %arg14[%get3A_113, %get3A_114] : memref<128x128xf32, #tpu.memory_space<vmem>>, vector<128x128xf32>
    %dot_general3A_116 = arith.constant dense<0.000000e+00> : vector<10000x128xf32>
    %dot_general3A_117 = tpu.matmul %select_n3A_112, %get3A_115, %dot_general3A_116 {dimension_numbers = #tpu.dot_dimension_numbers<[1], [0], [0], [1], [0, 0, 1, 1], [], []>, transpose_lhs_hint = false} : vector<10000x128xf32>, vector<128x128xf32>, vector<10000x128xf32> -> vector<10000x128xf32>
    %get3A_118 = arith.constant 0 : index
    %get3A_119 = arith.constant 0 : index
    %get3A_120 = vector.load %arg15[%get3A_118, %get3A_119] : memref<1x128xf32, #tpu.memory_space<vmem>>, vector<1x128xf32>
    %add3A_121 = vector.broadcast %get3A_120 : vector<1x128xf32> to vector<10000x128xf32>
    %add3A_122 = arith.addf %dot_general3A_117, %add3A_121 : vector<10000x128xf32>
    %get3A_123 = arith.constant 0 : index
    %get3A_124 = arith.constant 0 : index
    %get3A_125 = vector.load %arg16[%get3A_123, %get3A_124] : memref<128x128xf32, #tpu.memory_space<vmem>>, vector<128x128xf32>
    %dot_general3A_126 = arith.constant dense<0.000000e+00> : vector<10000x128xf32>
    %dot_general3A_127 = tpu.matmul %add3A_63, %get3A_125, %dot_general3A_126 {dimension_numbers = #tpu.dot_dimension_numbers<[1], [0], [0], [1], [0, 0, 1, 1], [], []>, transpose_lhs_hint = false} : vector<10000x128xf32>, vector<128x128xf32>, vector<10000x128xf32> -> vector<10000x128xf32>
    %get3A_128 = arith.constant 0 : index
    %get3A_129 = arith.constant 0 : index
    %get3A_130 = vector.load %arg17[%get3A_128, %get3A_129] : memref<128x128xf32, #tpu.memory_space<vmem>>, vector<128x128xf32>
    %dot_general3A_131 = arith.constant dense<0.000000e+00> : vector<10000x128xf32>
    %dot_general3A_132 = tpu.matmul %add3A_122, %get3A_130, %dot_general3A_131 {dimension_numbers = #tpu.dot_dimension_numbers<[1], [0], [0], [1], [0, 0, 1, 1], [], []>, transpose_lhs_hint = false} : vector<10000x128xf32>, vector<128x128xf32>, vector<10000x128xf32> -> vector<10000x128xf32>
    %add3A_133 = arith.addf %dot_general3A_127, %dot_general3A_132 : vector<10000x128xf32>
    %get3A_134 = arith.constant 0 : index
    %get3A_135 = arith.constant 0 : index
    %get3A_136 = vector.load %arg18[%get3A_134, %get3A_135] : memref<1x128xf32, #tpu.memory_space<vmem>>, vector<1x128xf32>
    %add3A_137 = vector.broadcast %get3A_136 : vector<1x128xf32> to vector<10000x128xf32>
    %add3A_138 = arith.addf %add3A_133, %add3A_137 : vector<10000x128xf32>
    %max3A = arith.constant 0.000000e+00 : f32
    %max3A_139 = vector.broadcast %max3A : f32 to vector<10000x128xf32>
    %max3A_140 = arith.maximumf %add3A_138, %max3A_139 : vector<10000x128xf32>
    %get3A_141 = arith.constant 0 : index
    %get3A_142 = arith.constant 0 : index
    %get3A_143 = vector.load %arg19[%get3A_141, %get3A_142] : memref<128x1xf32, #tpu.memory_space<vmem>>, vector<128x1xf32>
    %dot_general3A_144 = arith.constant dense<0.000000e+00> : vector<10000x1xf32>
    %dot_general3A_145 = tpu.matmul %max3A_140, %get3A_143, %dot_general3A_144 {dimension_numbers = #tpu.dot_dimension_numbers<[1], [0], [0], [1], [0, 0, 1, 1], [], []>, transpose_lhs_hint = false} : vector<10000x128xf32>, vector<128x1xf32>, vector<10000x1xf32> -> vector<10000x1xf32>
    %get3A_146 = arith.constant 0 : index
    %get3A_147 = arith.constant 0 : index
    %get3A_148 = vector.load %arg20[%get3A_146, %get3A_147] : memref<1x1xf32, #tpu.memory_space<vmem>>, vector<1x1xf32>
    %add3A_149 = vector.broadcast %get3A_148 : vector<1x1xf32> to vector<10000x1xf32>
    %add3A_150 = arith.addf %dot_general3A_145, %add3A_149 : vector<10000x1xf32>
    %logistic3A = arith.negf %add3A_150 : vector<10000x1xf32>
    %logistic3A_151 = math.exp %logistic3A : vector<10000x1xf32>
    %logistic3A_152 = arith.constant 1.000000e+00 : f32
    %logistic3A_153 = vector.broadcast %logistic3A_152 : f32 to vector<10000x1xf32>
    %logistic3A_154 = arith.addf %logistic3A_153, %logistic3A_151 : vector<10000x1xf32>
    %logistic3A_155 = arith.divf %logistic3A_153, %logistic3A_154 : vector<10000x1xf32>
    %get3A_156 = arith.constant 0 : index
    %get3A_157 = arith.constant 0 : index
    %get3A_158 = vector.load %arg21[%get3A_156, %get3A_157] : memref<1x1xf32, #tpu.memory_space<vmem>>, vector<1x1xf32>
    %dot_general3A_159 = arith.constant dense<0.000000e+00> : vector<10000x1xf32>
    %dot_general3A_160 = tpu.matmul %logistic3A_155, %get3A_158, %dot_general3A_159 {dimension_numbers = #tpu.dot_dimension_numbers<[1], [0], [0], [1], [0, 0, 1, 1], [], []>, transpose_lhs_hint = false} : vector<10000x1xf32>, vector<1x1xf32>, vector<10000x1xf32> -> vector<10000x1xf32>
    %get3A_161 = arith.constant 0 : index
    %get3A_162 = arith.constant 0 : index
    %get3A_163 = vector.load %arg22[%get3A_161, %get3A_162] : memref<1x1xf32, #tpu.memory_space<vmem>>, vector<1x1xf32>
    %add3A_164 = vector.broadcast %get3A_163 : vector<1x1xf32> to vector<10000x1xf32>
    %add3A_165 = arith.addf %dot_general3A_160, %add3A_164 : vector<10000x1xf32>
    %swap3A = arith.constant 0 : index
    %swap3A_166 = arith.constant 0 : index
    %swap3A_167 = vector.load %arg23[%swap3A, %swap3A_166] : memref<10000x1xf32, #tpu.memory_space<vmem>>, vector<10000x1xf32>
    tpu.vector_store %arg23[%swap3A, %swap3A_166], %add3A_165 {strides = array<i32>} : memref<10000x1xf32, #tpu.memory_space<vmem>>, vector<10000x1xf32>,
    return
  }
}

</mosaic_0001>

<sc_bundles>
// kernel: kernel.10.cloned.1.call-start
scs
__scs_entry_jumppad:
0x0: {  	(pc) =	sbr.rel $0x88, $3  }
0x1: {  	(tag) =	ssettag $0x0;
	lr =	simm.s32 $0x1  }
0x2: {  	[smem:$0x3F83] =	sst lr;
	_ =	strace $0xD0000000  }
0x3: {  	_ = 	snop  }
0x4: {  	_ = 	snop  }
0x5: {  	_ = 	snop  }
0x6: {  	_ = 	snop  }
0x7: {  	_ = 	snop  }
__scs_overlays_trampoline_lowered:
0x8: {  	[smem:$0x3F92] =	sst s0  }
0x9: {  	[smem:$0x3F93] =	sst s1  }
0xa: {  	[smem:$0x3F94] =	sst s2  }
0xb: {  	[smem:$0x3F95] =	sst s3  }
0xc: {  	[smem:$0x3F96] =	sst s4  }
0xd: {  	[smem:$0x3F97] =	sst s5  }
0xe: {  	[smem:$0x3F98] =	sst s6  }
0xf: {  	[smem:$0x3F99] =	sst s7  }
0x10: {  	[smem:$0x3F9A] =	sst s8  }
0x11: {  	[smem:$0x3F9B] =	sst s9;
	s0 =	simm.s32 @!p0 $0x0  }
0x12: {  	s1 =	sld [smem:$0x3F81];
	s0 =	simm.s32 @p0 $0x1  }
0x13: {  	[smem:$0x3F9C] =	sst s0;
	s0 =	simm.s32 @!p1 $0x0  }
0x14: {  	s2 =	sld [smem:$0x3F80];
	s0 =	simm.s32 @p1 $0x1  }
0x15: {  	[smem:$0x3F9D] =	sst s0;
	s0 =	simm.s32 @!p2 $0x0  }
0x16: {  	s3 =	sld [smem:$0x3FDB];
	s0 =	simm.s32 @p2 $0x1  }
0x17: {  	s4 =	simm.s32 $0x1BF5;
	[smem:$0x3F9F] =	sst s0  }
0x18: {  	s0 =	sld [smem:$0x3F82];
	_ =	swait.ge [sflag:s4], $0x0  }
0x19: {  	s7 =	sld [smem:$0x3F83]  }
0x1a: {  	s8 =	sadd.s32 $0xFFFFE003, lr  }
0x1b: {  	s9 =	sadd.s32 $0xFFFFFEF7, lr;
	s5 =	simm.s32 $0xFFFFFFFF;
	p2 =	slt.u32 s8, $0xFFFFF086  }
0x1c: {  	p1 =	slt.u32 s9, $0xF7A;
	s5 =	simm.s32 @!p2 $0x0  }
0x1d: {  	s5 =	simm.s32 @p1 $0x1;
	p0 =	seq.s32 s7, s2  }
0x1e: {  	s7 =	smul.u32 @!p0 $0xF7A, s2;
	p2 =	seq.s32 @!p0 s5, $0x0  }
0x1f: {  	s9 =	smul.u32 $0xF7A, s1;
	s8 =	simm.s32 @!p0 $0x1BF5;
	p2 =	por !p2, p0  }
0x20: {  	[sflag:s8] =	ssyncset.s32 @!p0 $0xFFFFF086;
	s6 =	sadd.s32 @!p0 s3, s7;
	s7 =	simm.s32 @!p0 $0x108  }
0x21: {  	s3 =	sadd.s32 s3, s9;
	s6 =	sadd.s32 @!p0 $0x88, s6;
	s7 =	simm.s32 @p2 $0x1082  }
0x22: {  	[simem:s7], [sflag:s8] =	dma.local @!p0 [hbm:s6], $0xF7A  }
0x23: {  	s9 =	sor.u32 $0xD0000000, s2;
	s6 =	simm.s32 $0x108;
	_ =	swait.ge @!p0 [sflag:s8], $0x0  }
0x24: {  	s3 =	sadd.s32 $0x88, s3;
	s6 =	simm.s32 @!p1 $0x1082;
	[sflag:s4] =	ssyncset.s32 $0xFFFFF086  }
0x25: {  	[simem:s6], [sflag:s4] =	dma.local [hbm:s3], $0xF7A  }
0x26: {  	[smem:$0x3F83] =	sst s1;
	(tag) =	ssettag s2;
	_ =	strace s9  }
0x27: {  	s1 =	sld [smem:$0x3F93]  }
0x28: {  	s2 =	sld [smem:$0x3F94]  }
0x29: {  	s4 =	sld [smem:$0x3F96]  }
0x2a: {  	p0 =	seq.s32 s5, $0x0;
	s5 =	sld [smem:$0x3F97]  }
0x2b: {  	s6 =	sld [smem:$0x3F98]  }
0x2c: {  	s7 =	sld [smem:$0x3F99]  }
0x2d: {  	s3 =	simm.s32 $0x108;
	s8 =	sld [smem:$0x3F9A]  }
0x2e: {  	s3 =	simm.s32 @!p0 $0x1082;
	s9 =	sld [smem:$0x3F9B]  }
0x2f: {  	lr =	sadd.s32 s0, s3;
	s0 =	sld [smem:$0x3F92]  }
0x30: {  	s3 =	sld [smem:$0x3F95]  }
0x31: {  	[smem:$0x3F9E] =	sst s10  }
0x32: {  	s10 =	sld [smem:$0x3F9C];
	_ =	sdelay $0x3  }
0x33: {  	p0 =	seq.s32 s10, $0x1;
	s10 =	sld [smem:$0x3F9E];
	_ =	sdelay $0x3  }
0x34: {  	[smem:$0x3F9E] =	sst s10  }
0x35: {  	s10 =	sld [smem:$0x3F9D];
	_ =	sdelay $0x3  }
0x36: {  	p1 =	seq.s32 s10, $0x1;
	s10 =	sld [smem:$0x3F9E];
	_ =	sdelay $0x3  }
0x37: {  	[smem:$0x3F9E] =	sst s10  }
0x38: {  	s10 =	sld [smem:$0x3F9F]  }
0x39: {  	_ = 	snop;
	(pc) =	sbr.ind lr, $3  }
0x3a: {  	_ = 	snop  }
0x3b: {  	_ = 	snop  }
0x3c: {  	p2 =	seq.s32 s10, $0x1;
	s10 =	sld [smem:$0x3F9E]  }
0x3d: {  	_ =	shalt  }
0x3e: {  	_ =	shalt  }
0x3f: {  	_ =	shalt  }
0x40: {  	_ =	shalt  }
0x41: {  	_ =	shalt  }
0x42: {  	_ =	shalt  }
0x43: {  	_ =	shalt  }
0x44: {  	_ =	shalt  }
0x45: {  	_ =	shalt  }
0x46: {  	_ =	shalt  }
0x47: {  	_ =	shalt  }
0x48: {  	_ =	shalt  }
0x49: {  	_ =	shalt  }
0x4a: {  	_ =	shalt  }
0x4b: {  	_ =	shalt  }
0x4c: {  	_ =	shalt  }
0x4d: {  	_ =	shalt  }
0x4e: {  	_ =	shalt  }
0x4f: {  	_ =	shalt  }
0x50: {  	_ =	shalt  }
0x51: {  	_ =	shalt  }
0x52: {  	_ =	shalt  }
0x53: {  	_ =	shalt  }
0x54: {  	_ =	shalt  }
0x55: {  	_ =	shalt  }
0x56: {  	_ =	shalt  }
0x57: {  	_ =	shalt  }
0x58: {  	_ =	shalt  }
0x59: {  	_ =	shalt  }
0x5a: {  	_ =	shalt  }
0x5b: {  	_ =	shalt  }
0x5c: {  	_ =	shalt  }
0x5d: {  	_ =	shalt  }
0x5e: {  	_ =	shalt  }
0x5f: {  	_ =	shalt  }
0x60: {  	_ =	shalt  }
0x61: {  	_ =	shalt  }
0x62: {  	_ =	shalt  }
0x63: {  	_ =	shalt  }
0x64: {  	_ =	shalt  }
0x65: {  	_ =	shalt  }
0x66: {  	_ =	shalt  }
0x67: {  	_ =	shalt  }
0x68: {  	_ =	shalt  }
0x69: {  	_ =	shalt  }
0x6a: {  	_ =	shalt  }
0x6b: {  	_ =	shalt  }
0x6c: {  	_ =	shalt  }
0x6d: {  	_ =	shalt  }
0x6e: {  	_ =	shalt  }
0x6f: {  	_ =	shalt  }
0x70: {  	_ =	shalt  }
0x71: {  	_ =	shalt  }
0x72: {  	_ =	shalt  }
0x73: {  	_ =	shalt  }
0x74: {  	_ =	shalt  }
0x75: {  	_ =	shalt  }
0x76: {  	_ =	shalt  }
0x77: {  	_ =	shalt  }
0x78: {  	_ =	shalt  }
0x79: {  	_ =	shalt  }
0x7a: {  	_ =	shalt  }
0x7b: {  	_ =	shalt  }
0x7c: {  	_ =	shalt  }
0x7d: {  	_ =	shalt  }
0x7e: {  	_ =	shalt  }
0x7f: {  	_ =	shalt  }
0x80: {  	_ =	shalt  }
0x81: {  	_ =	shalt  }
0x82: {  	_ =	shalt  }
0x83: {  	_ =	shalt  }
0x84: {  	_ =	shalt  }
0x85: {  	_ =	shalt  }
0x86: {  	_ =	shalt  }
0x87: {  	_ =	shalt  }
.Lfunc_end0:
.L_simem_size_0:
called_computation.1_lowered:
.L_overlay_start_0:
0x88: {  	s2 =	sld [smem:$0x3FD9]  }
0x89: {  	s3 =	sld [smem:$0x3FFE];
	_ =	sdelay $0x1  }
0x8a: {  	s1 =	srdreg.scid  }
0x8b: {  	s0 =	sand.u32 $0x1, s1  }
0x8c: {  	s16 =	sshll.u32 s0, $0xA;
	s2 =	sadd.s32 s3, s2  }
0x8d: {  	s2 =	sadd.s32 s2, s16  }
0x8e: {  	[smem:$0x3FAA] =	sst s2  }
0x8f: {  	_ = 	snop  }
0x90: {  	(tm) =	ssettm $0x1  }
0x91: {  	s17 =	sld [smem:$0x3FFB];
	_ =	sdelay $0x3  }
0x92: {  	_ =	strace s17  }
0x93: {  	s2 =	sld [smem:$0x3FFC];
	_ =	sdelay $0x3  }
0x94: {  	_ =	strace s2  }
0x95: {  	s2 =	sld [smem:$0x3FFD];
	_ =	sdelay $0x3  }
0x96: {  	_ =	strace s2  }
0x97: {  	_ =	strace $0x8FFFFFFF  }
0x98: {  	s18 =	sld [smem:$0x3FDB];
	_ =	sdelay $0x1  }
0x99: {  	s19 =	simm.s32 $_scs_section_size  }
0x9a: {  	s4 =	simm.s32 $_size__tile_overlayer_lowered;
	s5 =	simm.s32 $_tile_overlayer_lowered  }
0x9b: {  	s22 =	simm.s32 $0x1BFF;
	s21 =	sshll.u32 s5, $0x1;
	s2 =	sadd.s32 s19, s18  }
0x9c: {  	s6 =	simm.s32 $0x0;
	s20 =	sshll.u32 s4, $0x1;
	s4 =	sadd.s32 s21, s2  }
0x9d: {  	[timem:s6], [sflag:s22] =	dma.local [hbm:s4], s20  }
0x9e: {  	_ =	swait.ge [sflag:s22], s20  }
0x9f: {  	s3 =	ssub.s32 $0x0, s20;
	[sflag:s22] =	ssyncset.done $0x0  }
0xa0: {  	[sflag:s22] =	ssyncadd.s32 s3;
	_ =	sdelay $0x1  }
0xa1: {  	s23 =	simm.s32 $0x1B8B  }
0xa2: {  	_ =	swait.ge [sflag:s23], $0x1  }
0xa3: {  	[sflag:s23] =	ssyncset.done $0x0  }
0xa4: {  	s25 =	simm.s32 $0x1B8E;
	s24 =	sld [smem:$0x3FFE];
	[sflag:s23] =	ssyncadd.s32 $0xFFFFFFFF  }
0xa5: {  	s26 =	simm.s32 $execute0_lowered;
	[smem:$0x3FD2] =	sst s25  }
0xa6: {  	s4 =	sshll.u32 s26, $0x1;
	_ =	strace $0x80000049;
	[dreg:$0x1] =	wrdreg $0xFFFFFFFF  }
0xa7: {  	s28 =	simm.s32 $_size_execute0_lowered;
	s2 =	sadd.s32 s2, s4;
	[dreg:$0x0] =	wrdreg $0x0  }
0xa8: {  	s4 =	sshll.u32 s28, $0x1;
	[dreg:$0x2] =	wrdreg s2  }
0xa9: {  	[dreg:$0x3] =	wrdreg s4  }
0xaa: {  	[dreg:$0x4] =	wrdreg $0xC0  }
0xab: {  	_ =	task [dreg:s6], $0x5FFFF  }
0xac: {  	[dreg:$0x1] =	wrdreg $0xFFFFFFFF  }
0xad: {  	[dreg:$0x0] =	wrdreg $0x60  }
0xae: {  	[dreg:$0x2] =	wrdreg s24  }
0xaf: {  	[dreg:$0x3] =	wrdreg $0xB0000  }
0xb0: {  	[dreg:$0x4] =	wrdreg $0x9  }
0xb1: {  	_ =	task.clear_ibuf [dreg:s6], $0x5FFFF;
	_ =	strace $0x90000049  }
0xb2: {  	s29 =	simm.s32 $0x9;
	_ =	strace $0x8000004B  }
0xb3: {  	_ =	swait.ge [sflag:s29], $0x1  }
0xb4: {  	[sflag:s29] =	ssyncadd.s32 $0xFFFFFFFF  }
0xb5: {  	_ =	strace $0x9000004B  }
0xb6: {  	_ =	sfence  }
0xb7: {  	s30 =	sld [smem:$0x0];
	_ =	sdelay $0x2  }
0xb8: {  	s31 =	sshll.u32 s1, $0xD;
	s1 =	sshrl.u32 s1, $0x2  }
0xb9: {  	s3 =	sand.u32 $0x4000, s31;
	s1 =	sadd.s32 s1, s30  }
0xba: {  	s0 =	sor.u32 s3, s0;
	s1 =	sshll.u32 s1, $0x11  }
0xbb: {  	s0 =	sor.u32 s1, s0  }
0xbc: {  	s0 =	sadd.s32 $0x8F2B, s0  }
0xbd: {  	[sflag:s0] =	ssyncadd.remote.s32 $0x1  }
0xbe: {  	_ =	sfence.sel $0xFFFF  }
0xbf: {  	[dreg:$0x0] =	wrdreg $0xFFFFFFFF;
	(pc) =	sbr.abs _section_cstart, $3  }
0xc0: {  	[dreg:$0x1] =	wrdreg $0xFFFFFFFF  }
0xc1: {  	_ =	task.clear_ibuf [dreg:s6], $0x2FFFF;
	_ =	strace $0x9FFFFFFF  }
0xc2: {  	(tm) =	ssettm $0x7FFFFFFF  }
0xc3: {  	_ =	shalt  }
tec
execute0_lowered:
.L_overlay_start_1:
0x0: {  	(tag) =	ssettag $0x1  }
0x1: {  	s1 =	rddreg [dreg:$0x0]  }
0x2: {  	s0 =	srdreg.scid;
	s2 =	rddreg [dreg:$0x1];
	s3 =	simm.s32 $0x0  }
0x3: {  	s11 =	stileid.u32;
	s23 =	simm.s32 $0x480;
	[smem:$0x7FF] =	sst s3  }
0x4: {  	s25 =	simm.s32 $0x500;
	_ =	strace $0x8000004A;
	[dreg:$0x5] =	wrdreg s23  }
0x5: {  	s26 =	simm.s32 $0x580;
	s12 =	simm.s32 $0x200;
	[dreg:$0x6] =	wrdreg s25  }
0x6: {  	s13 =	simm.s32 $0x280;
	s14 =	simm.s32 $0x300;
	[dreg:$0x7] =	wrdreg s26  }
0x7: {  	s15 =	simm.s32 $0x380;
	s17 =	simm.s32 $0x600;
	[dreg:$0x8] =	wrdreg s12  }
0x8: {  	s18 =	simm.s32 $0x680;
	s20 =	simm.s32 $0x700;
	[dreg:$0x9] =	wrdreg s13  }
0x9: {  	s28 =	simm.s32 $0x3800;
	s29 =	simm.s32 $0x100;
	[dreg:$0xa] =	wrdreg s14  }
0xa: {  	s30 =	simm.s32 $0x6000;
	s31 =	simm.s32 $0x180;
	[dreg:$0xb] =	wrdreg s15  }
0xb: {  	s7 =	sand.u32 $0x1, s0;
	s4 =	smul.u32 $0x4400, s11;
	[dreg:$0xc] =	wrdreg s17  }
0xc: {  	s8 =	smul.u32 $0x14000, s11;
	s5 =	sadd.s32 $0x14C00, s1;
	[dreg:$0xd] =	wrdreg s18  }
0xd: {  	s19 =	smul.u32 $0x50000, s11;
	[dreg:$0xe] =	wrdreg s20;
	s23 =	simm.s32 $0x880  }
0xe: {  	s0 =	smul.u32 $0x44000, s7;
	s26 =	simm.s32 $0x980;
	[dreg:$0x10] =	wrdreg s23  }
0xf: {  	s6 =	smul.u32 $0x140000, s7;
	s13 =	simm.s32 $0xD80;
	[dreg:$0x12] =	wrdreg s26  }
0x10: {  	s22 =	ssub.s32 $0x2, s7;
	s15 =	simm.s32 $0xA00;
	[dreg:$0x15] =	wrdreg s13  }
0x11: {  	s7 =	sshll.u32 s7, $0x4;
	s17 =	simm.s32 $0xA80;
	[dreg:$0x16] =	wrdreg s15  }
0x12: {  	s20 =	simm.s32 $0xB00;
	s24 =	sshrl.u32 s22, $0x1;
	[dreg:$0x17] =	wrdreg s17  }
0x13: {  	s7 =	sor.u32 s11, s7;
	s11 =	simm.s32 $0xD00;
	[dreg:$0x18] =	wrdreg s20  }
0x14: {  	s23 =	simm.s32 $0xE00;
	s26 =	simm.s32 $0xF80;
	s0 =	sadd.s32 s4, s0  }
0x15: {  	s4 =	sadd.s32 $0x25C00, s1;
	s8 =	sadd.s32 s8, s6;
	[dreg:$0x14] =	wrdreg s11  }
0x16: {  	s7 =	smul.u32 $0x4400, s7;
	[dreg:$0x1a] =	wrdreg s23;
	s9 =	sadd.s32 $0x400, s0  }
0x17: {  	[dreg:$0x1d] =	wrdreg s26;
	s0 =	sadd.s32 $0x800, s0;
	s9 =	sshrl.u32 s9, $0x3  }
0x18: {  	s6 =	sadd.s32 $0x3C00, s1;
	[smem:$0x7FC] =	sst s0;
	s10 =	sadd.s32 s9, s5  }
0x19: {  	s7 =	sshrl.u32 s7, $0x3;
	s21 =	sadd.s32 s9, s6;
	[dreg:$0x3] =	wrdreg s10  }
0x1a: {  	s8 =	sshrl.u32 s8, $0x3;
	s16 =	sadd.s32 s6, s7;
	[dreg:$0x4] =	wrdreg s21  }
0x1b: {  	s1 =	sadd.s32 s8, s1;
	s7 =	sadd.s32 s5, s7;
	[dreg:$0x1e] =	wrdreg s16  }
0x1c: {  	s20 =	simm.s32 $0x400;
	s1 =	sadd.s32 $0x4CE00, s1;
	[dreg:$0x1f] =	wrdreg s7  }
0x1d: {  	s9 =	ssub.s32 s22, s24;
	s24 =	simm.s32 $0x900;
	[smem:$0x7F3] =	sst s1  }
0x1e: {  	s13 =	simm.s32 $0x5;
	s21 =	simm.s32 $0x780;
	[dreg:$0x11] =	wrdreg s24  }
0x1f: {  	s15 =	simm.s32 $0x7;
	s25 =	smax.u32 s9, $0x1;
	[dreg:$0xf] =	wrdreg s21  }
0x20: {  	s22 =	sshrl.u32 s19, $0x2;
	s9 =	simm.s32 $0xC80;
	[smem:$0x7F4] =	sst s25  }
0x21: {  	s19 =	sadd.s32 s22, s2;
	s22 =	simm.s32 $0xB80;
	[dreg:$0x13] =	wrdreg s9  }
0x22: {  	s17 =	simm.s32 $0x0;
	s24 =	simm.s32 $0xE80;
	[dreg:$0x19] =	wrdreg s22  }
0x23: {  	s23 =	simm.s32 $0x9;
	s26 =	simm.s32 $0x80;
	[dreg:$0x1b] =	wrdreg s24  }
0x24: {  	s11 =	simm.s32 $0x3;
	s8 =	sadd.s32 $0x2800, s19;
	[smem:$0x7FD] =	sst s19  }
0x25: {  	s0 =	simm.s32 $0x800;
	s10 =	sadd.s32 $0x5000, s19;
	[smem:$0x7F5] =	sst s8  }
0x26: {  	s1 =	simm.s32 $0x8800;
	s12 =	sadd.s32 $0x7800, s19;
	[smem:$0x7F6] =	sst s10  }
0x27: {  	s7 =	simm.s32 $0xC00;
	s14 =	sadd.s32 $0xA000, s19;
	[smem:$0x7F7] =	sst s12  }
0x28: {  	s16 =	sadd.s32 $0xC800, s19;
	s18 =	sadd.s32 $0xF000, s19;
	[smem:$0x7F8] =	sst s14  }
0x29: {  	s21 =	sadd.s32 $0x11800, s19;
	s25 =	simm.s32 $0xF00;
	[smem:$0x7F9] =	sst s16  }
0x2a: {  	s24 =	simm.s32 $0xA;
	s9 =	simm.s32 $0x2;
	[smem:$0x7FA] =	sst s18  }
0x2b: {  	[smem:$0x7FB] =	sst s21;
	s21 =	simm.s32 $0x1000;
	s18 =	simm.s32 $0xB  }
0x2c: {  	[dreg:$0x1c] =	wrdreg s25;
	s25 =	simm.s32 $0x50;
	s8 =	simm.s32 $0x1  }
0x2d: {  	v0 =	vimm.f32 $0.0e+00;
	s12 =	simm.s32 $0x4;
	s14 =	simm.s32 $0x6;
	s16 =	simm.s32 $0x8  }
.LBB2_1:
0x2e: {  	[smem:$0x7F2] =	sst s17  }
0x2f: {  	s10 =	rddreg [dreg:$0x1e]  }
0x30: {  	[tilespmem:s3], [sflag:$0x9] =	stream.linear.gather [hbm4b:s10+s3], $0x400, $0x38;
	[tilespmem:$0x1F000] =	vst v63  }
0x31: {  	s22 =	rddreg [dreg:$0x1f];
	s17 =	simm.s32 $0x200;
	s10 =	simm.s32 $0x0  }
0x32: {  	[tilespmem:s20], [sflag:$0xA] =	stream.linear.gather [hbm4b:s22+s3], $0x400, $0x38;
	[tilespmem:$0x1F000] =	vst v63  }
.LBB2_2:
0x33: {  	p0 =	sne.s32 s17, $0x9E00;
	[tilespmem:s10+$0x1070] =	vst v0  }
0x34: {  	[tilespmem:s10+$0x1000] =	vst v0  }
0x35: {  	[tilespmem:s10+$0x1010] =	vst v0  }
.Ltmp0:
0x36: {  	[tilespmem:s10+$0x1020] =	vst v0;
	(pc) =	sbr.rel @p0 .LBB2_2-.Ltmp0, $4  }
0x37: {  	[tilespmem:s10+$0x1030] =	vst v0  }
0x38: {  	[tilespmem:s10+$0x1040] =	vst v0  }
0x39: {  	[tilespmem:s10+$0x1050] =	vst v0  }
0x3a: {  	[tilespmem:s10+$0x1060] =	vst v0;
	s10 =	sshra.s32 s17, $0x2;
	s17 =	sadd.s32 $0x200, s17  }
0x3b: {  	[tilespmem:s10+$0x1070] =	vst v0  }
0x3c: {  	[tilespmem:s10+$0x1000] =	vst v0  }
0x3d: {  	[tilespmem:s10+$0x1010] =	vst v0  }
0x3e: {  	[tilespmem:s10+$0x1020] =	vst v0  }
0x3f: {  	[tilespmem:s10+$0x1030] =	vst v0  }
0x40: {  	[tilespmem:s10+$0x1040] =	vst v0  }
0x41: {  	[tilespmem:s10+$0x1050] =	vst v0  }
0x42: {  	[tilespmem:s10+$0x1060] =	vst v0  }
0x43: {  	[spmem:s19] =	stream.linear.scatter [tilespmem:s21], [sflag:$0xB], $0x2800, $0x38;
	[tilespmem:$0x1F000] =	vst v63  }
0x44: {  	_ =	swait.ge [sflag:s18], $0x2800  }
0x45: {  	s22 =	sld [smem:$0x7F5]  }
0x46: {  	[sflag:s18] =	ssyncset.done $0x0  }
0x47: {  	[sflag:s18] =	ssyncadd.s32 $0xFFFFD800  }
0x48: {  	[spmem:s22] =	stream.linear.scatter [tilespmem:s21], [sflag:$0xB], $0x2800, $0x38;
	[tilespmem:$0x1F000] =	vst v63  }
0x49: {  	_ =	swait.ge [sflag:s18], $0x2800  }
0x4a: {  	s17 =	sld [smem:$0x7F6]  }
0x4b: {  	[sflag:s18] =	ssyncset.done $0x0  }
0x4c: {  	[sflag:s18] =	ssyncadd.s32 $0xFFFFD800  }
0x4d: {  	[spmem:s17] =	stream.linear.scatter [tilespmem:s21], [sflag:$0xB], $0x2800, $0x38;
	[tilespmem:$0x1F000] =	vst v63  }
0x4e: {  	_ =	swait.ge [sflag:s18], $0x2800  }
0x4f: {  	s19 =	sld [smem:$0x7F7]  }
0x50: {  	[sflag:s18] =	ssyncset.done $0x0  }
0x51: {  	[sflag:s18] =	ssyncadd.s32 $0xFFFFD800  }
0x52: {  	[spmem:s19] =	stream.linear.scatter [tilespmem:s21], [sflag:$0xB], $0x2800, $0x38;
	[tilespmem:$0x1F000] =	vst v63  }
0x53: {  	_ =	swait.ge [sflag:s18], $0x2800  }
0x54: {  	s22 =	sld [smem:$0x7F8]  }
0x55: {  	[sflag:s18] =	ssyncset.done $0x0  }
0x56: {  	[sflag:s18] =	ssyncadd.s32 $0xFFFFD800  }
0x57: {  	[spmem:s22] =	stream.linear.scatter [tilespmem:s21], [sflag:$0xB], $0x2800, $0x38;
	[tilespmem:$0x1F000] =	vst v63  }
0x58: {  	_ =	swait.ge [sflag:s18], $0x2800  }
0x59: {  	s17 =	sld [smem:$0x7F9]  }
0x5a: {  	[sflag:s18] =	ssyncset.done $0x0  }
0x5b: {  	[sflag:s18] =	ssyncadd.s32 $0xFFFFD800  }
0x5c: {  	[spmem:s17] =	stream.linear.scatter [tilespmem:s21], [sflag:$0xB], $0x2800, $0x38;
	[tilespmem:$0x1F000] =	vst v63  }
0x5d: {  	_ =	swait.ge [sflag:s18], $0x2800  }
0x5e: {  	s19 =	sld [smem:$0x7FA]  }
0x5f: {  	[sflag:s18] =	ssyncset.done $0x0  }
0x60: {  	[sflag:s18] =	ssyncadd.s32 $0xFFFFD800  }
0x61: {  	[spmem:s19] =	stream.linear.scatter [tilespmem:s21], [sflag:$0xB], $0x2800, $0x38;
	[tilespmem:$0x1F000] =	vst v63  }
0x62: {  	_ =	swait.ge [sflag:s18], $0x2800  }
0x63: {  	s22 =	sld [smem:$0x7FB]  }
0x64: {  	[sflag:s18] =	ssyncset.done $0x0  }
0x65: {  	[sflag:s18] =	ssyncadd.s32 $0xFFFFD800  }
0x66: {  	[spmem:s22] =	stream.linear.scatter [tilespmem:s21], [sflag:$0xB], $0x2800, $0x38;
	[tilespmem:$0x1F000] =	vst v63  }
0x67: {  	_ =	swait.ge [sflag:s18], $0x2800  }
0x68: {  	[sflag:s18] =	ssyncset.done $0x0  }
0x69: {  	[sflag:s18] =	ssyncadd.s32 $0xFFFFD800  }
0x6a: {  	_ =	swait.ge [sflag:s23], $0x400  }
0x6b: {  	[sflag:s23] =	ssyncset.done $0x0  }
0x6c: {  	[sflag:s23] =	ssyncadd.s32 $0xFFFFFC00  }
0x6d: {  	_ =	swait.ge [sflag:s24], $0x400  }
0x6e: {  	[sflag:s24] =	ssyncset.done $0x0  }
0x6f: {  	[sflag:s24] =	ssyncadd.s32 $0xFFFFFC00  }
0x70: {  	s17 =	simm.s32 $0x0;
	[bflag:$0x0] =	sbarrier.arrive $0xFFFF  }
0x71: {  	[tilespmem:s21], [sflag:$0x1] =	stream.indirect.gather [hbm4b:s4+s25], $0x80, s17, s25, $0xb8;
	[tilespmem:$0x1F000] =	vst v63  }
0x72: {  	_ = 	snop  }
0x73: {  	[tilespmem:s28], [sflag:$0x2] =	stream.indirect.gather [hbm4b:s4+s25], $0x80, s26, s25, $0xb8;
	[tilespmem:$0x1F000] =	vst v63  }
0x74: {  	_ = 	snop  }
0x75: {  	[tilespmem:s30], [sflag:$0x3] =	stream.indirect.gather [hbm4b:s4+s25], $0x80, s29, s25, $0xb8;
	[tilespmem:$0x1F000] =	vst v63  }
0x76: {  	s18 =	rddreg [dreg:$0x4]  }
0x77: {  	[tilespmem:s1], [sflag:$0x4] =	stream.indirect.gather [hbm4b:s4+s25], $0x80, s31, s25, $0xb8;
	[tilespmem:$0x1F000] =	vst v63  }
0x78: {  	s17 =	rddreg [dreg:$0x3];
	s10 =	sadd.s32 $0x0, s18  }
0x79: {  	[tilespmem:s0], [sflag:$0x9] =	stream.linear.gather [hbm4b:s10+s3], $0x400, $0x38;
	[tilespmem:$0x1F000] =	vst v63  }
0x7a: {  	s19 =	sadd.s32 $0x0, s17  }
0x7b: {  	[tilespmem:s7], [sflag:$0xA] =	stream.linear.gather [hbm4b:s19+s3], $0x400, $0x38;
	[tilespmem:$0x1F000] =	vst v63  }
0x7c: {  	_ =	swait.ge [sflag:s8], $0x2800  }
0x7d: {  	[sflag:s8] =	ssyncset.done $0x0  }
0x7e: {  	[sflag:s8] =	ssyncadd.s32 $0xFFFFD800  }
0x7f: {  	[spmem:s2] =	stream.indirect.scatter.add.f32 [tilespmem:s21], [sflag:$0x5], $0x80, s20, s25, $0xb8;
	[tilespmem:$0x1F000] =	vst v63  }
0x80: {  	_ =	swait.ge [sflag:s9], $0x2800  }
0x81: {  	[sflag:s9] =	ssyncset.done $0x0  }
0x82: {  	s22 =	rddreg [dreg:$0x5];
	[sflag:s9] =	ssyncadd.s32 $0xFFFFD800  }
0x83: {  	[spmem:s2] =	stream.indirect.scatter.add.f32 [tilespmem:s28], [sflag:$0x6], $0x80, s22, s25, $0xb8;
	[tilespmem:$0x1F000] =	vst v63  }
0x84: {  	_ =	swait.ge [sflag:s11], $0x2800  }
0x85: {  	[sflag:s11] =	ssyncset.done $0x0  }
0x86: {  	s17 =	rddreg [dreg:$0x6];
	[sflag:s11] =	ssyncadd.s32 $0xFFFFD800  }
0x87: {  	[spmem:s2] =	stream.indirect.scatter.add.f32 [tilespmem:s30], [sflag:$0x7], $0x80, s17, s25, $0xb8;
	[tilespmem:$0x1F000] =	vst v63  }
0x88: {  	_ =	swait.ge [sflag:s12], $0x2800  }
0x89: {  	[sflag:s12] =	ssyncset.done $0x0  }
0x8a: {  	s18 =	rddreg [dreg:$0x7];
	[sflag:s12] =	ssyncadd.s32 $0xFFFFD800  }
0x8b: {  	[spmem:s2] =	stream.indirect.scatter.add.f32 [tilespmem:s1], [sflag:$0x8], $0x80, s18, s25, $0xb8;
	[tilespmem:$0x1F000] =	vst v63  }
0x8c: {  	_ =	swait.ge [sflag:s13], $0x2800  }
0x8d: {  	[sflag:s13] =	ssyncset.done $0x0  }
0x8e: {  	s19 =	rddreg [dreg:$0x8];
	[sflag:s13] =	ssyncadd.s32 $0xFFFFD800  }
0x8f: {  	[tilespmem:s21], [sflag:$0x1] =	stream.indirect.gather [hbm4b:s4+s25], $0x80, s19, s25, $0xb8;
	[tilespmem:$0x1F000] =	vst v63  }
0x90: {  	_ =	swait.ge [sflag:s14], $0x2800  }
0x91: {  	[sflag:s14] =	ssyncset.done $0x0  }
0x92: {  	s22 =	rddreg [dreg:$0x9];
	[sflag:s14] =	ssyncadd.s32 $0xFFFFD800  }
0x93: {  	[tilespmem:s28], [sflag:$0x2] =	stream.indirect.gather [hbm4b:s4+s25], $0x80, s22, s25, $0xb8;
	[tilespmem:$0x1F000] =	vst v63  }
0x94: {  	_ =	swait.ge [sflag:s15], $0x2800  }
0x95: {  	[sflag:s15] =	ssyncset.done $0x0  }
0x96: {  	s17 =	rddreg [dreg:$0xa];
	[sflag:s15] =	ssyncadd.s32 $0xFFFFD800  }
0x97: {  	[tilespmem:s30], [sflag:$0x3] =	stream.indirect.gather [hbm4b:s4+s25], $0x80, s17, s25, $0xb8;
	[tilespmem:$0x1F000] =	vst v63  }
0x98: {  	_ =	swait.ge [sflag:s16], $0x2800  }
0x99: {  	[sflag:s16] =	ssyncset.done $0x0  }
0x9a: {  	s18 =	rddreg [dreg:$0xb];
	[sflag:s16] =	ssyncadd.s32 $0xFFFFD800  }
0x9b: {  	[tilespmem:s1], [sflag:$0x4] =	stream.indirect.gather [hbm4b:s4+s25], $0x80, s18, s25, $0xb8;
	[tilespmem:$0x1F000] =	vst v63  }
0x9c: {  	_ =	swait.ge [sflag:s8], $0x2800  }
0x9d: {  	[sflag:s8] =	ssyncset.done $0x0  }
0x9e: {  	s19 =	rddreg [dreg:$0xc];
	[sflag:s8] =	ssyncadd.s32 $0xFFFFD800  }
0x9f: {  	[spmem:s2] =	stream.indirect.scatter.add.f32 [tilespmem:s21], [sflag:$0x5], $0x80, s19, s25, $0xb8;
	[tilespmem:$0x1F000] =	vst v63  }
0xa0: {  	_ =	swait.ge [sflag:s9], $0x2800  }
0xa1: {  	[sflag:s9] =	ssyncset.done $0x0  }
0xa2: {  	s22 =	rddreg [dreg:$0xd];
	[sflag:s9] =	ssyncadd.s32 $0xFFFFD800  }
0xa3: {  	[spmem:s2] =	stream.indirect.scatter.add.f32 [tilespmem:s28], [sflag:$0x6], $0x80, s22, s25, $0xb8;
	[tilespmem:$0x1F000] =	vst v63  }
0xa4: {  	_ =	swait.ge [sflag:s11], $0x2800  }
0xa5: {  	[sflag:s11] =	ssyncset.done $0x0  }
0xa6: {  	s17 =	rddreg [dreg:$0xe];
	[sflag:s11] =	ssyncadd.s32 $0xFFFFD800  }
0xa7: {  	[spmem:s2] =	stream.indirect.scatter.add.f32 [tilespmem:s30], [sflag:$0x7], $0x80, s17, s25, $0xb8;
	[tilespmem:$0x1F000] =	vst v63  }
0xa8: {  	_ =	swait.ge [sflag:s12], $0x2800  }
0xa9: {  	[sflag:s12] =	ssyncset.done $0x0  }
0xaa: {  	s18 =	rddreg [dreg:$0xf];
	[sflag:s12] =	ssyncadd.s32 $0xFFFFD800  }
0xab: {  	[spmem:s2] =	stream.indirect.scatter.add.f32 [tilespmem:s1], [sflag:$0x8], $0x80, s18, s25, $0xb8;
	[tilespmem:$0x1F000] =	vst v63  }
0xac: {  	_ =	swait.ge [sflag:s23], $0x400  }
0xad: {  	[sflag:s23] =	ssyncset.done $0x0  }
0xae: {  	[sflag:s23] =	ssyncadd.s32 $0xFFFFFC00  }
0xaf: {  	_ =	swait.ge [sflag:s24], $0x400  }
0xb0: {  	[sflag:s24] =	ssyncset.done $0x0  }
0xb1: {  	[sflag:s24] =	ssyncadd.s32 $0xFFFFFC00  }
0xb2: {  	_ =	swait.ge [sflag:s13], $0x2800  }
0xb3: {  	[sflag:s13] =	ssyncset.done $0x0  }
0xb4: {  	[sflag:s13] =	ssyncadd.s32 $0xFFFFD800  }
0xb5: {  	[tilespmem:s21], [sflag:$0x1] =	stream.indirect.gather [hbm4b:s4+s25], $0x80, s0, s25, $0xb8;
	[tilespmem:$0x1F000] =	vst v63  }
0xb6: {  	_ =	swait.ge [sflag:s14], $0x2800  }
0xb7: {  	[sflag:s14] =	ssyncset.done $0x0  }
0xb8: {  	s19 =	rddreg [dreg:$0x10];
	[sflag:s14] =	ssyncadd.s32 $0xFFFFD800  }
0xb9: {  	[tilespmem:s28], [sflag:$0x2] =	stream.indirect.gather [hbm4b:s4+s25], $0x80, s19, s25, $0xb8;
	[tilespmem:$0x1F000] =	vst v63  }
0xba: {  	_ =	swait.ge [sflag:s15], $0x2800  }
0xbb: {  	[sflag:s15] =	ssyncset.done $0x0  }
0xbc: {  	s22 =	rddreg [dreg:$0x11];
	[sflag:s15] =	ssyncadd.s32 $0xFFFFD800  }
0xbd: {  	[tilespmem:s30], [sflag:$0x3] =	stream.indirect.gather [hbm4b:s4+s25], $0x80, s22, s25, $0xb8;
	[tilespmem:$0x1F000] =	vst v63  }
0xbe: {  	_ =	swait.ge [sflag:s16], $0x2800  }
0xbf: {  	[sflag:s16] =	ssyncset.done $0x0;
	s18 =	sld [smem:$0x7FC]  }
0xc0: {  	s17 =	rddreg [dreg:$0x12];
	[sflag:s16] =	ssyncadd.s32 $0xFFFFD800  }
0xc1: {  	[tilespmem:s1], [sflag:$0x4] =	stream.indirect.gather [hbm4b:s4+s25], $0x80, s17, s25, $0xb8;
	[tilespmem:$0x1F000] =	vst v63  }
0xc2: {  	s19 =	sshrl.u32 s18, $0x3  }
0xc3: {  	s22 =	sadd.s32 s6, s19  }
0xc4: {  	[tilespmem:s3], [sflag:$0x9] =	stream.linear.gather [hbm4b:s22+s3], $0x400, $0x38;
	[tilespmem:$0x1F000] =	vst v63  }
0xc5: {  	s17 =	sadd.s32 s5, s19  }
0xc6: {  	[tilespmem:s20], [sflag:$0xA] =	stream.linear.gather [hbm4b:s17+s3], $0x400, $0x38;
	[tilespmem:$0x1F000] =	vst v63  }
0xc7: {  	_ =	swait.ge [sflag:s8], $0x2800  }
0xc8: {  	[sflag:s8] =	ssyncset.done $0x0  }
0xc9: {  	[sflag:s8] =	ssyncadd.s32 $0xFFFFD800  }
0xca: {  	[spmem:s2] =	stream.indirect.scatter.add.f32 [tilespmem:s21], [sflag:$0x5], $0x80, s7, s25, $0xb8;
	[tilespmem:$0x1F000] =	vst v63  }
0xcb: {  	_ =	swait.ge [sflag:s9], $0x2800  }
0xcc: {  	[sflag:s9] =	ssyncset.done $0x0  }
0xcd: {  	s19 =	rddreg [dreg:$0x13];
	[sflag:s9] =	ssyncadd.s32 $0xFFFFD800  }
0xce: {  	[spmem:s2] =	stream.indirect.scatter.add.f32 [tilespmem:s28], [sflag:$0x6], $0x80, s19, s25, $0xb8;
	[tilespmem:$0x1F000] =	vst v63  }
0xcf: {  	_ =	swait.ge [sflag:s11], $0x2800  }
0xd0: {  	[sflag:s11] =	ssyncset.done $0x0  }
0xd1: {  	s22 =	rddreg [dreg:$0x14];
	[sflag:s11] =	ssyncadd.s32 $0xFFFFD800  }
0xd2: {  	[spmem:s2] =	stream.indirect.scatter.add.f32 [tilespmem:s30], [sflag:$0x7], $0x80, s22, s25, $0xb8;
	[tilespmem:$0x1F000] =	vst v63  }
0xd3: {  	_ =	swait.ge [sflag:s12], $0x2800  }
0xd4: {  	[sflag:s12] =	ssyncset.done $0x0  }
0xd5: {  	s17 =	rddreg [dreg:$0x15];
	[sflag:s12] =	ssyncadd.s32 $0xFFFFD800  }
0xd6: {  	[spmem:s2] =	stream.indirect.scatter.add.f32 [tilespmem:s1], [sflag:$0x8], $0x80, s17, s25, $0xb8;
	[tilespmem:$0x1F000] =	vst v63  }
0xd7: {  	_ =	swait.ge [sflag:s13], $0x2800  }
0xd8: {  	[sflag:s13] =	ssyncset.done $0x0  }
0xd9: {  	s19 =	rddreg [dreg:$0x16];
	[sflag:s13] =	ssyncadd.s32 $0xFFFFD800  }
0xda: {  	[tilespmem:s21], [sflag:$0x1] =	stream.indirect.gather [hbm4b:s4+s25], $0x80, s19, s25, $0xb8;
	[tilespmem:$0x1F000] =	vst v63  }
0xdb: {  	_ =	swait.ge [sflag:s14], $0x2800  }
0xdc: {  	[sflag:s14] =	ssyncset.done $0x0  }
0xdd: {  	s22 =	rddreg [dreg:$0x17];
	[sflag:s14] =	ssyncadd.s32 $0xFFFFD800  }
0xde: {  	[tilespmem:s28], [sflag:$0x2] =	stream.indirect.gather [hbm4b:s4+s25], $0x80, s22, s25, $0xb8;
	[tilespmem:$0x1F000] =	vst v63  }
0xdf: {  	_ =	swait.ge [sflag:s15], $0x2800  }
0xe0: {  	[sflag:s15] =	ssyncset.done $0x0  }
0xe1: {  	s17 =	rddreg [dreg:$0x18];
	[sflag:s15] =	ssyncadd.s32 $0xFFFFD800  }
0xe2: {  	[tilespmem:s30], [sflag:$0x3] =	stream.indirect.gather [hbm4b:s4+s25], $0x80, s17, s25, $0xb8;
	[tilespmem:$0x1F000] =	vst v63  }
0xe3: {  	_ =	swait.ge [sflag:s16], $0x2800  }
0xe4: {  	[sflag:s16] =	ssyncset.done $0x0  }
0xe5: {  	s19 =	rddreg [dreg:$0x19];
	[sflag:s16] =	ssyncadd.s32 $0xFFFFD800  }
0xe6: {  	[tilespmem:s1], [sflag:$0x4] =	stream.indirect.gather [hbm4b:s4+s25], $0x80, s19, s25, $0xb8;
	[tilespmem:$0x1F000] =	vst v63  }
0xe7: {  	_ =	swait.ge [sflag:s8], $0x2800  }
0xe8: {  	[sflag:s8] =	ssyncset.done $0x0  }
0xe9: {  	s22 =	rddreg [dreg:$0x1a];
	[sflag:s8] =	ssyncadd.s32 $0xFFFFD800  }
0xea: {  	[spmem:s2] =	stream.indirect.scatter.add.f32 [tilespmem:s21], [sflag:$0x5], $0x80, s22, s25, $0xb8;
	[tilespmem:$0x1F000] =	vst v63  }
0xeb: {  	_ =	swait.ge [sflag:s9], $0x2800  }
0xec: {  	[sflag:s9] =	ssyncset.done $0x0  }
0xed: {  	s17 =	rddreg [dreg:$0x1b];
	[sflag:s9] =	ssyncadd.s32 $0xFFFFD800  }
0xee: {  	[spmem:s2] =	stream.indirect.scatter.add.f32 [tilespmem:s28], [sflag:$0x6], $0x80, s17, s25, $0xb8;
	[tilespmem:$0x1F000] =	vst v63  }
0xef: {  	_ =	swait.ge [sflag:s11], $0x2800  }
0xf0: {  	[sflag:s11] =	ssyncset.done $0x0  }
0xf1: {  	s19 =	rddreg [dreg:$0x1c];
	[sflag:s11] =	ssyncadd.s32 $0xFFFFD800  }
0xf2: {  	[spmem:s2] =	stream.indirect.scatter.add.f32 [tilespmem:s30], [sflag:$0x7], $0x80, s19, s25, $0xb8;
	[tilespmem:$0x1F000] =	vst v63  }
0xf3: {  	_ =	swait.ge [sflag:s12], $0x2800  }
0xf4: {  	[sflag:s12] =	ssyncset.done $0x0  }
0xf5: {  	s22 =	rddreg [dreg:$0x1d];
	[sflag:s12] =	ssyncadd.s32 $0xFFFFD800  }
0xf6: {  	[spmem:s2] =	stream.indirect.scatter.add.f32 [tilespmem:s1], [sflag:$0x8], $0x80, s22, s25, $0xb8;
	[tilespmem:$0x1F000] =	vst v63  }
0xf7: {  	_ =	swait.ge [sflag:s23], $0x400  }
0xf8: {  	[sflag:s23] =	ssyncset.done $0x0  }
0xf9: {  	[sflag:s23] =	ssyncadd.s32 $0xFFFFFC00  }
0xfa: {  	_ =	swait.ge [sflag:s24], $0x400  }
0xfb: {  	[sflag:s24] =	ssyncset.done $0x0  }
0xfc: {  	[sflag:s24] =	ssyncadd.s32 $0xFFFFFC00  }
0xfd: {  	_ =	swait.ge [sflag:s13], $0x2800  }
0xfe: {  	[sflag:s13] =	ssyncset.done $0x0  }
0xff: {  	[sflag:s13] =	ssyncadd.s32 $0xFFFFD800  }
0x100: {  	[tilespmem:s21], [sflag:$0x1] =	stream.indirect.gather [hbm4b:s4+s25], $0x80, s3, s25, $0xb8;
	[tilespmem:$0x1F000] =	vst v63  }
0x101: {  	_ =	swait.ge [sflag:s14], $0x2800  }
0x102: {  	[sflag:s14] =	ssyncset.done $0x0  }
0x103: {  	[sflag:s14] =	ssyncadd.s32 $0xFFFFD800  }
0x104: {  	[tilespmem:s28], [sflag:$0x2] =	stream.indirect.gather [hbm4b:s4+s25], $0x80, s26, s25, $0xb8;
	[tilespmem:$0x1F000] =	vst v63  }
0x105: {  	_ =	swait.ge [sflag:s15], $0x2800  }
0x106: {  	[sflag:s15] =	ssyncset.done $0x0  }
0x107: {  	[sflag:s15] =	ssyncadd.s32 $0xFFFFD800  }
0x108: {  	[tilespmem:s30], [sflag:$0x3] =	stream.indirect.gather [hbm4b:s4+s25], $0x80, s29, s25, $0xb8;
	[tilespmem:$0x1F000] =	vst v63  }
0x109: {  	s10 =	simm.s32 $0x200;
	_ =	swait.ge [sflag:s16], $0x2800  }
0x10a: {  	s18 =	sadd.s32 $0x800, s18;
	s22 =	rddreg [dreg:$0x4];
	[sflag:s16] =	ssyncset.done $0x0  }
0x10b: {  	s19 =	simm.s32 $0x100;
	s17 =	rddreg [dreg:$0x3];
	[sflag:s16] =	ssyncadd.s32 $0xFFFFD800  }
.LBB2_4:
0x10c: {  	[tilespmem:s1], [sflag:$0x4] =	stream.indirect.gather [hbm4b:s4+s25], $0x80, s31, s25, $0xb8;
	[tilespmem:$0x1F000] =	vst v63  }
0x10d: {  	s22 =	sadd.s32 s19, s22  }
0x10e: {  	[tilespmem:s0], [sflag:$0x9] =	stream.linear.gather [hbm4b:s22+s3], $0x400, $0x38;
	[tilespmem:$0x1F000] =	vst v63  }
0x10f: {  	s17 =	sadd.s32 s19, s17  }
0x110: {  	[tilespmem:s7], [sflag:$0xA] =	stream.linear.gather [hbm4b:s17+s3], $0x400, $0x38;
	[tilespmem:$0x1F000] =	vst v63  }
0x111: {  	_ =	swait.ge [sflag:s8], $0x2800  }
0x112: {  	[sflag:s8] =	ssyncset.done $0x0  }
0x113: {  	[sflag:s8] =	ssyncadd.s32 $0xFFFFD800  }
0x114: {  	[spmem:s2] =	stream.indirect.scatter.add.f32 [tilespmem:s21], [sflag:$0x5], $0x80, s20, s25, $0xb8;
	[tilespmem:$0x1F000] =	vst v63  }
0x115: {  	_ =	swait.ge [sflag:s9], $0x2800  }
0x116: {  	[sflag:s9] =	ssyncset.done $0x0  }
0x117: {  	s22 =	rddreg [dreg:$0x5];
	[sflag:s9] =	ssyncadd.s32 $0xFFFFD800  }
0x118: {  	[spmem:s2] =	stream.indirect.scatter.add.f32 [tilespmem:s28], [sflag:$0x6], $0x80, s22, s25, $0xb8;
	[tilespmem:$0x1F000] =	vst v63  }
0x119: {  	_ =	swait.ge [sflag:s11], $0x2800  }
0x11a: {  	[sflag:s11] =	ssyncset.done $0x0  }
0x11b: {  	s22 =	rddreg [dreg:$0x6];
	[sflag:s11] =	ssyncadd.s32 $0xFFFFD800  }
0x11c: {  	[spmem:s2] =	stream.indirect.scatter.add.f32 [tilespmem:s30], [sflag:$0x7], $0x80, s22, s25, $0xb8;
	[tilespmem:$0x1F000] =	vst v63  }
0x11d: {  	_ =	swait.ge [sflag:s12], $0x2800  }
0x11e: {  	[sflag:s12] =	ssyncset.done $0x0  }
0x11f: {  	s22 =	rddreg [dreg:$0x7];
	[sflag:s12] =	ssyncadd.s32 $0xFFFFD800  }
0x120: {  	[spmem:s2] =	stream.indirect.scatter.add.f32 [tilespmem:s1], [sflag:$0x8], $0x80, s22, s25, $0xb8;
	[tilespmem:$0x1F000] =	vst v63  }
0x121: {  	_ =	swait.ge [sflag:s13], $0x2800  }
0x122: {  	[sflag:s13] =	ssyncset.done $0x0  }
0x123: {  	s22 =	rddreg [dreg:$0x8];
	[sflag:s13] =	ssyncadd.s32 $0xFFFFD800  }
0x124: {  	[tilespmem:s21], [sflag:$0x1] =	stream.indirect.gather [hbm4b:s4+s25], $0x80, s22, s25, $0xb8;
	[tilespmem:$0x1F000] =	vst v63  }
0x125: {  	_ =	swait.ge [sflag:s14], $0x2800  }
0x126: {  	[sflag:s14] =	ssyncset.done $0x0  }
0x127: {  	s22 =	rddreg [dreg:$0x9];
	[sflag:s14] =	ssyncadd.s32 $0xFFFFD800  }
0x128: {  	[tilespmem:s28], [sflag:$0x2] =	stream.indirect.gather [hbm4b:s4+s25], $0x80, s22, s25, $0xb8;
	[tilespmem:$0x1F000] =	vst v63  }
0x129: {  	_ =	swait.ge [sflag:s15], $0x2800  }
0x12a: {  	[sflag:s15] =	ssyncset.done $0x0  }
0x12b: {  	s22 =	rddreg [dreg:$0xa];
	[sflag:s15] =	ssyncadd.s32 $0xFFFFD800  }
0x12c: {  	[tilespmem:s30], [sflag:$0x3] =	stream.indirect.gather [hbm4b:s4+s25], $0x80, s22, s25, $0xb8;
	[tilespmem:$0x1F000] =	vst v63  }
0x12d: {  	_ =	swait.ge [sflag:s16], $0x2800  }
0x12e: {  	[sflag:s16] =	ssyncset.done $0x0  }
0x12f: {  	s22 =	rddreg [dreg:$0xb];
	[sflag:s16] =	ssyncadd.s32 $0xFFFFD800  }
0x130: {  	[tilespmem:s1], [sflag:$0x4] =	stream.indirect.gather [hbm4b:s4+s25], $0x80, s22, s25, $0xb8;
	[tilespmem:$0x1F000] =	vst v63  }
0x131: {  	_ =	swait.ge [sflag:s8], $0x2800  }
0x132: {  	[sflag:s8] =	ssyncset.done $0x0  }
0x133: {  	s22 =	rddreg [dreg:$0xc];
	[sflag:s8] =	ssyncadd.s32 $0xFFFFD800  }
0x134: {  	[spmem:s2] =	stream.indirect.scatter.add.f32 [tilespmem:s21], [sflag:$0x5], $0x80, s22, s25, $0xb8;
	[tilespmem:$0x1F000] =	vst v63  }
0x135: {  	_ =	swait.ge [sflag:s9], $0x2800  }
0x136: {  	[sflag:s9] =	ssyncset.done $0x0  }
0x137: {  	s22 =	rddreg [dreg:$0xd];
	[sflag:s9] =	ssyncadd.s32 $0xFFFFD800  }
0x138: {  	[spmem:s2] =	stream.indirect.scatter.add.f32 [tilespmem:s28], [sflag:$0x6], $0x80, s22, s25, $0xb8;
	[tilespmem:$0x1F000] =	vst v63  }
0x139: {  	_ =	swait.ge [sflag:s11], $0x2800  }
0x13a: {  	[sflag:s11] =	ssyncset.done $0x0  }
0x13b: {  	s22 =	rddreg [dreg:$0xe];
	[sflag:s11] =	ssyncadd.s32 $0xFFFFD800  }
0x13c: {  	[spmem:s2] =	stream.indirect.scatter.add.f32 [tilespmem:s30], [sflag:$0x7], $0x80, s22, s25, $0xb8;
	[tilespmem:$0x1F000] =	vst v63  }
0x13d: {  	_ =	swait.ge [sflag:s12], $0x2800  }
0x13e: {  	[sflag:s12] =	ssyncset.done $0x0  }
0x13f: {  	s22 =	rddreg [dreg:$0xf];
	[sflag:s12] =	ssyncadd.s32 $0xFFFFD800  }
0x140: {  	[spmem:s2] =	stream.indirect.scatter.add.f32 [tilespmem:s1], [sflag:$0x8], $0x80, s22, s25, $0xb8;
	[tilespmem:$0x1F000] =	vst v63  }
0x141: {  	_ =	swait.ge [sflag:s23], $0x400  }
0x142: {  	[sflag:s23] =	ssyncset.done $0x0  }
0x143: {  	[sflag:s23] =	ssyncadd.s32 $0xFFFFFC00  }
0x144: {  	_ =	swait.ge [sflag:s24], $0x400  }
0x145: {  	[sflag:s24] =	ssyncset.done $0x0  }
0x146: {  	[sflag:s24] =	ssyncadd.s32 $0xFFFFFC00  }
0x147: {  	_ =	swait.ge [sflag:s13], $0x2800  }
0x148: {  	[sflag:s13] =	ssyncset.done $0x0  }
0x149: {  	[sflag:s13] =	ssyncadd.s32 $0xFFFFD800  }
0x14a: {  	[tilespmem:s21], [sflag:$0x1] =	stream.indirect.gather [hbm4b:s4+s25], $0x80, s0, s25, $0xb8;
	[tilespmem:$0x1F000] =	vst v63  }
0x14b: {  	_ =	swait.ge [sflag:s14], $0x2800  }
0x14c: {  	[sflag:s14] =	ssyncset.done $0x0  }
0x14d: {  	s22 =	rddreg [dreg:$0x10];
	[sflag:s14] =	ssyncadd.s32 $0xFFFFD800  }
0x14e: {  	[tilespmem:s28], [sflag:$0x2] =	stream.indirect.gather [hbm4b:s4+s25], $0x80, s22, s25, $0xb8;
	[tilespmem:$0x1F000] =	vst v63  }
0x14f: {  	_ =	swait.ge [sflag:s15], $0x2800  }
0x150: {  	[sflag:s15] =	ssyncset.done $0x0  }
0x151: {  	s22 =	rddreg [dreg:$0x11];
	[sflag:s15] =	ssyncadd.s32 $0xFFFFD800  }
0x152: {  	[tilespmem:s30], [sflag:$0x3] =	stream.indirect.gather [hbm4b:s4+s25], $0x80, s22, s25, $0xb8;
	[tilespmem:$0x1F000] =	vst v63  }
0x153: {  	_ =	swait.ge [sflag:s16], $0x2800  }
0x154: {  	[sflag:s16] =	ssyncset.done $0x0  }
0x155: {  	s22 =	sshrl.u32 s18, $0x3;
	s17 =	rddreg [dreg:$0x12];
	[sflag:s16] =	ssyncadd.s32 $0xFFFFD800  }
0x156: {  	[tilespmem:s1], [sflag:$0x4] =	stream.indirect.gather [hbm4b:s4+s25], $0x80, s17, s25, $0xb8;
	[tilespmem:$0x1F000] =	vst v63  }
0x157: {  	s17 =	sadd.s32 s6, s22  }
0x158: {  	[tilespmem:s3], [sflag:$0x9] =	stream.linear.gather [hbm4b:s17+s3], $0x400, $0x38;
	[tilespmem:$0x1F000] =	vst v63  }
0x159: {  	s22 =	sadd.s32 s5, s22  }
0x15a: {  	[tilespmem:s20], [sflag:$0xA] =	stream.linear.gather [hbm4b:s22+s3], $0x400, $0x38;
	[tilespmem:$0x1F000] =	vst v63  }
0x15b: {  	_ =	swait.ge [sflag:s8], $0x2800  }
0x15c: {  	[sflag:s8] =	ssyncset.done $0x0  }
0x15d: {  	[sflag:s8] =	ssyncadd.s32 $0xFFFFD800  }
0x15e: {  	[spmem:s2] =	stream.indirect.scatter.add.f32 [tilespmem:s21], [sflag:$0x5], $0x80, s7, s25, $0xb8;
	[tilespmem:$0x1F000] =	vst v63  }
0x15f: {  	_ =	swait.ge [sflag:s9], $0x2800  }
0x160: {  	[sflag:s9] =	ssyncset.done $0x0  }
0x161: {  	s22 =	rddreg [dreg:$0x13];
	[sflag:s9] =	ssyncadd.s32 $0xFFFFD800  }
0x162: {  	[spmem:s2] =	stream.indirect.scatter.add.f32 [tilespmem:s28], [sflag:$0x6], $0x80, s22, s25, $0xb8;
	[tilespmem:$0x1F000] =	vst v63  }
0x163: {  	_ =	swait.ge [sflag:s11], $0x2800  }
0x164: {  	[sflag:s11] =	ssyncset.done $0x0  }
0x165: {  	s22 =	rddreg [dreg:$0x14];
	[sflag:s11] =	ssyncadd.s32 $0xFFFFD800  }
0x166: {  	[spmem:s2] =	stream.indirect.scatter.add.f32 [tilespmem:s30], [sflag:$0x7], $0x80, s22, s25, $0xb8;
	[tilespmem:$0x1F000] =	vst v63  }
0x167: {  	_ =	swait.ge [sflag:s12], $0x2800  }
0x168: {  	[sflag:s12] =	ssyncset.done $0x0  }
0x169: {  	s22 =	rddreg [dreg:$0x15];
	[sflag:s12] =	ssyncadd.s32 $0xFFFFD800  }
0x16a: {  	[spmem:s2] =	stream.indirect.scatter.add.f32 [tilespmem:s1], [sflag:$0x8], $0x80, s22, s25, $0xb8;
	[tilespmem:$0x1F000] =	vst v63  }
0x16b: {  	_ =	swait.ge [sflag:s13], $0x2800  }
0x16c: {  	[sflag:s13] =	ssyncset.done $0x0  }
0x16d: {  	s22 =	rddreg [dreg:$0x16];
	[sflag:s13] =	ssyncadd.s32 $0xFFFFD800  }
0x16e: {  	[tilespmem:s21], [sflag:$0x1] =	stream.indirect.gather [hbm4b:s4+s25], $0x80, s22, s25, $0xb8;
	[tilespmem:$0x1F000] =	vst v63  }
0x16f: {  	_ =	swait.ge [sflag:s14], $0x2800  }
0x170: {  	[sflag:s14] =	ssyncset.done $0x0  }
0x171: {  	s22 =	rddreg [dreg:$0x17];
	[sflag:s14] =	ssyncadd.s32 $0xFFFFD800  }
0x172: {  	[tilespmem:s28], [sflag:$0x2] =	stream.indirect.gather [hbm4b:s4+s25], $0x80, s22, s25, $0xb8;
	[tilespmem:$0x1F000] =	vst v63  }
0x173: {  	_ =	swait.ge [sflag:s15], $0x2800  }
0x174: {  	[sflag:s15] =	ssyncset.done $0x0  }
0x175: {  	s22 =	rddreg [dreg:$0x18];
	[sflag:s15] =	ssyncadd.s32 $0xFFFFD800  }
0x176: {  	[tilespmem:s30], [sflag:$0x3] =	stream.indirect.gather [hbm4b:s4+s25], $0x80, s22, s25, $0xb8;
	[tilespmem:$0x1F000] =	vst v63  }
0x177: {  	_ =	swait.ge [sflag:s16], $0x2800  }
0x178: {  	[sflag:s16] =	ssyncset.done $0x0  }
0x179: {  	s22 =	rddreg [dreg:$0x19];
	[sflag:s16] =	ssyncadd.s32 $0xFFFFD800  }
0x17a: {  	[tilespmem:s1], [sflag:$0x4] =	stream.indirect.gather [hbm4b:s4+s25], $0x80, s22, s25, $0xb8;
	[tilespmem:$0x1F000] =	vst v63  }
0x17b: {  	_ =	swait.ge [sflag:s8], $0x2800  }
0x17c: {  	[sflag:s8] =	ssyncset.done $0x0  }
0x17d: {  	s22 =	rddreg [dreg:$0x1a];
	[sflag:s8] =	ssyncadd.s32 $0xFFFFD800  }
0x17e: {  	[spmem:s2] =	stream.indirect.scatter.add.f32 [tilespmem:s21], [sflag:$0x5], $0x80, s22, s25, $0xb8;
	[tilespmem:$0x1F000] =	vst v63  }
0x17f: {  	_ =	swait.ge [sflag:s9], $0x2800  }
0x180: {  	[sflag:s9] =	ssyncset.done $0x0  }
0x181: {  	s22 =	rddreg [dreg:$0x1b];
	[sflag:s9] =	ssyncadd.s32 $0xFFFFD800  }
0x182: {  	[spmem:s2] =	stream.indirect.scatter.add.f32 [tilespmem:s28], [sflag:$0x6], $0x80, s22, s25, $0xb8;
	[tilespmem:$0x1F000] =	vst v63  }
0x183: {  	_ =	swait.ge [sflag:s11], $0x2800  }
0x184: {  	[sflag:s11] =	ssyncset.done $0x0  }
0x185: {  	s22 =	rddreg [dreg:$0x1c];
	[sflag:s11] =	ssyncadd.s32 $0xFFFFD800  }
0x186: {  	[spmem:s2] =	stream.indirect.scatter.add.f32 [tilespmem:s30], [sflag:$0x7], $0x80, s22, s25, $0xb8;
	[tilespmem:$0x1F000] =	vst v63  }
0x187: {  	_ =	swait.ge [sflag:s12], $0x2800  }
0x188: {  	[sflag:s12] =	ssyncset.done $0x0  }
0x189: {  	s22 =	rddreg [dreg:$0x1d];
	[sflag:s12] =	ssyncadd.s32 $0xFFFFD800  }
0x18a: {  	[spmem:s2] =	stream.indirect.scatter.add.f32 [tilespmem:s1], [sflag:$0x8], $0x80, s22, s25, $0xb8;
	[tilespmem:$0x1F000] =	vst v63  }
0x18b: {  	_ =	swait.ge [sflag:s23], $0x400  }
0x18c: {  	[sflag:s23] =	ssyncset.done $0x0  }
0x18d: {  	[sflag:s23] =	ssyncadd.s32 $0xFFFFFC00  }
0x18e: {  	_ =	swait.ge [sflag:s24], $0x400  }
0x18f: {  	[sflag:s24] =	ssyncset.done $0x0  }
0x190: {  	[sflag:s24] =	ssyncadd.s32 $0xFFFFFC00  }
0x191: {  	_ =	swait.ge [sflag:s13], $0x2800  }
0x192: {  	[sflag:s13] =	ssyncset.done $0x0  }
0x193: {  	[sflag:s13] =	ssyncadd.s32 $0xFFFFD800  }
0x194: {  	[tilespmem:s21], [sflag:$0x1] =	stream.indirect.gather [hbm4b:s4+s25], $0x80, s3, s25, $0xb8;
	[tilespmem:$0x1F000] =	vst v63  }
0x195: {  	_ =	swait.ge [sflag:s14], $0x2800  }
0x196: {  	s26 =	smov.u32 s10;
	[sflag:s14] =	ssyncset.done $0x0  }
0x197: {  	s19 =	smov.u32 s26;
	s26 =	simm.s32 $0x80;
	[sflag:s14] =	ssyncadd.s32 $0xFFFFD800  }
0x198: {  	[tilespmem:s28], [sflag:$0x2] =	stream.indirect.gather [hbm4b:s4+s25], $0x80, s26, s25, $0xb8;
	[tilespmem:$0x1F000] =	vst v63  }
0x199: {  	_ =	swait.ge [sflag:s15], $0x2800  }
0x19a: {  	p0 =	sne.s32 s10, $0x700;
	[sflag:s15] =	ssyncset.done $0x0  }
.Ltmp1:
0x19b: {  	[sflag:s15] =	ssyncadd.s32 $0xFFFFD800;
	(pc) =	sbr.rel @p0 .LBB2_4-.Ltmp1, $4  }
0x19c: {  	[tilespmem:s30], [sflag:$0x3] =	stream.indirect.gather [hbm4b:s4+s25], $0x80, s29, s25, $0xb8;
	[tilespmem:$0x1F000] =	vst v63  }
0x19d: {  	_ =	swait.ge [sflag:s16], $0x2800  }
0x19e: {  	s10 =	sadd.s32 $0x100, s10;
	s22 =	rddreg [dreg:$0x4];
	[sflag:s16] =	ssyncset.done $0x0  }
0x19f: {  	s18 =	sadd.s32 $0x800, s18;
	s17 =	rddreg [dreg:$0x3];
	[sflag:s16] =	ssyncadd.s32 $0xFFFFD800  }
0x1a0: {  	[tilespmem:s1], [sflag:$0x4] =	stream.indirect.gather [hbm4b:s4+s25], $0x80, s31, s25, $0xb8;
	[tilespmem:$0x1F000] =	vst v63  }
0x1a1: {  	s10 =	sadd.s32 s19, s22  }
0x1a2: {  	[tilespmem:s0], [sflag:$0x9] =	stream.linear.gather [hbm4b:s10+s3], $0x400, $0x38;
	[tilespmem:$0x1F000] =	vst v63  }
0x1a3: {  	s19 =	sadd.s32 s19, s17  }
0x1a4: {  	[tilespmem:s7], [sflag:$0xA] =	stream.linear.gather [hbm4b:s19+s3], $0x400, $0x38;
	[tilespmem:$0x1F000] =	vst v63  }
0x1a5: {  	_ =	swait.ge [sflag:s8], $0x2800  }
0x1a6: {  	[sflag:s8] =	ssyncset.done $0x0  }
0x1a7: {  	[sflag:s8] =	ssyncadd.s32 $0xFFFFD800  }
0x1a8: {  	[spmem:s2] =	stream.indirect.scatter.add.f32 [tilespmem:s21], [sflag:$0x5], $0x80, s20, s25, $0xb8;
	[tilespmem:$0x1F000] =	vst v63  }
0x1a9: {  	_ =	swait.ge [sflag:s9], $0x2800  }
0x1aa: {  	[sflag:s9] =	ssyncset.done $0x0  }
0x1ab: {  	s22 =	rddreg [dreg:$0x5];
	[sflag:s9] =	ssyncadd.s32 $0xFFFFD800  }
0x1ac: {  	[spmem:s2] =	stream.indirect.scatter.add.f32 [tilespmem:s28], [sflag:$0x6], $0x80, s22, s25, $0xb8;
	[tilespmem:$0x1F000] =	vst v63  }
0x1ad: {  	_ =	swait.ge [sflag:s11], $0x2800  }
0x1ae: {  	[sflag:s11] =	ssyncset.done $0x0  }
0x1af: {  	s17 =	rddreg [dreg:$0x6];
	[sflag:s11] =	ssyncadd.s32 $0xFFFFD800  }
0x1b0: {  	[spmem:s2] =	stream.indirect.scatter.add.f32 [tilespmem:s30], [sflag:$0x7], $0x80, s17, s25, $0xb8;
	[tilespmem:$0x1F000] =	vst v63  }
0x1b1: {  	_ =	swait.ge [sflag:s12], $0x2800  }
0x1b2: {  	[sflag:s12] =	ssyncset.done $0x0  }
0x1b3: {  	s19 =	rddreg [dreg:$0x7];
	[sflag:s12] =	ssyncadd.s32 $0xFFFFD800  }
0x1b4: {  	[spmem:s2] =	stream.indirect.scatter.add.f32 [tilespmem:s1], [sflag:$0x8], $0x80, s19, s25, $0xb8;
	[tilespmem:$0x1F000] =	vst v63  }
0x1b5: {  	_ =	swait.ge [sflag:s13], $0x2800  }
0x1b6: {  	[sflag:s13] =	ssyncset.done $0x0  }
0x1b7: {  	s22 =	rddreg [dreg:$0x8];
	[sflag:s13] =	ssyncadd.s32 $0xFFFFD800  }
0x1b8: {  	[tilespmem:s21], [sflag:$0x1] =	stream.indirect.gather [hbm4b:s4+s25], $0x80, s22, s25, $0xb8;
	[tilespmem:$0x1F000] =	vst v63  }
0x1b9: {  	_ =	swait.ge [sflag:s14], $0x2800  }
0x1ba: {  	[sflag:s14] =	ssyncset.done $0x0  }
0x1bb: {  	s17 =	rddreg [dreg:$0x9];
	[sflag:s14] =	ssyncadd.s32 $0xFFFFD800  }
0x1bc: {  	[tilespmem:s28], [sflag:$0x2] =	stream.indirect.gather [hbm4b:s4+s25], $0x80, s17, s25, $0xb8;
	[tilespmem:$0x1F000] =	vst v63  }
0x1bd: {  	_ =	swait.ge [sflag:s15], $0x2800  }
0x1be: {  	[sflag:s15] =	ssyncset.done $0x0  }
0x1bf: {  	s19 =	rddreg [dreg:$0xa];
	[sflag:s15] =	ssyncadd.s32 $0xFFFFD800  }
0x1c0: {  	[tilespmem:s30], [sflag:$0x3] =	stream.indirect.gather [hbm4b:s4+s25], $0x80, s19, s25, $0xb8;
	[tilespmem:$0x1F000] =	vst v63  }
0x1c1: {  	_ =	swait.ge [sflag:s16], $0x2800  }
0x1c2: {  	[sflag:s16] =	ssyncset.done $0x0  }
0x1c3: {  	s22 =	rddreg [dreg:$0xb];
	[sflag:s16] =	ssyncadd.s32 $0xFFFFD800  }
0x1c4: {  	[tilespmem:s1], [sflag:$0x4] =	stream.indirect.gather [hbm4b:s4+s25], $0x80, s22, s25, $0xb8;
	[tilespmem:$0x1F000] =	vst v63  }
0x1c5: {  	_ =	swait.ge [sflag:s8], $0x2800  }
0x1c6: {  	[sflag:s8] =	ssyncset.done $0x0  }
0x1c7: {  	s17 =	rddreg [dreg:$0xc];
	[sflag:s8] =	ssyncadd.s32 $0xFFFFD800  }
0x1c8: {  	[spmem:s2] =	stream.indirect.scatter.add.f32 [tilespmem:s21], [sflag:$0x5], $0x80, s17, s25, $0xb8;
	[tilespmem:$0x1F000] =	vst v63  }
0x1c9: {  	_ =	swait.ge [sflag:s9], $0x2800  }
0x1ca: {  	[sflag:s9] =	ssyncset.done $0x0  }
0x1cb: {  	s19 =	rddreg [dreg:$0xd];
	[sflag:s9] =	ssyncadd.s32 $0xFFFFD800  }
0x1cc: {  	[spmem:s2] =	stream.indirect.scatter.add.f32 [tilespmem:s28], [sflag:$0x6], $0x80, s19, s25, $0xb8;
	[tilespmem:$0x1F000] =	vst v63  }
0x1cd: {  	_ =	swait.ge [sflag:s11], $0x2800  }
0x1ce: {  	[sflag:s11] =	ssyncset.done $0x0  }
0x1cf: {  	s22 =	rddreg [dreg:$0xe];
	[sflag:s11] =	ssyncadd.s32 $0xFFFFD800  }
0x1d0: {  	[spmem:s2] =	stream.indirect.scatter.add.f32 [tilespmem:s30], [sflag:$0x7], $0x80, s22, s25, $0xb8;
	[tilespmem:$0x1F000] =	vst v63  }
0x1d1: {  	_ =	swait.ge [sflag:s12], $0x2800  }
0x1d2: {  	[sflag:s12] =	ssyncset.done $0x0  }
0x1d3: {  	s17 =	rddreg [dreg:$0xf];
	[sflag:s12] =	ssyncadd.s32 $0xFFFFD800  }
0x1d4: {  	[spmem:s2] =	stream.indirect.scatter.add.f32 [tilespmem:s1], [sflag:$0x8], $0x80, s17, s25, $0xb8;
	[tilespmem:$0x1F000] =	vst v63  }
0x1d5: {  	_ =	swait.ge [sflag:s23], $0x400  }
0x1d6: {  	[sflag:s23] =	ssyncset.done $0x0  }
0x1d7: {  	[sflag:s23] =	ssyncadd.s32 $0xFFFFFC00  }
0x1d8: {  	_ =	swait.ge [sflag:s24], $0x400  }
0x1d9: {  	[sflag:s24] =	ssyncset.done $0x0  }
0x1da: {  	[sflag:s24] =	ssyncadd.s32 $0xFFFFFC00  }
0x1db: {  	_ =	swait.ge [sflag:s13], $0x2800  }
0x1dc: {  	[sflag:s13] =	ssyncset.done $0x0  }
0x1dd: {  	[sflag:s13] =	ssyncadd.s32 $0xFFFFD800  }
0x1de: {  	[tilespmem:s21], [sflag:$0x1] =	stream.indirect.gather [hbm4b:s4+s25], $0x80, s0, s25, $0xb8;
	[tilespmem:$0x1F000] =	vst v63  }
0x1df: {  	_ =	swait.ge [sflag:s14], $0x2800  }
0x1e0: {  	[sflag:s14] =	ssyncset.done $0x0  }
0x1e1: {  	s19 =	rddreg [dreg:$0x10];
	[sflag:s14] =	ssyncadd.s32 $0xFFFFD800  }
0x1e2: {  	[tilespmem:s28], [sflag:$0x2] =	stream.indirect.gather [hbm4b:s4+s25], $0x80, s19, s25, $0xb8;
	[tilespmem:$0x1F000] =	vst v63  }
0x1e3: {  	_ =	swait.ge [sflag:s15], $0x2800  }
0x1e4: {  	[sflag:s15] =	ssyncset.done $0x0  }
0x1e5: {  	s22 =	rddreg [dreg:$0x11];
	[sflag:s15] =	ssyncadd.s32 $0xFFFFD800  }
0x1e6: {  	[tilespmem:s30], [sflag:$0x3] =	stream.indirect.gather [hbm4b:s4+s25], $0x80, s22, s25, $0xb8;
	[tilespmem:$0x1F000] =	vst v63  }
0x1e7: {  	_ =	swait.ge [sflag:s16], $0x2800  }
0x1e8: {  	[sflag:s16] =	ssyncset.done $0x0  }
0x1e9: {  	s19 =	sshrl.u32 s18, $0x3;
	s17 =	rddreg [dreg:$0x12];
	[sflag:s16] =	ssyncadd.s32 $0xFFFFD800  }
0x1ea: {  	[tilespmem:s1], [sflag:$0x4] =	stream.indirect.gather [hbm4b:s4+s25], $0x80, s17, s25, $0xb8;
	[tilespmem:$0x1F000] =	vst v63  }
0x1eb: {  	s22 =	sadd.s32 s6, s19  }
0x1ec: {  	[tilespmem:s3], [sflag:$0x9] =	stream.linear.gather [hbm4b:s22+s3], $0x400, $0x38;
	[tilespmem:$0x1F000] =	vst v63  }
0x1ed: {  	s17 =	sadd.s32 s5, s19  }
0x1ee: {  	[tilespmem:s20], [sflag:$0xA] =	stream.linear.gather [hbm4b:s17+s3], $0x400, $0x38;
	[tilespmem:$0x1F000] =	vst v63  }
0x1ef: {  	_ =	swait.ge [sflag:s8], $0x2800  }
0x1f0: {  	[sflag:s8] =	ssyncset.done $0x0  }
0x1f1: {  	[sflag:s8] =	ssyncadd.s32 $0xFFFFD800  }
0x1f2: {  	[spmem:s2] =	stream.indirect.scatter.add.f32 [tilespmem:s21], [sflag:$0x5], $0x80, s7, s25, $0xb8;
	[tilespmem:$0x1F000] =	vst v63  }
0x1f3: {  	_ =	swait.ge [sflag:s9], $0x2800  }
0x1f4: {  	[sflag:s9] =	ssyncset.done $0x0  }
0x1f5: {  	s18 =	rddreg [dreg:$0x13];
	[sflag:s9] =	ssyncadd.s32 $0xFFFFD800  }
0x1f6: {  	[spmem:s2] =	stream.indirect.scatter.add.f32 [tilespmem:s28], [sflag:$0x6], $0x80, s18, s25, $0xb8;
	[tilespmem:$0x1F000] =	vst v63  }
0x1f7: {  	_ =	swait.ge [sflag:s11], $0x2800  }
0x1f8: {  	[sflag:s11] =	ssyncset.done $0x0  }
0x1f9: {  	s19 =	rddreg [dreg:$0x14];
	[sflag:s11] =	ssyncadd.s32 $0xFFFFD800  }
0x1fa: {  	[spmem:s2] =	stream.indirect.scatter.add.f32 [tilespmem:s30], [sflag:$0x7], $0x80, s19, s25, $0xb8;
	[tilespmem:$0x1F000] =	vst v63  }
0x1fb: {  	_ =	swait.ge [sflag:s12], $0x2800  }
0x1fc: {  	[sflag:s12] =	ssyncset.done $0x0  }
0x1fd: {  	s22 =	rddreg [dreg:$0x15];
	[sflag:s12] =	ssyncadd.s32 $0xFFFFD800  }
0x1fe: {  	[spmem:s2] =	stream.indirect.scatter.add.f32 [tilespmem:s1], [sflag:$0x8], $0x80, s22, s25, $0xb8;
	[tilespmem:$0x1F000] =	vst v63  }
0x1ff: {  	_ =	swait.ge [sflag:s13], $0x2800  }
0x200: {  	[sflag:s13] =	ssyncset.done $0x0  }
0x201: {  	s17 =	rddreg [dreg:$0x16];
	[sflag:s13] =	ssyncadd.s32 $0xFFFFD800  }
0x202: {  	[tilespmem:s21], [sflag:$0x1] =	stream.indirect.gather [hbm4b:s4+s25], $0x80, s17, s25, $0xb8;
	[tilespmem:$0x1F000] =	vst v63  }
0x203: {  	_ =	swait.ge [sflag:s14], $0x2800  }
0x204: {  	[sflag:s14] =	ssyncset.done $0x0  }
0x205: {  	s18 =	rddreg [dreg:$0x17];
	[sflag:s14] =	ssyncadd.s32 $0xFFFFD800  }
0x206: {  	[tilespmem:s28], [sflag:$0x2] =	stream.indirect.gather [hbm4b:s4+s25], $0x80, s18, s25, $0xb8;
	[tilespmem:$0x1F000] =	vst v63  }
0x207: {  	_ =	swait.ge [sflag:s15], $0x2800  }
0x208: {  	[sflag:s15] =	ssyncset.done $0x0  }
0x209: {  	s19 =	rddreg [dreg:$0x18];
	[sflag:s15] =	ssyncadd.s32 $0xFFFFD800  }
0x20a: {  	[tilespmem:s30], [sflag:$0x3] =	stream.indirect.gather [hbm4b:s4+s25], $0x80, s19, s25, $0xb8;
	[tilespmem:$0x1F000] =	vst v63  }
0x20b: {  	_ =	swait.ge [sflag:s16], $0x2800  }
0x20c: {  	[sflag:s16] =	ssyncset.done $0x0  }
0x20d: {  	s22 =	rddreg [dreg:$0x19];
	[sflag:s16] =	ssyncadd.s32 $0xFFFFD800  }
0x20e: {  	[tilespmem:s1], [sflag:$0x4] =	stream.indirect.gather [hbm4b:s4+s25], $0x80, s22, s25, $0xb8;
	[tilespmem:$0x1F000] =	vst v63  }
0x20f: {  	_ =	swait.ge [sflag:s8], $0x2800  }
0x210: {  	[sflag:s8] =	ssyncset.done $0x0  }
0x211: {  	s17 =	rddreg [dreg:$0x1a];
	[sflag:s8] =	ssyncadd.s32 $0xFFFFD800  }
0x212: {  	[spmem:s2] =	stream.indirect.scatter.add.f32 [tilespmem:s21], [sflag:$0x5], $0x80, s17, s25, $0xb8;
	[tilespmem:$0x1F000] =	vst v63  }
0x213: {  	_ =	swait.ge [sflag:s9], $0x2800  }
0x214: {  	[sflag:s9] =	ssyncset.done $0x0  }
0x215: {  	s18 =	rddreg [dreg:$0x1b];
	[sflag:s9] =	ssyncadd.s32 $0xFFFFD800  }
0x216: {  	[spmem:s2] =	stream.indirect.scatter.add.f32 [tilespmem:s28], [sflag:$0x6], $0x80, s18, s25, $0xb8;
	[tilespmem:$0x1F000] =	vst v63  }
0x217: {  	_ =	swait.ge [sflag:s11], $0x2800  }
0x218: {  	[sflag:s11] =	ssyncset.done $0x0  }
0x219: {  	s19 =	rddreg [dreg:$0x1c];
	[sflag:s11] =	ssyncadd.s32 $0xFFFFD800  }
0x21a: {  	[spmem:s2] =	stream.indirect.scatter.add.f32 [tilespmem:s30], [sflag:$0x7], $0x80, s19, s25, $0xb8;
	[tilespmem:$0x1F000] =	vst v63  }
0x21b: {  	_ =	swait.ge [sflag:s12], $0x2800  }
0x21c: {  	[sflag:s12] =	ssyncset.done $0x0  }
0x21d: {  	s22 =	rddreg [dreg:$0x1d];
	[sflag:s12] =	ssyncadd.s32 $0xFFFFD800  }
0x21e: {  	[spmem:s2] =	stream.indirect.scatter.add.f32 [tilespmem:s1], [sflag:$0x8], $0x80, s22, s25, $0xb8;
	[tilespmem:$0x1F000] =	vst v63  }
0x21f: {  	_ =	swait.ge [sflag:s23], $0x400  }
0x220: {  	[sflag:s23] =	ssyncset.done $0x0  }
0x221: {  	[sflag:s23] =	ssyncadd.s32 $0xFFFFFC00  }
0x222: {  	_ =	swait.ge [sflag:s24], $0x400  }
0x223: {  	[sflag:s24] =	ssyncset.done $0x0  }
0x224: {  	[sflag:s24] =	ssyncadd.s32 $0xFFFFFC00  }
0x225: {  	_ =	swait.ge [sflag:s13], $0x2800  }
0x226: {  	[sflag:s13] =	ssyncset.done $0x0  }
0x227: {  	[sflag:s13] =	ssyncadd.s32 $0xFFFFD800  }
0x228: {  	[tilespmem:s21], [sflag:$0x1] =	stream.indirect.gather [hbm4b:s4+s25], $0x80, s3, s25, $0xb8;
	[tilespmem:$0x1F000] =	vst v63  }
0x229: {  	_ =	swait.ge [sflag:s14], $0x2800  }
0x22a: {  	[sflag:s14] =	ssyncset.done $0x0  }
0x22b: {  	[sflag:s14] =	ssyncadd.s32 $0xFFFFD800  }
0x22c: {  	[tilespmem:s28], [sflag:$0x2] =	stream.indirect.gather [hbm4b:s4+s25], $0x80, s26, s25, $0xb8;
	[tilespmem:$0x1F000] =	vst v63  }
0x22d: {  	_ =	swait.ge [sflag:s15], $0x2800  }
0x22e: {  	[sflag:s15] =	ssyncset.done $0x0  }
0x22f: {  	[sflag:s15] =	ssyncadd.s32 $0xFFFFD800  }
0x230: {  	[tilespmem:s30], [sflag:$0x3] =	stream.indirect.gather [hbm4b:s4+s25], $0x80, s29, s25, $0xb8;
	[tilespmem:$0x1F000] =	vst v63  }
0x231: {  	_ =	swait.ge [sflag:s16], $0x2800  }
0x232: {  	[sflag:s16] =	ssyncset.done $0x0  }
0x233: {  	[sflag:s16] =	ssyncadd.s32 $0xFFFFD800  }
0x234: {  	[tilespmem:s1], [sflag:$0x4] =	stream.indirect.gather [hbm4b:s4+s25], $0x80, s31, s25, $0xb8;
	[tilespmem:$0x1F000] =	vst v63  }
0x235: {  	_ =	swait.ge [sflag:s8], $0x2800  }
0x236: {  	[sflag:s8] =	ssyncset.done $0x0  }
0x237: {  	[sflag:s8] =	ssyncadd.s32 $0xFFFFD800  }
0x238: {  	_ =	swait.ge [sflag:s9], $0x2800  }
0x239: {  	[sflag:s9] =	ssyncset.done $0x0  }
0x23a: {  	[sflag:s9] =	ssyncadd.s32 $0xFFFFD800  }
0x23b: {  	_ =	swait.ge [sflag:s11], $0x2800  }
0x23c: {  	[sflag:s11] =	ssyncset.done $0x0  }
0x23d: {  	[sflag:s11] =	ssyncadd.s32 $0xFFFFD800  }
0x23e: {  	_ =	swait.ge [sflag:s12], $0x2800  }
0x23f: {  	[sflag:s12] =	ssyncset.done $0x0  }
0x240: {  	[sflag:s12] =	ssyncadd.s32 $0xFFFFD800  }
0x241: {  	[bflag:$0x0] =	sbarrier.arrive $0xFFFF  }
0x242: {  	s19 =	sld [smem:$0x7FD]  }
0x243: {  	s17 =	stileid.u32;
	s22 =	sld [smem:$0x7F3]  }
0x244: {  	s10 =	sshll.u32 s17, $0x6  }
0x245: {  	s10 =	sor.u32 $0x1C0B, s10;
	s18 =	sshrl.u32 s19, $0x3  }
0x246: {  	[hbm:s22], [sflag:s10] =	dma.local [spmem:s18], $0x2800  }
0x247: {  	s18 =	simm.s32 $0xB  }
0x248: {  	_ =	swait.ge [sflag:s18], $0x2800  }
0x249: {  	s10 =	sld [smem:$0x7F2]  }
0x24a: {  	s22 =	sld [smem:$0x7F4];
	_ =	sdelay $0x1  }
0x24b: {  	s17 =	sadd.s32 $0x1, s10  }
0x24c: {  	p0 =	sne.s32 s17, s22  }
.Ltmp2:
0x24d: {  	_ = 	snop;
	(pc) =	sbr.rel @p0 .LBB2_1-.Ltmp2, $3  }
0x24e: {  	_ =	sdelay $0x1  }
0x24f: {  	[sflag:s18] =	ssyncset.done $0x0  }
0x250: {  	[sflag:s18] =	ssyncadd.s32 $0xFFFFD800  }
0x251: {  	_ =	sfence.sel $0x180000  }
0x252: {  	[bflag:$0x0] =	sbarrier.arrive $0xFFFF  }
0x253: {  	_ =	strace $0x9000004A  }
0x254: {  	s0 =	stileid.u32;
	[bflag:$0x2] =	sbarrier.arrive $0xFFFF  }
0x255: {  	p0 =	sne.s32 s0, $0x0;
	s0 =	rddreg [dreg:$0x2]  }
0x256: {  	s0 =	sadd.s32 @!p0 $0x100000, s0  }
0x257: {  	[sflag:s0] =	ssyncadd.tile.s32 @!p0 $0x1;
	_ =	shalt  }
.Lfunc_end2:
_tile_overlayer_lowered:
.L_overlay_start_2:
0x258: {  	(tag) =	ssettag $0x2  }
0x259: {  	s0 =	rddreg [dreg:$0x0];
	s2 =	stileid.u32  }
0x25a: {  	s1 =	rddreg [dreg:$0x1];
	p0 =	sne.s32 s2, $0x0  }
0x25b: {  	s3 =	rddreg [dreg:$0x2];
	[bflag:$0x3] =	sbarrier.arrive $0xFFFF;
	s2 =	simm.s32 @!p0 $0x1C0B  }
0x25c: {  	[timem:s3], [sflag:s2] =	dma.local @!p0 [hbm:s0], s1  }
0x25d: {  	s0 =	simm.s32 @!p0 $0xB  }
0x25e: {  	_ =	swait.ge @!p0 [sflag:s0], s1  }
0x25f: {  	s1 =	ssub.s32 @!p0 $0x0, s1;
	[sflag:s0] =	ssyncset.done @!p0 $0x0  }
0x260: {  	[sflag:s0] =	ssyncadd.s32 @!p0 s1  }
0x261: {  	[bflag:$0x3] =	sbarrier.arrive $0xFFFF  }
0x262: {  	_ =	shalt  }

// kernel: kernel.7.cloned.1.call-start
scs
__scs_entry_jumppad:
0x0: {  	(pc) =	sbr.rel $0x88, $3  }
0x1: {  	(tag) =	ssettag $0x0;
	lr =	simm.s32 $0x1  }
0x2: {  	[smem:$0x3F83] =	sst lr;
	_ =	strace $0xD0000000  }
0x3: {  	_ = 	snop  }
0x4: {  	_ = 	snop  }
0x5: {  	_ = 	snop  }
0x6: {  	_ = 	snop  }
0x7: {  	_ = 	snop  }
__scs_overlays_trampoline_lowered:
0x8: {  	[smem:$0x3F92] =	sst s0  }
0x9: {  	[smem:$0x3F93] =	sst s1  }
0xa: {  	[smem:$0x3F94] =	sst s2  }
0xb: {  	[smem:$0x3F95] =	sst s3  }
0xc: {  	[smem:$0x3F96] =	sst s4  }
0xd: {  	[smem:$0x3F97] =	sst s5  }
0xe: {  	[smem:$0x3F98] =	sst s6  }
0xf: {  	[smem:$0x3F99] =	sst s7  }
0x10: {  	[smem:$0x3F9A] =	sst s8  }
0x11: {  	[smem:$0x3F9B] =	sst s9;
	s0 =	simm.s32 @!p0 $0x0  }
0x12: {  	s1 =	sld [smem:$0x3F81];
	s0 =	simm.s32 @p0 $0x1  }
0x13: {  	[smem:$0x3F9C] =	sst s0;
	s0 =	simm.s32 @!p1 $0x0  }
0x14: {  	s2 =	sld [smem:$0x3F80];
	s0 =	simm.s32 @p1 $0x1  }
0x15: {  	[smem:$0x3F9D] =	sst s0;
	s0 =	simm.s32 @!p2 $0x0  }
0x16: {  	s3 =	sld [smem:$0x3FDB];
	s0 =	simm.s32 @p2 $0x1  }
0x17: {  	s4 =	simm.s32 $0x1BF5;
	[smem:$0x3F9F] =	sst s0  }
0x18: {  	s0 =	sld [smem:$0x3F82];
	_ =	swait.ge [sflag:s4], $0x0  }
0x19: {  	s7 =	sld [smem:$0x3F83]  }
0x1a: {  	s8 =	sadd.s32 $0xFFFFE003, lr  }
0x1b: {  	s9 =	sadd.s32 $0xFFFFFEF7, lr;
	s5 =	simm.s32 $0xFFFFFFFF;
	p2 =	slt.u32 s8, $0xFFFFF086  }
0x1c: {  	p1 =	slt.u32 s9, $0xF7A;
	s5 =	simm.s32 @!p2 $0x0  }
0x1d: {  	s5 =	simm.s32 @p1 $0x1;
	p0 =	seq.s32 s7, s2  }
0x1e: {  	s7 =	smul.u32 @!p0 $0xF7A, s2;
	p2 =	seq.s32 @!p0 s5, $0x0  }
0x1f: {  	s9 =	smul.u32 $0xF7A, s1;
	s8 =	simm.s32 @!p0 $0x1BF5;
	p2 =	por !p2, p0  }
0x20: {  	[sflag:s8] =	ssyncset.s32 @!p0 $0xFFFFF086;
	s6 =	sadd.s32 @!p0 s3, s7;
	s7 =	simm.s32 @!p0 $0x108  }
0x21: {  	s3 =	sadd.s32 s3, s9;
	s6 =	sadd.s32 @!p0 $0x88, s6;
	s7 =	simm.s32 @p2 $0x1082  }
0x22: {  	[simem:s7], [sflag:s8] =	dma.local @!p0 [hbm:s6], $0xF7A  }
0x23: {  	s9 =	sor.u32 $0xD0000000, s2;
	s6 =	simm.s32 $0x108;
	_ =	swait.ge @!p0 [sflag:s8], $0x0  }
0x24: {  	s3 =	sadd.s32 $0x88, s3;
	s6 =	simm.s32 @!p1 $0x1082;
	[sflag:s4] =	ssyncset.s32 $0xFFFFF086  }
0x25: {  	[simem:s6], [sflag:s4] =	dma.local [hbm:s3], $0xF7A  }
0x26: {  	[smem:$0x3F83] =	sst s1;
	(tag) =	ssettag s2;
	_ =	strace s9  }
0x27: {  	s1 =	sld [smem:$0x3F93]  }
0x28: {  	s2 =	sld [smem:$0x3F94]  }
0x29: {  	s4 =	sld [smem:$0x3F96]  }
0x2a: {  	p0 =	seq.s32 s5, $0x0;
	s5 =	sld [smem:$0x3F97]  }
0x2b: {  	s6 =	sld [smem:$0x3F98]  }
0x2c: {  	s7 =	sld [smem:$0x3F99]  }
0x2d: {  	s3 =	simm.s32 $0x108;
	s8 =	sld [smem:$0x3F9A]  }
0x2e: {  	s3 =	simm.s32 @!p0 $0x1082;
	s9 =	sld [smem:$0x3F9B]  }
0x2f: {  	lr =	sadd.s32 s0, s3;
	s0 =	sld [smem:$0x3F92]  }
0x30: {  	s3 =	sld [smem:$0x3F95]  }
0x31: {  	[smem:$0x3F9E] =	sst s10  }
0x32: {  	s10 =	sld [smem:$0x3F9C];
	_ =	sdelay $0x3  }
0x33: {  	p0 =	seq.s32 s10, $0x1;
	s10 =	sld [smem:$0x3F9E];
	_ =	sdelay $0x3  }
0x34: {  	[smem:$0x3F9E] =	sst s10  }
0x35: {  	s10 =	sld [smem:$0x3F9D];
	_ =	sdelay $0x3  }
0x36: {  	p1 =	seq.s32 s10, $0x1;
	s10 =	sld [smem:$0x3F9E];
	_ =	sdelay $0x3  }
0x37: {  	[smem:$0x3F9E] =	sst s10  }
0x38: {  	s10 =	sld [smem:$0x3F9F]  }
0x39: {  	_ = 	snop;
	(pc) =	sbr.ind lr, $3  }
0x3a: {  	_ = 	snop  }
0x3b: {  	_ = 	snop  }
0x3c: {  	p2 =	seq.s32 s10, $0x1;
	s10 =	sld [smem:$0x3F9E]  }
0x3d: {  	_ =	shalt  }
0x3e: {  	_ =	shalt  }
0x3f: {  	_ =	shalt  }
0x40: {  	_ =	shalt  }
0x41: {  	_ =	shalt  }
0x42: {  	_ =	shalt  }
0x43: {  	_ =	shalt  }
0x44: {  	_ =	shalt  }
0x45: {  	_ =	shalt  }
0x46: {  	_ =	shalt  }
0x47: {  	_ =	shalt  }
0x48: {  	_ =	shalt  }
0x49: {  	_ =	shalt  }
0x4a: {  	_ =	shalt  }
0x4b: {  	_ =	shalt  }
0x4c: {  	_ =	shalt  }
0x4d: {  	_ =	shalt  }
0x4e: {  	_ =	shalt  }
0x4f: {  	_ =	shalt  }
0x50: {  	_ =	shalt  }
0x51: {  	_ =	shalt  }
0x52: {  	_ =	shalt  }
0x53: {  	_ =	shalt  }
0x54: {  	_ =	shalt  }
0x55: {  	_ =	shalt  }
0x56: {  	_ =	shalt  }
0x57: {  	_ =	shalt  }
0x58: {  	_ =	shalt  }
0x59: {  	_ =	shalt  }
0x5a: {  	_ =	shalt  }
0x5b: {  	_ =	shalt  }
0x5c: {  	_ =	shalt  }
0x5d: {  	_ =	shalt  }
0x5e: {  	_ =	shalt  }
0x5f: {  	_ =	shalt  }
0x60: {  	_ =	shalt  }
0x61: {  	_ =	shalt  }
0x62: {  	_ =	shalt  }
0x63: {  	_ =	shalt  }
0x64: {  	_ =	shalt  }
0x65: {  	_ =	shalt  }
0x66: {  	_ =	shalt  }
0x67: {  	_ =	shalt  }
0x68: {  	_ =	shalt  }
0x69: {  	_ =	shalt  }
0x6a: {  	_ =	shalt  }
0x6b: {  	_ =	shalt  }
0x6c: {  	_ =	shalt  }
0x6d: {  	_ =	shalt  }
0x6e: {  	_ =	shalt  }
0x6f: {  	_ =	shalt  }
0x70: {  	_ =	shalt  }
0x71: {  	_ =	shalt  }
0x72: {  	_ =	shalt  }
0x73: {  	_ =	shalt  }
0x74: {  	_ =	shalt  }
0x75: {  	_ =	shalt  }
0x76: {  	_ =	shalt  }
0x77: {  	_ =	shalt  }
0x78: {  	_ =	shalt  }
0x79: {  	_ =	shalt  }
0x7a: {  	_ =	shalt  }
0x7b: {  	_ =	shalt  }
0x7c: {  	_ =	shalt  }
0x7d: {  	_ =	shalt  }
0x7e: {  	_ =	shalt  }
0x7f: {  	_ =	shalt  }
0x80: {  	_ =	shalt  }
0x81: {  	_ =	shalt  }
0x82: {  	_ =	shalt  }
0x83: {  	_ =	shalt  }
0x84: {  	_ =	shalt  }
0x85: {  	_ =	shalt  }
0x86: {  	_ =	shalt  }
0x87: {  	_ =	shalt  }
.Lfunc_end0:
.L_simem_size_0:
called_computation_lowered:
.L_overlay_start_0:
0x88: {  	s2 =	sld [smem:$0x3FD9]  }
0x89: {  	s3 =	sld [smem:$0x3FFE];
	_ =	sdelay $0x1  }
0x8a: {  	s1 =	srdreg.scid  }
0x8b: {  	s0 =	sand.u32 $0x1, s1  }
0x8c: {  	s16 =	sshll.u32 s0, $0xA;
	s2 =	sadd.s32 s3, s2  }
0x8d: {  	s2 =	sadd.s32 s2, s16  }
0x8e: {  	[smem:$0x3FAA] =	sst s2  }
0x8f: {  	_ = 	snop  }
0x90: {  	(tm) =	ssettm $0x1  }
0x91: {  	s17 =	sld [smem:$0x3FFB];
	_ =	sdelay $0x3  }
0x92: {  	_ =	strace s17  }
0x93: {  	s2 =	sld [smem:$0x3FFC];
	_ =	sdelay $0x3  }
0x94: {  	_ =	strace s2  }
0x95: {  	s2 =	sld [smem:$0x3FFD];
	_ =	sdelay $0x3  }
0x96: {  	_ =	strace s2  }
0x97: {  	_ =	strace $0x8FFFFFFF  }
0x98: {  	s18 =	sld [smem:$0x3FDB];
	_ =	sdelay $0x1  }
0x99: {  	s19 =	simm.s32 $_scs_section_size  }
0x9a: {  	s4 =	simm.s32 $_size__tile_overlayer_lowered;
	s5 =	simm.s32 $_tile_overlayer_lowered  }
0x9b: {  	s22 =	simm.s32 $0x1BFF;
	s21 =	sshll.u32 s5, $0x1;
	s2 =	sadd.s32 s19, s18  }
0x9c: {  	s6 =	simm.s32 $0x0;
	s20 =	sshll.u32 s4, $0x1;
	s4 =	sadd.s32 s21, s2  }
0x9d: {  	[timem:s6], [sflag:s22] =	dma.local [hbm:s4], s20  }
0x9e: {  	_ =	swait.ge [sflag:s22], s20  }
0x9f: {  	s3 =	ssub.s32 $0x0, s20;
	[sflag:s22] =	ssyncset.done $0x0  }
0xa0: {  	[sflag:s22] =	ssyncadd.s32 s3;
	_ =	sdelay $0x1  }
0xa1: {  	s23 =	simm.s32 $0x1B8B  }
0xa2: {  	_ =	swait.ge [sflag:s23], $0x1  }
0xa3: {  	[sflag:s23] =	ssyncset.done $0x0  }
0xa4: {  	s25 =	simm.s32 $0x1B8E;
	s24 =	sld [smem:$0x3FFE];
	[sflag:s23] =	ssyncadd.s32 $0xFFFFFFFF  }
0xa5: {  	s26 =	simm.s32 $execute0_lowered;
	[smem:$0x3FD2] =	sst s25  }
0xa6: {  	s4 =	sshll.u32 s26, $0x1;
	_ =	strace $0x80000046;
	[dreg:$0x1] =	wrdreg $0xFFFFFFFF  }
0xa7: {  	s28 =	simm.s32 $_size_execute0_lowered;
	s2 =	sadd.s32 s2, s4;
	[dreg:$0x0] =	wrdreg $0x0  }
0xa8: {  	s4 =	sshll.u32 s28, $0x1;
	[dreg:$0x2] =	wrdreg s2  }
0xa9: {  	[dreg:$0x3] =	wrdreg s4  }
0xaa: {  	[dreg:$0x4] =	wrdreg $0xC0  }
0xab: {  	_ =	task [dreg:s6], $0x5FFFF  }
0xac: {  	[dreg:$0x1] =	wrdreg $0xFFFFFFFF  }
0xad: {  	[dreg:$0x0] =	wrdreg $0x60  }
0xae: {  	[dreg:$0x2] =	wrdreg s24  }
0xaf: {  	[dreg:$0x3] =	wrdreg $0xB0000  }
0xb0: {  	[dreg:$0x4] =	wrdreg $0x9  }
0xb1: {  	_ =	task.clear_ibuf [dreg:s6], $0x5FFFF;
	_ =	strace $0x90000046  }
0xb2: {  	s29 =	simm.s32 $0x9;
	_ =	strace $0x80000048  }
0xb3: {  	_ =	swait.ge [sflag:s29], $0x1  }
0xb4: {  	[sflag:s29] =	ssyncadd.s32 $0xFFFFFFFF  }
0xb5: {  	_ =	strace $0x90000048  }
0xb6: {  	_ =	sfence  }
0xb7: {  	s30 =	sld [smem:$0x0];
	_ =	sdelay $0x2  }
0xb8: {  	s31 =	sshll.u32 s1, $0xD;
	s1 =	sshrl.u32 s1, $0x2  }
0xb9: {  	s3 =	sand.u32 $0x4000, s31;
	s1 =	sadd.s32 s1, s30  }
0xba: {  	s0 =	sor.u32 s3, s0;
	s1 =	sshll.u32 s1, $0x11  }
0xbb: {  	s0 =	sor.u32 s1, s0  }
0xbc: {  	s0 =	sadd.s32 $0x8F2B, s0  }
0xbd: {  	[sflag:s0] =	ssyncadd.remote.s32 $0x1  }
0xbe: {  	_ =	sfence.sel $0xFFFF  }
0xbf: {  	[dreg:$0x0] =	wrdreg $0xFFFFFFFF;
	(pc) =	sbr.abs _section_cstart, $3  }
0xc0: {  	[dreg:$0x1] =	wrdreg $0xFFFFFFFF  }
0xc1: {  	_ =	task.clear_ibuf [dreg:s6], $0x2FFFF;
	_ =	strace $0x9FFFFFFF  }
0xc2: {  	(tm) =	ssettm $0x7FFFFFFF  }
0xc3: {  	_ =	shalt  }
tec
execute0_lowered:
.L_overlay_start_1:
0x0: {  	(tag) =	ssettag $0x1  }
0x1: {  	s1 =	rddreg [dreg:$0x0]  }
0x2: {  	s0 =	srdreg.scid;
	s2 =	rddreg [dreg:$0x1];
	s3 =	simm.s32 $0x0  }
0x3: {  	s11 =	stileid.u32;
	s23 =	simm.s32 $0x480;
	[smem:$0x7FF] =	sst s3  }
0x4: {  	s25 =	simm.s32 $0x500;
	_ =	strace $0x80000047;
	[dreg:$0x5] =	wrdreg s23  }
0x5: {  	s26 =	simm.s32 $0x580;
	s12 =	simm.s32 $0x200;
	[dreg:$0x6] =	wrdreg s25  }
0x6: {  	s13 =	simm.s32 $0x280;
	s14 =	simm.s32 $0x300;
	[dreg:$0x7] =	wrdreg s26  }
0x7: {  	s15 =	simm.s32 $0x380;
	s17 =	simm.s32 $0x600;
	[dreg:$0x8] =	wrdreg s12  }
0x8: {  	s18 =	simm.s32 $0x680;
	s20 =	simm.s32 $0x700;
	[dreg:$0x9] =	wrdreg s13  }
0x9: {  	s28 =	simm.s32 $0x3800;
	s29 =	simm.s32 $0x100;
	[dreg:$0xa] =	wrdreg s14  }
0xa: {  	s30 =	simm.s32 $0x6000;
	s31 =	simm.s32 $0x180;
	[dreg:$0xb] =	wrdreg s15  }
0xb: {  	s7 =	sand.u32 $0x1, s0;
	s4 =	smul.u32 $0x4400, s11;
	[dreg:$0xc] =	wrdreg s17  }
0xc: {  	s8 =	smul.u32 $0x14000, s11;
	s5 =	sadd.s32 $0x14C00, s1;
	[dreg:$0xd] =	wrdreg s18  }
0xd: {  	s19 =	smul.u32 $0x50000, s11;
	[dreg:$0xe] =	wrdreg s20;
	s23 =	simm.s32 $0x880  }
0xe: {  	s0 =	smul.u32 $0x44000, s7;
	s26 =	simm.s32 $0x980;
	[dreg:$0x10] =	wrdreg s23  }
0xf: {  	s6 =	smul.u32 $0x140000, s7;
	s13 =	simm.s32 $0xD80;
	[dreg:$0x12] =	wrdreg s26  }
0x10: {  	s22 =	ssub.s32 $0x2, s7;
	s15 =	simm.s32 $0xA00;
	[dreg:$0x15] =	wrdreg s13  }
0x11: {  	s7 =	sshll.u32 s7, $0x4;
	s17 =	simm.s32 $0xA80;
	[dreg:$0x16] =	wrdreg s15  }
0x12: {  	s20 =	simm.s32 $0xB00;
	s24 =	sshrl.u32 s22, $0x1;
	[dreg:$0x17] =	wrdreg s17  }
0x13: {  	s7 =	sor.u32 s11, s7;
	s11 =	simm.s32 $0xD00;
	[dreg:$0x18] =	wrdreg s20  }
0x14: {  	s23 =	simm.s32 $0xE00;
	s26 =	simm.s32 $0xF80;
	s0 =	sadd.s32 s4, s0  }
0x15: {  	s4 =	sadd.s32 $0x25C00, s1;
	s8 =	sadd.s32 s8, s6;
	[dreg:$0x14] =	wrdreg s11  }
0x16: {  	s7 =	smul.u32 $0x4400, s7;
	[dreg:$0x1a] =	wrdreg s23;
	s9 =	sadd.s32 $0x400, s0  }
0x17: {  	[dreg:$0x1d] =	wrdreg s26;
	s0 =	sadd.s32 $0x800, s0;
	s9 =	sshrl.u32 s9, $0x3  }
0x18: {  	s6 =	sadd.s32 $0x3C00, s1;
	[smem:$0x7FC] =	sst s0;
	s10 =	sadd.s32 s9, s5  }
0x19: {  	s7 =	sshrl.u32 s7, $0x3;
	s21 =	sadd.s32 s9, s6;
	[dreg:$0x3] =	wrdreg s10  }
0x1a: {  	s8 =	sshrl.u32 s8, $0x3;
	s16 =	sadd.s32 s6, s7;
	[dreg:$0x4] =	wrdreg s21  }
0x1b: {  	s1 =	sadd.s32 s8, s1;
	s7 =	sadd.s32 s5, s7;
	[dreg:$0x1e] =	wrdreg s16  }
0x1c: {  	s20 =	simm.s32 $0x400;
	s1 =	sadd.s32 $0x4CE00, s1;
	[dreg:$0x1f] =	wrdreg s7  }
0x1d: {  	s9 =	ssub.s32 s22, s24;
	s24 =	simm.s32 $0x900;
	[smem:$0x7F3] =	sst s1  }
0x1e: {  	s13 =	simm.s32 $0x5;
	s21 =	simm.s32 $0x780;
	[dreg:$0x11] =	wrdreg s24  }
0x1f: {  	s15 =	simm.s32 $0x7;
	s25 =	smax.u32 s9, $0x1;
	[dreg:$0xf] =	wrdreg s21  }
0x20: {  	s22 =	sshrl.u32 s19, $0x2;
	s9 =	simm.s32 $0xC80;
	[smem:$0x7F4] =	sst s25  }
0x21: {  	s19 =	sadd.s32 s22, s2;
	s22 =	simm.s32 $0xB80;
	[dreg:$0x13] =	wrdreg s9  }
0x22: {  	s17 =	simm.s32 $0x0;
	s24 =	simm.s32 $0xE80;
	[dreg:$0x19] =	wrdreg s22  }
0x23: {  	s23 =	simm.s32 $0x9;
	s26 =	simm.s32 $0x80;
	[dreg:$0x1b] =	wrdreg s24  }
0x24: {  	s11 =	simm.s32 $0x3;
	s8 =	sadd.s32 $0x2800, s19;
	[smem:$0x7FD] =	sst s19  }
0x25: {  	s0 =	simm.s32 $0x800;
	s10 =	sadd.s32 $0x5000, s19;
	[smem:$0x7F5] =	sst s8  }
0x26: {  	s1 =	simm.s32 $0x8800;
	s12 =	sadd.s32 $0x7800, s19;
	[smem:$0x7F6] =	sst s10  }
0x27: {  	s7 =	simm.s32 $0xC00;
	s14 =	sadd.s32 $0xA000, s19;
	[smem:$0x7F7] =	sst s12  }
0x28: {  	s16 =	sadd.s32 $0xC800, s19;
	s18 =	sadd.s32 $0xF000, s19;
	[smem:$0x7F8] =	sst s14  }
0x29: {  	s21 =	sadd.s32 $0x11800, s19;
	s25 =	simm.s32 $0xF00;
	[smem:$0x7F9] =	sst s16  }
0x2a: {  	s24 =	simm.s32 $0xA;
	s9 =	simm.s32 $0x2;
	[smem:$0x7FA] =	sst s18  }
0x2b: {  	[smem:$0x7FB] =	sst s21;
	s21 =	simm.s32 $0x1000;
	s18 =	simm.s32 $0xB  }
0x2c: {  	[dreg:$0x1c] =	wrdreg s25;
	s25 =	simm.s32 $0x50;
	s8 =	simm.s32 $0x1  }
0x2d: {  	v0 =	vimm.f32 $0.0e+00;
	s12 =	simm.s32 $0x4;
	s14 =	simm.s32 $0x6;
	s16 =	simm.s32 $0x8  }
.LBB2_1:
0x2e: {  	[smem:$0x7F2] =	sst s17  }
0x2f: {  	s10 =	rddreg [dreg:$0x1e]  }
0x30: {  	[tilespmem:s3], [sflag:$0x9] =	stream.linear.gather [hbm4b:s10+s3], $0x400, $0x38;
	[tilespmem:$0x1F000] =	vst v63  }
0x31: {  	s22 =	rddreg [dreg:$0x1f];
	s17 =	simm.s32 $0x200;
	s10 =	simm.s32 $0x0  }
0x32: {  	[tilespmem:s20], [sflag:$0xA] =	stream.linear.gather [hbm4b:s22+s3], $0x400, $0x38;
	[tilespmem:$0x1F000] =	vst v63  }
.LBB2_2:
0x33: {  	p0 =	sne.s32 s17, $0x9E00;
	[tilespmem:s10+$0x1070] =	vst v0  }
0x34: {  	[tilespmem:s10+$0x1000] =	vst v0  }
0x35: {  	[tilespmem:s10+$0x1010] =	vst v0  }
.Ltmp0:
0x36: {  	[tilespmem:s10+$0x1020] =	vst v0;
	(pc) =	sbr.rel @p0 .LBB2_2-.Ltmp0, $4  }
0x37: {  	[tilespmem:s10+$0x1030] =	vst v0  }
0x38: {  	[tilespmem:s10+$0x1040] =	vst v0  }
0x39: {  	[tilespmem:s10+$0x1050] =	vst v0  }
0x3a: {  	[tilespmem:s10+$0x1060] =	vst v0;
	s10 =	sshra.s32 s17, $0x2;
	s17 =	sadd.s32 $0x200, s17  }
0x3b: {  	[tilespmem:s10+$0x1070] =	vst v0  }
0x3c: {  	[tilespmem:s10+$0x1000] =	vst v0  }
0x3d: {  	[tilespmem:s10+$0x1010] =	vst v0  }
0x3e: {  	[tilespmem:s10+$0x1020] =	vst v0  }
0x3f: {  	[tilespmem:s10+$0x1030] =	vst v0  }
0x40: {  	[tilespmem:s10+$0x1040] =	vst v0  }
0x41: {  	[tilespmem:s10+$0x1050] =	vst v0  }
0x42: {  	[tilespmem:s10+$0x1060] =	vst v0  }
0x43: {  	[spmem:s19] =	stream.linear.scatter [tilespmem:s21], [sflag:$0xB], $0x2800, $0x38;
	[tilespmem:$0x1F000] =	vst v63  }
0x44: {  	_ =	swait.ge [sflag:s18], $0x2800  }
0x45: {  	s22 =	sld [smem:$0x7F5]  }
0x46: {  	[sflag:s18] =	ssyncset.done $0x0  }
0x47: {  	[sflag:s18] =	ssyncadd.s32 $0xFFFFD800  }
0x48: {  	[spmem:s22] =	stream.linear.scatter [tilespmem:s21], [sflag:$0xB], $0x2800, $0x38;
	[tilespmem:$0x1F000] =	vst v63  }
0x49: {  	_ =	swait.ge [sflag:s18], $0x2800  }
0x4a: {  	s17 =	sld [smem:$0x7F6]  }
0x4b: {  	[sflag:s18] =	ssyncset.done $0x0  }
0x4c: {  	[sflag:s18] =	ssyncadd.s32 $0xFFFFD800  }
0x4d: {  	[spmem:s17] =	stream.linear.scatter [tilespmem:s21], [sflag:$0xB], $0x2800, $0x38;
	[tilespmem:$0x1F000] =	vst v63  }
0x4e: {  	_ =	swait.ge [sflag:s18], $0x2800  }
0x4f: {  	s19 =	sld [smem:$0x7F7]  }
0x50: {  	[sflag:s18] =	ssyncset.done $0x0  }
0x51: {  	[sflag:s18] =	ssyncadd.s32 $0xFFFFD800  }
0x52: {  	[spmem:s19] =	stream.linear.scatter [tilespmem:s21], [sflag:$0xB], $0x2800, $0x38;
	[tilespmem:$0x1F000] =	vst v63  }
0x53: {  	_ =	swait.ge [sflag:s18], $0x2800  }
0x54: {  	s22 =	sld [smem:$0x7F8]  }
0x55: {  	[sflag:s18] =	ssyncset.done $0x0  }
0x56: {  	[sflag:s18] =	ssyncadd.s32 $0xFFFFD800  }
0x57: {  	[spmem:s22] =	stream.linear.scatter [tilespmem:s21], [sflag:$0xB], $0x2800, $0x38;
	[tilespmem:$0x1F000] =	vst v63  }
0x58: {  	_ =	swait.ge [sflag:s18], $0x2800  }
0x59: {  	s17 =	sld [smem:$0x7F9]  }
0x5a: {  	[sflag:s18] =	ssyncset.done $0x0  }
0x5b: {  	[sflag:s18] =	ssyncadd.s32 $0xFFFFD800  }
0x5c: {  	[spmem:s17] =	stream.linear.scatter [tilespmem:s21], [sflag:$0xB], $0x2800, $0x38;
	[tilespmem:$0x1F000] =	vst v63  }
0x5d: {  	_ =	swait.ge [sflag:s18], $0x2800  }
0x5e: {  	s19 =	sld [smem:$0x7FA]  }
0x5f: {  	[sflag:s18] =	ssyncset.done $0x0  }
0x60: {  	[sflag:s18] =	ssyncadd.s32 $0xFFFFD800  }
0x61: {  	[spmem:s19] =	stream.linear.scatter [tilespmem:s21], [sflag:$0xB], $0x2800, $0x38;
	[tilespmem:$0x1F000] =	vst v63  }
0x62: {  	_ =	swait.ge [sflag:s18], $0x2800  }
0x63: {  	s22 =	sld [smem:$0x7FB]  }
0x64: {  	[sflag:s18] =	ssyncset.done $0x0  }
0x65: {  	[sflag:s18] =	ssyncadd.s32 $0xFFFFD800  }
0x66: {  	[spmem:s22] =	stream.linear.scatter [tilespmem:s21], [sflag:$0xB], $0x2800, $0x38;
	[tilespmem:$0x1F000] =	vst v63  }
0x67: {  	_ =	swait.ge [sflag:s18], $0x2800  }
0x68: {  	[sflag:s18] =	ssyncset.done $0x0  }
0x69: {  	[sflag:s18] =	ssyncadd.s32 $0xFFFFD800  }
0x6a: {  	_ =	swait.ge [sflag:s23], $0x400  }
0x6b: {  	[sflag:s23] =	ssyncset.done $0x0  }
0x6c: {  	[sflag:s23] =	ssyncadd.s32 $0xFFFFFC00  }
0x6d: {  	_ =	swait.ge [sflag:s24], $0x400  }
0x6e: {  	[sflag:s24] =	ssyncset.done $0x0  }
0x6f: {  	[sflag:s24] =	ssyncadd.s32 $0xFFFFFC00  }
0x70: {  	s17 =	simm.s32 $0x0;
	[bflag:$0x0] =	sbarrier.arrive $0xFFFF  }
0x71: {  	[tilespmem:s21], [sflag:$0x1] =	stream.indirect.gather [hbm4b:s4+s25], $0x80, s17, s25, $0xb8;
	[tilespmem:$0x1F000] =	vst v63  }
0x72: {  	_ = 	snop  }
0x73: {  	[tilespmem:s28], [sflag:$0x2] =	stream.indirect.gather [hbm4b:s4+s25], $0x80, s26, s25, $0xb8;
	[tilespmem:$0x1F000] =	vst v63  }
0x74: {  	_ = 	snop  }
0x75: {  	[tilespmem:s30], [sflag:$0x3] =	stream.indirect.gather [hbm4b:s4+s25], $0x80, s29, s25, $0xb8;
	[tilespmem:$0x1F000] =	vst v63  }
0x76: {  	s18 =	rddreg [dreg:$0x4]  }
0x77: {  	[tilespmem:s1], [sflag:$0x4] =	stream.indirect.gather [hbm4b:s4+s25], $0x80, s31, s25, $0xb8;
	[tilespmem:$0x1F000] =	vst v63  }
0x78: {  	s17 =	rddreg [dreg:$0x3];
	s10 =	sadd.s32 $0x0, s18  }
0x79: {  	[tilespmem:s0], [sflag:$0x9] =	stream.linear.gather [hbm4b:s10+s3], $0x400, $0x38;
	[tilespmem:$0x1F000] =	vst v63  }
0x7a: {  	s19 =	sadd.s32 $0x0, s17  }
0x7b: {  	[tilespmem:s7], [sflag:$0xA] =	stream.linear.gather [hbm4b:s19+s3], $0x400, $0x38;
	[tilespmem:$0x1F000] =	vst v63  }
0x7c: {  	_ =	swait.ge [sflag:s8], $0x2800  }
0x7d: {  	[sflag:s8] =	ssyncset.done $0x0  }
0x7e: {  	[sflag:s8] =	ssyncadd.s32 $0xFFFFD800  }
0x7f: {  	[spmem:s2] =	stream.indirect.scatter.add.f32 [tilespmem:s21], [sflag:$0x5], $0x80, s20, s25, $0xb8;
	[tilespmem:$0x1F000] =	vst v63  }
0x80: {  	_ =	swait.ge [sflag:s9], $0x2800  }
0x81: {  	[sflag:s9] =	ssyncset.done $0x0  }
0x82: {  	s22 =	rddreg [dreg:$0x5];
	[sflag:s9] =	ssyncadd.s32 $0xFFFFD800  }
0x83: {  	[spmem:s2] =	stream.indirect.scatter.add.f32 [tilespmem:s28], [sflag:$0x6], $0x80, s22, s25, $0xb8;
	[tilespmem:$0x1F000] =	vst v63  }
0x84: {  	_ =	swait.ge [sflag:s11], $0x2800  }
0x85: {  	[sflag:s11] =	ssyncset.done $0x0  }
0x86: {  	s17 =	rddreg [dreg:$0x6];
	[sflag:s11] =	ssyncadd.s32 $0xFFFFD800  }
0x87: {  	[spmem:s2] =	stream.indirect.scatter.add.f32 [tilespmem:s30], [sflag:$0x7], $0x80, s17, s25, $0xb8;
	[tilespmem:$0x1F000] =	vst v63  }
0x88: {  	_ =	swait.ge [sflag:s12], $0x2800  }
0x89: {  	[sflag:s12] =	ssyncset.done $0x0  }
0x8a: {  	s18 =	rddreg [dreg:$0x7];
	[sflag:s12] =	ssyncadd.s32 $0xFFFFD800  }
0x8b: {  	[spmem:s2] =	stream.indirect.scatter.add.f32 [tilespmem:s1], [sflag:$0x8], $0x80, s18, s25, $0xb8;
	[tilespmem:$0x1F000] =	vst v63  }
0x8c: {  	_ =	swait.ge [sflag:s13], $0x2800  }
0x8d: {  	[sflag:s13] =	ssyncset.done $0x0  }
0x8e: {  	s19 =	rddreg [dreg:$0x8];
	[sflag:s13] =	ssyncadd.s32 $0xFFFFD800  }
0x8f: {  	[tilespmem:s21], [sflag:$0x1] =	stream.indirect.gather [hbm4b:s4+s25], $0x80, s19, s25, $0xb8;
	[tilespmem:$0x1F000] =	vst v63  }
0x90: {  	_ =	swait.ge [sflag:s14], $0x2800  }
0x91: {  	[sflag:s14] =	ssyncset.done $0x0  }
0x92: {  	s22 =	rddreg [dreg:$0x9];
	[sflag:s14] =	ssyncadd.s32 $0xFFFFD800  }
0x93: {  	[tilespmem:s28], [sflag:$0x2] =	stream.indirect.gather [hbm4b:s4+s25], $0x80, s22, s25, $0xb8;
	[tilespmem:$0x1F000] =	vst v63  }
0x94: {  	_ =	swait.ge [sflag:s15], $0x2800  }
0x95: {  	[sflag:s15] =	ssyncset.done $0x0  }
0x96: {  	s17 =	rddreg [dreg:$0xa];
	[sflag:s15] =	ssyncadd.s32 $0xFFFFD800  }
0x97: {  	[tilespmem:s30], [sflag:$0x3] =	stream.indirect.gather [hbm4b:s4+s25], $0x80, s17, s25, $0xb8;
	[tilespmem:$0x1F000] =	vst v63  }
0x98: {  	_ =	swait.ge [sflag:s16], $0x2800  }
0x99: {  	[sflag:s16] =	ssyncset.done $0x0  }
0x9a: {  	s18 =	rddreg [dreg:$0xb];
	[sflag:s16] =	ssyncadd.s32 $0xFFFFD800  }
0x9b: {  	[tilespmem:s1], [sflag:$0x4] =	stream.indirect.gather [hbm4b:s4+s25], $0x80, s18, s25, $0xb8;
	[tilespmem:$0x1F000] =	vst v63  }
0x9c: {  	_ =	swait.ge [sflag:s8], $0x2800  }
0x9d: {  	[sflag:s8] =	ssyncset.done $0x0  }
0x9e: {  	s19 =	rddreg [dreg:$0xc];
	[sflag:s8] =	ssyncadd.s32 $0xFFFFD800  }
0x9f: {  	[spmem:s2] =	stream.indirect.scatter.add.f32 [tilespmem:s21], [sflag:$0x5], $0x80, s19, s25, $0xb8;
	[tilespmem:$0x1F000] =	vst v63  }
0xa0: {  	_ =	swait.ge [sflag:s9], $0x2800  }
0xa1: {  	[sflag:s9] =	ssyncset.done $0x0  }
0xa2: {  	s22 =	rddreg [dreg:$0xd];
	[sflag:s9] =	ssyncadd.s32 $0xFFFFD800  }
0xa3: {  	[spmem:s2] =	stream.indirect.scatter.add.f32 [tilespmem:s28], [sflag:$0x6], $0x80, s22, s25, $0xb8;
	[tilespmem:$0x1F000] =	vst v63  }
0xa4: {  	_ =	swait.ge [sflag:s11], $0x2800  }
0xa5: {  	[sflag:s11] =	ssyncset.done $0x0  }
0xa6: {  	s17 =	rddreg [dreg:$0xe];
	[sflag:s11] =	ssyncadd.s32 $0xFFFFD800  }
0xa7: {  	[spmem:s2] =	stream.indirect.scatter.add.f32 [tilespmem:s30], [sflag:$0x7], $0x80, s17, s25, $0xb8;
	[tilespmem:$0x1F000] =	vst v63  }
0xa8: {  	_ =	swait.ge [sflag:s12], $0x2800  }
0xa9: {  	[sflag:s12] =	ssyncset.done $0x0  }
0xaa: {  	s18 =	rddreg [dreg:$0xf];
	[sflag:s12] =	ssyncadd.s32 $0xFFFFD800  }
0xab: {  	[spmem:s2] =	stream.indirect.scatter.add.f32 [tilespmem:s1], [sflag:$0x8], $0x80, s18, s25, $0xb8;
	[tilespmem:$0x1F000] =	vst v63  }
0xac: {  	_ =	swait.ge [sflag:s23], $0x400  }
0xad: {  	[sflag:s23] =	ssyncset.done $0x0  }
0xae: {  	[sflag:s23] =	ssyncadd.s32 $0xFFFFFC00  }
0xaf: {  	_ =	swait.ge [sflag:s24], $0x400  }
0xb0: {  	[sflag:s24] =	ssyncset.done $0x0  }
0xb1: {  	[sflag:s24] =	ssyncadd.s32 $0xFFFFFC00  }
0xb2: {  	_ =	swait.ge [sflag:s13], $0x2800  }
0xb3: {  	[sflag:s13] =	ssyncset.done $0x0  }
0xb4: {  	[sflag:s13] =	ssyncadd.s32 $0xFFFFD800  }
0xb5: {  	[tilespmem:s21], [sflag:$0x1] =	stream.indirect.gather [hbm4b:s4+s25], $0x80, s0, s25, $0xb8;
	[tilespmem:$0x1F000] =	vst v63  }
0xb6: {  	_ =	swait.ge [sflag:s14], $0x2800  }
0xb7: {  	[sflag:s14] =	ssyncset.done $0x0  }
0xb8: {  	s19 =	rddreg [dreg:$0x10];
	[sflag:s14] =	ssyncadd.s32 $0xFFFFD800  }
0xb9: {  	[tilespmem:s28], [sflag:$0x2] =	stream.indirect.gather [hbm4b:s4+s25], $0x80, s19, s25, $0xb8;
	[tilespmem:$0x1F000] =	vst v63  }
0xba: {  	_ =	swait.ge [sflag:s15], $0x2800  }
0xbb: {  	[sflag:s15] =	ssyncset.done $0x0  }
0xbc: {  	s22 =	rddreg [dreg:$0x11];
	[sflag:s15] =	ssyncadd.s32 $0xFFFFD800  }
0xbd: {  	[tilespmem:s30], [sflag:$0x3] =	stream.indirect.gather [hbm4b:s4+s25], $0x80, s22, s25, $0xb8;
	[tilespmem:$0x1F000] =	vst v63  }
0xbe: {  	_ =	swait.ge [sflag:s16], $0x2800  }
0xbf: {  	[sflag:s16] =	ssyncset.done $0x0;
	s18 =	sld [smem:$0x7FC]  }
0xc0: {  	s17 =	rddreg [dreg:$0x12];
	[sflag:s16] =	ssyncadd.s32 $0xFFFFD800  }
0xc1: {  	[tilespmem:s1], [sflag:$0x4] =	stream.indirect.gather [hbm4b:s4+s25], $0x80, s17, s25, $0xb8;
	[tilespmem:$0x1F000] =	vst v63  }
0xc2: {  	s19 =	sshrl.u32 s18, $0x3  }
0xc3: {  	s22 =	sadd.s32 s6, s19  }
0xc4: {  	[tilespmem:s3], [sflag:$0x9] =	stream.linear.gather [hbm4b:s22+s3], $0x400, $0x38;
	[tilespmem:$0x1F000] =	vst v63  }
0xc5: {  	s17 =	sadd.s32 s5, s19  }
0xc6: {  	[tilespmem:s20], [sflag:$0xA] =	stream.linear.gather [hbm4b:s17+s3], $0x400, $0x38;
	[tilespmem:$0x1F000] =	vst v63  }
0xc7: {  	_ =	swait.ge [sflag:s8], $0x2800  }
0xc8: {  	[sflag:s8] =	ssyncset.done $0x0  }
0xc9: {  	[sflag:s8] =	ssyncadd.s32 $0xFFFFD800  }
0xca: {  	[spmem:s2] =	stream.indirect.scatter.add.f32 [tilespmem:s21], [sflag:$0x5], $0x80, s7, s25, $0xb8;
	[tilespmem:$0x1F000] =	vst v63  }
0xcb: {  	_ =	swait.ge [sflag:s9], $0x2800  }
0xcc: {  	[sflag:s9] =	ssyncset.done $0x0  }
0xcd: {  	s19 =	rddreg [dreg:$0x13];
	[sflag:s9] =	ssyncadd.s32 $0xFFFFD800  }
0xce: {  	[spmem:s2] =	stream.indirect.scatter.add.f32 [tilespmem:s28], [sflag:$0x6], $0x80, s19, s25, $0xb8;
	[tilespmem:$0x1F000] =	vst v63  }
0xcf: {  	_ =	swait.ge [sflag:s11], $0x2800  }
0xd0: {  	[sflag:s11] =	ssyncset.done $0x0  }
0xd1: {  	s22 =	rddreg [dreg:$0x14];
	[sflag:s11] =	ssyncadd.s32 $0xFFFFD800  }
0xd2: {  	[spmem:s2] =	stream.indirect.scatter.add.f32 [tilespmem:s30], [sflag:$0x7], $0x80, s22, s25, $0xb8;
	[tilespmem:$0x1F000] =	vst v63  }
0xd3: {  	_ =	swait.ge [sflag:s12], $0x2800  }
0xd4: {  	[sflag:s12] =	ssyncset.done $0x0  }
0xd5: {  	s17 =	rddreg [dreg:$0x15];
	[sflag:s12] =	ssyncadd.s32 $0xFFFFD800  }
0xd6: {  	[spmem:s2] =	stream.indirect.scatter.add.f32 [tilespmem:s1], [sflag:$0x8], $0x80, s17, s25, $0xb8;
	[tilespmem:$0x1F000] =	vst v63  }
0xd7: {  	_ =	swait.ge [sflag:s13], $0x2800  }
0xd8: {  	[sflag:s13] =	ssyncset.done $0x0  }
0xd9: {  	s19 =	rddreg [dreg:$0x16];
	[sflag:s13] =	ssyncadd.s32 $0xFFFFD800  }
0xda: {  	[tilespmem:s21], [sflag:$0x1] =	stream.indirect.gather [hbm4b:s4+s25], $0x80, s19, s25, $0xb8;
	[tilespmem:$0x1F000] =	vst v63  }
0xdb: {  	_ =	swait.ge [sflag:s14], $0x2800  }
0xdc: {  	[sflag:s14] =	ssyncset.done $0x0  }
0xdd: {  	s22 =	rddreg [dreg:$0x17];
	[sflag:s14] =	ssyncadd.s32 $0xFFFFD800  }
0xde: {  	[tilespmem:s28], [sflag:$0x2] =	stream.indirect.gather [hbm4b:s4+s25], $0x80, s22, s25, $0xb8;
	[tilespmem:$0x1F000] =	vst v63  }
0xdf: {  	_ =	swait.ge [sflag:s15], $0x2800  }
0xe0: {  	[sflag:s15] =	ssyncset.done $0x0  }
0xe1: {  	s17 =	rddreg [dreg:$0x18];
	[sflag:s15] =	ssyncadd.s32 $0xFFFFD800  }
0xe2: {  	[tilespmem:s30], [sflag:$0x3] =	stream.indirect.gather [hbm4b:s4+s25], $0x80, s17, s25, $0xb8;
	[tilespmem:$0x1F000] =	vst v63  }
0xe3: {  	_ =	swait.ge [sflag:s16], $0x2800  }
0xe4: {  	[sflag:s16] =	ssyncset.done $0x0  }
0xe5: {  	s19 =	rddreg [dreg:$0x19];
	[sflag:s16] =	ssyncadd.s32 $0xFFFFD800  }
0xe6: {  	[tilespmem:s1], [sflag:$0x4] =	stream.indirect.gather [hbm4b:s4+s25], $0x80, s19, s25, $0xb8;
	[tilespmem:$0x1F000] =	vst v63  }
0xe7: {  	_ =	swait.ge [sflag:s8], $0x2800  }
0xe8: {  	[sflag:s8] =	ssyncset.done $0x0  }
0xe9: {  	s22 =	rddreg [dreg:$0x1a];
	[sflag:s8] =	ssyncadd.s32 $0xFFFFD800  }
0xea: {  	[spmem:s2] =	stream.indirect.scatter.add.f32 [tilespmem:s21], [sflag:$0x5], $0x80, s22, s25, $0xb8;
	[tilespmem:$0x1F000] =	vst v63  }
0xeb: {  	_ =	swait.ge [sflag:s9], $0x2800  }
0xec: {  	[sflag:s9] =	ssyncset.done $0x0  }
0xed: {  	s17 =	rddreg [dreg:$0x1b];
	[sflag:s9] =	ssyncadd.s32 $0xFFFFD800  }
0xee: {  	[spmem:s2] =	stream.indirect.scatter.add.f32 [tilespmem:s28], [sflag:$0x6], $0x80, s17, s25, $0xb8;
	[tilespmem:$0x1F000] =	vst v63  }
0xef: {  	_ =	swait.ge [sflag:s11], $0x2800  }
0xf0: {  	[sflag:s11] =	ssyncset.done $0x0  }
0xf1: {  	s19 =	rddreg [dreg:$0x1c];
	[sflag:s11] =	ssyncadd.s32 $0xFFFFD800  }
0xf2: {  	[spmem:s2] =	stream.indirect.scatter.add.f32 [tilespmem:s30], [sflag:$0x7], $0x80, s19, s25, $0xb8;
	[tilespmem:$0x1F000] =	vst v63  }
0xf3: {  	_ =	swait.ge [sflag:s12], $0x2800  }
0xf4: {  	[sflag:s12] =	ssyncset.done $0x0  }
0xf5: {  	s22 =	rddreg [dreg:$0x1d];
	[sflag:s12] =	ssyncadd.s32 $0xFFFFD800  }
0xf6: {  	[spmem:s2] =	stream.indirect.scatter.add.f32 [tilespmem:s1], [sflag:$0x8], $0x80, s22, s25, $0xb8;
	[tilespmem:$0x1F000] =	vst v63  }
0xf7: {  	_ =	swait.ge [sflag:s23], $0x400  }
0xf8: {  	[sflag:s23] =	ssyncset.done $0x0  }
0xf9: {  	[sflag:s23] =	ssyncadd.s32 $0xFFFFFC00  }
0xfa: {  	_ =	swait.ge [sflag:s24], $0x400  }
0xfb: {  	[sflag:s24] =	ssyncset.done $0x0  }
0xfc: {  	[sflag:s24] =	ssyncadd.s32 $0xFFFFFC00  }
0xfd: {  	_ =	swait.ge [sflag:s13], $0x2800  }
0xfe: {  	[sflag:s13] =	ssyncset.done $0x0  }
0xff: {  	[sflag:s13] =	ssyncadd.s32 $0xFFFFD800  }
0x100: {  	[tilespmem:s21], [sflag:$0x1] =	stream.indirect.gather [hbm4b:s4+s25], $0x80, s3, s25, $0xb8;
	[tilespmem:$0x1F000] =	vst v63  }
0x101: {  	_ =	swait.ge [sflag:s14], $0x2800  }
0x102: {  	[sflag:s14] =	ssyncset.done $0x0  }
0x103: {  	[sflag:s14] =	ssyncadd.s32 $0xFFFFD800  }
0x104: {  	[tilespmem:s28], [sflag:$0x2] =	stream.indirect.gather [hbm4b:s4+s25], $0x80, s26, s25, $0xb8;
	[tilespmem:$0x1F000] =	vst v63  }
0x105: {  	_ =	swait.ge [sflag:s15], $0x2800  }
0x106: {  	[sflag:s15] =	ssyncset.done $0x0  }
0x107: {  	[sflag:s15] =	ssyncadd.s32 $0xFFFFD800  }
0x108: {  	[tilespmem:s30], [sflag:$0x3] =	stream.indirect.gather [hbm4b:s4+s25], $0x80, s29, s25, $0xb8;
	[tilespmem:$0x1F000] =	vst v63  }
0x109: {  	s10 =	simm.s32 $0x200;
	_ =	swait.ge [sflag:s16], $0x2800  }
0x10a: {  	s18 =	sadd.s32 $0x800, s18;
	s22 =	rddreg [dreg:$0x4];
	[sflag:s16] =	ssyncset.done $0x0  }
0x10b: {  	s19 =	simm.s32 $0x100;
	s17 =	rddreg [dreg:$0x3];
	[sflag:s16] =	ssyncadd.s32 $0xFFFFD800  }
.LBB2_4:
0x10c: {  	[tilespmem:s1], [sflag:$0x4] =	stream.indirect.gather [hbm4b:s4+s25], $0x80, s31, s25, $0xb8;
	[tilespmem:$0x1F000] =	vst v63  }
0x10d: {  	s22 =	sadd.s32 s19, s22  }
0x10e: {  	[tilespmem:s0], [sflag:$0x9] =	stream.linear.gather [hbm4b:s22+s3], $0x400, $0x38;
	[tilespmem:$0x1F000] =	vst v63  }
0x10f: {  	s17 =	sadd.s32 s19, s17  }
0x110: {  	[tilespmem:s7], [sflag:$0xA] =	stream.linear.gather [hbm4b:s17+s3], $0x400, $0x38;
	[tilespmem:$0x1F000] =	vst v63  }
0x111: {  	_ =	swait.ge [sflag:s8], $0x2800  }
0x112: {  	[sflag:s8] =	ssyncset.done $0x0  }
0x113: {  	[sflag:s8] =	ssyncadd.s32 $0xFFFFD800  }
0x114: {  	[spmem:s2] =	stream.indirect.scatter.add.f32 [tilespmem:s21], [sflag:$0x5], $0x80, s20, s25, $0xb8;
	[tilespmem:$0x1F000] =	vst v63  }
0x115: {  	_ =	swait.ge [sflag:s9], $0x2800  }
0x116: {  	[sflag:s9] =	ssyncset.done $0x0  }
0x117: {  	s22 =	rddreg [dreg:$0x5];
	[sflag:s9] =	ssyncadd.s32 $0xFFFFD800  }
0x118: {  	[spmem:s2] =	stream.indirect.scatter.add.f32 [tilespmem:s28], [sflag:$0x6], $0x80, s22, s25, $0xb8;
	[tilespmem:$0x1F000] =	vst v63  }
0x119: {  	_ =	swait.ge [sflag:s11], $0x2800  }
0x11a: {  	[sflag:s11] =	ssyncset.done $0x0  }
0x11b: {  	s22 =	rddreg [dreg:$0x6];
	[sflag:s11] =	ssyncadd.s32 $0xFFFFD800  }
0x11c: {  	[spmem:s2] =	stream.indirect.scatter.add.f32 [tilespmem:s30], [sflag:$0x7], $0x80, s22, s25, $0xb8;
	[tilespmem:$0x1F000] =	vst v63  }
0x11d: {  	_ =	swait.ge [sflag:s12], $0x2800  }
0x11e: {  	[sflag:s12] =	ssyncset.done $0x0  }
0x11f: {  	s22 =	rddreg [dreg:$0x7];
	[sflag:s12] =	ssyncadd.s32 $0xFFFFD800  }
0x120: {  	[spmem:s2] =	stream.indirect.scatter.add.f32 [tilespmem:s1], [sflag:$0x8], $0x80, s22, s25, $0xb8;
	[tilespmem:$0x1F000] =	vst v63  }
0x121: {  	_ =	swait.ge [sflag:s13], $0x2800  }
0x122: {  	[sflag:s13] =	ssyncset.done $0x0  }
0x123: {  	s22 =	rddreg [dreg:$0x8];
	[sflag:s13] =	ssyncadd.s32 $0xFFFFD800  }
0x124: {  	[tilespmem:s21], [sflag:$0x1] =	stream.indirect.gather [hbm4b:s4+s25], $0x80, s22, s25, $0xb8;
	[tilespmem:$0x1F000] =	vst v63  }
0x125: {  	_ =	swait.ge [sflag:s14], $0x2800  }
0x126: {  	[sflag:s14] =	ssyncset.done $0x0  }
0x127: {  	s22 =	rddreg [dreg:$0x9];
	[sflag:s14] =	ssyncadd.s32 $0xFFFFD800  }
0x128: {  	[tilespmem:s28], [sflag:$0x2] =	stream.indirect.gather [hbm4b:s4+s25], $0x80, s22, s25, $0xb8;
	[tilespmem:$0x1F000] =	vst v63  }
0x129: {  	_ =	swait.ge [sflag:s15], $0x2800  }
0x12a: {  	[sflag:s15] =	ssyncset.done $0x0  }
0x12b: {  	s22 =	rddreg [dreg:$0xa];
	[sflag:s15] =	ssyncadd.s32 $0xFFFFD800  }
0x12c: {  	[tilespmem:s30], [sflag:$0x3] =	stream.indirect.gather [hbm4b:s4+s25], $0x80, s22, s25, $0xb8;
	[tilespmem:$0x1F000] =	vst v63  }
0x12d: {  	_ =	swait.ge [sflag:s16], $0x2800  }
0x12e: {  	[sflag:s16] =	ssyncset.done $0x0  }
0x12f: {  	s22 =	rddreg [dreg:$0xb];
	[sflag:s16] =	ssyncadd.s32 $0xFFFFD800  }
0x130: {  	[tilespmem:s1], [sflag:$0x4] =	stream.indirect.gather [hbm4b:s4+s25], $0x80, s22, s25, $0xb8;
	[tilespmem:$0x1F000] =	vst v63  }
0x131: {  	_ =	swait.ge [sflag:s8], $0x2800  }
0x132: {  	[sflag:s8] =	ssyncset.done $0x0  }
0x133: {  	s22 =	rddreg [dreg:$0xc];
	[sflag:s8] =	ssyncadd.s32 $0xFFFFD800  }
0x134: {  	[spmem:s2] =	stream.indirect.scatter.add.f32 [tilespmem:s21], [sflag:$0x5], $0x80, s22, s25, $0xb8;
	[tilespmem:$0x1F000] =	vst v63  }
0x135: {  	_ =	swait.ge [sflag:s9], $0x2800  }
0x136: {  	[sflag:s9] =	ssyncset.done $0x0  }
0x137: {  	s22 =	rddreg [dreg:$0xd];
	[sflag:s9] =	ssyncadd.s32 $0xFFFFD800  }
0x138: {  	[spmem:s2] =	stream.indirect.scatter.add.f32 [tilespmem:s28], [sflag:$0x6], $0x80, s22, s25, $0xb8;
	[tilespmem:$0x1F000] =	vst v63  }
0x139: {  	_ =	swait.ge [sflag:s11], $0x2800  }
0x13a: {  	[sflag:s11] =	ssyncset.done $0x0  }
0x13b: {  	s22 =	rddreg [dreg:$0xe];
	[sflag:s11] =	ssyncadd.s32 $0xFFFFD800  }
0x13c: {  	[spmem:s2] =	stream.indirect.scatter.add.f32 [tilespmem:s30], [sflag:$0x7], $0x80, s22, s25, $0xb8;
	[tilespmem:$0x1F000] =	vst v63  }
0x13d: {  	_ =	swait.ge [sflag:s12], $0x2800  }
0x13e: {  	[sflag:s12] =	ssyncset.done $0x0  }
0x13f: {  	s22 =	rddreg [dreg:$0xf];
	[sflag:s12] =	ssyncadd.s32 $0xFFFFD800  }
0x140: {  	[spmem:s2] =	stream.indirect.scatter.add.f32 [tilespmem:s1], [sflag:$0x8], $0x80, s22, s25, $0xb8;
	[tilespmem:$0x1F000] =	vst v63  }
0x141: {  	_ =	swait.ge [sflag:s23], $0x400  }
0x142: {  	[sflag:s23] =	ssyncset.done $0x0  }
0x143: {  	[sflag:s23] =	ssyncadd.s32 $0xFFFFFC00  }
0x144: {  	_ =	swait.ge [sflag:s24], $0x400  }
0x145: {  	[sflag:s24] =	ssyncset.done $0x0  }
0x146: {  	[sflag:s24] =	ssyncadd.s32 $0xFFFFFC00  }
0x147: {  	_ =	swait.ge [sflag:s13], $0x2800  }
0x148: {  	[sflag:s13] =	ssyncset.done $0x0  }
0x149: {  	[sflag:s13] =	ssyncadd.s32 $0xFFFFD800  }
0x14a: {  	[tilespmem:s21], [sflag:$0x1] =	stream.indirect.gather [hbm4b:s4+s25], $0x80, s0, s25, $0xb8;
	[tilespmem:$0x1F000] =	vst v63  }
0x14b: {  	_ =	swait.ge [sflag:s14], $0x2800  }
0x14c: {  	[sflag:s14] =	ssyncset.done $0x0  }
0x14d: {  	s22 =	rddreg [dreg:$0x10];
	[sflag:s14] =	ssyncadd.s32 $0xFFFFD800  }
0x14e: {  	[tilespmem:s28], [sflag:$0x2] =	stream.indirect.gather [hbm4b:s4+s25], $0x80, s22, s25, $0xb8;
	[tilespmem:$0x1F000] =	vst v63  }
0x14f: {  	_ =	swait.ge [sflag:s15], $0x2800  }
0x150: {  	[sflag:s15] =	ssyncset.done $0x0  }
0x151: {  	s22 =	rddreg [dreg:$0x11];
	[sflag:s15] =	ssyncadd.s32 $0xFFFFD800  }
0x152: {  	[tilespmem:s30], [sflag:$0x3] =	stream.indirect.gather [hbm4b:s4+s25], $0x80, s22, s25, $0xb8;
	[tilespmem:$0x1F000] =	vst v63  }
0x153: {  	_ =	swait.ge [sflag:s16], $0x2800  }
0x154: {  	[sflag:s16] =	ssyncset.done $0x0  }
0x155: {  	s22 =	sshrl.u32 s18, $0x3;
	s17 =	rddreg [dreg:$0x12];
	[sflag:s16] =	ssyncadd.s32 $0xFFFFD800  }
0x156: {  	[tilespmem:s1], [sflag:$0x4] =	stream.indirect.gather [hbm4b:s4+s25], $0x80, s17, s25, $0xb8;
	[tilespmem:$0x1F000] =	vst v63  }
0x157: {  	s17 =	sadd.s32 s6, s22  }
0x158: {  	[tilespmem:s3], [sflag:$0x9] =	stream.linear.gather [hbm4b:s17+s3], $0x400, $0x38;
	[tilespmem:$0x1F000] =	vst v63  }
0x159: {  	s22 =	sadd.s32 s5, s22  }
0x15a: {  	[tilespmem:s20], [sflag:$0xA] =	stream.linear.gather [hbm4b:s22+s3], $0x400, $0x38;
	[tilespmem:$0x1F000] =	vst v63  }
0x15b: {  	_ =	swait.ge [sflag:s8], $0x2800  }
0x15c: {  	[sflag:s8] =	ssyncset.done $0x0  }
0x15d: {  	[sflag:s8] =	ssyncadd.s32 $0xFFFFD800  }
0x15e: {  	[spmem:s2] =	stream.indirect.scatter.add.f32 [tilespmem:s21], [sflag:$0x5], $0x80, s7, s25, $0xb8;
	[tilespmem:$0x1F000] =	vst v63  }
0x15f: {  	_ =	swait.ge [sflag:s9], $0x2800  }
0x160: {  	[sflag:s9] =	ssyncset.done $0x0  }
0x161: {  	s22 =	rddreg [dreg:$0x13];
	[sflag:s9] =	ssyncadd.s32 $0xFFFFD800  }
0x162: {  	[spmem:s2] =	stream.indirect.scatter.add.f32 [tilespmem:s28], [sflag:$0x6], $0x80, s22, s25, $0xb8;
	[tilespmem:$0x1F000] =	vst v63  }
0x163: {  	_ =	swait.ge [sflag:s11], $0x2800  }
0x164: {  	[sflag:s11] =	ssyncset.done $0x0  }
0x165: {  	s22 =	rddreg [dreg:$0x14];
	[sflag:s11] =	ssyncadd.s32 $0xFFFFD800  }
0x166: {  	[spmem:s2] =	stream.indirect.scatter.add.f32 [tilespmem:s30], [sflag:$0x7], $0x80, s22, s25, $0xb8;
	[tilespmem:$0x1F000] =	vst v63  }
0x167: {  	_ =	swait.ge [sflag:s12], $0x2800  }
0x168: {  	[sflag:s12] =	ssyncset.done $0x0  }
0x169: {  	s22 =	rddreg [dreg:$0x15];
	[sflag:s12] =	ssyncadd.s32 $0xFFFFD800  }
0x16a: {  	[spmem:s2] =	stream.indirect.scatter.add.f32 [tilespmem:s1], [sflag:$0x8], $0x80, s22, s25, $0xb8;
	[tilespmem:$0x1F000] =	vst v63  }
0x16b: {  	_ =	swait.ge [sflag:s13], $0x2800  }
0x16c: {  	[sflag:s13] =	ssyncset.done $0x0  }
0x16d: {  	s22 =	rddreg [dreg:$0x16];
	[sflag:s13] =	ssyncadd.s32 $0xFFFFD800  }
0x16e: {  	[tilespmem:s21], [sflag:$0x1] =	stream.indirect.gather [hbm4b:s4+s25], $0x80, s22, s25, $0xb8;
	[tilespmem:$0x1F000] =	vst v63  }
0x16f: {  	_ =	swait.ge [sflag:s14], $0x2800  }
0x170: {  	[sflag:s14] =	ssyncset.done $0x0  }
0x171: {  	s22 =	rddreg [dreg:$0x17];
	[sflag:s14] =	ssyncadd.s32 $0xFFFFD800  }
0x172: {  	[tilespmem:s28], [sflag:$0x2] =	stream.indirect.gather [hbm4b:s4+s25], $0x80, s22, s25, $0xb8;
	[tilespmem:$0x1F000] =	vst v63  }
0x173: {  	_ =	swait.ge [sflag:s15], $0x2800  }
0x174: {  	[sflag:s15] =	ssyncset.done $0x0  }
0x175: {  	s22 =	rddreg [dreg:$0x18];
	[sflag:s15] =	ssyncadd.s32 $0xFFFFD800  }
0x176: {  	[tilespmem:s30], [sflag:$0x3] =	stream.indirect.gather [hbm4b:s4+s25], $0x80, s22, s25, $0xb8;
	[tilespmem:$0x1F000] =	vst v63  }
0x177: {  	_ =	swait.ge [sflag:s16], $0x2800  }
0x178: {  	[sflag:s16] =	ssyncset.done $0x0  }
0x179: {  	s22 =	rddreg [dreg:$0x19];
	[sflag:s16] =	ssyncadd.s32 $0xFFFFD800  }
0x17a: {  	[tilespmem:s1], [sflag:$0x4] =	stream.indirect.gather [hbm4b:s4+s25], $0x80, s22, s25, $0xb8;
	[tilespmem:$0x1F000] =	vst v63  }
0x17b: {  	_ =	swait.ge [sflag:s8], $0x2800  }
0x17c: {  	[sflag:s8] =	ssyncset.done $0x0  }
0x17d: {  	s22 =	rddreg [dreg:$0x1a];
	[sflag:s8] =	ssyncadd.s32 $0xFFFFD800  }
0x17e: {  	[spmem:s2] =	stream.indirect.scatter.add.f32 [tilespmem:s21], [sflag:$0x5], $0x80, s22, s25, $0xb8;
	[tilespmem:$0x1F000] =	vst v63  }
0x17f: {  	_ =	swait.ge [sflag:s9], $0x2800  }
0x180: {  	[sflag:s9] =	ssyncset.done $0x0  }
0x181: {  	s22 =	rddreg [dreg:$0x1b];
	[sflag:s9] =	ssyncadd.s32 $0xFFFFD800  }
0x182: {  	[spmem:s2] =	stream.indirect.scatter.add.f32 [tilespmem:s28], [sflag:$0x6], $0x80, s22, s25, $0xb8;
	[tilespmem:$0x1F000] =	vst v63  }
0x183: {  	_ =	swait.ge [sflag:s11], $0x2800  }
0x184: {  	[sflag:s11] =	ssyncset.done $0x0  }
0x185: {  	s22 =	rddreg [dreg:$0x1c];
	[sflag:s11] =	ssyncadd.s32 $0xFFFFD800  }
0x186: {  	[spmem:s2] =	stream.indirect.scatter.add.f32 [tilespmem:s30], [sflag:$0x7], $0x80, s22, s25, $0xb8;
	[tilespmem:$0x1F000] =	vst v63  }
0x187: {  	_ =	swait.ge [sflag:s12], $0x2800  }
0x188: {  	[sflag:s12] =	ssyncset.done $0x0  }
0x189: {  	s22 =	rddreg [dreg:$0x1d];
	[sflag:s12] =	ssyncadd.s32 $0xFFFFD800  }
0x18a: {  	[spmem:s2] =	stream.indirect.scatter.add.f32 [tilespmem:s1], [sflag:$0x8], $0x80, s22, s25, $0xb8;
	[tilespmem:$0x1F000] =	vst v63  }
0x18b: {  	_ =	swait.ge [sflag:s23], $0x400  }
0x18c: {  	[sflag:s23] =	ssyncset.done $0x0  }
0x18d: {  	[sflag:s23] =	ssyncadd.s32 $0xFFFFFC00  }
0x18e: {  	_ =	swait.ge [sflag:s24], $0x400  }
0x18f: {  	[sflag:s24] =	ssyncset.done $0x0  }
0x190: {  	[sflag:s24] =	ssyncadd.s32 $0xFFFFFC00  }
0x191: {  	_ =	swait.ge [sflag:s13], $0x2800  }
0x192: {  	[sflag:s13] =	ssyncset.done $0x0  }
0x193: {  	[sflag:s13] =	ssyncadd.s32 $0xFFFFD800  }
0x194: {  	[tilespmem:s21], [sflag:$0x1] =	stream.indirect.gather [hbm4b:s4+s25], $0x80, s3, s25, $0xb8;
	[tilespmem:$0x1F000] =	vst v63  }
0x195: {  	_ =	swait.ge [sflag:s14], $0x2800  }
0x196: {  	s26 =	smov.u32 s10;
	[sflag:s14] =	ssyncset.done $0x0  }
0x197: {  	s19 =	smov.u32 s26;
	s26 =	simm.s32 $0x80;
	[sflag:s14] =	ssyncadd.s32 $0xFFFFD800  }
0x198: {  	[tilespmem:s28], [sflag:$0x2] =	stream.indirect.gather [hbm4b:s4+s25], $0x80, s26, s25, $0xb8;
	[tilespmem:$0x1F000] =	vst v63  }
0x199: {  	_ =	swait.ge [sflag:s15], $0x2800  }
0x19a: {  	p0 =	sne.s32 s10, $0x700;
	[sflag:s15] =	ssyncset.done $0x0  }
.Ltmp1:
0x19b: {  	[sflag:s15] =	ssyncadd.s32 $0xFFFFD800;
	(pc) =	sbr.rel @p0 .LBB2_4-.Ltmp1, $4  }
0x19c: {  	[tilespmem:s30], [sflag:$0x3] =	stream.indirect.gather [hbm4b:s4+s25], $0x80, s29, s25, $0xb8;
	[tilespmem:$0x1F000] =	vst v63  }
0x19d: {  	_ =	swait.ge [sflag:s16], $0x2800  }
0x19e: {  	s10 =	sadd.s32 $0x100, s10;
	s22 =	rddreg [dreg:$0x4];
	[sflag:s16] =	ssyncset.done $0x0  }
0x19f: {  	s18 =	sadd.s32 $0x800, s18;
	s17 =	rddreg [dreg:$0x3];
	[sflag:s16] =	ssyncadd.s32 $0xFFFFD800  }
0x1a0: {  	[tilespmem:s1], [sflag:$0x4] =	stream.indirect.gather [hbm4b:s4+s25], $0x80, s31, s25, $0xb8;
	[tilespmem:$0x1F000] =	vst v63  }
0x1a1: {  	s10 =	sadd.s32 s19, s22  }
0x1a2: {  	[tilespmem:s0], [sflag:$0x9] =	stream.linear.gather [hbm4b:s10+s3], $0x400, $0x38;
	[tilespmem:$0x1F000] =	vst v63  }
0x1a3: {  	s19 =	sadd.s32 s19, s17  }
0x1a4: {  	[tilespmem:s7], [sflag:$0xA] =	stream.linear.gather [hbm4b:s19+s3], $0x400, $0x38;
	[tilespmem:$0x1F000] =	vst v63  }
0x1a5: {  	_ =	swait.ge [sflag:s8], $0x2800  }
0x1a6: {  	[sflag:s8] =	ssyncset.done $0x0  }
0x1a7: {  	[sflag:s8] =	ssyncadd.s32 $0xFFFFD800  }
0x1a8: {  	[spmem:s2] =	stream.indirect.scatter.add.f32 [tilespmem:s21], [sflag:$0x5], $0x80, s20, s25, $0xb8;
	[tilespmem:$0x1F000] =	vst v63  }
0x1a9: {  	_ =	swait.ge [sflag:s9], $0x2800  }
0x1aa: {  	[sflag:s9] =	ssyncset.done $0x0  }
0x1ab: {  	s22 =	rddreg [dreg:$0x5];
	[sflag:s9] =	ssyncadd.s32 $0xFFFFD800  }
0x1ac: {  	[spmem:s2] =	stream.indirect.scatter.add.f32 [tilespmem:s28], [sflag:$0x6], $0x80, s22, s25, $0xb8;
	[tilespmem:$0x1F000] =	vst v63  }
0x1ad: {  	_ =	swait.ge [sflag:s11], $0x2800  }
0x1ae: {  	[sflag:s11] =	ssyncset.done $0x0  }
0x1af: {  	s17 =	rddreg [dreg:$0x6];
	[sflag:s11] =	ssyncadd.s32 $0xFFFFD800  }
0x1b0: {  	[spmem:s2] =	stream.indirect.scatter.add.f32 [tilespmem:s30], [sflag:$0x7], $0x80, s17, s25, $0xb8;
	[tilespmem:$0x1F000] =	vst v63  }
0x1b1: {  	_ =	swait.ge [sflag:s12], $0x2800  }
0x1b2: {  	[sflag:s12] =	ssyncset.done $0x0  }
0x1b3: {  	s19 =	rddreg [dreg:$0x7];
	[sflag:s12] =	ssyncadd.s32 $0xFFFFD800  }
0x1b4: {  	[spmem:s2] =	stream.indirect.scatter.add.f32 [tilespmem:s1], [sflag:$0x8], $0x80, s19, s25, $0xb8;
	[tilespmem:$0x1F000] =	vst v63  }
0x1b5: {  	_ =	swait.ge [sflag:s13], $0x2800  }
0x1b6: {  	[sflag:s13] =	ssyncset.done $0x0  }
0x1b7: {  	s22 =	rddreg [dreg:$0x8];
	[sflag:s13] =	ssyncadd.s32 $0xFFFFD800  }
0x1b8: {  	[tilespmem:s21], [sflag:$0x1] =	stream.indirect.gather [hbm4b:s4+s25], $0x80, s22, s25, $0xb8;
	[tilespmem:$0x1F000] =	vst v63  }
0x1b9: {  	_ =	swait.ge [sflag:s14], $0x2800  }
0x1ba: {  	[sflag:s14] =	ssyncset.done $0x0  }
0x1bb: {  	s17 =	rddreg [dreg:$0x9];
	[sflag:s14] =	ssyncadd.s32 $0xFFFFD800  }
0x1bc: {  	[tilespmem:s28], [sflag:$0x2] =	stream.indirect.gather [hbm4b:s4+s25], $0x80, s17, s25, $0xb8;
	[tilespmem:$0x1F000] =	vst v63  }
0x1bd: {  	_ =	swait.ge [sflag:s15], $0x2800  }
0x1be: {  	[sflag:s15] =	ssyncset.done $0x0  }
0x1bf: {  	s19 =	rddreg [dreg:$0xa];
	[sflag:s15] =	ssyncadd.s32 $0xFFFFD800  }
0x1c0: {  	[tilespmem:s30], [sflag:$0x3] =	stream.indirect.gather [hbm4b:s4+s25], $0x80, s19, s25, $0xb8;
	[tilespmem:$0x1F000] =	vst v63  }
0x1c1: {  	_ =	swait.ge [sflag:s16], $0x2800  }
0x1c2: {  	[sflag:s16] =	ssyncset.done $0x0  }
0x1c3: {  	s22 =	rddreg [dreg:$0xb];
	[sflag:s16] =	ssyncadd.s32 $0xFFFFD800  }
0x1c4: {  	[tilespmem:s1], [sflag:$0x4] =	stream.indirect.gather [hbm4b:s4+s25], $0x80, s22, s25, $0xb8;
	[tilespmem:$0x1F000] =	vst v63  }
0x1c5: {  	_ =	swait.ge [sflag:s8], $0x2800  }
0x1c6: {  	[sflag:s8] =	ssyncset.done $0x0  }
0x1c7: {  	s17 =	rddreg [dreg:$0xc];
	[sflag:s8] =	ssyncadd.s32 $0xFFFFD800  }
0x1c8: {  	[spmem:s2] =	stream.indirect.scatter.add.f32 [tilespmem:s21], [sflag:$0x5], $0x80, s17, s25, $0xb8;
	[tilespmem:$0x1F000] =	vst v63  }
0x1c9: {  	_ =	swait.ge [sflag:s9], $0x2800  }
0x1ca: {  	[sflag:s9] =	ssyncset.done $0x0  }
0x1cb: {  	s19 =	rddreg [dreg:$0xd];
	[sflag:s9] =	ssyncadd.s32 $0xFFFFD800  }
0x1cc: {  	[spmem:s2] =	stream.indirect.scatter.add.f32 [tilespmem:s28], [sflag:$0x6], $0x80, s19, s25, $0xb8;
	[tilespmem:$0x1F000] =	vst v63  }
0x1cd: {  	_ =	swait.ge [sflag:s11], $0x2800  }
0x1ce: {  	[sflag:s11] =	ssyncset.done $0x0  }
0x1cf: {  	s22 =	rddreg [dreg:$0xe];
	[sflag:s11] =	ssyncadd.s32 $0xFFFFD800  }
0x1d0: {  	[spmem:s2] =	stream.indirect.scatter.add.f32 [tilespmem:s30], [sflag:$0x7], $0x80, s22, s25, $0xb8;
	[tilespmem:$0x1F000] =	vst v63  }
0x1d1: {  	_ =	swait.ge [sflag:s12], $0x2800  }
0x1d2: {  	[sflag:s12] =	ssyncset.done $0x0  }
0x1d3: {  	s17 =	rddreg [dreg:$0xf];
	[sflag:s12] =	ssyncadd.s32 $0xFFFFD800  }
0x1d4: {  	[spmem:s2] =	stream.indirect.scatter.add.f32 [tilespmem:s1], [sflag:$0x8], $0x80, s17, s25, $0xb8;
	[tilespmem:$0x1F000] =	vst v63  }
0x1d5: {  	_ =	swait.ge [sflag:s23], $0x400  }
0x1d6: {  	[sflag:s23] =	ssyncset.done $0x0  }
0x1d7: {  	[sflag:s23] =	ssyncadd.s32 $0xFFFFFC00  }
0x1d8: {  	_ =	swait.ge [sflag:s24], $0x400  }
0x1d9: {  	[sflag:s24] =	ssyncset.done $0x0  }
0x1da: {  	[sflag:s24] =	ssyncadd.s32 $0xFFFFFC00  }
0x1db: {  	_ =	swait.ge [sflag:s13], $0x2800  }
0x1dc: {  	[sflag:s13] =	ssyncset.done $0x0  }
0x1dd: {  	[sflag:s13] =	ssyncadd.s32 $0xFFFFD800  }
0x1de: {  	[tilespmem:s21], [sflag:$0x1] =	stream.indirect.gather [hbm4b:s4+s25], $0x80, s0, s25, $0xb8;
	[tilespmem:$0x1F000] =	vst v63  }
0x1df: {  	_ =	swait.ge [sflag:s14], $0x2800  }
0x1e0: {  	[sflag:s14] =	ssyncset.done $0x0  }
0x1e1: {  	s19 =	rddreg [dreg:$0x10];
	[sflag:s14] =	ssyncadd.s32 $0xFFFFD800  }
0x1e2: {  	[tilespmem:s28], [sflag:$0x2] =	stream.indirect.gather [hbm4b:s4+s25], $0x80, s19, s25, $0xb8;
	[tilespmem:$0x1F000] =	vst v63  }
0x1e3: {  	_ =	swait.ge [sflag:s15], $0x2800  }
0x1e4: {  	[sflag:s15] =	ssyncset.done $0x0  }
0x1e5: {  	s22 =	rddreg [dreg:$0x11];
	[sflag:s15] =	ssyncadd.s32 $0xFFFFD800  }
0x1e6: {  	[tilespmem:s30], [sflag:$0x3] =	stream.indirect.gather [hbm4b:s4+s25], $0x80, s22, s25, $0xb8;
	[tilespmem:$0x1F000] =	vst v63  }
0x1e7: {  	_ =	swait.ge [sflag:s16], $0x2800  }
0x1e8: {  	[sflag:s16] =	ssyncset.done $0x0  }
0x1e9: {  	s19 =	sshrl.u32 s18, $0x3;
	s17 =	rddreg [dreg:$0x12];
	[sflag:s16] =	ssyncadd.s32 $0xFFFFD800  }
0x1ea: {  	[tilespmem:s1], [sflag:$0x4] =	stream.indirect.gather [hbm4b:s4+s25], $0x80, s17, s25, $0xb8;
	[tilespmem:$0x1F000] =	vst v63  }
0x1eb: {  	s22 =	sadd.s32 s6, s19  }
0x1ec: {  	[tilespmem:s3], [sflag:$0x9] =	stream.linear.gather [hbm4b:s22+s3], $0x400, $0x38;
	[tilespmem:$0x1F000] =	vst v63  }
0x1ed: {  	s17 =	sadd.s32 s5, s19  }
0x1ee: {  	[tilespmem:s20], [sflag:$0xA] =	stream.linear.gather [hbm4b:s17+s3], $0x400, $0x38;
	[tilespmem:$0x1F000] =	vst v63  }
0x1ef: {  	_ =	swait.ge [sflag:s8], $0x2800  }
0x1f0: {  	[sflag:s8] =	ssyncset.done $0x0  }
0x1f1: {  	[sflag:s8] =	ssyncadd.s32 $0xFFFFD800  }
0x1f2: {  	[spmem:s2] =	stream.indirect.scatter.add.f32 [tilespmem:s21], [sflag:$0x5], $0x80, s7, s25, $0xb8;
	[tilespmem:$0x1F000] =	vst v63  }
0x1f3: {  	_ =	swait.ge [sflag:s9], $0x2800  }
0x1f4: {  	[sflag:s9] =	ssyncset.done $0x0  }
0x1f5: {  	s18 =	rddreg [dreg:$0x13];
	[sflag:s9] =	ssyncadd.s32 $0xFFFFD800  }
0x1f6: {  	[spmem:s2] =	stream.indirect.scatter.add.f32 [tilespmem:s28], [sflag:$0x6], $0x80, s18, s25, $0xb8;
	[tilespmem:$0x1F000] =	vst v63  }
0x1f7: {  	_ =	swait.ge [sflag:s11], $0x2800  }
0x1f8: {  	[sflag:s11] =	ssyncset.done $0x0  }
0x1f9: {  	s19 =	rddreg [dreg:$0x14];
	[sflag:s11] =	ssyncadd.s32 $0xFFFFD800  }
0x1fa: {  	[spmem:s2] =	stream.indirect.scatter.add.f32 [tilespmem:s30], [sflag:$0x7], $0x80, s19, s25, $0xb8;
	[tilespmem:$0x1F000] =	vst v63  }
0x1fb: {  	_ =	swait.ge [sflag:s12], $0x2800  }
0x1fc: {  	[sflag:s12] =	ssyncset.done $0x0  }
0x1fd: {  	s22 =	rddreg [dreg:$0x15];
	[sflag:s12] =	ssyncadd.s32 $0xFFFFD800  }
0x1fe: {  	[spmem:s2] =	stream.indirect.scatter.add.f32 [tilespmem:s1], [sflag:$0x8], $0x80, s22, s25, $0xb8;
	[tilespmem:$0x1F000] =	vst v63  }
0x1ff: {  	_ =	swait.ge [sflag:s13], $0x2800  }
0x200: {  	[sflag:s13] =	ssyncset.done $0x0  }
0x201: {  	s17 =	rddreg [dreg:$0x16];
	[sflag:s13] =	ssyncadd.s32 $0xFFFFD800  }
0x202: {  	[tilespmem:s21], [sflag:$0x1] =	stream.indirect.gather [hbm4b:s4+s25], $0x80, s17, s25, $0xb8;
	[tilespmem:$0x1F000] =	vst v63  }
0x203: {  	_ =	swait.ge [sflag:s14], $0x2800  }
0x204: {  	[sflag:s14] =	ssyncset.done $0x0  }
0x205: {  	s18 =	rddreg [dreg:$0x17];
	[sflag:s14] =	ssyncadd.s32 $0xFFFFD800  }
0x206: {  	[tilespmem:s28], [sflag:$0x2] =	stream.indirect.gather [hbm4b:s4+s25], $0x80, s18, s25, $0xb8;
	[tilespmem:$0x1F000] =	vst v63  }
0x207: {  	_ =	swait.ge [sflag:s15], $0x2800  }
0x208: {  	[sflag:s15] =	ssyncset.done $0x0  }
0x209: {  	s19 =	rddreg [dreg:$0x18];
	[sflag:s15] =	ssyncadd.s32 $0xFFFFD800  }
0x20a: {  	[tilespmem:s30], [sflag:$0x3] =	stream.indirect.gather [hbm4b:s4+s25], $0x80, s19, s25, $0xb8;
	[tilespmem:$0x1F000] =	vst v63  }
0x20b: {  	_ =	swait.ge [sflag:s16], $0x2800  }
0x20c: {  	[sflag:s16] =	ssyncset.done $0x0  }
0x20d: {  	s22 =	rddreg [dreg:$0x19];
	[sflag:s16] =	ssyncadd.s32 $0xFFFFD800  }
0x20e: {  	[tilespmem:s1], [sflag:$0x4] =	stream.indirect.gather [hbm4b:s4+s25], $0x80, s22, s25, $0xb8;
	[tilespmem:$0x1F000] =	vst v63  }
0x20f: {  	_ =	swait.ge [sflag:s8], $0x2800  }
0x210: {  	[sflag:s8] =	ssyncset.done $0x0  }
0x211: {  	s17 =	rddreg [dreg:$0x1a];
	[sflag:s8] =	ssyncadd.s32 $0xFFFFD800  }
0x212: {  	[spmem:s2] =	stream.indirect.scatter.add.f32 [tilespmem:s21], [sflag:$0x5], $0x80, s17, s25, $0xb8;
	[tilespmem:$0x1F000] =	vst v63  }
0x213: {  	_ =	swait.ge [sflag:s9], $0x2800  }
0x214: {  	[sflag:s9] =	ssyncset.done $0x0  }
0x215: {  	s18 =	rddreg [dreg:$0x1b];
	[sflag:s9] =	ssyncadd.s32 $0xFFFFD800  }
0x216: {  	[spmem:s2] =	stream.indirect.scatter.add.f32 [tilespmem:s28], [sflag:$0x6], $0x80, s18, s25, $0xb8;
	[tilespmem:$0x1F000] =	vst v63  }
0x217: {  	_ =	swait.ge [sflag:s11], $0x2800  }
0x218: {  	[sflag:s11] =	ssyncset.done $0x0  }
0x219: {  	s19 =	rddreg [dreg:$0x1c];
	[sflag:s11] =	ssyncadd.s32 $0xFFFFD800  }
0x21a: {  	[spmem:s2] =	stream.indirect.scatter.add.f32 [tilespmem:s30], [sflag:$0x7], $0x80, s19, s25, $0xb8;
	[tilespmem:$0x1F000] =	vst v63  }
0x21b: {  	_ =	swait.ge [sflag:s12], $0x2800  }
0x21c: {  	[sflag:s12] =	ssyncset.done $0x0  }
0x21d: {  	s22 =	rddreg [dreg:$0x1d];
	[sflag:s12] =	ssyncadd.s32 $0xFFFFD800  }
0x21e: {  	[spmem:s2] =	stream.indirect.scatter.add.f32 [tilespmem:s1], [sflag:$0x8], $0x80, s22, s25, $0xb8;
	[tilespmem:$0x1F000] =	vst v63  }
0x21f: {  	_ =	swait.ge [sflag:s23], $0x400  }
0x220: {  	[sflag:s23] =	ssyncset.done $0x0  }
0x221: {  	[sflag:s23] =	ssyncadd.s32 $0xFFFFFC00  }
0x222: {  	_ =	swait.ge [sflag:s24], $0x400  }
0x223: {  	[sflag:s24] =	ssyncset.done $0x0  }
0x224: {  	[sflag:s24] =	ssyncadd.s32 $0xFFFFFC00  }
0x225: {  	_ =	swait.ge [sflag:s13], $0x2800  }
0x226: {  	[sflag:s13] =	ssyncset.done $0x0  }
0x227: {  	[sflag:s13] =	ssyncadd.s32 $0xFFFFD800  }
0x228: {  	[tilespmem:s21], [sflag:$0x1] =	stream.indirect.gather [hbm4b:s4+s25], $0x80, s3, s25, $0xb8;
	[tilespmem:$0x1F000] =	vst v63  }
0x229: {  	_ =	swait.ge [sflag:s14], $0x2800  }
0x22a: {  	[sflag:s14] =	ssyncset.done $0x0  }
0x22b: {  	[sflag:s14] =	ssyncadd.s32 $0xFFFFD800  }
0x22c: {  	[tilespmem:s28], [sflag:$0x2] =	stream.indirect.gather [hbm4b:s4+s25], $0x80, s26, s25, $0xb8;
	[tilespmem:$0x1F000] =	vst v63  }
0x22d: {  	_ =	swait.ge [sflag:s15], $0x2800  }
0x22e: {  	[sflag:s15] =	ssyncset.done $0x0  }
0x22f: {  	[sflag:s15] =	ssyncadd.s32 $0xFFFFD800  }
0x230: {  	[tilespmem:s30], [sflag:$0x3] =	stream.indirect.gather [hbm4b:s4+s25], $0x80, s29, s25, $0xb8;
	[tilespmem:$0x1F000] =	vst v63  }
0x231: {  	_ =	swait.ge [sflag:s16], $0x2800  }
0x232: {  	[sflag:s16] =	ssyncset.done $0x0  }
0x233: {  	[sflag:s16] =	ssyncadd.s32 $0xFFFFD800  }
0x234: {  	[tilespmem:s1], [sflag:$0x4] =	stream.indirect.gather [hbm4b:s4+s25], $0x80, s31, s25, $0xb8;
	[tilespmem:$0x1F000] =	vst v63  }
0x235: {  	_ =	swait.ge [sflag:s8], $0x2800  }
0x236: {  	[sflag:s8] =	ssyncset.done $0x0  }
0x237: {  	[sflag:s8] =	ssyncadd.s32 $0xFFFFD800  }
0x238: {  	_ =	swait.ge [sflag:s9], $0x2800  }
0x239: {  	[sflag:s9] =	ssyncset.done $0x0  }
0x23a: {  	[sflag:s9] =	ssyncadd.s32 $0xFFFFD800  }
0x23b: {  	_ =	swait.ge [sflag:s11], $0x2800  }
0x23c: {  	[sflag:s11] =	ssyncset.done $0x0  }
0x23d: {  	[sflag:s11] =	ssyncadd.s32 $0xFFFFD800  }
0x23e: {  	_ =	swait.ge [sflag:s12], $0x2800  }
0x23f: {  	[sflag:s12] =	ssyncset.done $0x0  }
0x240: {  	[sflag:s12] =	ssyncadd.s32 $0xFFFFD800  }
0x241: {  	[bflag:$0x0] =	sbarrier.arrive $0xFFFF  }
0x242: {  	s19 =	sld [smem:$0x7FD]  }
0x243: {  	s17 =	stileid.u32;
	s22 =	sld [smem:$0x7F3]  }
0x244: {  	s10 =	sshll.u32 s17, $0x6  }
0x245: {  	s10 =	sor.u32 $0x1C0B, s10;
	s18 =	sshrl.u32 s19, $0x3  }
0x246: {  	[hbm:s22], [sflag:s10] =	dma.local [spmem:s18], $0x2800  }
0x247: {  	s18 =	simm.s32 $0xB  }
0x248: {  	_ =	swait.ge [sflag:s18], $0x2800  }
0x249: {  	s10 =	sld [smem:$0x7F2]  }
0x24a: {  	s22 =	sld [smem:$0x7F4];
	_ =	sdelay $0x1  }
0x24b: {  	s17 =	sadd.s32 $0x1, s10  }
0x24c: {  	p0 =	sne.s32 s17, s22  }
.Ltmp2:
0x24d: {  	_ = 	snop;
	(pc) =	sbr.rel @p0 .LBB2_1-.Ltmp2, $3  }
0x24e: {  	_ =	sdelay $0x1  }
0x24f: {  	[sflag:s18] =	ssyncset.done $0x0  }
0x250: {  	[sflag:s18] =	ssyncadd.s32 $0xFFFFD800  }
0x251: {  	_ =	sfence.sel $0x180000  }
0x252: {  	[bflag:$0x0] =	sbarrier.arrive $0xFFFF  }
0x253: {  	_ =	strace $0x90000047  }
0x254: {  	s0 =	stileid.u32;
	[bflag:$0x2] =	sbarrier.arrive $0xFFFF  }
0x255: {  	p0 =	sne.s32 s0, $0x0;
	s0 =	rddreg [dreg:$0x2]  }
0x256: {  	s0 =	sadd.s32 @!p0 $0x100000, s0  }
0x257: {  	[sflag:s0] =	ssyncadd.tile.s32 @!p0 $0x1;
	_ =	shalt  }
.Lfunc_end2:
_tile_overlayer_lowered:
.L_overlay_start_2:
0x258: {  	(tag) =	ssettag $0x2  }
0x259: {  	s0 =	rddreg [dreg:$0x0];
	s2 =	stileid.u32  }
0x25a: {  	s1 =	rddreg [dreg:$0x1];
	p0 =	sne.s32 s2, $0x0  }
0x25b: {  	s3 =	rddreg [dreg:$0x2];
	[bflag:$0x3] =	sbarrier.arrive $0xFFFF;
	s2 =	simm.s32 @!p0 $0x1C0B  }
0x25c: {  	[timem:s3], [sflag:s2] =	dma.local @!p0 [hbm:s0], s1  }
0x25d: {  	s0 =	simm.s32 @!p0 $0xB  }
0x25e: {  	_ =	swait.ge @!p0 [sflag:s0], s1  }
0x25f: {  	s1 =	ssub.s32 @!p0 $0x0, s1;
	[sflag:s0] =	ssyncset.done @!p0 $0x0  }
0x260: {  	[sflag:s0] =	ssyncadd.s32 @!p0 s1  }
0x261: {  	[bflag:$0x3] =	sbarrier.arrive $0xFFFF  }
0x262: {  	_ =	shalt  }

</sc_bundles>
